<compile_context>
chip_gen: v7x
topology: tpu7x:2x2x1
jax: 0.10.2.dev20260603
libtpu: 0.0.44.dev20260713+nightly
codegen_flags: <defaults>
</compile_context>

<pallas_src>
import functools

import jax
import jax.numpy as jnp
from jax import lax
from jax.experimental import pallas as pl
from jax.experimental.pallas import tpu as pltpu
from jax.experimental.pallas import tpu_sc as plsc

N = 10000
E = 320000
R = 3
IN = 128
H = 64
C = 5

NC = 2
NS = 16
L = 16
NW = NC * NS

EK = 64
NT = 160
EP = NT * NW * EK
GSL = 16
TRASH = 128

RN = R * N
DCH = 200
NDC = RN // DCH
DT = -(-NDC // NS)

_MESH = plsc.VectorSubcoreMesh(core_axis_name="c", subcore_axis_name="s")
_SC_PARAMS = pltpu.CompilerParams(use_tc_tiling_on_sc=False)


def _sc_aggregate(y_flat, zeros, pkg, pkw):

    @functools.partial(
        pl.kernel,
        out_type=jax.ShapeDtypeStruct((NC, RN, H), jnp.float32),
        mesh=_MESH,
        scratch_types=[
            pltpu.VMEM_SHARED((RN + TRASH, H), jnp.float32),
            pltpu.VMEM((GSL, EK), jnp.int32),
            pltpu.VMEM((GSL, EK), jnp.int32),
            pltpu.VMEM((EK, H), jnp.float32),
            pltpu.VMEM((EK, H), jnp.float32),
            pltpu.SemaphoreType.DMA,
            pltpu.SemaphoreType.DMA,
            pltpu.SemaphoreType.DMA,
            pltpu.SemaphoreType.DMA,
        ],
        compiler_params=_SC_PARAMS,
    )
    def k(y_hbm, z_hbm, pkg_hbm, pkw_hbm, out_hbm, acc, gslab, wslab,
          rowsa, rowsb, semga, semgb, semsa, semsb):
        cid = lax.axis_index("c")
        sid = lax.axis_index("s")
        wid = sid * NC + cid

        @pl.loop(0, DT)
        def _(t):
            ci = sid + t * NS

            @pl.when(ci < NDC)
            def _():
                pltpu.sync_copy(z_hbm, acc.at[pl.ds(ci * DCH, DCH)])

        plsc.subcore_barrier()

        @pl.loop(0, NT // GSL)
        def _(g):
            pltpu.sync_copy(pkg_hbm.at[pl.ds(g * GSL, GSL), wid], gslab)
            pltpu.sync_copy(pkw_hbm.at[pl.ds(g * GSL, GSL), wid], wslab)
            for j in range(0, GSL, 2):
                ga = pltpu.async_copy(y_hbm.at[gslab.at[j]], rowsa,
                                      semga)
                gb = pltpu.async_copy(y_hbm.at[gslab.at[j + 1]], rowsb,
                                      semgb)
                ga.wait()
                sa = pltpu.async_copy(rowsa, acc.at[wslab.at[j]], semsa,
                                      add=True)
                gb.wait()
                sb = pltpu.async_copy(rowsb, acc.at[wslab.at[j + 1]],
                                      semsb, add=True)
                sa.wait()
                sb.wait()

        plsc.subcore_barrier()

        @pl.loop(0, DT)
        def _(t):
            ci = sid + t * NS

            @pl.when(ci < NDC)
            def _():
                pltpu.sync_copy(acc.at[pl.ds(ci * DCH, DCH)],
                                out_hbm.at[cid, pl.ds(ci * DCH, DCH)])

    return k(y_flat, zeros, pkg, pkw)


def _sc_counts(zeros, pkw):

    @functools.partial(
        pl.kernel,
        out_type=jax.ShapeDtypeStruct((NC, RN, L), jnp.float32),
        mesh=_MESH,
        scratch_types=[
            pltpu.VMEM_SHARED((RN + TRASH, L), jnp.float32),
            pltpu.VMEM((GSL, EK), jnp.int32),
            pltpu.VMEM((EK, L), jnp.float32),
        ],
        compiler_params=_SC_PARAMS,
    )
    def k(z_hbm, pkw_hbm, out_hbm, acc, slab, obuf):
        cid = lax.axis_index("c")
        sid = lax.axis_index("s")
        wid = sid * NC + cid

        onehot = jnp.where(lax.iota(jnp.int32, L) == 0,
                           jnp.float32(1.0), jnp.float32(0.0))

        @pl.loop(0, EK)
        def _(i):
            obuf[i, :] = onehot

        @pl.loop(0, DT)
        def _(t):
            ci = sid + t * NS

            @pl.when(ci < NDC)
            def _():
                pltpu.sync_copy(z_hbm, acc.at[pl.ds(ci * DCH, DCH)])

        plsc.subcore_barrier()

        @pl.loop(0, NT // GSL)
        def _(g):
            pltpu.sync_copy(pkw_hbm.at[pl.ds(g * GSL, GSL), wid], slab)
            for j in range(GSL):
                pltpu.sync_copy(obuf, acc.at[slab.at[j]], add=True)

        plsc.subcore_barrier()

        @pl.loop(0, DT)
        def _(t):
            ci = sid + t * NS

            @pl.when(ci < NDC)
            def _():
                pltpu.sync_copy(acc.at[pl.ds(ci * DCH, DCH)],
                                out_hbm.at[cid, pl.ds(ci * DCH, DCH)])

    return k(zeros, pkw)


_TB = 16


def _tc_pack(src_p, dst_p, typ_p):
    def body(s_ref, d_ref, t_ref, pkg_ref, pkw_ref):
        tn = t_ref[...] * N
        pkg_ref[...] = tn + s_ref[...]
        pkw_ref[...] = tn + d_ref[...]

    return pl.pallas_call(
        body,
        grid=(NT // _TB,),
        in_specs=[
            pl.BlockSpec((_TB, NW, EK), lambda i: (i, 0, 0)),
            pl.BlockSpec((_TB, NW, EK), lambda i: (i, 0, 0)),
            pl.BlockSpec((_TB, NW, EK), lambda i: (i, 0, 0)),
        ],
        out_specs=[
            pl.BlockSpec((_TB, NW, EK), lambda i: (i, 0, 0)),
            pl.BlockSpec((_TB, NW, EK), lambda i: (i, 0, 0)),
        ],
        out_shape=[
            jax.ShapeDtypeStruct((NT, NW, EK), jnp.int32),
            jax.ShapeDtypeStruct((NT, NW, EK), jnp.int32),
        ],
    )(src_p, dst_p, typ_p)


_NB = 2000


def _dot(a, b):
    return jax.lax.dot_general(a, b, (((1,), (0,)), ((), ())),
                               preferred_element_type=jnp.float32)


def _dense1(x, W_rel1, W_root1, b1):
    def body(x_ref, wr_ref, wroot_ref, b_ref, y_ref, root_ref):
        xb = x_ref[...]
        for r in range(R):
            y_ref[r] = _dot(xb, wr_ref[r])
        root_ref[...] = _dot(xb, wroot_ref[...]) + b_ref[...]

    grid = (N // _NB,)
    y, root = pl.pallas_call(
        body,
        grid=grid,
        in_specs=[
            pl.BlockSpec((_NB, IN), lambda i: (i, 0)),
            pl.BlockSpec((R, IN, H), lambda i: (0, 0, 0)),
            pl.BlockSpec((IN, H), lambda i: (0, 0)),
            pl.BlockSpec((1, H), lambda i: (0, 0)),
        ],
        out_specs=[
            pl.BlockSpec((R, _NB, H), lambda i: (0, i, 0)),
            pl.BlockSpec((_NB, H), lambda i: (i, 0)),
        ],
        out_shape=[
            jax.ShapeDtypeStruct((R, N, H), jnp.float32),
            jax.ShapeDtypeStruct((N, H), jnp.float32),
        ],
    )(x, W_rel1, W_root1, b1.reshape(1, H))
    return y.reshape(RN, H), root


def _combine(root_blk, p_ref, cnt_ref):
    h = root_blk
    for r in range(R):
        s = p_ref[0, r] + p_ref[1, r]
        cnt = cnt_ref[0, r, :, 0:1] + cnt_ref[1, r, :, 0:1]
        h = h + s * (1.0 / jnp.maximum(cnt, 1.0))
    return jnp.maximum(h, 0.0)


def _dense2(root1, p1, cnt, W_rel2, W_root2, b2):
    def body(root_ref, p_ref, cnt_ref, wr_ref, wroot_ref, b_ref,
             y_ref, root2_ref):
        h = _combine(root_ref[...], p_ref, cnt_ref)
        for r in range(R):
            y_ref[r] = _dot(h, wr_ref[r])
        root2_ref[...] = _dot(h, wroot_ref[...]) + b_ref[...]

    grid = (N // _NB,)
    y, root2 = pl.pallas_call(
        body,
        grid=grid,
        in_specs=[
            pl.BlockSpec((_NB, H), lambda i: (i, 0)),
            pl.BlockSpec((NC, R, _NB, H), lambda i: (0, 0, i, 0)),
            pl.BlockSpec((NC, R, _NB, L), lambda i: (0, 0, i, 0)),
            pl.BlockSpec((R, H, H), lambda i: (0, 0, 0)),
            pl.BlockSpec((H, H), lambda i: (0, 0)),
            pl.BlockSpec((1, H), lambda i: (0, 0)),
        ],
        out_specs=[
            pl.BlockSpec((R, _NB, H), lambda i: (0, i, 0)),
            pl.BlockSpec((_NB, H), lambda i: (i, 0)),
        ],
        out_shape=[
            jax.ShapeDtypeStruct((R, N, H), jnp.float32),
            jax.ShapeDtypeStruct((N, H), jnp.float32),
        ],
    )(root1, p1.reshape(NC, R, N, H), cnt.reshape(NC, R, N, L),
      W_rel2, W_root2, b2.reshape(1, H))
    return y.reshape(RN, H), root2


def _final(root2, p2, cnt, Wc, bc):
    def body(root_ref, p_ref, cnt_ref, wc_ref, bc_ref, out_ref):
        h = _combine(root_ref[...], p_ref, cnt_ref)
        out_ref[...] = _dot(h, wc_ref[...]) + bc_ref[...]

    grid = (N // _NB,)
    return pl.pallas_call(
        body,
        grid=grid,
        in_specs=[
            pl.BlockSpec((_NB, H), lambda i: (i, 0)),
            pl.BlockSpec((NC, R, _NB, H), lambda i: (0, 0, i, 0)),
            pl.BlockSpec((NC, R, _NB, L), lambda i: (0, 0, i, 0)),
            pl.BlockSpec((H, C), lambda i: (0, 0)),
            pl.BlockSpec((1, C), lambda i: (0, 0)),
        ],
        out_specs=pl.BlockSpec((_NB, C), lambda i: (i, 0)),
        out_shape=jax.ShapeDtypeStruct((N, C), jnp.float32),
    )(root2, p2.reshape(NC, R, N, H), cnt.reshape(NC, R, N, L),
      Wc, bc.reshape(1, C))


def kernel(x, edge_index, edge_type, W_rel1, W_root1, b1,
           W_rel2, W_root2, b2, Wc, bc):
    src = edge_index[0]
    dst = edge_index[1]
    npad = EP - E
    spread = jnp.arange(npad, dtype=jnp.int32)
    src_p = jnp.concatenate(
        [src, spread % N]).reshape(NT, NW, EK)
    dst_p = jnp.concatenate(
        [dst, N + spread % TRASH]).reshape(NT, NW, EK)
    typ_p = jnp.concatenate(
        [edge_type, jnp.full((npad,), R - 1, jnp.int32)]).reshape(
            NT, NW, EK)
    pkg, pkw = _tc_pack(src_p, dst_p, typ_p)
    zeros = jnp.zeros((DCH, H), jnp.float32)
    cnt = _sc_counts(jnp.zeros((DCH, L), jnp.float32), pkw)
    y1, root1 = _dense1(x, W_rel1, W_root1, b1)
    p1 = _sc_aggregate(y1, zeros, pkg, pkw)
    y2, root2 = _dense2(root1, p1, cnt, W_rel2, W_root2, b2)
    p2 = _sc_aggregate(y2, zeros, pkg, pkw)
    return _final(root2, p2, cnt, Wc, bc)

# --- scband reference (transcript-rebuilt; emitter-appended) ---
"""Pipeline reference for scband-geo-node-classifier-32057635897949 (READ-ONLY COPY).

The authoritative reference and input builder live on the scoring server;
editing this copy changes nothing except your own understanding.
"""

import jax, jax.numpy as jnp
import numpy as np

N = 10000
E = 320000
R = 3
IN = 128
H = 64
C = 5


def setup_inputs(seed: int = 0) -> dict:
    key = jax.random.key(seed)
    ks = jax.random.split(key, 12)
    x = jax.random.normal(ks[0], (N, IN), dtype=jnp.float32)
    edge_index = jax.random.randint(ks[1], (2, E), 0, N, dtype=jnp.int32)
    edge_type = jax.random.randint(ks[2], (E,), 0, R, dtype=jnp.int32)
    W_rel1 = jax.random.normal(ks[3], (R, IN, H), dtype=jnp.float32) / np.sqrt(IN)
    W_root1 = jax.random.normal(ks[4], (IN, H), dtype=jnp.float32) / np.sqrt(IN)
    b1 = jnp.zeros((H,), dtype=jnp.float32)
    W_rel2 = jax.random.normal(ks[5], (R, H, H), dtype=jnp.float32) / np.sqrt(H)
    W_root2 = jax.random.normal(ks[6], (H, H), dtype=jnp.float32) / np.sqrt(H)
    b2 = jnp.zeros((H,), dtype=jnp.float32)
    Wc = jax.random.normal(ks[7], (H, C), dtype=jnp.float32) / np.sqrt(H)
    bc = jnp.zeros((C,), dtype=jnp.float32)
    return {"x": x, "edge_index": edge_index, "edge_type": edge_type,
            "W_rel1": W_rel1, "W_root1": W_root1, "b1": b1,
            "W_rel2": W_rel2, "W_root2": W_root2, "b2": b2,
            "Wc": Wc, "bc": bc}


def _rgcn_layer(x, edge_index, edge_type, W_rel, W_root, b):
    # RGCNConv with default aggr='mean' per relation, plus root weight and bias.
    src = edge_index[0]
    dst = edge_index[1]
    n = x.shape[0]
    out = x @ W_root + b
    xs = x[src]  # gather source node features [E, in]
    for r in range(R):
        m = (edge_type == r).astype(x.dtype)  # [E]
        msg = (xs @ W_rel[r]) * m[:, None]    # [E, out]
        s = jax.ops.segment_sum(msg, dst, num_segments=n)   # scatter-add
        cnt = jax.ops.segment_sum(m, dst, num_segments=n)   # per-node relation degree
        out = out + s / jnp.maximum(cnt, 1.0)[:, None]
    return out


def reference(x, edge_index, edge_type, W_rel1, W_root1, b1, W_rel2, W_root2, b2, Wc, bc):
    h = jax.nn.relu(_rgcn_layer(x, edge_index, edge_type, W_rel1, W_root1, b1))
    h = jax.nn.relu(_rgcn_layer(h, edge_index, edge_type, W_rel2, W_root2, b2))
    return h @ Wc + bc

if __name__ == "__main__":
    import jax
    _d = setup_inputs()
    print(jax.jit(kernel)(*tuple(_d.values())))

</pallas_src>

<mosaic_0001>
#map = affine_map<(d0, d1) -> (0, 0)>
#map1 = affine_map<(d0, d1) -> (0, 0, 0)>
module attributes {stable_mosaic.version = 14 : i64} {
  func.func @k(%arg0: i32, %arg1: i32, %arg2: memref<30000x64xf32, #tpu.memory_space<hbm>>, %arg3: memref<200x64xf32, #tpu.memory_space<hbm>>, %arg4: memref<160x32x64xi32, #tpu.memory_space<hbm>>, %arg5: memref<160x32x64xi32, #tpu.memory_space<hbm>>, %arg6: memref<2x30000x64xf32, #tpu.memory_space<hbm>>, %arg7: memref<30128x64xf32, #tpu.memory_space<vmem_shared>>, %arg8: memref<16x64xi32, #tpu.memory_space<vmem>>, %arg9: memref<16x64xi32, #tpu.memory_space<vmem>>, %arg10: memref<64x64xf32, #tpu.memory_space<vmem>>, %arg11: memref<64x64xf32, #tpu.memory_space<vmem>>, %arg12: memref<!tpu.dma_semaphore, #tpu.memory_space<semaphore_mem>>, %arg13: memref<!tpu.dma_semaphore, #tpu.memory_space<semaphore_mem>>, %arg14: memref<!tpu.dma_semaphore, #tpu.memory_space<semaphore_mem>>, %arg15: memref<!tpu.dma_semaphore, #tpu.memory_space<semaphore_mem>>) attributes {dimension_semantics = [#tpu.dimension_semantics<core_parallel>, #tpu.dimension_semantics<subcore_parallel>], iteration_bounds = array<i64: 2, 16>, scalar_prefetch = 0 : i64, scratch_operands = 9 : i64, tpu.core_type = #tpu.core_type<sc_vector_subcore>, window_params = [{transform_indices = #map}, {transform_indices = #map}, {transform_indices = #map1}, {transform_indices = #map1}, {transform_indices = #map1}]} {
    %mul3A = arith.constant 2 : i32
    %mul3A_0 = arith.muli %arg1, %mul3A : i32
    %add3A = arith.addi %mul3A_0, %arg0 : i32
    %scan3A = arith.constant 0 : i32
    %scan3A_1 = arith.constant 10 : i32
    %scan3A_2 = arith.addi %scan3A, %scan3A_1 : i32
    %scan3A_3 = arith.constant 1 : i32
    scf.for %scan3A_16 = %scan3A to %scan3A_2 step %scan3A_3  : i32 {
      %mul3A_17 = arith.constant 1 : i32
      %mul3A_18 = arith.muli %scan3A_16, %mul3A_17 : i32
      %add3A_19 = arith.constant 0 : i32
      %add3A_20 = arith.addi %add3A_19, %mul3A_18 : i32
      %mul3A_21 = arith.constant 16 : i32
      %mul3A_22 = arith.muli %add3A_20, %mul3A_21 : i32
      %add3A_23 = arith.addi %arg1, %mul3A_22 : i32
      %lt3A = arith.constant 150 : i32
      %lt3A_24 = arith.cmpi slt, %add3A_23, %lt3A : i32
      %convert_element_type3A = arith.extui %lt3A_24 : i1 to i32
      %cond3A = arith.constant 0 : i32
      %cond3A_25 = arith.cmpi ne, %convert_element_type3A, %cond3A : i32
      scf.if %cond3A_25 {
        %mul3A_26 = arith.constant 200 : i32
        %mul3A_27 = arith.muli %add3A_23, %mul3A_26 : i32
        "tpu.region"() ({
          %run_scoped3A = tpu.sem_alloc : memref<!tpu.dma_semaphore, #tpu.memory_space<semaphore_mem>>
          %dma_start3A = arith.constant 0 : i32
          %dma_start3A_28 = tpu.memref_slice %arg7[%mul3A_27, %dma_start3A] : memref<30128x64xf32, #tpu.memory_space<vmem_shared>> -> memref<200x64xf32, #tpu.memory_space<vmem_shared>>
          tpu.enqueue_dma source(%arg3 : memref<200x64xf32, #tpu.memory_space<hbm>>) target(%dma_start3A_28 : memref<200x64xf32, #tpu.memory_space<vmem_shared>>) target_semaphore(%run_scoped3A : memref<!tpu.dma_semaphore, #tpu.memory_space<semaphore_mem>>)
          %dma_wait3A = arith.constant 0 : i32
          %dma_wait3A_29 = tpu.memref_slice %arg7[%mul3A_27, %dma_wait3A] : memref<30128x64xf32, #tpu.memory_space<vmem_shared>> -> memref<200x64xf32, #tpu.memory_space<vmem_shared>>
          tpu.wait_dma2 semaphore(%run_scoped3A : memref<!tpu.dma_semaphore, #tpu.memory_space<semaphore_mem>>) src(%arg3 : memref<200x64xf32, #tpu.memory_space<hbm>>) dst(%dma_wait3A_29 : memref<200x64xf32, #tpu.memory_space<vmem_shared>>)
          tpu.yield
        }) : () -> ()
      } else {
      }
    }
    %scan3A_4 = arith.constant 10 : i32
    %barrier3A = arith.constant 0 : index
    tpu.barrier barrier_id(%barrier3A)
    %scan3A_5 = arith.constant 0 : i32
    %scan3A_6 = arith.constant 10 : i32
    %scan3A_7 = arith.addi %scan3A_5, %scan3A_6 : i32
    %scan3A_8 = arith.constant 1 : i32
    scf.for %scan3A_16 = %scan3A_5 to %scan3A_7 step %scan3A_8  : i32 {
      %mul3A_17 = arith.constant 1 : i32
      %mul3A_18 = arith.muli %scan3A_16, %mul3A_17 : i32
      %add3A_19 = arith.constant 0 : i32
      %add3A_20 = arith.addi %add3A_19, %mul3A_18 : i32
      %mul3A_21 = arith.constant 16 : i32
      %mul3A_22 = arith.muli %add3A_20, %mul3A_21 : i32
      "tpu.region"() ({
        %run_scoped3A = tpu.sem_alloc : memref<!tpu.dma_semaphore, #tpu.memory_space<semaphore_mem>>
        %dma_start3A_471 = arith.constant 0 : i32
        %dma_start3A_472 = tpu.memref_slice %arg4[%mul3A_22, %add3A, %dma_start3A_471] : memref<160x32x64xi32, #tpu.memory_space<hbm>> -> memref<16x1x64xi32, #tpu.memory_space<hbm>>
        %dma_start3A_473 = tpu.memref_squeeze %dma_start3A_472 : memref<16x1x64xi32, #tpu.memory_space<hbm>> -> memref<16x64xi32, #tpu.memory_space<hbm>>
        %dma_start3A_474 = arith.constant 0 : i32
        %dma_start3A_475 = tpu.memref_slice %arg4[%mul3A_22, %add3A, %dma_start3A_474] : memref<160x32x64xi32, #tpu.memory_space<hbm>> -> memref<16x1x64xi32, #tpu.memory_space<hbm>>
        %dma_start3A_476 = tpu.memref_squeeze %dma_start3A_475 : memref<16x1x64xi32, #tpu.memory_space<hbm>> -> memref<16x64xi32, #tpu.memory_space<hbm>>
        tpu.enqueue_dma source(%dma_start3A_476 : memref<16x64xi32, #tpu.memory_space<hbm>>) target(%arg8 : memref<16x64xi32, #tpu.memory_space<vmem>>) target_semaphore(%run_scoped3A : memref<!tpu.dma_semaphore, #tpu.memory_space<semaphore_mem>>)
        %dma_wait3A_477 = arith.constant 0 : i32
        %dma_wait3A_478 = tpu.memref_slice %arg4[%mul3A_22, %add3A, %dma_wait3A_477] : memref<160x32x64xi32, #tpu.memory_space<hbm>> -> memref<16x1x64xi32, #tpu.memory_space<hbm>>
        %dma_wait3A_479 = tpu.memref_squeeze %dma_wait3A_478 : memref<16x1x64xi32, #tpu.memory_space<hbm>> -> memref<16x64xi32, #tpu.memory_space<hbm>>
        %dma_wait3A_480 = arith.constant 0 : i32
        %dma_wait3A_481 = tpu.memref_slice %arg4[%mul3A_22, %add3A, %dma_wait3A_480] : memref<160x32x64xi32, #tpu.memory_space<hbm>> -> memref<16x1x64xi32, #tpu.memory_space<hbm>>
        %dma_wait3A_482 = tpu.memref_squeeze %dma_wait3A_481 : memref<16x1x64xi32, #tpu.memory_space<hbm>> -> memref<16x64xi32, #tpu.memory_space<hbm>>
        tpu.wait_dma2 semaphore(%run_scoped3A : memref<!tpu.dma_semaphore, #tpu.memory_space<semaphore_mem>>) src(%dma_wait3A_482 : memref<16x64xi32, #tpu.memory_space<hbm>>) dst(%arg8 : memref<16x64xi32, #tpu.memory_space<vmem>>)
        tpu.yield
      }) : () -> ()
      %mul3A_23 = arith.constant 16 : i32
      %mul3A_24 = arith.muli %add3A_20, %mul3A_23 : i32
      "tpu.region"() ({
        %run_scoped3A = tpu.sem_alloc : memref<!tpu.dma_semaphore, #tpu.memory_space<semaphore_mem>>
        %dma_start3A_471 = arith.constant 0 : i32
        %dma_start3A_472 = tpu.memref_slice %arg5[%mul3A_24, %add3A, %dma_start3A_471] : memref<160x32x64xi32, #tpu.memory_space<hbm>> -> memref<16x1x64xi32, #tpu.memory_space<hbm>>
        %dma_start3A_473 = tpu.memref_squeeze %dma_start3A_472 : memref<16x1x64xi32, #tpu.memory_space<hbm>> -> memref<16x64xi32, #tpu.memory_space<hbm>>
        %dma_start3A_474 = arith.constant 0 : i32
        %dma_start3A_475 = tpu.memref_slice %arg5[%mul3A_24, %add3A, %dma_start3A_474] : memref<160x32x64xi32, #tpu.memory_space<hbm>> -> memref<16x1x64xi32, #tpu.memory_space<hbm>>
        %dma_start3A_476 = tpu.memref_squeeze %dma_start3A_475 : memref<16x1x64xi32, #tpu.memory_space<hbm>> -> memref<16x64xi32, #tpu.memory_space<hbm>>
        tpu.enqueue_dma source(%dma_start3A_476 : memref<16x64xi32, #tpu.memory_space<hbm>>) target(%arg9 : memref<16x64xi32, #tpu.memory_space<vmem>>) target_semaphore(%run_scoped3A : memref<!tpu.dma_semaphore, #tpu.memory_space<semaphore_mem>>)
        %dma_wait3A_477 = arith.constant 0 : i32
        %dma_wait3A_478 = tpu.memref_slice %arg5[%mul3A_24, %add3A, %dma_wait3A_477] : memref<160x32x64xi32, #tpu.memory_space<hbm>> -> memref<16x1x64xi32, #tpu.memory_space<hbm>>
        %dma_wait3A_479 = tpu.memref_squeeze %dma_wait3A_478 : memref<16x1x64xi32, #tpu.memory_space<hbm>> -> memref<16x64xi32, #tpu.memory_space<hbm>>
        %dma_wait3A_480 = arith.constant 0 : i32
        %dma_wait3A_481 = tpu.memref_slice %arg5[%mul3A_24, %add3A, %dma_wait3A_480] : memref<160x32x64xi32, #tpu.memory_space<hbm>> -> memref<16x1x64xi32, #tpu.memory_space<hbm>>
        %dma_wait3A_482 = tpu.memref_squeeze %dma_wait3A_481 : memref<16x1x64xi32, #tpu.memory_space<hbm>> -> memref<16x64xi32, #tpu.memory_space<hbm>>
        tpu.wait_dma2 semaphore(%run_scoped3A : memref<!tpu.dma_semaphore, #tpu.memory_space<semaphore_mem>>) src(%dma_wait3A_482 : memref<16x64xi32, #tpu.memory_space<hbm>>) dst(%arg9 : memref<16x64xi32, #tpu.memory_space<vmem>>)
        tpu.yield
      }) : () -> ()
      %dma_start3A = arith.constant 0 : i32
      %dma_start3A_25 = arith.constant 0 : i32
      %dma_start3A_26 = tpu.memref_slice %arg8[%dma_start3A, %dma_start3A_25] : memref<16x64xi32, #tpu.memory_space<vmem>> -> memref<1x64xi32, #tpu.memory_space<vmem>>
      %dma_start3A_27 = tpu.memref_squeeze %dma_start3A_26 : memref<1x64xi32, #tpu.memory_space<vmem>> -> memref<64xi32, #tpu.memory_space<vmem>>
      %dma_start3A_28 = arith.constant 0 : i32
      %dma_start3A_29 = arith.constant 0 : i32
      %dma_start3A_30 = tpu.memref_slice %arg2[%dma_start3A_28, %dma_start3A_29] : memref<30000x64xf32, #tpu.memory_space<hbm>> -> memref<30000x64xf32, #tpu.memory_space<hbm>>
      tpu.enqueue_indirect_dma source(%dma_start3A_30 : memref<30000x64xf32, #tpu.memory_space<hbm>>) target(%arg10 : memref<64x64xf32, #tpu.memory_space<vmem>>) offsets(%dma_start3A_27 : memref<64xi32, #tpu.memory_space<vmem>>) semaphore(%arg12 : memref<!tpu.dma_semaphore, #tpu.memory_space<semaphore_mem>>)
      %dma_start3A_31 = arith.constant 1 : i32
      %dma_start3A_32 = arith.constant 0 : i32
      %dma_start3A_33 = tpu.memref_slice %arg8[%dma_start3A_31, %dma_start3A_32] : memref<16x64xi32, #tpu.memory_space<vmem>> -> memref<1x64xi32, #tpu.memory_space<vmem>>
      %dma_start3A_34 = tpu.memref_squeeze %dma_start3A_33 : memref<1x64xi32, #tpu.memory_space<vmem>> -> memref<64xi32, #tpu.memory_space<vmem>>
      %dma_start3A_35 = arith.constant 0 : i32
      %dma_start3A_36 = arith.constant 0 : i32
      %dma_start3A_37 = tpu.memref_slice %arg2[%dma_start3A_35, %dma_start3A_36] : memref<30000x64xf32, #tpu.memory_space<hbm>> -> memref<30000x64xf32, #tpu.memory_space<hbm>>
      tpu.enqueue_indirect_dma source(%dma_start3A_37 : memref<30000x64xf32, #tpu.memory_space<hbm>>) target(%arg11 : memref<64x64xf32, #tpu.memory_space<vmem>>) offsets(%dma_start3A_34 : memref<64xi32, #tpu.memory_space<vmem>>) semaphore(%arg13 : memref<!tpu.dma_semaphore, #tpu.memory_space<semaphore_mem>>)
      %dma_wait3A = arith.constant 0 : i32
      %dma_wait3A_38 = arith.constant 0 : i32
      %dma_wait3A_39 = tpu.memref_slice %arg8[%dma_wait3A, %dma_wait3A_38] : memref<16x64xi32, #tpu.memory_space<vmem>> -> memref<1x64xi32, #tpu.memory_space<vmem>>
      %dma_wait3A_40 = tpu.memref_squeeze %dma_wait3A_39 : memref<1x64xi32, #tpu.memory_space<vmem>> -> memref<64xi32, #tpu.memory_space<vmem>>
      %dma_wait3A_41 = arith.constant 0 : i32
      %dma_wait3A_42 = arith.constant 0 : i32
      %dma_wait3A_43 = tpu.memref_slice %arg2[%dma_wait3A_41, %dma_wait3A_42] : memref<30000x64xf32, #tpu.memory_space<hbm>> -> memref<30000x64xf32, #tpu.memory_space<hbm>>
      tpu.wait_indirect_dma semaphore(%arg12 : memref<!tpu.dma_semaphore, #tpu.memory_space<semaphore_mem>>) src(%dma_wait3A_43 : memref<30000x64xf32, #tpu.memory_space<hbm>>) dst(%arg10 : memref<64x64xf32, #tpu.memory_space<vmem>>)
      %dma_start3A_44 = arith.constant 0 : i32
      %dma_start3A_45 = arith.constant 0 : i32
      %dma_start3A_46 = tpu.memref_slice %arg9[%dma_start3A_44, %dma_start3A_45] : memref<16x64xi32, #tpu.memory_space<vmem>> -> memref<1x64xi32, #tpu.memory_space<vmem>>
      %dma_start3A_47 = tpu.memref_squeeze %dma_start3A_46 : memref<1x64xi32, #tpu.memory_space<vmem>> -> memref<64xi32, #tpu.memory_space<vmem>>
      %dma_start3A_48 = arith.constant 0 : i32
      %dma_start3A_49 = arith.constant 0 : i32
      %dma_start3A_50 = tpu.memref_slice %arg7[%dma_start3A_48, %dma_start3A_49] : memref<30128x64xf32, #tpu.memory_space<vmem_shared>> -> memref<30128x64xf32, #tpu.memory_space<vmem_shared>>
      tpu.enqueue_indirect_dma source(%arg10 : memref<64x64xf32, #tpu.memory_space<vmem>>) target(%dma_start3A_50 : memref<30128x64xf32, #tpu.memory_space<vmem_shared>>) offsets(%dma_start3A_47 : memref<64xi32, #tpu.memory_space<vmem>>) semaphore(%arg14 : memref<!tpu.dma_semaphore, #tpu.memory_space<semaphore_mem>>) {add = true}
      %dma_wait3A_51 = arith.constant 1 : i32
      %dma_wait3A_52 = arith.constant 0 : i32
      %dma_wait3A_53 = tpu.memref_slice %arg8[%dma_wait3A_51, %dma_wait3A_52] : memref<16x64xi32, #tpu.memory_space<vmem>> -> memref<1x64xi32, #tpu.memory_space<vmem>>
      %dma_wait3A_54 = tpu.memref_squeeze %dma_wait3A_53 : memref<1x64xi32, #tpu.memory_space<vmem>> -> memref<64xi32, #tpu.memory_space<vmem>>
      %dma_wait3A_55 = arith.constant 0 : i32
      %dma_wait3A_56 = arith.constant 0 : i32
      %dma_wait3A_57 = tpu.memref_slice %arg2[%dma_wait3A_55, %dma_wait3A_56] : memref<30000x64xf32, #tpu.memory_space<hbm>> -> memref<30000x64xf32, #tpu.memory_space<hbm>>
      tpu.wait_indirect_dma semaphore(%arg13 : memref<!tpu.dma_semaphore, #tpu.memory_space<semaphore_mem>>) src(%dma_wait3A_57 : memref<30000x64xf32, #tpu.memory_space<hbm>>) dst(%arg11 : memref<64x64xf32, #tpu.memory_space<vmem>>)
      %dma_start3A_58 = arith.constant 1 : i32
      %dma_start3A_59 = arith.constant 0 : i32
      %dma_start3A_60 = tpu.memref_slice %arg9[%dma_start3A_58, %dma_start3A_59] : memref<16x64xi32, #tpu.memory_space<vmem>> -> memref<1x64xi32, #tpu.memory_space<vmem>>
      %dma_start3A_61 = tpu.memref_squeeze %dma_start3A_60 : memref<1x64xi32, #tpu.memory_space<vmem>> -> memref<64xi32, #tpu.memory_space<vmem>>
      %dma_start3A_62 = arith.constant 0 : i32
      %dma_start3A_63 = arith.constant 0 : i32
      %dma_start3A_64 = tpu.memref_slice %arg7[%dma_start3A_62, %dma_start3A_63] : memref<30128x64xf32, #tpu.memory_space<vmem_shared>> -> memref<30128x64xf32, #tpu.memory_space<vmem_shared>>
      tpu.enqueue_indirect_dma source(%arg11 : memref<64x64xf32, #tpu.memory_space<vmem>>) target(%dma_start3A_64 : memref<30128x64xf32, #tpu.memory_space<vmem_shared>>) offsets(%dma_start3A_61 : memref<64xi32, #tpu.memory_space<vmem>>) semaphore(%arg15 : memref<!tpu.dma_semaphore, #tpu.memory_space<semaphore_mem>>) {add = true}
      %dma_wait3A_65 = arith.constant 0 : i32
      %dma_wait3A_66 = arith.constant 0 : i32
      %dma_wait3A_67 = tpu.memref_slice %arg9[%dma_wait3A_65, %dma_wait3A_66] : memref<16x64xi32, #tpu.memory_space<vmem>> -> memref<1x64xi32, #tpu.memory_space<vmem>>
      %dma_wait3A_68 = tpu.memref_squeeze %dma_wait3A_67 : memref<1x64xi32, #tpu.memory_space<vmem>> -> memref<64xi32, #tpu.memory_space<vmem>>
      %dma_wait3A_69 = arith.constant 0 : i32
      %dma_wait3A_70 = arith.constant 0 : i32
      %dma_wait3A_71 = tpu.memref_slice %arg7[%dma_wait3A_69, %dma_wait3A_70] : memref<30128x64xf32, #tpu.memory_space<vmem_shared>> -> memref<30128x64xf32, #tpu.memory_space<vmem_shared>>
      tpu.wait_indirect_dma semaphore(%arg14 : memref<!tpu.dma_semaphore, #tpu.memory_space<semaphore_mem>>) src(%arg10 : memref<64x64xf32, #tpu.memory_space<vmem>>) dst(%dma_wait3A_71 : memref<30128x64xf32, #tpu.memory_space<vmem_shared>>)
      %dma_wait3A_72 = arith.constant 1 : i32
      %dma_wait3A_73 = arith.constant 0 : i32
      %dma_wait3A_74 = tpu.memref_slice %arg9[%dma_wait3A_72, %dma_wait3A_73] : memref<16x64xi32, #tpu.memory_space<vmem>> -> memref<1x64xi32, #tpu.memory_space<vmem>>
      %dma_wait3A_75 = tpu.memref_squeeze %dma_wait3A_74 : memref<1x64xi32, #tpu.memory_space<vmem>> -> memref<64xi32, #tpu.memory_space<vmem>>
      %dma_wait3A_76 = arith.constant 0 : i32
      %dma_wait3A_77 = arith.constant 0 : i32
      %dma_wait3A_78 = tpu.memref_slice %arg7[%dma_wait3A_76, %dma_wait3A_77] : memref<30128x64xf32, #tpu.memory_space<vmem_shared>> -> memref<30128x64xf32, #tpu.memory_space<vmem_shared>>
      tpu.wait_indirect_dma semaphore(%arg15 : memref<!tpu.dma_semaphore, #tpu.memory_space<semaphore_mem>>) src(%arg11 : memref<64x64xf32, #tpu.memory_space<vmem>>) dst(%dma_wait3A_78 : memref<30128x64xf32, #tpu.memory_space<vmem_shared>>)
      %dma_start3A_79 = arith.constant 2 : i32
      %dma_start3A_80 = arith.constant 0 : i32
      %dma_start3A_81 = tpu.memref_slice %arg8[%dma_start3A_79, %dma_start3A_80] : memref<16x64xi32, #tpu.memory_space<vmem>> -> memref<1x64xi32, #tpu.memory_space<vmem>>
      %dma_start3A_82 = tpu.memref_squeeze %dma_start3A_81 : memref<1x64xi32, #tpu.memory_space<vmem>> -> memref<64xi32, #tpu.memory_space<vmem>>
      %dma_start3A_83 = arith.constant 0 : i32
      %dma_start3A_84 = arith.constant 0 : i32
      %dma_start3A_85 = tpu.memref_slice %arg2[%dma_start3A_83, %dma_start3A_84] : memref<30000x64xf32, #tpu.memory_space<hbm>> -> memref<30000x64xf32, #tpu.memory_space<hbm>>
      tpu.enqueue_indirect_dma source(%dma_start3A_85 : memref<30000x64xf32, #tpu.memory_space<hbm>>) target(%arg10 : memref<64x64xf32, #tpu.memory_space<vmem>>) offsets(%dma_start3A_82 : memref<64xi32, #tpu.memory_space<vmem>>) semaphore(%arg12 : memref<!tpu.dma_semaphore, #tpu.memory_space<semaphore_mem>>)
      %dma_start3A_86 = arith.constant 3 : i32
      %dma_start3A_87 = arith.constant 0 : i32
      %dma_start3A_88 = tpu.memref_slice %arg8[%dma_start3A_86, %dma_start3A_87] : memref<16x64xi32, #tpu.memory_space<vmem>> -> memref<1x64xi32, #tpu.memory_space<vmem>>
      %dma_start3A_89 = tpu.memref_squeeze %dma_start3A_88 : memref<1x64xi32, #tpu.memory_space<vmem>> -> memref<64xi32, #tpu.memory_space<vmem>>
      %dma_start3A_90 = arith.constant 0 : i32
      %dma_start3A_91 = arith.constant 0 : i32
      %dma_start3A_92 = tpu.memref_slice %arg2[%dma_start3A_90, %dma_start3A_91] : memref<30000x64xf32, #tpu.memory_space<hbm>> -> memref<30000x64xf32, #tpu.memory_space<hbm>>
      tpu.enqueue_indirect_dma source(%dma_start3A_92 : memref<30000x64xf32, #tpu.memory_space<hbm>>) target(%arg11 : memref<64x64xf32, #tpu.memory_space<vmem>>) offsets(%dma_start3A_89 : memref<64xi32, #tpu.memory_space<vmem>>) semaphore(%arg13 : memref<!tpu.dma_semaphore, #tpu.memory_space<semaphore_mem>>)
      %dma_wait3A_93 = arith.constant 2 : i32
      %dma_wait3A_94 = arith.constant 0 : i32
      %dma_wait3A_95 = tpu.memref_slice %arg8[%dma_wait3A_93, %dma_wait3A_94] : memref<16x64xi32, #tpu.memory_space<vmem>> -> memref<1x64xi32, #tpu.memory_space<vmem>>
      %dma_wait3A_96 = tpu.memref_squeeze %dma_wait3A_95 : memref<1x64xi32, #tpu.memory_space<vmem>> -> memref<64xi32, #tpu.memory_space<vmem>>
      %dma_wait3A_97 = arith.constant 0 : i32
      %dma_wait3A_98 = arith.constant 0 : i32
      %dma_wait3A_99 = tpu.memref_slice %arg2[%dma_wait3A_97, %dma_wait3A_98] : memref<30000x64xf32, #tpu.memory_space<hbm>> -> memref<30000x64xf32, #tpu.memory_space<hbm>>
      tpu.wait_indirect_dma semaphore(%arg12 : memref<!tpu.dma_semaphore, #tpu.memory_space<semaphore_mem>>) src(%dma_wait3A_99 : memref<30000x64xf32, #tpu.memory_space<hbm>>) dst(%arg10 : memref<64x64xf32, #tpu.memory_space<vmem>>)
      %dma_start3A_100 = arith.constant 2 : i32
      %dma_start3A_101 = arith.constant 0 : i32
      %dma_start3A_102 = tpu.memref_slice %arg9[%dma_start3A_100, %dma_start3A_101] : memref<16x64xi32, #tpu.memory_space<vmem>> -> memref<1x64xi32, #tpu.memory_space<vmem>>
      %dma_start3A_103 = tpu.memref_squeeze %dma_start3A_102 : memref<1x64xi32, #tpu.memory_space<vmem>> -> memref<64xi32, #tpu.memory_space<vmem>>
      %dma_start3A_104 = arith.constant 0 : i32
      %dma_start3A_105 = arith.constant 0 : i32
      %dma_start3A_106 = tpu.memref_slice %arg7[%dma_start3A_104, %dma_start3A_105] : memref<30128x64xf32, #tpu.memory_space<vmem_shared>> -> memref<30128x64xf32, #tpu.memory_space<vmem_shared>>
      tpu.enqueue_indirect_dma source(%arg10 : memref<64x64xf32, #tpu.memory_space<vmem>>) target(%dma_start3A_106 : memref<30128x64xf32, #tpu.memory_space<vmem_shared>>) offsets(%dma_start3A_103 : memref<64xi32, #tpu.memory_space<vmem>>) semaphore(%arg14 : memref<!tpu.dma_semaphore, #tpu.memory_space<semaphore_mem>>) {add = true}
      %dma_wait3A_107 = arith.constant 3 : i32
      %dma_wait3A_108 = arith.constant 0 : i32
      %dma_wait3A_109 = tpu.memref_slice %arg8[%dma_wait3A_107, %dma_wait3A_108] : memref<16x64xi32, #tpu.memory_space<vmem>> -> memref<1x64xi32, #tpu.memory_space<vmem>>
      %dma_wait3A_110 = tpu.memref_squeeze %dma_wait3A_109 : memref<1x64xi32, #tpu.memory_space<vmem>> -> memref<64xi32, #tpu.memory_space<vmem>>
      %dma_wait3A_111 = arith.constant 0 : i32
      %dma_wait3A_112 = arith.constant 0 : i32
      %dma_wait3A_113 = tpu.memref_slice %arg2[%dma_wait3A_111, %dma_wait3A_112] : memref<30000x64xf32, #tpu.memory_space<hbm>> -> memref<30000x64xf32, #tpu.memory_space<hbm>>
      tpu.wait_indirect_dma semaphore(%arg13 : memref<!tpu.dma_semaphore, #tpu.memory_space<semaphore_mem>>) src(%dma_wait3A_113 : memref<30000x64xf32, #tpu.memory_space<hbm>>) dst(%arg11 : memref<64x64xf32, #tpu.memory_space<vmem>>)
      %dma_start3A_114 = arith.constant 3 : i32
      %dma_start3A_115 = arith.constant 0 : i32
      %dma_start3A_116 = tpu.memref_slice %arg9[%dma_start3A_114, %dma_start3A_115] : memref<16x64xi32, #tpu.memory_space<vmem>> -> memref<1x64xi32, #tpu.memory_space<vmem>>
      %dma_start3A_117 = tpu.memref_squeeze %dma_start3A_116 : memref<1x64xi32, #tpu.memory_space<vmem>> -> memref<64xi32, #tpu.memory_space<vmem>>
      %dma_start3A_118 = arith.constant 0 : i32
      %dma_start3A_119 = arith.constant 0 : i32
      %dma_start3A_120 = tpu.memref_slice %arg7[%dma_start3A_118, %dma_start3A_119] : memref<30128x64xf32, #tpu.memory_space<vmem_shared>> -> memref<30128x64xf32, #tpu.memory_space<vmem_shared>>
      tpu.enqueue_indirect_dma source(%arg11 : memref<64x64xf32, #tpu.memory_space<vmem>>) target(%dma_start3A_120 : memref<30128x64xf32, #tpu.memory_space<vmem_shared>>) offsets(%dma_start3A_117 : memref<64xi32, #tpu.memory_space<vmem>>) semaphore(%arg15 : memref<!tpu.dma_semaphore, #tpu.memory_space<semaphore_mem>>) {add = true}
      %dma_wait3A_121 = arith.constant 2 : i32
      %dma_wait3A_122 = arith.constant 0 : i32
      %dma_wait3A_123 = tpu.memref_slice %arg9[%dma_wait3A_121, %dma_wait3A_122] : memref<16x64xi32, #tpu.memory_space<vmem>> -> memref<1x64xi32, #tpu.memory_space<vmem>>
      %dma_wait3A_124 = tpu.memref_squeeze %dma_wait3A_123 : memref<1x64xi32, #tpu.memory_space<vmem>> -> memref<64xi32, #tpu.memory_space<vmem>>
      %dma_wait3A_125 = arith.constant 0 : i32
      %dma_wait3A_126 = arith.constant 0 : i32
      %dma_wait3A_127 = tpu.memref_slice %arg7[%dma_wait3A_125, %dma_wait3A_126] : memref<30128x64xf32, #tpu.memory_space<vmem_shared>> -> memref<30128x64xf32, #tpu.memory_space<vmem_shared>>
      tpu.wait_indirect_dma semaphore(%arg14 : memref<!tpu.dma_semaphore, #tpu.memory_space<semaphore_mem>>) src(%arg10 : memref<64x64xf32, #tpu.memory_space<vmem>>) dst(%dma_wait3A_127 : memref<30128x64xf32, #tpu.memory_space<vmem_shared>>)
      %dma_wait3A_128 = arith.constant 3 : i32
      %dma_wait3A_129 = arith.constant 0 : i32
      %dma_wait3A_130 = tpu.memref_slice %arg9[%dma_wait3A_128, %dma_wait3A_129] : memref<16x64xi32, #tpu.memory_space<vmem>> -> memref<1x64xi32, #tpu.memory_space<vmem>>
      %dma_wait3A_131 = tpu.memref_squeeze %dma_wait3A_130 : memref<1x64xi32, #tpu.memory_space<vmem>> -> memref<64xi32, #tpu.memory_space<vmem>>
      %dma_wait3A_132 = arith.constant 0 : i32
      %dma_wait3A_133 = arith.constant 0 : i32
      %dma_wait3A_134 = tpu.memref_slice %arg7[%dma_wait3A_132, %dma_wait3A_133] : memref<30128x64xf32, #tpu.memory_space<vmem_shared>> -> memref<30128x64xf32, #tpu.memory_space<vmem_shared>>
      tpu.wait_indirect_dma semaphore(%arg15 : memref<!tpu.dma_semaphore, #tpu.memory_space<semaphore_mem>>) src(%arg11 : memref<64x64xf32, #tpu.memory_space<vmem>>) dst(%dma_wait3A_134 : memref<30128x64xf32, #tpu.memory_space<vmem_shared>>)
      %dma_start3A_135 = arith.constant 4 : i32
      %dma_start3A_136 = arith.constant 0 : i32
      %dma_start3A_137 = tpu.memref_slice %arg8[%dma_start3A_135, %dma_start3A_136] : memref<16x64xi32, #tpu.memory_space<vmem>> -> memref<1x64xi32, #tpu.memory_space<vmem>>
      %dma_start3A_138 = tpu.memref_squeeze %dma_start3A_137 : memref<1x64xi32, #tpu.memory_space<vmem>> -> memref<64xi32, #tpu.memory_space<vmem>>
      %dma_start3A_139 = arith.constant 0 : i32
      %dma_start3A_140 = arith.constant 0 : i32
      %dma_start3A_141 = tpu.memref_slice %arg2[%dma_start3A_139, %dma_start3A_140] : memref<30000x64xf32, #tpu.memory_space<hbm>> -> memref<30000x64xf32, #tpu.memory_space<hbm>>
      tpu.enqueue_indirect_dma source(%dma_start3A_141 : memref<30000x64xf32, #tpu.memory_space<hbm>>) target(%arg10 : memref<64x64xf32, #tpu.memory_space<vmem>>) offsets(%dma_start3A_138 : memref<64xi32, #tpu.memory_space<vmem>>) semaphore(%arg12 : memref<!tpu.dma_semaphore, #tpu.memory_space<semaphore_mem>>)
      %dma_start3A_142 = arith.constant 5 : i32
      %dma_start3A_143 = arith.constant 0 : i32
      %dma_start3A_144 = tpu.memref_slice %arg8[%dma_start3A_142, %dma_start3A_143] : memref<16x64xi32, #tpu.memory_space<vmem>> -> memref<1x64xi32, #tpu.memory_space<vmem>>
      %dma_start3A_145 = tpu.memref_squeeze %dma_start3A_144 : memref<1x64xi32, #tpu.memory_space<vmem>> -> memref<64xi32, #tpu.memory_space<vmem>>
      %dma_start3A_146 = arith.constant 0 : i32
      %dma_start3A_147 = arith.constant 0 : i32
      %dma_start3A_148 = tpu.memref_slice %arg2[%dma_start3A_146, %dma_start3A_147] : memref<30000x64xf32, #tpu.memory_space<hbm>> -> memref<30000x64xf32, #tpu.memory_space<hbm>>
      tpu.enqueue_indirect_dma source(%dma_start3A_148 : memref<30000x64xf32, #tpu.memory_space<hbm>>) target(%arg11 : memref<64x64xf32, #tpu.memory_space<vmem>>) offsets(%dma_start3A_145 : memref<64xi32, #tpu.memory_space<vmem>>) semaphore(%arg13 : memref<!tpu.dma_semaphore, #tpu.memory_space<semaphore_mem>>)
      %dma_wait3A_149 = arith.constant 4 : i32
      %dma_wait3A_150 = arith.constant 0 : i32
      %dma_wait3A_151 = tpu.memref_slice %arg8[%dma_wait3A_149, %dma_wait3A_150] : memref<16x64xi32, #tpu.memory_space<vmem>> -> memref<1x64xi32, #tpu.memory_space<vmem>>
      %dma_wait3A_152 = tpu.memref_squeeze %dma_wait3A_151 : memref<1x64xi32, #tpu.memory_space<vmem>> -> memref<64xi32, #tpu.memory_space<vmem>>
      %dma_wait3A_153 = arith.constant 0 : i32
      %dma_wait3A_154 = arith.constant 0 : i32
      %dma_wait3A_155 = tpu.memref_slice %arg2[%dma_wait3A_153, %dma_wait3A_154] : memref<30000x64xf32, #tpu.memory_space<hbm>> -> memref<30000x64xf32, #tpu.memory_space<hbm>>
      tpu.wait_indirect_dma semaphore(%arg12 : memref<!tpu.dma_semaphore, #tpu.memory_space<semaphore_mem>>) src(%dma_wait3A_155 : memref<30000x64xf32, #tpu.memory_space<hbm>>) dst(%arg10 : memref<64x64xf32, #tpu.memory_space<vmem>>)
      %dma_start3A_156 = arith.constant 4 : i32
      %dma_start3A_157 = arith.constant 0 : i32
      %dma_start3A_158 = tpu.memref_slice %arg9[%dma_start3A_156, %dma_start3A_157] : memref<16x64xi32, #tpu.memory_space<vmem>> -> memref<1x64xi32, #tpu.memory_space<vmem>>
      %dma_start3A_159 = tpu.memref_squeeze %dma_start3A_158 : memref<1x64xi32, #tpu.memory_space<vmem>> -> memref<64xi32, #tpu.memory_space<vmem>>
      %dma_start3A_160 = arith.constant 0 : i32
      %dma_start3A_161 = arith.constant 0 : i32
      %dma_start3A_162 = tpu.memref_slice %arg7[%dma_start3A_160, %dma_start3A_161] : memref<30128x64xf32, #tpu.memory_space<vmem_shared>> -> memref<30128x64xf32, #tpu.memory_space<vmem_shared>>
      tpu.enqueue_indirect_dma source(%arg10 : memref<64x64xf32, #tpu.memory_space<vmem>>) target(%dma_start3A_162 : memref<30128x64xf32, #tpu.memory_space<vmem_shared>>) offsets(%dma_start3A_159 : memref<64xi32, #tpu.memory_space<vmem>>) semaphore(%arg14 : memref<!tpu.dma_semaphore, #tpu.memory_space<semaphore_mem>>) {add = true}
      %dma_wait3A_163 = arith.constant 5 : i32
      %dma_wait3A_164 = arith.constant 0 : i32
      %dma_wait3A_165 = tpu.memref_slice %arg8[%dma_wait3A_163, %dma_wait3A_164] : memref<16x64xi32, #tpu.memory_space<vmem>> -> memref<1x64xi32, #tpu.memory_space<vmem>>
      %dma_wait3A_166 = tpu.memref_squeeze %dma_wait3A_165 : memref<1x64xi32, #tpu.memory_space<vmem>> -> memref<64xi32, #tpu.memory_space<vmem>>
      %dma_wait3A_167 = arith.constant 0 : i32
      %dma_wait3A_168 = arith.constant 0 : i32
      %dma_wait3A_169 = tpu.memref_slice %arg2[%dma_wait3A_167, %dma_wait3A_168] : memref<30000x64xf32, #tpu.memory_space<hbm>> -> memref<30000x64xf32, #tpu.memory_space<hbm>>
      tpu.wait_indirect_dma semaphore(%arg13 : memref<!tpu.dma_semaphore, #tpu.memory_space<semaphore_mem>>) src(%dma_wait3A_169 : memref<30000x64xf32, #tpu.memory_space<hbm>>) dst(%arg11 : memref<64x64xf32, #tpu.memory_space<vmem>>)
      %dma_start3A_170 = arith.constant 5 : i32
      %dma_start3A_171 = arith.constant 0 : i32
      %dma_start3A_172 = tpu.memref_slice %arg9[%dma_start3A_170, %dma_start3A_171] : memref<16x64xi32, #tpu.memory_space<vmem>> -> memref<1x64xi32, #tpu.memory_space<vmem>>
      %dma_start3A_173 = tpu.memref_squeeze %dma_start3A_172 : memref<1x64xi32, #tpu.memory_space<vmem>> -> memref<64xi32, #tpu.memory_space<vmem>>
      %dma_start3A_174 = arith.constant 0 : i32
      %dma_start3A_175 = arith.constant 0 : i32
      %dma_start3A_176 = tpu.memref_slice %arg7[%dma_start3A_174, %dma_start3A_175] : memref<30128x64xf32, #tpu.memory_space<vmem_shared>> -> memref<30128x64xf32, #tpu.memory_space<vmem_shared>>
      tpu.enqueue_indirect_dma source(%arg11 : memref<64x64xf32, #tpu.memory_space<vmem>>) target(%dma_start3A_176 : memref<30128x64xf32, #tpu.memory_space<vmem_shared>>) offsets(%dma_start3A_173 : memref<64xi32, #tpu.memory_space<vmem>>) semaphore(%arg15 : memref<!tpu.dma_semaphore, #tpu.memory_space<semaphore_mem>>) {add = true}
      %dma_wait3A_177 = arith.constant 4 : i32
      %dma_wait3A_178 = arith.constant 0 : i32
      %dma_wait3A_179 = tpu.memref_slice %arg9[%dma_wait3A_177, %dma_wait3A_178] : memref<16x64xi32, #tpu.memory_space<vmem>> -> memref<1x64xi32, #tpu.memory_space<vmem>>
      %dma_wait3A_180 = tpu.memref_squeeze %dma_wait3A_179 : memref<1x64xi32, #tpu.memory_space<vmem>> -> memref<64xi32, #tpu.memory_space<vmem>>
      %dma_wait3A_181 = arith.constant 0 : i32
      %dma_wait3A_182 = arith.constant 0 : i32
      %dma_wait3A_183 = tpu.memref_slice %arg7[%dma_wait3A_181, %dma_wait3A_182] : memref<30128x64xf32, #tpu.memory_space<vmem_shared>> -> memref<30128x64xf32, #tpu.memory_space<vmem_shared>>
      tpu.wait_indirect_dma semaphore(%arg14 : memref<!tpu.dma_semaphore, #tpu.memory_space<semaphore_mem>>) src(%arg10 : memref<64x64xf32, #tpu.memory_space<vmem>>) dst(%dma_wait3A_183 : memref<30128x64xf32, #tpu.memory_space<vmem_shared>>)
      %dma_wait3A_184 = arith.constant 5 : i32
      %dma_wait3A_185 = arith.constant 0 : i32
      %dma_wait3A_186 = tpu.memref_slice %arg9[%dma_wait3A_184, %dma_wait3A_185] : memref<16x64xi32, #tpu.memory_space<vmem>> -> memref<1x64xi32, #tpu.memory_space<vmem>>
      %dma_wait3A_187 = tpu.memref_squeeze %dma_wait3A_186 : memref<1x64xi32, #tpu.memory_space<vmem>> -> memref<64xi32, #tpu.memory_space<vmem>>
      %dma_wait3A_188 = arith.constant 0 : i32
      %dma_wait3A_189 = arith.constant 0 : i32
      %dma_wait3A_190 = tpu.memref_slice %arg7[%dma_wait3A_188, %dma_wait3A_189] : memref<30128x64xf32, #tpu.memory_space<vmem_shared>> -> memref<30128x64xf32, #tpu.memory_space<vmem_shared>>
      tpu.wait_indirect_dma semaphore(%arg15 : memref<!tpu.dma_semaphore, #tpu.memory_space<semaphore_mem>>) src(%arg11 : memref<64x64xf32, #tpu.memory_space<vmem>>) dst(%dma_wait3A_190 : memref<30128x64xf32, #tpu.memory_space<vmem_shared>>)
      %dma_start3A_191 = arith.constant 6 : i32
      %dma_start3A_192 = arith.constant 0 : i32
      %dma_start3A_193 = tpu.memref_slice %arg8[%dma_start3A_191, %dma_start3A_192] : memref<16x64xi32, #tpu.memory_space<vmem>> -> memref<1x64xi32, #tpu.memory_space<vmem>>
      %dma_start3A_194 = tpu.memref_squeeze %dma_start3A_193 : memref<1x64xi32, #tpu.memory_space<vmem>> -> memref<64xi32, #tpu.memory_space<vmem>>
      %dma_start3A_195 = arith.constant 0 : i32
      %dma_start3A_196 = arith.constant 0 : i32
      %dma_start3A_197 = tpu.memref_slice %arg2[%dma_start3A_195, %dma_start3A_196] : memref<30000x64xf32, #tpu.memory_space<hbm>> -> memref<30000x64xf32, #tpu.memory_space<hbm>>
      tpu.enqueue_indirect_dma source(%dma_start3A_197 : memref<30000x64xf32, #tpu.memory_space<hbm>>) target(%arg10 : memref<64x64xf32, #tpu.memory_space<vmem>>) offsets(%dma_start3A_194 : memref<64xi32, #tpu.memory_space<vmem>>) semaphore(%arg12 : memref<!tpu.dma_semaphore, #tpu.memory_space<semaphore_mem>>)
      %dma_start3A_198 = arith.constant 7 : i32
      %dma_start3A_199 = arith.constant 0 : i32
      %dma_start3A_200 = tpu.memref_slice %arg8[%dma_start3A_198, %dma_start3A_199] : memref<16x64xi32, #tpu.memory_space<vmem>> -> memref<1x64xi32, #tpu.memory_space<vmem>>
      %dma_start3A_201 = tpu.memref_squeeze %dma_start3A_200 : memref<1x64xi32, #tpu.memory_space<vmem>> -> memref<64xi32, #tpu.memory_space<vmem>>
      %dma_start3A_202 = arith.constant 0 : i32
      %dma_start3A_203 = arith.constant 0 : i32
      %dma_start3A_204 = tpu.memref_slice %arg2[%dma_start3A_202, %dma_start3A_203] : memref<30000x64xf32, #tpu.memory_space<hbm>> -> memref<30000x64xf32, #tpu.memory_space<hbm>>
      tpu.enqueue_indirect_dma source(%dma_start3A_204 : memref<30000x64xf32, #tpu.memory_space<hbm>>) target(%arg11 : memref<64x64xf32, #tpu.memory_space<vmem>>) offsets(%dma_start3A_201 : memref<64xi32, #tpu.memory_space<vmem>>) semaphore(%arg13 : memref<!tpu.dma_semaphore, #tpu.memory_space<semaphore_mem>>)
      %dma_wait3A_205 = arith.constant 6 : i32
      %dma_wait3A_206 = arith.constant 0 : i32
      %dma_wait3A_207 = tpu.memref_slice %arg8[%dma_wait3A_205, %dma_wait3A_206] : memref<16x64xi32, #tpu.memory_space<vmem>> -> memref<1x64xi32, #tpu.memory_space<vmem>>
      %dma_wait3A_208 = tpu.memref_squeeze %dma_wait3A_207 : memref<1x64xi32, #tpu.memory_space<vmem>> -> memref<64xi32, #tpu.memory_space<vmem>>
      %dma_wait3A_209 = arith.constant 0 : i32
      %dma_wait3A_210 = arith.constant 0 : i32
      %dma_wait3A_211 = tpu.memref_slice %arg2[%dma_wait3A_209, %dma_wait3A_210] : memref<30000x64xf32, #tpu.memory_space<hbm>> -> memref<30000x64xf32, #tpu.memory_space<hbm>>
      tpu.wait_indirect_dma semaphore(%arg12 : memref<!tpu.dma_semaphore, #tpu.memory_space<semaphore_mem>>) src(%dma_wait3A_211 : memref<30000x64xf32, #tpu.memory_space<hbm>>) dst(%arg10 : memref<64x64xf32, #tpu.memory_space<vmem>>)
      %dma_start3A_212 = arith.constant 6 : i32
      %dma_start3A_213 = arith.constant 0 : i32
      %dma_start3A_214 = tpu.memref_slice %arg9[%dma_start3A_212, %dma_start3A_213] : memref<16x64xi32, #tpu.memory_space<vmem>> -> memref<1x64xi32, #tpu.memory_space<vmem>>
      %dma_start3A_215 = tpu.memref_squeeze %dma_start3A_214 : memref<1x64xi32, #tpu.memory_space<vmem>> -> memref<64xi32, #tpu.memory_space<vmem>>
      %dma_start3A_216 = arith.constant 0 : i32
      %dma_start3A_217 = arith.constant 0 : i32
      %dma_start3A_218 = tpu.memref_slice %arg7[%dma_start3A_216, %dma_start3A_217] : memref<30128x64xf32, #tpu.memory_space<vmem_shared>> -> memref<30128x64xf32, #tpu.memory_space<vmem_shared>>
      tpu.enqueue_indirect_dma source(%arg10 : memref<64x64xf32, #tpu.memory_space<vmem>>) target(%dma_start3A_218 : memref<30128x64xf32, #tpu.memory_space<vmem_shared>>) offsets(%dma_start3A_215 : memref<64xi32, #tpu.memory_space<vmem>>) semaphore(%arg14 : memref<!tpu.dma_semaphore, #tpu.memory_space<semaphore_mem>>) {add = true}
      %dma_wait3A_219 = arith.constant 7 : i32
      %dma_wait3A_220 = arith.constant 0 : i32
      %dma_wait3A_221 = tpu.memref_slice %arg8[%dma_wait3A_219, %dma_wait3A_220] : memref<16x64xi32, #tpu.memory_space<vmem>> -> memref<1x64xi32, #tpu.memory_space<vmem>>
      %dma_wait3A_222 = tpu.memref_squeeze %dma_wait3A_221 : memref<1x64xi32, #tpu.memory_space<vmem>> -> memref<64xi32, #tpu.memory_space<vmem>>
      %dma_wait3A_223 = arith.constant 0 : i32
      %dma_wait3A_224 = arith.constant 0 : i32
      %dma_wait3A_225 = tpu.memref_slice %arg2[%dma_wait3A_223, %dma_wait3A_224] : memref<30000x64xf32, #tpu.memory_space<hbm>> -> memref<30000x64xf32, #tpu.memory_space<hbm>>
      tpu.wait_indirect_dma semaphore(%arg13 : memref<!tpu.dma_semaphore, #tpu.memory_space<semaphore_mem>>) src(%dma_wait3A_225 : memref<30000x64xf32, #tpu.memory_space<hbm>>) dst(%arg11 : memref<64x64xf32, #tpu.memory_space<vmem>>)
      %dma_start3A_226 = arith.constant 7 : i32
      %dma_start3A_227 = arith.constant 0 : i32
      %dma_start3A_228 = tpu.memref_slice %arg9[%dma_start3A_226, %dma_start3A_227] : memref<16x64xi32, #tpu.memory_space<vmem>> -> memref<1x64xi32, #tpu.memory_space<vmem>>
      %dma_start3A_229 = tpu.memref_squeeze %dma_start3A_228 : memref<1x64xi32, #tpu.memory_space<vmem>> -> memref<64xi32, #tpu.memory_space<vmem>>
      %dma_start3A_230 = arith.constant 0 : i32
      %dma_start3A_231 = arith.constant 0 : i32
      %dma_start3A_232 = tpu.memref_slice %arg7[%dma_start3A_230, %dma_start3A_231] : memref<30128x64xf32, #tpu.memory_space<vmem_shared>> -> memref<30128x64xf32, #tpu.memory_space<vmem_shared>>
      tpu.enqueue_indirect_dma source(%arg11 : memref<64x64xf32, #tpu.memory_space<vmem>>) target(%dma_start3A_232 : memref<30128x64xf32, #tpu.memory_space<vmem_shared>>) offsets(%dma_start3A_229 : memref<64xi32, #tpu.memory_space<vmem>>) semaphore(%arg15 : memref<!tpu.dma_semaphore, #tpu.memory_space<semaphore_mem>>) {add = true}
      %dma_wait3A_233 = arith.constant 6 : i32
      %dma_wait3A_234 = arith.constant 0 : i32
      %dma_wait3A_235 = tpu.memref_slice %arg9[%dma_wait3A_233, %dma_wait3A_234] : memref<16x64xi32, #tpu.memory_space<vmem>> -> memref<1x64xi32, #tpu.memory_space<vmem>>
      %dma_wait3A_236 = tpu.memref_squeeze %dma_wait3A_235 : memref<1x64xi32, #tpu.memory_space<vmem>> -> memref<64xi32, #tpu.memory_space<vmem>>
      %dma_wait3A_237 = arith.constant 0 : i32
      %dma_wait3A_238 = arith.constant 0 : i32
      %dma_wait3A_239 = tpu.memref_slice %arg7[%dma_wait3A_237, %dma_wait3A_238] : memref<30128x64xf32, #tpu.memory_space<vmem_shared>> -> memref<30128x64xf32, #tpu.memory_space<vmem_shared>>
      tpu.wait_indirect_dma semaphore(%arg14 : memref<!tpu.dma_semaphore, #tpu.memory_space<semaphore_mem>>) src(%arg10 : memref<64x64xf32, #tpu.memory_space<vmem>>) dst(%dma_wait3A_239 : memref<30128x64xf32, #tpu.memory_space<vmem_shared>>)
      %dma_wait3A_240 = arith.constant 7 : i32
      %dma_wait3A_241 = arith.constant 0 : i32
      %dma_wait3A_242 = tpu.memref_slice %arg9[%dma_wait3A_240, %dma_wait3A_241] : memref<16x64xi32, #tpu.memory_space<vmem>> -> memref<1x64xi32, #tpu.memory_space<vmem>>
      %dma_wait3A_243 = tpu.memref_squeeze %dma_wait3A_242 : memref<1x64xi32, #tpu.memory_space<vmem>> -> memref<64xi32, #tpu.memory_space<vmem>>
      %dma_wait3A_244 = arith.constant 0 : i32
      %dma_wait3A_245 = arith.constant 0 : i32
      %dma_wait3A_246 = tpu.memref_slice %arg7[%dma_wait3A_244, %dma_wait3A_245] : memref<30128x64xf32, #tpu.memory_space<vmem_shared>> -> memref<30128x64xf32, #tpu.memory_space<vmem_shared>>
      tpu.wait_indirect_dma semaphore(%arg15 : memref<!tpu.dma_semaphore, #tpu.memory_space<semaphore_mem>>) src(%arg11 : memref<64x64xf32, #tpu.memory_space<vmem>>) dst(%dma_wait3A_246 : memref<30128x64xf32, #tpu.memory_space<vmem_shared>>)
      %dma_start3A_247 = arith.constant 8 : i32
      %dma_start3A_248 = arith.constant 0 : i32
      %dma_start3A_249 = tpu.memref_slice %arg8[%dma_start3A_247, %dma_start3A_248] : memref<16x64xi32, #tpu.memory_space<vmem>> -> memref<1x64xi32, #tpu.memory_space<vmem>>
      %dma_start3A_250 = tpu.memref_squeeze %dma_start3A_249 : memref<1x64xi32, #tpu.memory_space<vmem>> -> memref<64xi32, #tpu.memory_space<vmem>>
      %dma_start3A_251 = arith.constant 0 : i32
      %dma_start3A_252 = arith.constant 0 : i32
      %dma_start3A_253 = tpu.memref_slice %arg2[%dma_start3A_251, %dma_start3A_252] : memref<30000x64xf32, #tpu.memory_space<hbm>> -> memref<30000x64xf32, #tpu.memory_space<hbm>>
      tpu.enqueue_indirect_dma source(%dma_start3A_253 : memref<30000x64xf32, #tpu.memory_space<hbm>>) target(%arg10 : memref<64x64xf32, #tpu.memory_space<vmem>>) offsets(%dma_start3A_250 : memref<64xi32, #tpu.memory_space<vmem>>) semaphore(%arg12 : memref<!tpu.dma_semaphore, #tpu.memory_space<semaphore_mem>>)
      %dma_start3A_254 = arith.constant 9 : i32
      %dma_start3A_255 = arith.constant 0 : i32
      %dma_start3A_256 = tpu.memref_slice %arg8[%dma_start3A_254, %dma_start3A_255] : memref<16x64xi32, #tpu.memory_space<vmem>> -> memref<1x64xi32, #tpu.memory_space<vmem>>
      %dma_start3A_257 = tpu.memref_squeeze %dma_start3A_256 : memref<1x64xi32, #tpu.memory_space<vmem>> -> memref<64xi32, #tpu.memory_space<vmem>>
      %dma_start3A_258 = arith.constant 0 : i32
      %dma_start3A_259 = arith.constant 0 : i32
      %dma_start3A_260 = tpu.memref_slice %arg2[%dma_start3A_258, %dma_start3A_259] : memref<30000x64xf32, #tpu.memory_space<hbm>> -> memref<30000x64xf32, #tpu.memory_space<hbm>>
      tpu.enqueue_indirect_dma source(%dma_start3A_260 : memref<30000x64xf32, #tpu.memory_space<hbm>>) target(%arg11 : memref<64x64xf32, #tpu.memory_space<vmem>>) offsets(%dma_start3A_257 : memref<64xi32, #tpu.memory_space<vmem>>) semaphore(%arg13 : memref<!tpu.dma_semaphore, #tpu.memory_space<semaphore_mem>>)
      %dma_wait3A_261 = arith.constant 8 : i32
      %dma_wait3A_262 = arith.constant 0 : i32
      %dma_wait3A_263 = tpu.memref_slice %arg8[%dma_wait3A_261, %dma_wait3A_262] : memref<16x64xi32, #tpu.memory_space<vmem>> -> memref<1x64xi32, #tpu.memory_space<vmem>>
      %dma_wait3A_264 = tpu.memref_squeeze %dma_wait3A_263 : memref<1x64xi32, #tpu.memory_space<vmem>> -> memref<64xi32, #tpu.memory_space<vmem>>
      %dma_wait3A_265 = arith.constant 0 : i32
      %dma_wait3A_266 = arith.constant 0 : i32
      %dma_wait3A_267 = tpu.memref_slice %arg2[%dma_wait3A_265, %dma_wait3A_266] : memref<30000x64xf32, #tpu.memory_space<hbm>> -> memref<30000x64xf32, #tpu.memory_space<hbm>>
      tpu.wait_indirect_dma semaphore(%arg12 : memref<!tpu.dma_semaphore, #tpu.memory_space<semaphore_mem>>) src(%dma_wait3A_267 : memref<30000x64xf32, #tpu.memory_space<hbm>>) dst(%arg10 : memref<64x64xf32, #tpu.memory_space<vmem>>)
      %dma_start3A_268 = arith.constant 8 : i32
      %dma_start3A_269 = arith.constant 0 : i32
      %dma_start3A_270 = tpu.memref_slice %arg9[%dma_start3A_268, %dma_start3A_269] : memref<16x64xi32, #tpu.memory_space<vmem>> -> memref<1x64xi32, #tpu.memory_space<vmem>>
      %dma_start3A_271 = tpu.memref_squeeze %dma_start3A_270 : memref<1x64xi32, #tpu.memory_space<vmem>> -> memref<64xi32, #tpu.memory_space<vmem>>
      %dma_start3A_272 = arith.constant 0 : i32
      %dma_start3A_273 = arith.constant 0 : i32
      %dma_start3A_274 = tpu.memref_slice %arg7[%dma_start3A_272, %dma_start3A_273] : memref<30128x64xf32, #tpu.memory_space<vmem_shared>> -> memref<30128x64xf32, #tpu.memory_space<vmem_shared>>
      tpu.enqueue_indirect_dma source(%arg10 : memref<64x64xf32, #tpu.memory_space<vmem>>) target(%dma_start3A_274 : memref<30128x64xf32, #tpu.memory_space<vmem_shared>>) offsets(%dma_start3A_271 : memref<64xi32, #tpu.memory_space<vmem>>) semaphore(%arg14 : memref<!tpu.dma_semaphore, #tpu.memory_space<semaphore_mem>>) {add = true}
      %dma_wait3A_275 = arith.constant 9 : i32
      %dma_wait3A_276 = arith.constant 0 : i32
      %dma_wait3A_277 = tpu.memref_slice %arg8[%dma_wait3A_275, %dma_wait3A_276] : memref<16x64xi32, #tpu.memory_space<vmem>> -> memref<1x64xi32, #tpu.memory_space<vmem>>
      %dma_wait3A_278 = tpu.memref_squeeze %dma_wait3A_277 : memref<1x64xi32, #tpu.memory_space<vmem>> -> memref<64xi32, #tpu.memory_space<vmem>>
      %dma_wait3A_279 = arith.constant 0 : i32
      %dma_wait3A_280 = arith.constant 0 : i32
      %dma_wait3A_281 = tpu.memref_slice %arg2[%dma_wait3A_279, %dma_wait3A_280] : memref<30000x64xf32, #tpu.memory_space<hbm>> -> memref<30000x64xf32, #tpu.memory_space<hbm>>
      tpu.wait_indirect_dma semaphore(%arg13 : memref<!tpu.dma_semaphore, #tpu.memory_space<semaphore_mem>>) src(%dma_wait3A_281 : memref<30000x64xf32, #tpu.memory_space<hbm>>) dst(%arg11 : memref<64x64xf32, #tpu.memory_space<vmem>>)
      %dma_start3A_282 = arith.constant 9 : i32
      %dma_start3A_283 = arith.constant 0 : i32
      %dma_start3A_284 = tpu.memref_slice %arg9[%dma_start3A_282, %dma_start3A_283] : memref<16x64xi32, #tpu.memory_space<vmem>> -> memref<1x64xi32, #tpu.memory_space<vmem>>
      %dma_start3A_285 = tpu.memref_squeeze %dma_start3A_284 : memref<1x64xi32, #tpu.memory_space<vmem>> -> memref<64xi32, #tpu.memory_space<vmem>>
      %dma_start3A_286 = arith.constant 0 : i32
      %dma_start3A_287 = arith.constant 0 : i32
      %dma_start3A_288 = tpu.memref_slice %arg7[%dma_start3A_286, %dma_start3A_287] : memref<30128x64xf32, #tpu.memory_space<vmem_shared>> -> memref<30128x64xf32, #tpu.memory_space<vmem_shared>>
      tpu.enqueue_indirect_dma source(%arg11 : memref<64x64xf32, #tpu.memory_space<vmem>>) target(%dma_start3A_288 : memref<30128x64xf32, #tpu.memory_space<vmem_shared>>) offsets(%dma_start3A_285 : memref<64xi32, #tpu.memory_space<vmem>>) semaphore(%arg15 : memref<!tpu.dma_semaphore, #tpu.memory_space<semaphore_mem>>) {add = true}
      %dma_wait3A_289 = arith.constant 8 : i32
      %dma_wait3A_290 = arith.constant 0 : i32
      %dma_wait3A_291 = tpu.memref_slice %arg9[%dma_wait3A_289, %dma_wait3A_290] : memref<16x64xi32, #tpu.memory_space<vmem>> -> memref<1x64xi32, #tpu.memory_space<vmem>>
      %dma_wait3A_292 = tpu.memref_squeeze %dma_wait3A_291 : memref<1x64xi32, #tpu.memory_space<vmem>> -> memref<64xi32, #tpu.memory_space<vmem>>
      %dma_wait3A_293 = arith.constant 0 : i32
      %dma_wait3A_294 = arith.constant 0 : i32
      %dma_wait3A_295 = tpu.memref_slice %arg7[%dma_wait3A_293, %dma_wait3A_294] : memref<30128x64xf32, #tpu.memory_space<vmem_shared>> -> memref<30128x64xf32, #tpu.memory_space<vmem_shared>>
      tpu.wait_indirect_dma semaphore(%arg14 : memref<!tpu.dma_semaphore, #tpu.memory_space<semaphore_mem>>) src(%arg10 : memref<64x64xf32, #tpu.memory_space<vmem>>) dst(%dma_wait3A_295 : memref<30128x64xf32, #tpu.memory_space<vmem_shared>>)
      %dma_wait3A_296 = arith.constant 9 : i32
      %dma_wait3A_297 = arith.constant 0 : i32
      %dma_wait3A_298 = tpu.memref_slice %arg9[%dma_wait3A_296, %dma_wait3A_297] : memref<16x64xi32, #tpu.memory_space<vmem>> -> memref<1x64xi32, #tpu.memory_space<vmem>>
      %dma_wait3A_299 = tpu.memref_squeeze %dma_wait3A_298 : memref<1x64xi32, #tpu.memory_space<vmem>> -> memref<64xi32, #tpu.memory_space<vmem>>
      %dma_wait3A_300 = arith.constant 0 : i32
      %dma_wait3A_301 = arith.constant 0 : i32
      %dma_wait3A_302 = tpu.memref_slice %arg7[%dma_wait3A_300, %dma_wait3A_301] : memref<30128x64xf32, #tpu.memory_space<vmem_shared>> -> memref<30128x64xf32, #tpu.memory_space<vmem_shared>>
      tpu.wait_indirect_dma semaphore(%arg15 : memref<!tpu.dma_semaphore, #tpu.memory_space<semaphore_mem>>) src(%arg11 : memref<64x64xf32, #tpu.memory_space<vmem>>) dst(%dma_wait3A_302 : memref<30128x64xf32, #tpu.memory_space<vmem_shared>>)
      %dma_start3A_303 = arith.constant 10 : i32
      %dma_start3A_304 = arith.constant 0 : i32
      %dma_start3A_305 = tpu.memref_slice %arg8[%dma_start3A_303, %dma_start3A_304] : memref<16x64xi32, #tpu.memory_space<vmem>> -> memref<1x64xi32, #tpu.memory_space<vmem>>
      %dma_start3A_306 = tpu.memref_squeeze %dma_start3A_305 : memref<1x64xi32, #tpu.memory_space<vmem>> -> memref<64xi32, #tpu.memory_space<vmem>>
      %dma_start3A_307 = arith.constant 0 : i32
      %dma_start3A_308 = arith.constant 0 : i32
      %dma_start3A_309 = tpu.memref_slice %arg2[%dma_start3A_307, %dma_start3A_308] : memref<30000x64xf32, #tpu.memory_space<hbm>> -> memref<30000x64xf32, #tpu.memory_space<hbm>>
      tpu.enqueue_indirect_dma source(%dma_start3A_309 : memref<30000x64xf32, #tpu.memory_space<hbm>>) target(%arg10 : memref<64x64xf32, #tpu.memory_space<vmem>>) offsets(%dma_start3A_306 : memref<64xi32, #tpu.memory_space<vmem>>) semaphore(%arg12 : memref<!tpu.dma_semaphore, #tpu.memory_space<semaphore_mem>>)
      %dma_start3A_310 = arith.constant 11 : i32
      %dma_start3A_311 = arith.constant 0 : i32
      %dma_start3A_312 = tpu.memref_slice %arg8[%dma_start3A_310, %dma_start3A_311] : memref<16x64xi32, #tpu.memory_space<vmem>> -> memref<1x64xi32, #tpu.memory_space<vmem>>
      %dma_start3A_313 = tpu.memref_squeeze %dma_start3A_312 : memref<1x64xi32, #tpu.memory_space<vmem>> -> memref<64xi32, #tpu.memory_space<vmem>>
      %dma_start3A_314 = arith.constant 0 : i32
      %dma_start3A_315 = arith.constant 0 : i32
      %dma_start3A_316 = tpu.memref_slice %arg2[%dma_start3A_314, %dma_start3A_315] : memref<30000x64xf32, #tpu.memory_space<hbm>> -> memref<30000x64xf32, #tpu.memory_space<hbm>>
      tpu.enqueue_indirect_dma source(%dma_start3A_316 : memref<30000x64xf32, #tpu.memory_space<hbm>>) target(%arg11 : memref<64x64xf32, #tpu.memory_space<vmem>>) offsets(%dma_start3A_313 : memref<64xi32, #tpu.memory_space<vmem>>) semaphore(%arg13 : memref<!tpu.dma_semaphore, #tpu.memory_space<semaphore_mem>>)
      %dma_wait3A_317 = arith.constant 10 : i32
      %dma_wait3A_318 = arith.constant 0 : i32
      %dma_wait3A_319 = tpu.memref_slice %arg8[%dma_wait3A_317, %dma_wait3A_318] : memref<16x64xi32, #tpu.memory_space<vmem>> -> memref<1x64xi32, #tpu.memory_space<vmem>>
      %dma_wait3A_320 = tpu.memref_squeeze %dma_wait3A_319 : memref<1x64xi32, #tpu.memory_space<vmem>> -> memref<64xi32, #tpu.memory_space<vmem>>
      %dma_wait3A_321 = arith.constant 0 : i32
      %dma_wait3A_322 = arith.constant 0 : i32
      %dma_wait3A_323 = tpu.memref_slice %arg2[%dma_wait3A_321, %dma_wait3A_322] : memref<30000x64xf32, #tpu.memory_space<hbm>> -> memref<30000x64xf32, #tpu.memory_space<hbm>>
      tpu.wait_indirect_dma semaphore(%arg12 : memref<!tpu.dma_semaphore, #tpu.memory_space<semaphore_mem>>) src(%dma_wait3A_323 : memref<30000x64xf32, #tpu.memory_space<hbm>>) dst(%arg10 : memref<64x64xf32, #tpu.memory_space<vmem>>)
      %dma_start3A_324 = arith.constant 10 : i32
      %dma_start3A_325 = arith.constant 0 : i32
      %dma_start3A_326 = tpu.memref_slice %arg9[%dma_start3A_324, %dma_start3A_325] : memref<16x64xi32, #tpu.memory_space<vmem>> -> memref<1x64xi32, #tpu.memory_space<vmem>>
      %dma_start3A_327 = tpu.memref_squeeze %dma_start3A_326 : memref<1x64xi32, #tpu.memory_space<vmem>> -> memref<64xi32, #tpu.memory_space<vmem>>
      %dma_start3A_328 = arith.constant 0 : i32
      %dma_start3A_329 = arith.constant 0 : i32
      %dma_start3A_330 = tpu.memref_slice %arg7[%dma_start3A_328, %dma_start3A_329] : memref<30128x64xf32, #tpu.memory_space<vmem_shared>> -> memref<30128x64xf32, #tpu.memory_space<vmem_shared>>
      tpu.enqueue_indirect_dma source(%arg10 : memref<64x64xf32, #tpu.memory_space<vmem>>) target(%dma_start3A_330 : memref<30128x64xf32, #tpu.memory_space<vmem_shared>>) offsets(%dma_start3A_327 : memref<64xi32, #tpu.memory_space<vmem>>) semaphore(%arg14 : memref<!tpu.dma_semaphore, #tpu.memory_space<semaphore_mem>>) {add = true}
      %dma_wait3A_331 = arith.constant 11 : i32
      %dma_wait3A_332 = arith.constant 0 : i32
      %dma_wait3A_333 = tpu.memref_slice %arg8[%dma_wait3A_331, %dma_wait3A_332] : memref<16x64xi32, #tpu.memory_space<vmem>> -> memref<1x64xi32, #tpu.memory_space<vmem>>
      %dma_wait3A_334 = tpu.memref_squeeze %dma_wait3A_333 : memref<1x64xi32, #tpu.memory_space<vmem>> -> memref<64xi32, #tpu.memory_space<vmem>>
      %dma_wait3A_335 = arith.constant 0 : i32
      %dma_wait3A_336 = arith.constant 0 : i32
      %dma_wait3A_337 = tpu.memref_slice %arg2[%dma_wait3A_335, %dma_wait3A_336] : memref<30000x64xf32, #tpu.memory_space<hbm>> -> memref<30000x64xf32, #tpu.memory_space<hbm>>
      tpu.wait_indirect_dma semaphore(%arg13 : memref<!tpu.dma_semaphore, #tpu.memory_space<semaphore_mem>>) src(%dma_wait3A_337 : memref<30000x64xf32, #tpu.memory_space<hbm>>) dst(%arg11 : memref<64x64xf32, #tpu.memory_space<vmem>>)
      %dma_start3A_338 = arith.constant 11 : i32
      %dma_start3A_339 = arith.constant 0 : i32
      %dma_start3A_340 = tpu.memref_slice %arg9[%dma_start3A_338, %dma_start3A_339] : memref<16x64xi32, #tpu.memory_space<vmem>> -> memref<1x64xi32, #tpu.memory_space<vmem>>
      %dma_start3A_341 = tpu.memref_squeeze %dma_start3A_340 : memref<1x64xi32, #tpu.memory_space<vmem>> -> memref<64xi32, #tpu.memory_space<vmem>>
      %dma_start3A_342 = arith.constant 0 : i32
      %dma_start3A_343 = arith.constant 0 : i32
      %dma_start3A_344 = tpu.memref_slice %arg7[%dma_start3A_342, %dma_start3A_343] : memref<30128x64xf32, #tpu.memory_space<vmem_shared>> -> memref<30128x64xf32, #tpu.memory_space<vmem_shared>>
      tpu.enqueue_indirect_dma source(%arg11 : memref<64x64xf32, #tpu.memory_space<vmem>>) target(%dma_start3A_344 : memref<30128x64xf32, #tpu.memory_space<vmem_shared>>) offsets(%dma_start3A_341 : memref<64xi32, #tpu.memory_space<vmem>>) semaphore(%arg15 : memref<!tpu.dma_semaphore, #tpu.memory_space<semaphore_mem>>) {add = true}
      %dma_wait3A_345 = arith.constant 10 : i32
      %dma_wait3A_346 = arith.constant 0 : i32
      %dma_wait3A_347 = tpu.memref_slice %arg9[%dma_wait3A_345, %dma_wait3A_346] : memref<16x64xi32, #tpu.memory_space<vmem>> -> memref<1x64xi32, #tpu.memory_space<vmem>>
      %dma_wait3A_348 = tpu.memref_squeeze %dma_wait3A_347 : memref<1x64xi32, #tpu.memory_space<vmem>> -> memref<64xi32, #tpu.memory_space<vmem>>
      %dma_wait3A_349 = arith.constant 0 : i32
      %dma_wait3A_350 = arith.constant 0 : i32
      %dma_wait3A_351 = tpu.memref_slice %arg7[%dma_wait3A_349, %dma_wait3A_350] : memref<30128x64xf32, #tpu.memory_space<vmem_shared>> -> memref<30128x64xf32, #tpu.memory_space<vmem_shared>>
      tpu.wait_indirect_dma semaphore(%arg14 : memref<!tpu.dma_semaphore, #tpu.memory_space<semaphore_mem>>) src(%arg10 : memref<64x64xf32, #tpu.memory_space<vmem>>) dst(%dma_wait3A_351 : memref<30128x64xf32, #tpu.memory_space<vmem_shared>>)
      %dma_wait3A_352 = arith.constant 11 : i32
      %dma_wait3A_353 = arith.constant 0 : i32
      %dma_wait3A_354 = tpu.memref_slice %arg9[%dma_wait3A_352, %dma_wait3A_353] : memref<16x64xi32, #tpu.memory_space<vmem>> -> memref<1x64xi32, #tpu.memory_space<vmem>>
      %dma_wait3A_355 = tpu.memref_squeeze %dma_wait3A_354 : memref<1x64xi32, #tpu.memory_space<vmem>> -> memref<64xi32, #tpu.memory_space<vmem>>
      %dma_wait3A_356 = arith.constant 0 : i32
      %dma_wait3A_357 = arith.constant 0 : i32
      %dma_wait3A_358 = tpu.memref_slice %arg7[%dma_wait3A_356, %dma_wait3A_357] : memref<30128x64xf32, #tpu.memory_space<vmem_shared>> -> memref<30128x64xf32, #tpu.memory_space<vmem_shared>>
      tpu.wait_indirect_dma semaphore(%arg15 : memref<!tpu.dma_semaphore, #tpu.memory_space<semaphore_mem>>) src(%arg11 : memref<64x64xf32, #tpu.memory_space<vmem>>) dst(%dma_wait3A_358 : memref<30128x64xf32, #tpu.memory_space<vmem_shared>>)
      %dma_start3A_359 = arith.constant 12 : i32
      %dma_start3A_360 = arith.constant 0 : i32
      %dma_start3A_361 = tpu.memref_slice %arg8[%dma_start3A_359, %dma_start3A_360] : memref<16x64xi32, #tpu.memory_space<vmem>> -> memref<1x64xi32, #tpu.memory_space<vmem>>
      %dma_start3A_362 = tpu.memref_squeeze %dma_start3A_361 : memref<1x64xi32, #tpu.memory_space<vmem>> -> memref<64xi32, #tpu.memory_space<vmem>>
      %dma_start3A_363 = arith.constant 0 : i32
      %dma_start3A_364 = arith.constant 0 : i32
      %dma_start3A_365 = tpu.memref_slice %arg2[%dma_start3A_363, %dma_start3A_364] : memref<30000x64xf32, #tpu.memory_space<hbm>> -> memref<30000x64xf32, #tpu.memory_space<hbm>>
      tpu.enqueue_indirect_dma source(%dma_start3A_365 : memref<30000x64xf32, #tpu.memory_space<hbm>>) target(%arg10 : memref<64x64xf32, #tpu.memory_space<vmem>>) offsets(%dma_start3A_362 : memref<64xi32, #tpu.memory_space<vmem>>) semaphore(%arg12 : memref<!tpu.dma_semaphore, #tpu.memory_space<semaphore_mem>>)
      %dma_start3A_366 = arith.constant 13 : i32
      %dma_start3A_367 = arith.constant 0 : i32
      %dma_start3A_368 = tpu.memref_slice %arg8[%dma_start3A_366, %dma_start3A_367] : memref<16x64xi32, #tpu.memory_space<vmem>> -> memref<1x64xi32, #tpu.memory_space<vmem>>
      %dma_start3A_369 = tpu.memref_squeeze %dma_start3A_368 : memref<1x64xi32, #tpu.memory_space<vmem>> -> memref<64xi32, #tpu.memory_space<vmem>>
      %dma_start3A_370 = arith.constant 0 : i32
      %dma_start3A_371 = arith.constant 0 : i32
      %dma_start3A_372 = tpu.memref_slice %arg2[%dma_start3A_370, %dma_start3A_371] : memref<30000x64xf32, #tpu.memory_space<hbm>> -> memref<30000x64xf32, #tpu.memory_space<hbm>>
      tpu.enqueue_indirect_dma source(%dma_start3A_372 : memref<30000x64xf32, #tpu.memory_space<hbm>>) target(%arg11 : memref<64x64xf32, #tpu.memory_space<vmem>>) offsets(%dma_start3A_369 : memref<64xi32, #tpu.memory_space<vmem>>) semaphore(%arg13 : memref<!tpu.dma_semaphore, #tpu.memory_space<semaphore_mem>>)
      %dma_wait3A_373 = arith.constant 12 : i32
      %dma_wait3A_374 = arith.constant 0 : i32
      %dma_wait3A_375 = tpu.memref_slice %arg8[%dma_wait3A_373, %dma_wait3A_374] : memref<16x64xi32, #tpu.memory_space<vmem>> -> memref<1x64xi32, #tpu.memory_space<vmem>>
      %dma_wait3A_376 = tpu.memref_squeeze %dma_wait3A_375 : memref<1x64xi32, #tpu.memory_space<vmem>> -> memref<64xi32, #tpu.memory_space<vmem>>
      %dma_wait3A_377 = arith.constant 0 : i32
      %dma_wait3A_378 = arith.constant 0 : i32
      %dma_wait3A_379 = tpu.memref_slice %arg2[%dma_wait3A_377, %dma_wait3A_378] : memref<30000x64xf32, #tpu.memory_space<hbm>> -> memref<30000x64xf32, #tpu.memory_space<hbm>>
      tpu.wait_indirect_dma semaphore(%arg12 : memref<!tpu.dma_semaphore, #tpu.memory_space<semaphore_mem>>) src(%dma_wait3A_379 : memref<30000x64xf32, #tpu.memory_space<hbm>>) dst(%arg10 : memref<64x64xf32, #tpu.memory_space<vmem>>)
      %dma_start3A_380 = arith.constant 12 : i32
      %dma_start3A_381 = arith.constant 0 : i32
      %dma_start3A_382 = tpu.memref_slice %arg9[%dma_start3A_380, %dma_start3A_381] : memref<16x64xi32, #tpu.memory_space<vmem>> -> memref<1x64xi32, #tpu.memory_space<vmem>>
      %dma_start3A_383 = tpu.memref_squeeze %dma_start3A_382 : memref<1x64xi32, #tpu.memory_space<vmem>> -> memref<64xi32, #tpu.memory_space<vmem>>
      %dma_start3A_384 = arith.constant 0 : i32
      %dma_start3A_385 = arith.constant 0 : i32
      %dma_start3A_386 = tpu.memref_slice %arg7[%dma_start3A_384, %dma_start3A_385] : memref<30128x64xf32, #tpu.memory_space<vmem_shared>> -> memref<30128x64xf32, #tpu.memory_space<vmem_shared>>
      tpu.enqueue_indirect_dma source(%arg10 : memref<64x64xf32, #tpu.memory_space<vmem>>) target(%dma_start3A_386 : memref<30128x64xf32, #tpu.memory_space<vmem_shared>>) offsets(%dma_start3A_383 : memref<64xi32, #tpu.memory_space<vmem>>) semaphore(%arg14 : memref<!tpu.dma_semaphore, #tpu.memory_space<semaphore_mem>>) {add = true}
      %dma_wait3A_387 = arith.constant 13 : i32
      %dma_wait3A_388 = arith.constant 0 : i32
      %dma_wait3A_389 = tpu.memref_slice %arg8[%dma_wait3A_387, %dma_wait3A_388] : memref<16x64xi32, #tpu.memory_space<vmem>> -> memref<1x64xi32, #tpu.memory_space<vmem>>
      %dma_wait3A_390 = tpu.memref_squeeze %dma_wait3A_389 : memref<1x64xi32, #tpu.memory_space<vmem>> -> memref<64xi32, #tpu.memory_space<vmem>>
      %dma_wait3A_391 = arith.constant 0 : i32
      %dma_wait3A_392 = arith.constant 0 : i32
      %dma_wait3A_393 = tpu.memref_slice %arg2[%dma_wait3A_391, %dma_wait3A_392] : memref<30000x64xf32, #tpu.memory_space<hbm>> -> memref<30000x64xf32, #tpu.memory_space<hbm>>
      tpu.wait_indirect_dma semaphore(%arg13 : memref<!tpu.dma_semaphore, #tpu.memory_space<semaphore_mem>>) src(%dma_wait3A_393 : memref<30000x64xf32, #tpu.memory_space<hbm>>) dst(%arg11 : memref<64x64xf32, #tpu.memory_space<vmem>>)
      %dma_start3A_394 = arith.constant 13 : i32
      %dma_start3A_395 = arith.constant 0 : i32
      %dma_start3A_396 = tpu.memref_slice %arg9[%dma_start3A_394, %dma_start3A_395] : memref<16x64xi32, #tpu.memory_space<vmem>> -> memref<1x64xi32, #tpu.memory_space<vmem>>
      %dma_start3A_397 = tpu.memref_squeeze %dma_start3A_396 : memref<1x64xi32, #tpu.memory_space<vmem>> -> memref<64xi32, #tpu.memory_space<vmem>>
      %dma_start3A_398 = arith.constant 0 : i32
      %dma_start3A_399 = arith.constant 0 : i32
      %dma_start3A_400 = tpu.memref_slice %arg7[%dma_start3A_398, %dma_start3A_399] : memref<30128x64xf32, #tpu.memory_space<vmem_shared>> -> memref<30128x64xf32, #tpu.memory_space<vmem_shared>>
      tpu.enqueue_indirect_dma source(%arg11 : memref<64x64xf32, #tpu.memory_space<vmem>>) target(%dma_start3A_400 : memref<30128x64xf32, #tpu.memory_space<vmem_shared>>) offsets(%dma_start3A_397 : memref<64xi32, #tpu.memory_space<vmem>>) semaphore(%arg15 : memref<!tpu.dma_semaphore, #tpu.memory_space<semaphore_mem>>) {add = true}
      %dma_wait3A_401 = arith.constant 12 : i32
      %dma_wait3A_402 = arith.constant 0 : i32
      %dma_wait3A_403 = tpu.memref_slice %arg9[%dma_wait3A_401, %dma_wait3A_402] : memref<16x64xi32, #tpu.memory_space<vmem>> -> memref<1x64xi32, #tpu.memory_space<vmem>>
      %dma_wait3A_404 = tpu.memref_squeeze %dma_wait3A_403 : memref<1x64xi32, #tpu.memory_space<vmem>> -> memref<64xi32, #tpu.memory_space<vmem>>
      %dma_wait3A_405 = arith.constant 0 : i32
      %dma_wait3A_406 = arith.constant 0 : i32
      %dma_wait3A_407 = tpu.memref_slice %arg7[%dma_wait3A_405, %dma_wait3A_406] : memref<30128x64xf32, #tpu.memory_space<vmem_shared>> -> memref<30128x64xf32, #tpu.memory_space<vmem_shared>>
      tpu.wait_indirect_dma semaphore(%arg14 : memref<!tpu.dma_semaphore, #tpu.memory_space<semaphore_mem>>) src(%arg10 : memref<64x64xf32, #tpu.memory_space<vmem>>) dst(%dma_wait3A_407 : memref<30128x64xf32, #tpu.memory_space<vmem_shared>>)
      %dma_wait3A_408 = arith.constant 13 : i32
      %dma_wait3A_409 = arith.constant 0 : i32
      %dma_wait3A_410 = tpu.memref_slice %arg9[%dma_wait3A_408, %dma_wait3A_409] : memref<16x64xi32, #tpu.memory_space<vmem>> -> memref<1x64xi32, #tpu.memory_space<vmem>>
      %dma_wait3A_411 = tpu.memref_squeeze %dma_wait3A_410 : memref<1x64xi32, #tpu.memory_space<vmem>> -> memref<64xi32, #tpu.memory_space<vmem>>
      %dma_wait3A_412 = arith.constant 0 : i32
      %dma_wait3A_413 = arith.constant 0 : i32
      %dma_wait3A_414 = tpu.memref_slice %arg7[%dma_wait3A_412, %dma_wait3A_413] : memref<30128x64xf32, #tpu.memory_space<vmem_shared>> -> memref<30128x64xf32, #tpu.memory_space<vmem_shared>>
      tpu.wait_indirect_dma semaphore(%arg15 : memref<!tpu.dma_semaphore, #tpu.memory_space<semaphore_mem>>) src(%arg11 : memref<64x64xf32, #tpu.memory_space<vmem>>) dst(%dma_wait3A_414 : memref<30128x64xf32, #tpu.memory_space<vmem_shared>>)
      %dma_start3A_415 = arith.constant 14 : i32
      %dma_start3A_416 = arith.constant 0 : i32
      %dma_start3A_417 = tpu.memref_slice %arg8[%dma_start3A_415, %dma_start3A_416] : memref<16x64xi32, #tpu.memory_space<vmem>> -> memref<1x64xi32, #tpu.memory_space<vmem>>
      %dma_start3A_418 = tpu.memref_squeeze %dma_start3A_417 : memref<1x64xi32, #tpu.memory_space<vmem>> -> memref<64xi32, #tpu.memory_space<vmem>>
      %dma_start3A_419 = arith.constant 0 : i32
      %dma_start3A_420 = arith.constant 0 : i32
      %dma_start3A_421 = tpu.memref_slice %arg2[%dma_start3A_419, %dma_start3A_420] : memref<30000x64xf32, #tpu.memory_space<hbm>> -> memref<30000x64xf32, #tpu.memory_space<hbm>>
      tpu.enqueue_indirect_dma source(%dma_start3A_421 : memref<30000x64xf32, #tpu.memory_space<hbm>>) target(%arg10 : memref<64x64xf32, #tpu.memory_space<vmem>>) offsets(%dma_start3A_418 : memref<64xi32, #tpu.memory_space<vmem>>) semaphore(%arg12 : memref<!tpu.dma_semaphore, #tpu.memory_space<semaphore_mem>>)
      %dma_start3A_422 = arith.constant 15 : i32
      %dma_start3A_423 = arith.constant 0 : i32
      %dma_start3A_424 = tpu.memref_slice %arg8[%dma_start3A_422, %dma_start3A_423] : memref<16x64xi32, #tpu.memory_space<vmem>> -> memref<1x64xi32, #tpu.memory_space<vmem>>
      %dma_start3A_425 = tpu.memref_squeeze %dma_start3A_424 : memref<1x64xi32, #tpu.memory_space<vmem>> -> memref<64xi32, #tpu.memory_space<vmem>>
      %dma_start3A_426 = arith.constant 0 : i32
      %dma_start3A_427 = arith.constant 0 : i32
      %dma_start3A_428 = tpu.memref_slice %arg2[%dma_start3A_426, %dma_start3A_427] : memref<30000x64xf32, #tpu.memory_space<hbm>> -> memref<30000x64xf32, #tpu.memory_space<hbm>>
      tpu.enqueue_indirect_dma source(%dma_start3A_428 : memref<30000x64xf32, #tpu.memory_space<hbm>>) target(%arg11 : memref<64x64xf32, #tpu.memory_space<vmem>>) offsets(%dma_start3A_425 : memref<64xi32, #tpu.memory_space<vmem>>) semaphore(%arg13 : memref<!tpu.dma_semaphore, #tpu.memory_space<semaphore_mem>>)
      %dma_wait3A_429 = arith.constant 14 : i32
      %dma_wait3A_430 = arith.constant 0 : i32
      %dma_wait3A_431 = tpu.memref_slice %arg8[%dma_wait3A_429, %dma_wait3A_430] : memref<16x64xi32, #tpu.memory_space<vmem>> -> memref<1x64xi32, #tpu.memory_space<vmem>>
      %dma_wait3A_432 = tpu.memref_squeeze %dma_wait3A_431 : memref<1x64xi32, #tpu.memory_space<vmem>> -> memref<64xi32, #tpu.memory_space<vmem>>
      %dma_wait3A_433 = arith.constant 0 : i32
      %dma_wait3A_434 = arith.constant 0 : i32
      %dma_wait3A_435 = tpu.memref_slice %arg2[%dma_wait3A_433, %dma_wait3A_434] : memref<30000x64xf32, #tpu.memory_space<hbm>> -> memref<30000x64xf32, #tpu.memory_space<hbm>>
      tpu.wait_indirect_dma semaphore(%arg12 : memref<!tpu.dma_semaphore, #tpu.memory_space<semaphore_mem>>) src(%dma_wait3A_435 : memref<30000x64xf32, #tpu.memory_space<hbm>>) dst(%arg10 : memref<64x64xf32, #tpu.memory_space<vmem>>)
      %dma_start3A_436 = arith.constant 14 : i32
      %dma_start3A_437 = arith.constant 0 : i32
      %dma_start3A_438 = tpu.memref_slice %arg9[%dma_start3A_436, %dma_start3A_437] : memref<16x64xi32, #tpu.memory_space<vmem>> -> memref<1x64xi32, #tpu.memory_space<vmem>>
      %dma_start3A_439 = tpu.memref_squeeze %dma_start3A_438 : memref<1x64xi32, #tpu.memory_space<vmem>> -> memref<64xi32, #tpu.memory_space<vmem>>
      %dma_start3A_440 = arith.constant 0 : i32
      %dma_start3A_441 = arith.constant 0 : i32
      %dma_start3A_442 = tpu.memref_slice %arg7[%dma_start3A_440, %dma_start3A_441] : memref<30128x64xf32, #tpu.memory_space<vmem_shared>> -> memref<30128x64xf32, #tpu.memory_space<vmem_shared>>
      tpu.enqueue_indirect_dma source(%arg10 : memref<64x64xf32, #tpu.memory_space<vmem>>) target(%dma_start3A_442 : memref<30128x64xf32, #tpu.memory_space<vmem_shared>>) offsets(%dma_start3A_439 : memref<64xi32, #tpu.memory_space<vmem>>) semaphore(%arg14 : memref<!tpu.dma_semaphore, #tpu.memory_space<semaphore_mem>>) {add = true}
      %dma_wait3A_443 = arith.constant 15 : i32
      %dma_wait3A_444 = arith.constant 0 : i32
      %dma_wait3A_445 = tpu.memref_slice %arg8[%dma_wait3A_443, %dma_wait3A_444] : memref<16x64xi32, #tpu.memory_space<vmem>> -> memref<1x64xi32, #tpu.memory_space<vmem>>
      %dma_wait3A_446 = tpu.memref_squeeze %dma_wait3A_445 : memref<1x64xi32, #tpu.memory_space<vmem>> -> memref<64xi32, #tpu.memory_space<vmem>>
      %dma_wait3A_447 = arith.constant 0 : i32
      %dma_wait3A_448 = arith.constant 0 : i32
      %dma_wait3A_449 = tpu.memref_slice %arg2[%dma_wait3A_447, %dma_wait3A_448] : memref<30000x64xf32, #tpu.memory_space<hbm>> -> memref<30000x64xf32, #tpu.memory_space<hbm>>
      tpu.wait_indirect_dma semaphore(%arg13 : memref<!tpu.dma_semaphore, #tpu.memory_space<semaphore_mem>>) src(%dma_wait3A_449 : memref<30000x64xf32, #tpu.memory_space<hbm>>) dst(%arg11 : memref<64x64xf32, #tpu.memory_space<vmem>>)
      %dma_start3A_450 = arith.constant 15 : i32
      %dma_start3A_451 = arith.constant 0 : i32
      %dma_start3A_452 = tpu.memref_slice %arg9[%dma_start3A_450, %dma_start3A_451] : memref<16x64xi32, #tpu.memory_space<vmem>> -> memref<1x64xi32, #tpu.memory_space<vmem>>
      %dma_start3A_453 = tpu.memref_squeeze %dma_start3A_452 : memref<1x64xi32, #tpu.memory_space<vmem>> -> memref<64xi32, #tpu.memory_space<vmem>>
      %dma_start3A_454 = arith.constant 0 : i32
      %dma_start3A_455 = arith.constant 0 : i32
      %dma_start3A_456 = tpu.memref_slice %arg7[%dma_start3A_454, %dma_start3A_455] : memref<30128x64xf32, #tpu.memory_space<vmem_shared>> -> memref<30128x64xf32, #tpu.memory_space<vmem_shared>>
      tpu.enqueue_indirect_dma source(%arg11 : memref<64x64xf32, #tpu.memory_space<vmem>>) target(%dma_start3A_456 : memref<30128x64xf32, #tpu.memory_space<vmem_shared>>) offsets(%dma_start3A_453 : memref<64xi32, #tpu.memory_space<vmem>>) semaphore(%arg15 : memref<!tpu.dma_semaphore, #tpu.memory_space<semaphore_mem>>) {add = true}
      %dma_wait3A_457 = arith.constant 14 : i32
      %dma_wait3A_458 = arith.constant 0 : i32
      %dma_wait3A_459 = tpu.memref_slice %arg9[%dma_wait3A_457, %dma_wait3A_458] : memref<16x64xi32, #tpu.memory_space<vmem>> -> memref<1x64xi32, #tpu.memory_space<vmem>>
      %dma_wait3A_460 = tpu.memref_squeeze %dma_wait3A_459 : memref<1x64xi32, #tpu.memory_space<vmem>> -> memref<64xi32, #tpu.memory_space<vmem>>
      %dma_wait3A_461 = arith.constant 0 : i32
      %dma_wait3A_462 = arith.constant 0 : i32
      %dma_wait3A_463 = tpu.memref_slice %arg7[%dma_wait3A_461, %dma_wait3A_462] : memref<30128x64xf32, #tpu.memory_space<vmem_shared>> -> memref<30128x64xf32, #tpu.memory_space<vmem_shared>>
      tpu.wait_indirect_dma semaphore(%arg14 : memref<!tpu.dma_semaphore, #tpu.memory_space<semaphore_mem>>) src(%arg10 : memref<64x64xf32, #tpu.memory_space<vmem>>) dst(%dma_wait3A_463 : memref<30128x64xf32, #tpu.memory_space<vmem_shared>>)
      %dma_wait3A_464 = arith.constant 15 : i32
      %dma_wait3A_465 = arith.constant 0 : i32
      %dma_wait3A_466 = tpu.memref_slice %arg9[%dma_wait3A_464, %dma_wait3A_465] : memref<16x64xi32, #tpu.memory_space<vmem>> -> memref<1x64xi32, #tpu.memory_space<vmem>>
      %dma_wait3A_467 = tpu.memref_squeeze %dma_wait3A_466 : memref<1x64xi32, #tpu.memory_space<vmem>> -> memref<64xi32, #tpu.memory_space<vmem>>
      %dma_wait3A_468 = arith.constant 0 : i32
      %dma_wait3A_469 = arith.constant 0 : i32
      %dma_wait3A_470 = tpu.memref_slice %arg7[%dma_wait3A_468, %dma_wait3A_469] : memref<30128x64xf32, #tpu.memory_space<vmem_shared>> -> memref<30128x64xf32, #tpu.memory_space<vmem_shared>>
      tpu.wait_indirect_dma semaphore(%arg15 : memref<!tpu.dma_semaphore, #tpu.memory_space<semaphore_mem>>) src(%arg11 : memref<64x64xf32, #tpu.memory_space<vmem>>) dst(%dma_wait3A_470 : memref<30128x64xf32, #tpu.memory_space<vmem_shared>>)
    }
    %scan3A_9 = arith.constant 10 : i32
    %barrier3A_10 = arith.constant 0 : index
    tpu.barrier barrier_id(%barrier3A_10)
    %scan3A_11 = arith.constant 0 : i32
    %scan3A_12 = arith.constant 10 : i32
    %scan3A_13 = arith.addi %scan3A_11, %scan3A_12 : i32
    %scan3A_14 = arith.constant 1 : i32
    scf.for %scan3A_16 = %scan3A_11 to %scan3A_13 step %scan3A_14  : i32 {
      %mul3A_17 = arith.constant 1 : i32
      %mul3A_18 = arith.muli %scan3A_16, %mul3A_17 : i32
      %add3A_19 = arith.constant 0 : i32
      %add3A_20 = arith.addi %add3A_19, %mul3A_18 : i32
      %mul3A_21 = arith.constant 16 : i32
      %mul3A_22 = arith.muli %add3A_20, %mul3A_21 : i32
      %add3A_23 = arith.addi %arg1, %mul3A_22 : i32
      %lt3A = arith.constant 150 : i32
      %lt3A_24 = arith.cmpi slt, %add3A_23, %lt3A : i32
      %convert_element_type3A = arith.extui %lt3A_24 : i1 to i32
      %cond3A = arith.constant 0 : i32
      %cond3A_25 = arith.cmpi ne, %convert_element_type3A, %cond3A : i32
      scf.if %cond3A_25 {
        %mul3A_26 = arith.constant 200 : i32
        %mul3A_27 = arith.muli %add3A_23, %mul3A_26 : i32
        %mul3A_28 = arith.constant 200 : i32
        %mul3A_29 = arith.muli %add3A_23, %mul3A_28 : i32
        "tpu.region"() ({
          %run_scoped3A = tpu.sem_alloc : memref<!tpu.dma_semaphore, #tpu.memory_space<semaphore_mem>>
          %dma_start3A = arith.constant 0 : i32
          %dma_start3A_30 = tpu.memref_slice %arg6[%arg0, %mul3A_29, %dma_start3A] : memref<2x30000x64xf32, #tpu.memory_space<hbm>> -> memref<1x200x64xf32, #tpu.memory_space<hbm>>
          %dma_start3A_31 = tpu.memref_squeeze %dma_start3A_30 : memref<1x200x64xf32, #tpu.memory_space<hbm>> -> memref<200x64xf32, #tpu.memory_space<hbm>>
          %dma_start3A_32 = arith.constant 0 : i32
          %dma_start3A_33 = tpu.memref_slice %arg7[%mul3A_27, %dma_start3A_32] : memref<30128x64xf32, #tpu.memory_space<vmem_shared>> -> memref<200x64xf32, #tpu.memory_space<vmem_shared>>
          tpu.enqueue_dma source(%dma_start3A_33 : memref<200x64xf32, #tpu.memory_space<vmem_shared>>) target(%dma_start3A_31 : memref<200x64xf32, #tpu.memory_space<hbm>>) target_semaphore(%run_scoped3A : memref<!tpu.dma_semaphore, #tpu.memory_space<semaphore_mem>>)
          %dma_wait3A = arith.constant 0 : i32
          %dma_wait3A_34 = tpu.memref_slice %arg6[%arg0, %mul3A_29, %dma_wait3A] : memref<2x30000x64xf32, #tpu.memory_space<hbm>> -> memref<1x200x64xf32, #tpu.memory_space<hbm>>
          %dma_wait3A_35 = tpu.memref_squeeze %dma_wait3A_34 : memref<1x200x64xf32, #tpu.memory_space<hbm>> -> memref<200x64xf32, #tpu.memory_space<hbm>>
          %dma_wait3A_36 = arith.constant 0 : i32
          %dma_wait3A_37 = tpu.memref_slice %arg7[%mul3A_27, %dma_wait3A_36] : memref<30128x64xf32, #tpu.memory_space<vmem_shared>> -> memref<200x64xf32, #tpu.memory_space<vmem_shared>>
          tpu.wait_dma2 semaphore(%run_scoped3A : memref<!tpu.dma_semaphore, #tpu.memory_space<semaphore_mem>>) src(%dma_wait3A_37 : memref<200x64xf32, #tpu.memory_space<vmem_shared>>) dst(%dma_wait3A_35 : memref<200x64xf32, #tpu.memory_space<hbm>>)
          tpu.yield
        }) : () -> ()
      } else {
      }
    }
    %scan3A_15 = arith.constant 10 : i32
    return
  }
}

#map = affine_map<(d0, d1) -> (0, 0)>
#map1 = affine_map<(d0, d1) -> (0, 0, 0)>
module attributes {stable_mosaic.version = 14 : i64} {
  func.func @k(%arg0: i32, %arg1: i32, %arg2: memref<200x16xf32, #tpu.memory_space<hbm>>, %arg3: memref<160x32x64xi32, #tpu.memory_space<hbm>>, %arg4: memref<2x30000x16xf32, #tpu.memory_space<hbm>>, %arg5: memref<30128x16xf32, #tpu.memory_space<vmem_shared>>, %arg6: memref<16x64xi32, #tpu.memory_space<vmem>>, %arg7: memref<64x16xf32, #tpu.memory_space<vmem>>) attributes {dimension_semantics = [#tpu.dimension_semantics<core_parallel>, #tpu.dimension_semantics<subcore_parallel>], iteration_bounds = array<i64: 2, 16>, scalar_prefetch = 0 : i64, scratch_operands = 3 : i64, tpu.core_type = #tpu.core_type<sc_vector_subcore>, window_params = [{transform_indices = #map}, {transform_indices = #map1}, {transform_indices = #map1}]} {
    %mul3A = arith.constant 2 : i32
    %mul3A_0 = arith.muli %arg1, %mul3A : i32
    %add3A = arith.addi %mul3A_0, %arg0 : i32
    %iota3A = tpu.iota {dimensions = array<i32: 0>} : vector<16xi32>
    %eq3A = arith.constant 0 : i32
    %eq3A_1 = vector.broadcast %eq3A : i32 to vector<16xi32>
    %eq3A_2 = arith.cmpi eq, %iota3A, %eq3A_1 : vector<16xi32>
    %jit3A = arith.constant 1.000000e+00 : f32
    %jit3A_3 = arith.constant 0.000000e+00 : f32
    %broadcast_in_dim3A = vector.broadcast %jit3A : f32 to vector<16xf32>
    %broadcast_in_dim3A_4 = vector.broadcast %jit3A_3 : f32 to vector<16xf32>
    %select_n3A = arith.select %eq3A_2, %broadcast_in_dim3A, %broadcast_in_dim3A_4 : vector<16xi1>, vector<16xf32>
    %scan3A = arith.constant 0 : i32
    %scan3A_5 = arith.constant 64 : i32
    %scan3A_6 = arith.addi %scan3A, %scan3A_5 : i32
    %scan3A_7 = arith.constant 1 : i32
    scf.for %scan3A_25 = %scan3A to %scan3A_6 step %scan3A_7  : i32 {
      %mul3A_26 = arith.constant 1 : i32
      %mul3A_27 = arith.muli %scan3A_25, %mul3A_26 : i32
      %add3A_28 = arith.constant 0 : i32
      %add3A_29 = arith.addi %add3A_28, %mul3A_27 : i32
      %swap3A = arith.index_cast %add3A_29 : i32 to index
      %swap3A_30 = arith.constant 0 : index
      %swap3A_31 = tpu.vector_load %arg7[%swap3A, %swap3A_30] {strides = array<i32>} : memref<64x16xf32, #tpu.memory_space<vmem>>, vector<1x16xf32>,
      %swap3A_32 = vector.shape_cast %swap3A_31 : vector<1x16xf32> to vector<16xf32>
      %swap3A_33 = vector.shape_cast %select_n3A : vector<16xf32> to vector<1x16xf32>
      tpu.vector_store %arg7[%swap3A, %swap3A_30], %swap3A_33 {strides = array<i32>} : memref<64x16xf32, #tpu.memory_space<vmem>>, vector<1x16xf32>,
    }
    %scan3A_8 = arith.constant 64 : i32
    %scan3A_9 = arith.constant 0 : i32
    %scan3A_10 = arith.constant 10 : i32
    %scan3A_11 = arith.addi %scan3A_9, %scan3A_10 : i32
    %scan3A_12 = arith.constant 1 : i32
    scf.for %scan3A_25 = %scan3A_9 to %scan3A_11 step %scan3A_12  : i32 {
      %mul3A_26 = arith.constant 1 : i32
      %mul3A_27 = arith.muli %scan3A_25, %mul3A_26 : i32
      %add3A_28 = arith.constant 0 : i32
      %add3A_29 = arith.addi %add3A_28, %mul3A_27 : i32
      %mul3A_30 = arith.constant 16 : i32
      %mul3A_31 = arith.muli %add3A_29, %mul3A_30 : i32
      %add3A_32 = arith.addi %arg1, %mul3A_31 : i32
      %lt3A = arith.constant 150 : i32
      %lt3A_33 = arith.cmpi slt, %add3A_32, %lt3A : i32
      %convert_element_type3A = arith.extui %lt3A_33 : i1 to i32
      %cond3A = arith.constant 0 : i32
      %cond3A_34 = arith.cmpi ne, %convert_element_type3A, %cond3A : i32
      scf.if %cond3A_34 {
        %mul3A_35 = arith.constant 200 : i32
        %mul3A_36 = arith.muli %add3A_32, %mul3A_35 : i32
        "tpu.region"() ({
          %run_scoped3A = tpu.sem_alloc : memref<!tpu.dma_semaphore, #tpu.memory_space<semaphore_mem>>
          %dma_start3A = arith.constant 0 : i32
          %dma_start3A_37 = tpu.memref_slice %arg5[%mul3A_36, %dma_start3A] : memref<30128x16xf32, #tpu.memory_space<vmem_shared>> -> memref<200x16xf32, #tpu.memory_space<vmem_shared>>
          tpu.enqueue_dma source(%arg2 : memref<200x16xf32, #tpu.memory_space<hbm>>) target(%dma_start3A_37 : memref<200x16xf32, #tpu.memory_space<vmem_shared>>) target_semaphore(%run_scoped3A : memref<!tpu.dma_semaphore, #tpu.memory_space<semaphore_mem>>)
          %dma_wait3A = arith.constant 0 : i32
          %dma_wait3A_38 = tpu.memref_slice %arg5[%mul3A_36, %dma_wait3A] : memref<30128x16xf32, #tpu.memory_space<vmem_shared>> -> memref<200x16xf32, #tpu.memory_space<vmem_shared>>
          tpu.wait_dma2 semaphore(%run_scoped3A : memref<!tpu.dma_semaphore, #tpu.memory_space<semaphore_mem>>) src(%arg2 : memref<200x16xf32, #tpu.memory_space<hbm>>) dst(%dma_wait3A_38 : memref<200x16xf32, #tpu.memory_space<vmem_shared>>)
          tpu.yield
        }) : () -> ()
      } else {
      }
    }
    %scan3A_13 = arith.constant 10 : i32
    %barrier3A = arith.constant 0 : index
    tpu.barrier barrier_id(%barrier3A)
    %scan3A_14 = arith.constant 0 : i32
    %scan3A_15 = arith.constant 10 : i32
    %scan3A_16 = arith.addi %scan3A_14, %scan3A_15 : i32
    %scan3A_17 = arith.constant 1 : i32
    scf.for %scan3A_25 = %scan3A_14 to %scan3A_16 step %scan3A_17  : i32 {
      %mul3A_26 = arith.constant 1 : i32
      %mul3A_27 = arith.muli %scan3A_25, %mul3A_26 : i32
      %add3A_28 = arith.constant 0 : i32
      %add3A_29 = arith.addi %add3A_28, %mul3A_27 : i32
      %mul3A_30 = arith.constant 16 : i32
      %mul3A_31 = arith.muli %add3A_29, %mul3A_30 : i32
      "tpu.region"() ({
        %run_scoped3A_47 = tpu.sem_alloc : memref<!tpu.dma_semaphore, #tpu.memory_space<semaphore_mem>>
        %dma_start3A = arith.constant 0 : i32
        %dma_start3A_48 = tpu.memref_slice %arg3[%mul3A_31, %add3A, %dma_start3A] : memref<160x32x64xi32, #tpu.memory_space<hbm>> -> memref<16x1x64xi32, #tpu.memory_space<hbm>>
        %dma_start3A_49 = tpu.memref_squeeze %dma_start3A_48 : memref<16x1x64xi32, #tpu.memory_space<hbm>> -> memref<16x64xi32, #tpu.memory_space<hbm>>
        %dma_start3A_50 = arith.constant 0 : i32
        %dma_start3A_51 = tpu.memref_slice %arg3[%mul3A_31, %add3A, %dma_start3A_50] : memref<160x32x64xi32, #tpu.memory_space<hbm>> -> memref<16x1x64xi32, #tpu.memory_space<hbm>>
        %dma_start3A_52 = tpu.memref_squeeze %dma_start3A_51 : memref<16x1x64xi32, #tpu.memory_space<hbm>> -> memref<16x64xi32, #tpu.memory_space<hbm>>
        tpu.enqueue_dma source(%dma_start3A_52 : memref<16x64xi32, #tpu.memory_space<hbm>>) target(%arg6 : memref<16x64xi32, #tpu.memory_space<vmem>>) target_semaphore(%run_scoped3A_47 : memref<!tpu.dma_semaphore, #tpu.memory_space<semaphore_mem>>)
        %dma_wait3A = arith.constant 0 : i32
        %dma_wait3A_53 = tpu.memref_slice %arg3[%mul3A_31, %add3A, %dma_wait3A] : memref<160x32x64xi32, #tpu.memory_space<hbm>> -> memref<16x1x64xi32, #tpu.memory_space<hbm>>
        %dma_wait3A_54 = tpu.memref_squeeze %dma_wait3A_53 : memref<16x1x64xi32, #tpu.memory_space<hbm>> -> memref<16x64xi32, #tpu.memory_space<hbm>>
        %dma_wait3A_55 = arith.constant 0 : i32
        %dma_wait3A_56 = tpu.memref_slice %arg3[%mul3A_31, %add3A, %dma_wait3A_55] : memref<160x32x64xi32, #tpu.memory_space<hbm>> -> memref<16x1x64xi32, #tpu.memory_space<hbm>>
        %dma_wait3A_57 = tpu.memref_squeeze %dma_wait3A_56 : memref<16x1x64xi32, #tpu.memory_space<hbm>> -> memref<16x64xi32, #tpu.memory_space<hbm>>
        tpu.wait_dma2 semaphore(%run_scoped3A_47 : memref<!tpu.dma_semaphore, #tpu.memory_space<semaphore_mem>>) src(%dma_wait3A_57 : memref<16x64xi32, #tpu.memory_space<hbm>>) dst(%arg6 : memref<16x64xi32, #tpu.memory_space<vmem>>)
        tpu.yield
      }) : () -> ()
      %run_scoped3A = arith.constant 0 : i32
      "tpu.region"() ({
        %run_scoped3A_47 = tpu.sem_alloc : memref<!tpu.dma_semaphore, #tpu.memory_space<semaphore_mem>>
        %dma_start3A = arith.constant 0 : i32
        %dma_start3A_48 = tpu.memref_slice %arg6[%run_scoped3A, %dma_start3A] : memref<16x64xi32, #tpu.memory_space<vmem>> -> memref<1x64xi32, #tpu.memory_space<vmem>>
        %dma_start3A_49 = tpu.memref_squeeze %dma_start3A_48 : memref<1x64xi32, #tpu.memory_space<vmem>> -> memref<64xi32, #tpu.memory_space<vmem>>
        %dma_start3A_50 = arith.constant 0 : i32
        %dma_start3A_51 = arith.constant 0 : i32
        %dma_start3A_52 = tpu.memref_slice %arg5[%dma_start3A_50, %dma_start3A_51] : memref<30128x16xf32, #tpu.memory_space<vmem_shared>> -> memref<30128x16xf32, #tpu.memory_space<vmem_shared>>
        tpu.enqueue_indirect_dma source(%arg7 : memref<64x16xf32, #tpu.memory_space<vmem>>) target(%dma_start3A_52 : memref<30128x16xf32, #tpu.memory_space<vmem_shared>>) offsets(%dma_start3A_49 : memref<64xi32, #tpu.memory_space<vmem>>) semaphore(%run_scoped3A_47 : memref<!tpu.dma_semaphore, #tpu.memory_space<semaphore_mem>>) {add = true}
        %dma_wait3A = arith.constant 0 : i32
        %dma_wait3A_53 = tpu.memref_slice %arg6[%run_scoped3A, %dma_wait3A] : memref<16x64xi32, #tpu.memory_space<vmem>> -> memref<1x64xi32, #tpu.memory_space<vmem>>
        %dma_wait3A_54 = tpu.memref_squeeze %dma_wait3A_53 : memref<1x64xi32, #tpu.memory_space<vmem>> -> memref<64xi32, #tpu.memory_space<vmem>>
        %dma_wait3A_55 = arith.constant 0 : i32
        %dma_wait3A_56 = arith.constant 0 : i32
        %dma_wait3A_57 = tpu.memref_slice %arg5[%dma_wait3A_55, %dma_wait3A_56] : memref<30128x16xf32, #tpu.memory_space<vmem_shared>> -> memref<30128x16xf32, #tpu.memory_space<vmem_shared>>
        tpu.wait_indirect_dma semaphore(%run_scoped3A_47 : memref<!tpu.dma_semaphore, #tpu.memory_space<semaphore_mem>>) src(%arg7 : memref<64x16xf32, #tpu.memory_space<vmem>>) dst(%dma_wait3A_57 : memref<30128x16xf32, #tpu.memory_space<vmem_shared>>)
        tpu.yield
      }) : () -> ()
      %run_scoped3A_32 = arith.constant 1 : i32
      "tpu.region"() ({
        %run_scoped3A_47 = tpu.sem_alloc : memref<!tpu.dma_semaphore, #tpu.memory_space<semaphore_mem>>
        %dma_start3A = arith.constant 0 : i32
        %dma_start3A_48 = tpu.memref_slice %arg6[%run_scoped3A_32, %dma_start3A] : memref<16x64xi32, #tpu.memory_space<vmem>> -> memref<1x64xi32, #tpu.memory_space<vmem>>
        %dma_start3A_49 = tpu.memref_squeeze %dma_start3A_48 : memref<1x64xi32, #tpu.memory_space<vmem>> -> memref<64xi32, #tpu.memory_space<vmem>>
        %dma_start3A_50 = arith.constant 0 : i32
        %dma_start3A_51 = arith.constant 0 : i32
        %dma_start3A_52 = tpu.memref_slice %arg5[%dma_start3A_50, %dma_start3A_51] : memref<30128x16xf32, #tpu.memory_space<vmem_shared>> -> memref<30128x16xf32, #tpu.memory_space<vmem_shared>>
        tpu.enqueue_indirect_dma source(%arg7 : memref<64x16xf32, #tpu.memory_space<vmem>>) target(%dma_start3A_52 : memref<30128x16xf32, #tpu.memory_space<vmem_shared>>) offsets(%dma_start3A_49 : memref<64xi32, #tpu.memory_space<vmem>>) semaphore(%run_scoped3A_47 : memref<!tpu.dma_semaphore, #tpu.memory_space<semaphore_mem>>) {add = true}
        %dma_wait3A = arith.constant 0 : i32
        %dma_wait3A_53 = tpu.memref_slice %arg6[%run_scoped3A_32, %dma_wait3A] : memref<16x64xi32, #tpu.memory_space<vmem>> -> memref<1x64xi32, #tpu.memory_space<vmem>>
        %dma_wait3A_54 = tpu.memref_squeeze %dma_wait3A_53 : memref<1x64xi32, #tpu.memory_space<vmem>> -> memref<64xi32, #tpu.memory_space<vmem>>
        %dma_wait3A_55 = arith.constant 0 : i32
        %dma_wait3A_56 = arith.constant 0 : i32
        %dma_wait3A_57 = tpu.memref_slice %arg5[%dma_wait3A_55, %dma_wait3A_56] : memref<30128x16xf32, #tpu.memory_space<vmem_shared>> -> memref<30128x16xf32, #tpu.memory_space<vmem_shared>>
        tpu.wait_indirect_dma semaphore(%run_scoped3A_47 : memref<!tpu.dma_semaphore, #tpu.memory_space<semaphore_mem>>) src(%arg7 : memref<64x16xf32, #tpu.memory_space<vmem>>) dst(%dma_wait3A_57 : memref<30128x16xf32, #tpu.memory_space<vmem_shared>>)
        tpu.yield
      }) : () -> ()
      %run_scoped3A_33 = arith.constant 2 : i32
      "tpu.region"() ({
        %run_scoped3A_47 = tpu.sem_alloc : memref<!tpu.dma_semaphore, #tpu.memory_space<semaphore_mem>>
        %dma_start3A = arith.constant 0 : i32
        %dma_start3A_48 = tpu.memref_slice %arg6[%run_scoped3A_33, %dma_start3A] : memref<16x64xi32, #tpu.memory_space<vmem>> -> memref<1x64xi32, #tpu.memory_space<vmem>>
        %dma_start3A_49 = tpu.memref_squeeze %dma_start3A_48 : memref<1x64xi32, #tpu.memory_space<vmem>> -> memref<64xi32, #tpu.memory_space<vmem>>
        %dma_start3A_50 = arith.constant 0 : i32
        %dma_start3A_51 = arith.constant 0 : i32
        %dma_start3A_52 = tpu.memref_slice %arg5[%dma_start3A_50, %dma_start3A_51] : memref<30128x16xf32, #tpu.memory_space<vmem_shared>> -> memref<30128x16xf32, #tpu.memory_space<vmem_shared>>
        tpu.enqueue_indirect_dma source(%arg7 : memref<64x16xf32, #tpu.memory_space<vmem>>) target(%dma_start3A_52 : memref<30128x16xf32, #tpu.memory_space<vmem_shared>>) offsets(%dma_start3A_49 : memref<64xi32, #tpu.memory_space<vmem>>) semaphore(%run_scoped3A_47 : memref<!tpu.dma_semaphore, #tpu.memory_space<semaphore_mem>>) {add = true}
        %dma_wait3A = arith.constant 0 : i32
        %dma_wait3A_53 = tpu.memref_slice %arg6[%run_scoped3A_33, %dma_wait3A] : memref<16x64xi32, #tpu.memory_space<vmem>> -> memref<1x64xi32, #tpu.memory_space<vmem>>
        %dma_wait3A_54 = tpu.memref_squeeze %dma_wait3A_53 : memref<1x64xi32, #tpu.memory_space<vmem>> -> memref<64xi32, #tpu.memory_space<vmem>>
        %dma_wait3A_55 = arith.constant 0 : i32
        %dma_wait3A_56 = arith.constant 0 : i32
        %dma_wait3A_57 = tpu.memref_slice %arg5[%dma_wait3A_55, %dma_wait3A_56] : memref<30128x16xf32, #tpu.memory_space<vmem_shared>> -> memref<30128x16xf32, #tpu.memory_space<vmem_shared>>
        tpu.wait_indirect_dma semaphore(%run_scoped3A_47 : memref<!tpu.dma_semaphore, #tpu.memory_space<semaphore_mem>>) src(%arg7 : memref<64x16xf32, #tpu.memory_space<vmem>>) dst(%dma_wait3A_57 : memref<30128x16xf32, #tpu.memory_space<vmem_shared>>)
        tpu.yield
      }) : () -> ()
      %run_scoped3A_34 = arith.constant 3 : i32
      "tpu.region"() ({
        %run_scoped3A_47 = tpu.sem_alloc : memref<!tpu.dma_semaphore, #tpu.memory_space<semaphore_mem>>
        %dma_start3A = arith.constant 0 : i32
        %dma_start3A_48 = tpu.memref_slice %arg6[%run_scoped3A_34, %dma_start3A] : memref<16x64xi32, #tpu.memory_space<vmem>> -> memref<1x64xi32, #tpu.memory_space<vmem>>
        %dma_start3A_49 = tpu.memref_squeeze %dma_start3A_48 : memref<1x64xi32, #tpu.memory_space<vmem>> -> memref<64xi32, #tpu.memory_space<vmem>>
        %dma_start3A_50 = arith.constant 0 : i32
        %dma_start3A_51 = arith.constant 0 : i32
        %dma_start3A_52 = tpu.memref_slice %arg5[%dma_start3A_50, %dma_start3A_51] : memref<30128x16xf32, #tpu.memory_space<vmem_shared>> -> memref<30128x16xf32, #tpu.memory_space<vmem_shared>>
        tpu.enqueue_indirect_dma source(%arg7 : memref<64x16xf32, #tpu.memory_space<vmem>>) target(%dma_start3A_52 : memref<30128x16xf32, #tpu.memory_space<vmem_shared>>) offsets(%dma_start3A_49 : memref<64xi32, #tpu.memory_space<vmem>>) semaphore(%run_scoped3A_47 : memref<!tpu.dma_semaphore, #tpu.memory_space<semaphore_mem>>) {add = true}
        %dma_wait3A = arith.constant 0 : i32
        %dma_wait3A_53 = tpu.memref_slice %arg6[%run_scoped3A_34, %dma_wait3A] : memref<16x64xi32, #tpu.memory_space<vmem>> -> memref<1x64xi32, #tpu.memory_space<vmem>>
        %dma_wait3A_54 = tpu.memref_squeeze %dma_wait3A_53 : memref<1x64xi32, #tpu.memory_space<vmem>> -> memref<64xi32, #tpu.memory_space<vmem>>
        %dma_wait3A_55 = arith.constant 0 : i32
        %dma_wait3A_56 = arith.constant 0 : i32
        %dma_wait3A_57 = tpu.memref_slice %arg5[%dma_wait3A_55, %dma_wait3A_56] : memref<30128x16xf32, #tpu.memory_space<vmem_shared>> -> memref<30128x16xf32, #tpu.memory_space<vmem_shared>>
        tpu.wait_indirect_dma semaphore(%run_scoped3A_47 : memref<!tpu.dma_semaphore, #tpu.memory_space<semaphore_mem>>) src(%arg7 : memref<64x16xf32, #tpu.memory_space<vmem>>) dst(%dma_wait3A_57 : memref<30128x16xf32, #tpu.memory_space<vmem_shared>>)
        tpu.yield
      }) : () -> ()
      %run_scoped3A_35 = arith.constant 4 : i32
      "tpu.region"() ({
        %run_scoped3A_47 = tpu.sem_alloc : memref<!tpu.dma_semaphore, #tpu.memory_space<semaphore_mem>>
        %dma_start3A = arith.constant 0 : i32
        %dma_start3A_48 = tpu.memref_slice %arg6[%run_scoped3A_35, %dma_start3A] : memref<16x64xi32, #tpu.memory_space<vmem>> -> memref<1x64xi32, #tpu.memory_space<vmem>>
        %dma_start3A_49 = tpu.memref_squeeze %dma_start3A_48 : memref<1x64xi32, #tpu.memory_space<vmem>> -> memref<64xi32, #tpu.memory_space<vmem>>
        %dma_start3A_50 = arith.constant 0 : i32
        %dma_start3A_51 = arith.constant 0 : i32
        %dma_start3A_52 = tpu.memref_slice %arg5[%dma_start3A_50, %dma_start3A_51] : memref<30128x16xf32, #tpu.memory_space<vmem_shared>> -> memref<30128x16xf32, #tpu.memory_space<vmem_shared>>
        tpu.enqueue_indirect_dma source(%arg7 : memref<64x16xf32, #tpu.memory_space<vmem>>) target(%dma_start3A_52 : memref<30128x16xf32, #tpu.memory_space<vmem_shared>>) offsets(%dma_start3A_49 : memref<64xi32, #tpu.memory_space<vmem>>) semaphore(%run_scoped3A_47 : memref<!tpu.dma_semaphore, #tpu.memory_space<semaphore_mem>>) {add = true}
        %dma_wait3A = arith.constant 0 : i32
        %dma_wait3A_53 = tpu.memref_slice %arg6[%run_scoped3A_35, %dma_wait3A] : memref<16x64xi32, #tpu.memory_space<vmem>> -> memref<1x64xi32, #tpu.memory_space<vmem>>
        %dma_wait3A_54 = tpu.memref_squeeze %dma_wait3A_53 : memref<1x64xi32, #tpu.memory_space<vmem>> -> memref<64xi32, #tpu.memory_space<vmem>>
        %dma_wait3A_55 = arith.constant 0 : i32
        %dma_wait3A_56 = arith.constant 0 : i32
        %dma_wait3A_57 = tpu.memref_slice %arg5[%dma_wait3A_55, %dma_wait3A_56] : memref<30128x16xf32, #tpu.memory_space<vmem_shared>> -> memref<30128x16xf32, #tpu.memory_space<vmem_shared>>
        tpu.wait_indirect_dma semaphore(%run_scoped3A_47 : memref<!tpu.dma_semaphore, #tpu.memory_space<semaphore_mem>>) src(%arg7 : memref<64x16xf32, #tpu.memory_space<vmem>>) dst(%dma_wait3A_57 : memref<30128x16xf32, #tpu.memory_space<vmem_shared>>)
        tpu.yield
      }) : () -> ()
      %run_scoped3A_36 = arith.constant 5 : i32
      "tpu.region"() ({
        %run_scoped3A_47 = tpu.sem_alloc : memref<!tpu.dma_semaphore, #tpu.memory_space<semaphore_mem>>
        %dma_start3A = arith.constant 0 : i32
        %dma_start3A_48 = tpu.memref_slice %arg6[%run_scoped3A_36, %dma_start3A] : memref<16x64xi32, #tpu.memory_space<vmem>> -> memref<1x64xi32, #tpu.memory_space<vmem>>
        %dma_start3A_49 = tpu.memref_squeeze %dma_start3A_48 : memref<1x64xi32, #tpu.memory_space<vmem>> -> memref<64xi32, #tpu.memory_space<vmem>>
        %dma_start3A_50 = arith.constant 0 : i32
        %dma_start3A_51 = arith.constant 0 : i32
        %dma_start3A_52 = tpu.memref_slice %arg5[%dma_start3A_50, %dma_start3A_51] : memref<30128x16xf32, #tpu.memory_space<vmem_shared>> -> memref<30128x16xf32, #tpu.memory_space<vmem_shared>>
        tpu.enqueue_indirect_dma source(%arg7 : memref<64x16xf32, #tpu.memory_space<vmem>>) target(%dma_start3A_52 : memref<30128x16xf32, #tpu.memory_space<vmem_shared>>) offsets(%dma_start3A_49 : memref<64xi32, #tpu.memory_space<vmem>>) semaphore(%run_scoped3A_47 : memref<!tpu.dma_semaphore, #tpu.memory_space<semaphore_mem>>) {add = true}
        %dma_wait3A = arith.constant 0 : i32
        %dma_wait3A_53 = tpu.memref_slice %arg6[%run_scoped3A_36, %dma_wait3A] : memref<16x64xi32, #tpu.memory_space<vmem>> -> memref<1x64xi32, #tpu.memory_space<vmem>>
        %dma_wait3A_54 = tpu.memref_squeeze %dma_wait3A_53 : memref<1x64xi32, #tpu.memory_space<vmem>> -> memref<64xi32, #tpu.memory_space<vmem>>
        %dma_wait3A_55 = arith.constant 0 : i32
        %dma_wait3A_56 = arith.constant 0 : i32
        %dma_wait3A_57 = tpu.memref_slice %arg5[%dma_wait3A_55, %dma_wait3A_56] : memref<30128x16xf32, #tpu.memory_space<vmem_shared>> -> memref<30128x16xf32, #tpu.memory_space<vmem_shared>>
        tpu.wait_indirect_dma semaphore(%run_scoped3A_47 : memref<!tpu.dma_semaphore, #tpu.memory_space<semaphore_mem>>) src(%arg7 : memref<64x16xf32, #tpu.memory_space<vmem>>) dst(%dma_wait3A_57 : memref<30128x16xf32, #tpu.memory_space<vmem_shared>>)
        tpu.yield
      }) : () -> ()
      %run_scoped3A_37 = arith.constant 6 : i32
      "tpu.region"() ({
        %run_scoped3A_47 = tpu.sem_alloc : memref<!tpu.dma_semaphore, #tpu.memory_space<semaphore_mem>>
        %dma_start3A = arith.constant 0 : i32
        %dma_start3A_48 = tpu.memref_slice %arg6[%run_scoped3A_37, %dma_start3A] : memref<16x64xi32, #tpu.memory_space<vmem>> -> memref<1x64xi32, #tpu.memory_space<vmem>>
        %dma_start3A_49 = tpu.memref_squeeze %dma_start3A_48 : memref<1x64xi32, #tpu.memory_space<vmem>> -> memref<64xi32, #tpu.memory_space<vmem>>
        %dma_start3A_50 = arith.constant 0 : i32
        %dma_start3A_51 = arith.constant 0 : i32
        %dma_start3A_52 = tpu.memref_slice %arg5[%dma_start3A_50, %dma_start3A_51] : memref<30128x16xf32, #tpu.memory_space<vmem_shared>> -> memref<30128x16xf32, #tpu.memory_space<vmem_shared>>
        tpu.enqueue_indirect_dma source(%arg7 : memref<64x16xf32, #tpu.memory_space<vmem>>) target(%dma_start3A_52 : memref<30128x16xf32, #tpu.memory_space<vmem_shared>>) offsets(%dma_start3A_49 : memref<64xi32, #tpu.memory_space<vmem>>) semaphore(%run_scoped3A_47 : memref<!tpu.dma_semaphore, #tpu.memory_space<semaphore_mem>>) {add = true}
        %dma_wait3A = arith.constant 0 : i32
        %dma_wait3A_53 = tpu.memref_slice %arg6[%run_scoped3A_37, %dma_wait3A] : memref<16x64xi32, #tpu.memory_space<vmem>> -> memref<1x64xi32, #tpu.memory_space<vmem>>
        %dma_wait3A_54 = tpu.memref_squeeze %dma_wait3A_53 : memref<1x64xi32, #tpu.memory_space<vmem>> -> memref<64xi32, #tpu.memory_space<vmem>>
        %dma_wait3A_55 = arith.constant 0 : i32
        %dma_wait3A_56 = arith.constant 0 : i32
        %dma_wait3A_57 = tpu.memref_slice %arg5[%dma_wait3A_55, %dma_wait3A_56] : memref<30128x16xf32, #tpu.memory_space<vmem_shared>> -> memref<30128x16xf32, #tpu.memory_space<vmem_shared>>
        tpu.wait_indirect_dma semaphore(%run_scoped3A_47 : memref<!tpu.dma_semaphore, #tpu.memory_space<semaphore_mem>>) src(%arg7 : memref<64x16xf32, #tpu.memory_space<vmem>>) dst(%dma_wait3A_57 : memref<30128x16xf32, #tpu.memory_space<vmem_shared>>)
        tpu.yield
      }) : () -> ()
      %run_scoped3A_38 = arith.constant 7 : i32
      "tpu.region"() ({
        %run_scoped3A_47 = tpu.sem_alloc : memref<!tpu.dma_semaphore, #tpu.memory_space<semaphore_mem>>
        %dma_start3A = arith.constant 0 : i32
        %dma_start3A_48 = tpu.memref_slice %arg6[%run_scoped3A_38, %dma_start3A] : memref<16x64xi32, #tpu.memory_space<vmem>> -> memref<1x64xi32, #tpu.memory_space<vmem>>
        %dma_start3A_49 = tpu.memref_squeeze %dma_start3A_48 : memref<1x64xi32, #tpu.memory_space<vmem>> -> memref<64xi32, #tpu.memory_space<vmem>>
        %dma_start3A_50 = arith.constant 0 : i32
        %dma_start3A_51 = arith.constant 0 : i32
        %dma_start3A_52 = tpu.memref_slice %arg5[%dma_start3A_50, %dma_start3A_51] : memref<30128x16xf32, #tpu.memory_space<vmem_shared>> -> memref<30128x16xf32, #tpu.memory_space<vmem_shared>>
        tpu.enqueue_indirect_dma source(%arg7 : memref<64x16xf32, #tpu.memory_space<vmem>>) target(%dma_start3A_52 : memref<30128x16xf32, #tpu.memory_space<vmem_shared>>) offsets(%dma_start3A_49 : memref<64xi32, #tpu.memory_space<vmem>>) semaphore(%run_scoped3A_47 : memref<!tpu.dma_semaphore, #tpu.memory_space<semaphore_mem>>) {add = true}
        %dma_wait3A = arith.constant 0 : i32
        %dma_wait3A_53 = tpu.memref_slice %arg6[%run_scoped3A_38, %dma_wait3A] : memref<16x64xi32, #tpu.memory_space<vmem>> -> memref<1x64xi32, #tpu.memory_space<vmem>>
        %dma_wait3A_54 = tpu.memref_squeeze %dma_wait3A_53 : memref<1x64xi32, #tpu.memory_space<vmem>> -> memref<64xi32, #tpu.memory_space<vmem>>
        %dma_wait3A_55 = arith.constant 0 : i32
        %dma_wait3A_56 = arith.constant 0 : i32
        %dma_wait3A_57 = tpu.memref_slice %arg5[%dma_wait3A_55, %dma_wait3A_56] : memref<30128x16xf32, #tpu.memory_space<vmem_shared>> -> memref<30128x16xf32, #tpu.memory_space<vmem_shared>>
        tpu.wait_indirect_dma semaphore(%run_scoped3A_47 : memref<!tpu.dma_semaphore, #tpu.memory_space<semaphore_mem>>) src(%arg7 : memref<64x16xf32, #tpu.memory_space<vmem>>) dst(%dma_wait3A_57 : memref<30128x16xf32, #tpu.memory_space<vmem_shared>>)
        tpu.yield
      }) : () -> ()
      %run_scoped3A_39 = arith.constant 8 : i32
      "tpu.region"() ({
        %run_scoped3A_47 = tpu.sem_alloc : memref<!tpu.dma_semaphore, #tpu.memory_space<semaphore_mem>>
        %dma_start3A = arith.constant 0 : i32
        %dma_start3A_48 = tpu.memref_slice %arg6[%run_scoped3A_39, %dma_start3A] : memref<16x64xi32, #tpu.memory_space<vmem>> -> memref<1x64xi32, #tpu.memory_space<vmem>>
        %dma_start3A_49 = tpu.memref_squeeze %dma_start3A_48 : memref<1x64xi32, #tpu.memory_space<vmem>> -> memref<64xi32, #tpu.memory_space<vmem>>
        %dma_start3A_50 = arith.constant 0 : i32
        %dma_start3A_51 = arith.constant 0 : i32
        %dma_start3A_52 = tpu.memref_slice %arg5[%dma_start3A_50, %dma_start3A_51] : memref<30128x16xf32, #tpu.memory_space<vmem_shared>> -> memref<30128x16xf32, #tpu.memory_space<vmem_shared>>
        tpu.enqueue_indirect_dma source(%arg7 : memref<64x16xf32, #tpu.memory_space<vmem>>) target(%dma_start3A_52 : memref<30128x16xf32, #tpu.memory_space<vmem_shared>>) offsets(%dma_start3A_49 : memref<64xi32, #tpu.memory_space<vmem>>) semaphore(%run_scoped3A_47 : memref<!tpu.dma_semaphore, #tpu.memory_space<semaphore_mem>>) {add = true}
        %dma_wait3A = arith.constant 0 : i32
        %dma_wait3A_53 = tpu.memref_slice %arg6[%run_scoped3A_39, %dma_wait3A] : memref<16x64xi32, #tpu.memory_space<vmem>> -> memref<1x64xi32, #tpu.memory_space<vmem>>
        %dma_wait3A_54 = tpu.memref_squeeze %dma_wait3A_53 : memref<1x64xi32, #tpu.memory_space<vmem>> -> memref<64xi32, #tpu.memory_space<vmem>>
        %dma_wait3A_55 = arith.constant 0 : i32
        %dma_wait3A_56 = arith.constant 0 : i32
        %dma_wait3A_57 = tpu.memref_slice %arg5[%dma_wait3A_55, %dma_wait3A_56] : memref<30128x16xf32, #tpu.memory_space<vmem_shared>> -> memref<30128x16xf32, #tpu.memory_space<vmem_shared>>
        tpu.wait_indirect_dma semaphore(%run_scoped3A_47 : memref<!tpu.dma_semaphore, #tpu.memory_space<semaphore_mem>>) src(%arg7 : memref<64x16xf32, #tpu.memory_space<vmem>>) dst(%dma_wait3A_57 : memref<30128x16xf32, #tpu.memory_space<vmem_shared>>)
        tpu.yield
      }) : () -> ()
      %run_scoped3A_40 = arith.constant 9 : i32
      "tpu.region"() ({
        %run_scoped3A_47 = tpu.sem_alloc : memref<!tpu.dma_semaphore, #tpu.memory_space<semaphore_mem>>
        %dma_start3A = arith.constant 0 : i32
        %dma_start3A_48 = tpu.memref_slice %arg6[%run_scoped3A_40, %dma_start3A] : memref<16x64xi32, #tpu.memory_space<vmem>> -> memref<1x64xi32, #tpu.memory_space<vmem>>
        %dma_start3A_49 = tpu.memref_squeeze %dma_start3A_48 : memref<1x64xi32, #tpu.memory_space<vmem>> -> memref<64xi32, #tpu.memory_space<vmem>>
        %dma_start3A_50 = arith.constant 0 : i32
        %dma_start3A_51 = arith.constant 0 : i32
        %dma_start3A_52 = tpu.memref_slice %arg5[%dma_start3A_50, %dma_start3A_51] : memref<30128x16xf32, #tpu.memory_space<vmem_shared>> -> memref<30128x16xf32, #tpu.memory_space<vmem_shared>>
        tpu.enqueue_indirect_dma source(%arg7 : memref<64x16xf32, #tpu.memory_space<vmem>>) target(%dma_start3A_52 : memref<30128x16xf32, #tpu.memory_space<vmem_shared>>) offsets(%dma_start3A_49 : memref<64xi32, #tpu.memory_space<vmem>>) semaphore(%run_scoped3A_47 : memref<!tpu.dma_semaphore, #tpu.memory_space<semaphore_mem>>) {add = true}
        %dma_wait3A = arith.constant 0 : i32
        %dma_wait3A_53 = tpu.memref_slice %arg6[%run_scoped3A_40, %dma_wait3A] : memref<16x64xi32, #tpu.memory_space<vmem>> -> memref<1x64xi32, #tpu.memory_space<vmem>>
        %dma_wait3A_54 = tpu.memref_squeeze %dma_wait3A_53 : memref<1x64xi32, #tpu.memory_space<vmem>> -> memref<64xi32, #tpu.memory_space<vmem>>
        %dma_wait3A_55 = arith.constant 0 : i32
        %dma_wait3A_56 = arith.constant 0 : i32
        %dma_wait3A_57 = tpu.memref_slice %arg5[%dma_wait3A_55, %dma_wait3A_56] : memref<30128x16xf32, #tpu.memory_space<vmem_shared>> -> memref<30128x16xf32, #tpu.memory_space<vmem_shared>>
        tpu.wait_indirect_dma semaphore(%run_scoped3A_47 : memref<!tpu.dma_semaphore, #tpu.memory_space<semaphore_mem>>) src(%arg7 : memref<64x16xf32, #tpu.memory_space<vmem>>) dst(%dma_wait3A_57 : memref<30128x16xf32, #tpu.memory_space<vmem_shared>>)
        tpu.yield
      }) : () -> ()
      %run_scoped3A_41 = arith.constant 10 : i32
      "tpu.region"() ({
        %run_scoped3A_47 = tpu.sem_alloc : memref<!tpu.dma_semaphore, #tpu.memory_space<semaphore_mem>>
        %dma_start3A = arith.constant 0 : i32
        %dma_start3A_48 = tpu.memref_slice %arg6[%run_scoped3A_41, %dma_start3A] : memref<16x64xi32, #tpu.memory_space<vmem>> -> memref<1x64xi32, #tpu.memory_space<vmem>>
        %dma_start3A_49 = tpu.memref_squeeze %dma_start3A_48 : memref<1x64xi32, #tpu.memory_space<vmem>> -> memref<64xi32, #tpu.memory_space<vmem>>
        %dma_start3A_50 = arith.constant 0 : i32
        %dma_start3A_51 = arith.constant 0 : i32
        %dma_start3A_52 = tpu.memref_slice %arg5[%dma_start3A_50, %dma_start3A_51] : memref<30128x16xf32, #tpu.memory_space<vmem_shared>> -> memref<30128x16xf32, #tpu.memory_space<vmem_shared>>
        tpu.enqueue_indirect_dma source(%arg7 : memref<64x16xf32, #tpu.memory_space<vmem>>) target(%dma_start3A_52 : memref<30128x16xf32, #tpu.memory_space<vmem_shared>>) offsets(%dma_start3A_49 : memref<64xi32, #tpu.memory_space<vmem>>) semaphore(%run_scoped3A_47 : memref<!tpu.dma_semaphore, #tpu.memory_space<semaphore_mem>>) {add = true}
        %dma_wait3A = arith.constant 0 : i32
        %dma_wait3A_53 = tpu.memref_slice %arg6[%run_scoped3A_41, %dma_wait3A] : memref<16x64xi32, #tpu.memory_space<vmem>> -> memref<1x64xi32, #tpu.memory_space<vmem>>
        %dma_wait3A_54 = tpu.memref_squeeze %dma_wait3A_53 : memref<1x64xi32, #tpu.memory_space<vmem>> -> memref<64xi32, #tpu.memory_space<vmem>>
        %dma_wait3A_55 = arith.constant 0 : i32
        %dma_wait3A_56 = arith.constant 0 : i32
        %dma_wait3A_57 = tpu.memref_slice %arg5[%dma_wait3A_55, %dma_wait3A_56] : memref<30128x16xf32, #tpu.memory_space<vmem_shared>> -> memref<30128x16xf32, #tpu.memory_space<vmem_shared>>
        tpu.wait_indirect_dma semaphore(%run_scoped3A_47 : memref<!tpu.dma_semaphore, #tpu.memory_space<semaphore_mem>>) src(%arg7 : memref<64x16xf32, #tpu.memory_space<vmem>>) dst(%dma_wait3A_57 : memref<30128x16xf32, #tpu.memory_space<vmem_shared>>)
        tpu.yield
      }) : () -> ()
      %run_scoped3A_42 = arith.constant 11 : i32
      "tpu.region"() ({
        %run_scoped3A_47 = tpu.sem_alloc : memref<!tpu.dma_semaphore, #tpu.memory_space<semaphore_mem>>
        %dma_start3A = arith.constant 0 : i32
        %dma_start3A_48 = tpu.memref_slice %arg6[%run_scoped3A_42, %dma_start3A] : memref<16x64xi32, #tpu.memory_space<vmem>> -> memref<1x64xi32, #tpu.memory_space<vmem>>
        %dma_start3A_49 = tpu.memref_squeeze %dma_start3A_48 : memref<1x64xi32, #tpu.memory_space<vmem>> -> memref<64xi32, #tpu.memory_space<vmem>>
        %dma_start3A_50 = arith.constant 0 : i32
        %dma_start3A_51 = arith.constant 0 : i32
        %dma_start3A_52 = tpu.memref_slice %arg5[%dma_start3A_50, %dma_start3A_51] : memref<30128x16xf32, #tpu.memory_space<vmem_shared>> -> memref<30128x16xf32, #tpu.memory_space<vmem_shared>>
        tpu.enqueue_indirect_dma source(%arg7 : memref<64x16xf32, #tpu.memory_space<vmem>>) target(%dma_start3A_52 : memref<30128x16xf32, #tpu.memory_space<vmem_shared>>) offsets(%dma_start3A_49 : memref<64xi32, #tpu.memory_space<vmem>>) semaphore(%run_scoped3A_47 : memref<!tpu.dma_semaphore, #tpu.memory_space<semaphore_mem>>) {add = true}
        %dma_wait3A = arith.constant 0 : i32
        %dma_wait3A_53 = tpu.memref_slice %arg6[%run_scoped3A_42, %dma_wait3A] : memref<16x64xi32, #tpu.memory_space<vmem>> -> memref<1x64xi32, #tpu.memory_space<vmem>>
        %dma_wait3A_54 = tpu.memref_squeeze %dma_wait3A_53 : memref<1x64xi32, #tpu.memory_space<vmem>> -> memref<64xi32, #tpu.memory_space<vmem>>
        %dma_wait3A_55 = arith.constant 0 : i32
        %dma_wait3A_56 = arith.constant 0 : i32
        %dma_wait3A_57 = tpu.memref_slice %arg5[%dma_wait3A_55, %dma_wait3A_56] : memref<30128x16xf32, #tpu.memory_space<vmem_shared>> -> memref<30128x16xf32, #tpu.memory_space<vmem_shared>>
        tpu.wait_indirect_dma semaphore(%run_scoped3A_47 : memref<!tpu.dma_semaphore, #tpu.memory_space<semaphore_mem>>) src(%arg7 : memref<64x16xf32, #tpu.memory_space<vmem>>) dst(%dma_wait3A_57 : memref<30128x16xf32, #tpu.memory_space<vmem_shared>>)
        tpu.yield
      }) : () -> ()
      %run_scoped3A_43 = arith.constant 12 : i32
      "tpu.region"() ({
        %run_scoped3A_47 = tpu.sem_alloc : memref<!tpu.dma_semaphore, #tpu.memory_space<semaphore_mem>>
        %dma_start3A = arith.constant 0 : i32
        %dma_start3A_48 = tpu.memref_slice %arg6[%run_scoped3A_43, %dma_start3A] : memref<16x64xi32, #tpu.memory_space<vmem>> -> memref<1x64xi32, #tpu.memory_space<vmem>>
        %dma_start3A_49 = tpu.memref_squeeze %dma_start3A_48 : memref<1x64xi32, #tpu.memory_space<vmem>> -> memref<64xi32, #tpu.memory_space<vmem>>
        %dma_start3A_50 = arith.constant 0 : i32
        %dma_start3A_51 = arith.constant 0 : i32
        %dma_start3A_52 = tpu.memref_slice %arg5[%dma_start3A_50, %dma_start3A_51] : memref<30128x16xf32, #tpu.memory_space<vmem_shared>> -> memref<30128x16xf32, #tpu.memory_space<vmem_shared>>
        tpu.enqueue_indirect_dma source(%arg7 : memref<64x16xf32, #tpu.memory_space<vmem>>) target(%dma_start3A_52 : memref<30128x16xf32, #tpu.memory_space<vmem_shared>>) offsets(%dma_start3A_49 : memref<64xi32, #tpu.memory_space<vmem>>) semaphore(%run_scoped3A_47 : memref<!tpu.dma_semaphore, #tpu.memory_space<semaphore_mem>>) {add = true}
        %dma_wait3A = arith.constant 0 : i32
        %dma_wait3A_53 = tpu.memref_slice %arg6[%run_scoped3A_43, %dma_wait3A] : memref<16x64xi32, #tpu.memory_space<vmem>> -> memref<1x64xi32, #tpu.memory_space<vmem>>
        %dma_wait3A_54 = tpu.memref_squeeze %dma_wait3A_53 : memref<1x64xi32, #tpu.memory_space<vmem>> -> memref<64xi32, #tpu.memory_space<vmem>>
        %dma_wait3A_55 = arith.constant 0 : i32
        %dma_wait3A_56 = arith.constant 0 : i32
        %dma_wait3A_57 = tpu.memref_slice %arg5[%dma_wait3A_55, %dma_wait3A_56] : memref<30128x16xf32, #tpu.memory_space<vmem_shared>> -> memref<30128x16xf32, #tpu.memory_space<vmem_shared>>
        tpu.wait_indirect_dma semaphore(%run_scoped3A_47 : memref<!tpu.dma_semaphore, #tpu.memory_space<semaphore_mem>>) src(%arg7 : memref<64x16xf32, #tpu.memory_space<vmem>>) dst(%dma_wait3A_57 : memref<30128x16xf32, #tpu.memory_space<vmem_shared>>)
        tpu.yield
      }) : () -> ()
      %run_scoped3A_44 = arith.constant 13 : i32
      "tpu.region"() ({
        %run_scoped3A_47 = tpu.sem_alloc : memref<!tpu.dma_semaphore, #tpu.memory_space<semaphore_mem>>
        %dma_start3A = arith.constant 0 : i32
        %dma_start3A_48 = tpu.memref_slice %arg6[%run_scoped3A_44, %dma_start3A] : memref<16x64xi32, #tpu.memory_space<vmem>> -> memref<1x64xi32, #tpu.memory_space<vmem>>
        %dma_start3A_49 = tpu.memref_squeeze %dma_start3A_48 : memref<1x64xi32, #tpu.memory_space<vmem>> -> memref<64xi32, #tpu.memory_space<vmem>>
        %dma_start3A_50 = arith.constant 0 : i32
        %dma_start3A_51 = arith.constant 0 : i32
        %dma_start3A_52 = tpu.memref_slice %arg5[%dma_start3A_50, %dma_start3A_51] : memref<30128x16xf32, #tpu.memory_space<vmem_shared>> -> memref<30128x16xf32, #tpu.memory_space<vmem_shared>>
        tpu.enqueue_indirect_dma source(%arg7 : memref<64x16xf32, #tpu.memory_space<vmem>>) target(%dma_start3A_52 : memref<30128x16xf32, #tpu.memory_space<vmem_shared>>) offsets(%dma_start3A_49 : memref<64xi32, #tpu.memory_space<vmem>>) semaphore(%run_scoped3A_47 : memref<!tpu.dma_semaphore, #tpu.memory_space<semaphore_mem>>) {add = true}
        %dma_wait3A = arith.constant 0 : i32
        %dma_wait3A_53 = tpu.memref_slice %arg6[%run_scoped3A_44, %dma_wait3A] : memref<16x64xi32, #tpu.memory_space<vmem>> -> memref<1x64xi32, #tpu.memory_space<vmem>>
        %dma_wait3A_54 = tpu.memref_squeeze %dma_wait3A_53 : memref<1x64xi32, #tpu.memory_space<vmem>> -> memref<64xi32, #tpu.memory_space<vmem>>
        %dma_wait3A_55 = arith.constant 0 : i32
        %dma_wait3A_56 = arith.constant 0 : i32
        %dma_wait3A_57 = tpu.memref_slice %arg5[%dma_wait3A_55, %dma_wait3A_56] : memref<30128x16xf32, #tpu.memory_space<vmem_shared>> -> memref<30128x16xf32, #tpu.memory_space<vmem_shared>>
        tpu.wait_indirect_dma semaphore(%run_scoped3A_47 : memref<!tpu.dma_semaphore, #tpu.memory_space<semaphore_mem>>) src(%arg7 : memref<64x16xf32, #tpu.memory_space<vmem>>) dst(%dma_wait3A_57 : memref<30128x16xf32, #tpu.memory_space<vmem_shared>>)
        tpu.yield
      }) : () -> ()
      %run_scoped3A_45 = arith.constant 14 : i32
      "tpu.region"() ({
        %run_scoped3A_47 = tpu.sem_alloc : memref<!tpu.dma_semaphore, #tpu.memory_space<semaphore_mem>>
        %dma_start3A = arith.constant 0 : i32
        %dma_start3A_48 = tpu.memref_slice %arg6[%run_scoped3A_45, %dma_start3A] : memref<16x64xi32, #tpu.memory_space<vmem>> -> memref<1x64xi32, #tpu.memory_space<vmem>>
        %dma_start3A_49 = tpu.memref_squeeze %dma_start3A_48 : memref<1x64xi32, #tpu.memory_space<vmem>> -> memref<64xi32, #tpu.memory_space<vmem>>
        %dma_start3A_50 = arith.constant 0 : i32
        %dma_start3A_51 = arith.constant 0 : i32
        %dma_start3A_52 = tpu.memref_slice %arg5[%dma_start3A_50, %dma_start3A_51] : memref<30128x16xf32, #tpu.memory_space<vmem_shared>> -> memref<30128x16xf32, #tpu.memory_space<vmem_shared>>
        tpu.enqueue_indirect_dma source(%arg7 : memref<64x16xf32, #tpu.memory_space<vmem>>) target(%dma_start3A_52 : memref<30128x16xf32, #tpu.memory_space<vmem_shared>>) offsets(%dma_start3A_49 : memref<64xi32, #tpu.memory_space<vmem>>) semaphore(%run_scoped3A_47 : memref<!tpu.dma_semaphore, #tpu.memory_space<semaphore_mem>>) {add = true}
        %dma_wait3A = arith.constant 0 : i32
        %dma_wait3A_53 = tpu.memref_slice %arg6[%run_scoped3A_45, %dma_wait3A] : memref<16x64xi32, #tpu.memory_space<vmem>> -> memref<1x64xi32, #tpu.memory_space<vmem>>
        %dma_wait3A_54 = tpu.memref_squeeze %dma_wait3A_53 : memref<1x64xi32, #tpu.memory_space<vmem>> -> memref<64xi32, #tpu.memory_space<vmem>>
        %dma_wait3A_55 = arith.constant 0 : i32
        %dma_wait3A_56 = arith.constant 0 : i32
        %dma_wait3A_57 = tpu.memref_slice %arg5[%dma_wait3A_55, %dma_wait3A_56] : memref<30128x16xf32, #tpu.memory_space<vmem_shared>> -> memref<30128x16xf32, #tpu.memory_space<vmem_shared>>
        tpu.wait_indirect_dma semaphore(%run_scoped3A_47 : memref<!tpu.dma_semaphore, #tpu.memory_space<semaphore_mem>>) src(%arg7 : memref<64x16xf32, #tpu.memory_space<vmem>>) dst(%dma_wait3A_57 : memref<30128x16xf32, #tpu.memory_space<vmem_shared>>)
        tpu.yield
      }) : () -> ()
      %run_scoped3A_46 = arith.constant 15 : i32
      "tpu.region"() ({
        %run_scoped3A_47 = tpu.sem_alloc : memref<!tpu.dma_semaphore, #tpu.memory_space<semaphore_mem>>
        %dma_start3A = arith.constant 0 : i32
        %dma_start3A_48 = tpu.memref_slice %arg6[%run_scoped3A_46, %dma_start3A] : memref<16x64xi32, #tpu.memory_space<vmem>> -> memref<1x64xi32, #tpu.memory_space<vmem>>
        %dma_start3A_49 = tpu.memref_squeeze %dma_start3A_48 : memref<1x64xi32, #tpu.memory_space<vmem>> -> memref<64xi32, #tpu.memory_space<vmem>>
        %dma_start3A_50 = arith.constant 0 : i32
        %dma_start3A_51 = arith.constant 0 : i32
        %dma_start3A_52 = tpu.memref_slice %arg5[%dma_start3A_50, %dma_start3A_51] : memref<30128x16xf32, #tpu.memory_space<vmem_shared>> -> memref<30128x16xf32, #tpu.memory_space<vmem_shared>>
        tpu.enqueue_indirect_dma source(%arg7 : memref<64x16xf32, #tpu.memory_space<vmem>>) target(%dma_start3A_52 : memref<30128x16xf32, #tpu.memory_space<vmem_shared>>) offsets(%dma_start3A_49 : memref<64xi32, #tpu.memory_space<vmem>>) semaphore(%run_scoped3A_47 : memref<!tpu.dma_semaphore, #tpu.memory_space<semaphore_mem>>) {add = true}
        %dma_wait3A = arith.constant 0 : i32
        %dma_wait3A_53 = tpu.memref_slice %arg6[%run_scoped3A_46, %dma_wait3A] : memref<16x64xi32, #tpu.memory_space<vmem>> -> memref<1x64xi32, #tpu.memory_space<vmem>>
        %dma_wait3A_54 = tpu.memref_squeeze %dma_wait3A_53 : memref<1x64xi32, #tpu.memory_space<vmem>> -> memref<64xi32, #tpu.memory_space<vmem>>
        %dma_wait3A_55 = arith.constant 0 : i32
        %dma_wait3A_56 = arith.constant 0 : i32
        %dma_wait3A_57 = tpu.memref_slice %arg5[%dma_wait3A_55, %dma_wait3A_56] : memref<30128x16xf32, #tpu.memory_space<vmem_shared>> -> memref<30128x16xf32, #tpu.memory_space<vmem_shared>>
        tpu.wait_indirect_dma semaphore(%run_scoped3A_47 : memref<!tpu.dma_semaphore, #tpu.memory_space<semaphore_mem>>) src(%arg7 : memref<64x16xf32, #tpu.memory_space<vmem>>) dst(%dma_wait3A_57 : memref<30128x16xf32, #tpu.memory_space<vmem_shared>>)
        tpu.yield
      }) : () -> ()
    }
    %scan3A_18 = arith.constant 10 : i32
    %barrier3A_19 = arith.constant 0 : index
    tpu.barrier barrier_id(%barrier3A_19)
    %scan3A_20 = arith.constant 0 : i32
    %scan3A_21 = arith.constant 10 : i32
    %scan3A_22 = arith.addi %scan3A_20, %scan3A_21 : i32
    %scan3A_23 = arith.constant 1 : i32
    scf.for %scan3A_25 = %scan3A_20 to %scan3A_22 step %scan3A_23  : i32 {
      %mul3A_26 = arith.constant 1 : i32
      %mul3A_27 = arith.muli %scan3A_25, %mul3A_26 : i32
      %add3A_28 = arith.constant 0 : i32
      %add3A_29 = arith.addi %add3A_28, %mul3A_27 : i32
      %mul3A_30 = arith.constant 16 : i32
      %mul3A_31 = arith.muli %add3A_29, %mul3A_30 : i32
      %add3A_32 = arith.addi %arg1, %mul3A_31 : i32
      %lt3A = arith.constant 150 : i32
      %lt3A_33 = arith.cmpi slt, %add3A_32, %lt3A : i32
      %convert_element_type3A = arith.extui %lt3A_33 : i1 to i32
      %cond3A = arith.constant 0 : i32
      %cond3A_34 = arith.cmpi ne, %convert_element_type3A, %cond3A : i32
      scf.if %cond3A_34 {
        %mul3A_35 = arith.constant 200 : i32
        %mul3A_36 = arith.muli %add3A_32, %mul3A_35 : i32
        %mul3A_37 = arith.constant 200 : i32
        %mul3A_38 = arith.muli %add3A_32, %mul3A_37 : i32
        "tpu.region"() ({
          %run_scoped3A = tpu.sem_alloc : memref<!tpu.dma_semaphore, #tpu.memory_space<semaphore_mem>>
          %dma_start3A = arith.constant 0 : i32
          %dma_start3A_39 = tpu.memref_slice %arg4[%arg0, %mul3A_38, %dma_start3A] : memref<2x30000x16xf32, #tpu.memory_space<hbm>> -> memref<1x200x16xf32, #tpu.memory_space<hbm>>
          %dma_start3A_40 = tpu.memref_squeeze %dma_start3A_39 : memref<1x200x16xf32, #tpu.memory_space<hbm>> -> memref<200x16xf32, #tpu.memory_space<hbm>>
          %dma_start3A_41 = arith.constant 0 : i32
          %dma_start3A_42 = tpu.memref_slice %arg5[%mul3A_36, %dma_start3A_41] : memref<30128x16xf32, #tpu.memory_space<vmem_shared>> -> memref<200x16xf32, #tpu.memory_space<vmem_shared>>
          tpu.enqueue_dma source(%dma_start3A_42 : memref<200x16xf32, #tpu.memory_space<vmem_shared>>) target(%dma_start3A_40 : memref<200x16xf32, #tpu.memory_space<hbm>>) target_semaphore(%run_scoped3A : memref<!tpu.dma_semaphore, #tpu.memory_space<semaphore_mem>>)
          %dma_wait3A = arith.constant 0 : i32
          %dma_wait3A_43 = tpu.memref_slice %arg4[%arg0, %mul3A_38, %dma_wait3A] : memref<2x30000x16xf32, #tpu.memory_space<hbm>> -> memref<1x200x16xf32, #tpu.memory_space<hbm>>
          %dma_wait3A_44 = tpu.memref_squeeze %dma_wait3A_43 : memref<1x200x16xf32, #tpu.memory_space<hbm>> -> memref<200x16xf32, #tpu.memory_space<hbm>>
          %dma_wait3A_45 = arith.constant 0 : i32
          %dma_wait3A_46 = tpu.memref_slice %arg5[%mul3A_36, %dma_wait3A_45] : memref<30128x16xf32, #tpu.memory_space<vmem_shared>> -> memref<200x16xf32, #tpu.memory_space<vmem_shared>>
          tpu.wait_dma2 semaphore(%run_scoped3A : memref<!tpu.dma_semaphore, #tpu.memory_space<semaphore_mem>>) src(%dma_wait3A_46 : memref<200x16xf32, #tpu.memory_space<vmem_shared>>) dst(%dma_wait3A_44 : memref<200x16xf32, #tpu.memory_space<hbm>>)
          tpu.yield
        }) : () -> ()
      } else {
      }
    }
    %scan3A_24 = arith.constant 10 : i32
    return
  }
}

#map = affine_map<(d0, d1) -> (0, 0)>
#map1 = affine_map<(d0, d1) -> (0, 0, 0)>
module attributes {stable_mosaic.version = 14 : i64} {
  func.func @k(%arg0: i32, %arg1: i32, %arg2: memref<30000x64xf32, #tpu.memory_space<hbm>>, %arg3: memref<200x64xf32, #tpu.memory_space<hbm>>, %arg4: memref<160x32x64xi32, #tpu.memory_space<hbm>>, %arg5: memref<160x32x64xi32, #tpu.memory_space<hbm>>, %arg6: memref<2x30000x64xf32, #tpu.memory_space<hbm>>, %arg7: memref<30128x64xf32, #tpu.memory_space<vmem_shared>>, %arg8: memref<16x64xi32, #tpu.memory_space<vmem>>, %arg9: memref<16x64xi32, #tpu.memory_space<vmem>>, %arg10: memref<64x64xf32, #tpu.memory_space<vmem>>, %arg11: memref<64x64xf32, #tpu.memory_space<vmem>>, %arg12: memref<!tpu.dma_semaphore, #tpu.memory_space<semaphore_mem>>, %arg13: memref<!tpu.dma_semaphore, #tpu.memory_space<semaphore_mem>>, %arg14: memref<!tpu.dma_semaphore, #tpu.memory_space<semaphore_mem>>, %arg15: memref<!tpu.dma_semaphore, #tpu.memory_space<semaphore_mem>>) attributes {dimension_semantics = [#tpu.dimension_semantics<core_parallel>, #tpu.dimension_semantics<subcore_parallel>], iteration_bounds = array<i64: 2, 16>, scalar_prefetch = 0 : i64, scratch_operands = 9 : i64, tpu.core_type = #tpu.core_type<sc_vector_subcore>, window_params = [{transform_indices = #map}, {transform_indices = #map}, {transform_indices = #map1}, {transform_indices = #map1}, {transform_indices = #map1}]} {
    %mul3A = arith.constant 2 : i32
    %mul3A_0 = arith.muli %arg1, %mul3A : i32
    %add3A = arith.addi %mul3A_0, %arg0 : i32
    %scan3A = arith.constant 0 : i32
    %scan3A_1 = arith.constant 10 : i32
    %scan3A_2 = arith.addi %scan3A, %scan3A_1 : i32
    %scan3A_3 = arith.constant 1 : i32
    scf.for %scan3A_16 = %scan3A to %scan3A_2 step %scan3A_3  : i32 {
      %mul3A_17 = arith.constant 1 : i32
      %mul3A_18 = arith.muli %scan3A_16, %mul3A_17 : i32
      %add3A_19 = arith.constant 0 : i32
      %add3A_20 = arith.addi %add3A_19, %mul3A_18 : i32
      %mul3A_21 = arith.constant 16 : i32
      %mul3A_22 = arith.muli %add3A_20, %mul3A_21 : i32
      %add3A_23 = arith.addi %arg1, %mul3A_22 : i32
      %lt3A = arith.constant 150 : i32
      %lt3A_24 = arith.cmpi slt, %add3A_23, %lt3A : i32
      %convert_element_type3A = arith.extui %lt3A_24 : i1 to i32
      %cond3A = arith.constant 0 : i32
      %cond3A_25 = arith.cmpi ne, %convert_element_type3A, %cond3A : i32
      scf.if %cond3A_25 {
        %mul3A_26 = arith.constant 200 : i32
        %mul3A_27 = arith.muli %add3A_23, %mul3A_26 : i32
        "tpu.region"() ({
          %run_scoped3A = tpu.sem_alloc : memref<!tpu.dma_semaphore, #tpu.memory_space<semaphore_mem>>
          %dma_start3A = arith.constant 0 : i32
          %dma_start3A_28 = tpu.memref_slice %arg7[%mul3A_27, %dma_start3A] : memref<30128x64xf32, #tpu.memory_space<vmem_shared>> -> memref<200x64xf32, #tpu.memory_space<vmem_shared>>
          tpu.enqueue_dma source(%arg3 : memref<200x64xf32, #tpu.memory_space<hbm>>) target(%dma_start3A_28 : memref<200x64xf32, #tpu.memory_space<vmem_shared>>) target_semaphore(%run_scoped3A : memref<!tpu.dma_semaphore, #tpu.memory_space<semaphore_mem>>)
          %dma_wait3A = arith.constant 0 : i32
          %dma_wait3A_29 = tpu.memref_slice %arg7[%mul3A_27, %dma_wait3A] : memref<30128x64xf32, #tpu.memory_space<vmem_shared>> -> memref<200x64xf32, #tpu.memory_space<vmem_shared>>
          tpu.wait_dma2 semaphore(%run_scoped3A : memref<!tpu.dma_semaphore, #tpu.memory_space<semaphore_mem>>) src(%arg3 : memref<200x64xf32, #tpu.memory_space<hbm>>) dst(%dma_wait3A_29 : memref<200x64xf32, #tpu.memory_space<vmem_shared>>)
          tpu.yield
        }) : () -> ()
      } else {
      }
    }
    %scan3A_4 = arith.constant 10 : i32
    %barrier3A = arith.constant 0 : index
    tpu.barrier barrier_id(%barrier3A)
    %scan3A_5 = arith.constant 0 : i32
    %scan3A_6 = arith.constant 10 : i32
    %scan3A_7 = arith.addi %scan3A_5, %scan3A_6 : i32
    %scan3A_8 = arith.constant 1 : i32
    scf.for %scan3A_16 = %scan3A_5 to %scan3A_7 step %scan3A_8  : i32 {
      %mul3A_17 = arith.constant 1 : i32
      %mul3A_18 = arith.muli %scan3A_16, %mul3A_17 : i32
      %add3A_19 = arith.constant 0 : i32
      %add3A_20 = arith.addi %add3A_19, %mul3A_18 : i32
      %mul3A_21 = arith.constant 16 : i32
      %mul3A_22 = arith.muli %add3A_20, %mul3A_21 : i32
      "tpu.region"() ({
        %run_scoped3A = tpu.sem_alloc : memref<!tpu.dma_semaphore, #tpu.memory_space<semaphore_mem>>
        %dma_start3A_471 = arith.constant 0 : i32
        %dma_start3A_472 = tpu.memref_slice %arg4[%mul3A_22, %add3A, %dma_start3A_471] : memref<160x32x64xi32, #tpu.memory_space<hbm>> -> memref<16x1x64xi32, #tpu.memory_space<hbm>>
        %dma_start3A_473 = tpu.memref_squeeze %dma_start3A_472 : memref<16x1x64xi32, #tpu.memory_space<hbm>> -> memref<16x64xi32, #tpu.memory_space<hbm>>
        %dma_start3A_474 = arith.constant 0 : i32
        %dma_start3A_475 = tpu.memref_slice %arg4[%mul3A_22, %add3A, %dma_start3A_474] : memref<160x32x64xi32, #tpu.memory_space<hbm>> -> memref<16x1x64xi32, #tpu.memory_space<hbm>>
        %dma_start3A_476 = tpu.memref_squeeze %dma_start3A_475 : memref<16x1x64xi32, #tpu.memory_space<hbm>> -> memref<16x64xi32, #tpu.memory_space<hbm>>
        tpu.enqueue_dma source(%dma_start3A_476 : memref<16x64xi32, #tpu.memory_space<hbm>>) target(%arg8 : memref<16x64xi32, #tpu.memory_space<vmem>>) target_semaphore(%run_scoped3A : memref<!tpu.dma_semaphore, #tpu.memory_space<semaphore_mem>>)
        %dma_wait3A_477 = arith.constant 0 : i32
        %dma_wait3A_478 = tpu.memref_slice %arg4[%mul3A_22, %add3A, %dma_wait3A_477] : memref<160x32x64xi32, #tpu.memory_space<hbm>> -> memref<16x1x64xi32, #tpu.memory_space<hbm>>
        %dma_wait3A_479 = tpu.memref_squeeze %dma_wait3A_478 : memref<16x1x64xi32, #tpu.memory_space<hbm>> -> memref<16x64xi32, #tpu.memory_space<hbm>>
        %dma_wait3A_480 = arith.constant 0 : i32
        %dma_wait3A_481 = tpu.memref_slice %arg4[%mul3A_22, %add3A, %dma_wait3A_480] : memref<160x32x64xi32, #tpu.memory_space<hbm>> -> memref<16x1x64xi32, #tpu.memory_space<hbm>>
        %dma_wait3A_482 = tpu.memref_squeeze %dma_wait3A_481 : memref<16x1x64xi32, #tpu.memory_space<hbm>> -> memref<16x64xi32, #tpu.memory_space<hbm>>
        tpu.wait_dma2 semaphore(%run_scoped3A : memref<!tpu.dma_semaphore, #tpu.memory_space<semaphore_mem>>) src(%dma_wait3A_482 : memref<16x64xi32, #tpu.memory_space<hbm>>) dst(%arg8 : memref<16x64xi32, #tpu.memory_space<vmem>>)
        tpu.yield
      }) : () -> ()
      %mul3A_23 = arith.constant 16 : i32
      %mul3A_24 = arith.muli %add3A_20, %mul3A_23 : i32
      "tpu.region"() ({
        %run_scoped3A = tpu.sem_alloc : memref<!tpu.dma_semaphore, #tpu.memory_space<semaphore_mem>>
        %dma_start3A_471 = arith.constant 0 : i32
        %dma_start3A_472 = tpu.memref_slice %arg5[%mul3A_24, %add3A, %dma_start3A_471] : memref<160x32x64xi32, #tpu.memory_space<hbm>> -> memref<16x1x64xi32, #tpu.memory_space<hbm>>
        %dma_start3A_473 = tpu.memref_squeeze %dma_start3A_472 : memref<16x1x64xi32, #tpu.memory_space<hbm>> -> memref<16x64xi32, #tpu.memory_space<hbm>>
        %dma_start3A_474 = arith.constant 0 : i32
        %dma_start3A_475 = tpu.memref_slice %arg5[%mul3A_24, %add3A, %dma_start3A_474] : memref<160x32x64xi32, #tpu.memory_space<hbm>> -> memref<16x1x64xi32, #tpu.memory_space<hbm>>
        %dma_start3A_476 = tpu.memref_squeeze %dma_start3A_475 : memref<16x1x64xi32, #tpu.memory_space<hbm>> -> memref<16x64xi32, #tpu.memory_space<hbm>>
        tpu.enqueue_dma source(%dma_start3A_476 : memref<16x64xi32, #tpu.memory_space<hbm>>) target(%arg9 : memref<16x64xi32, #tpu.memory_space<vmem>>) target_semaphore(%run_scoped3A : memref<!tpu.dma_semaphore, #tpu.memory_space<semaphore_mem>>)
        %dma_wait3A_477 = arith.constant 0 : i32
        %dma_wait3A_478 = tpu.memref_slice %arg5[%mul3A_24, %add3A, %dma_wait3A_477] : memref<160x32x64xi32, #tpu.memory_space<hbm>> -> memref<16x1x64xi32, #tpu.memory_space<hbm>>
        %dma_wait3A_479 = tpu.memref_squeeze %dma_wait3A_478 : memref<16x1x64xi32, #tpu.memory_space<hbm>> -> memref<16x64xi32, #tpu.memory_space<hbm>>
        %dma_wait3A_480 = arith.constant 0 : i32
        %dma_wait3A_481 = tpu.memref_slice %arg5[%mul3A_24, %add3A, %dma_wait3A_480] : memref<160x32x64xi32, #tpu.memory_space<hbm>> -> memref<16x1x64xi32, #tpu.memory_space<hbm>>
        %dma_wait3A_482 = tpu.memref_squeeze %dma_wait3A_481 : memref<16x1x64xi32, #tpu.memory_space<hbm>> -> memref<16x64xi32, #tpu.memory_space<hbm>>
        tpu.wait_dma2 semaphore(%run_scoped3A : memref<!tpu.dma_semaphore, #tpu.memory_space<semaphore_mem>>) src(%dma_wait3A_482 : memref<16x64xi32, #tpu.memory_space<hbm>>) dst(%arg9 : memref<16x64xi32, #tpu.memory_space<vmem>>)
        tpu.yield
      }) : () -> ()
      %dma_start3A = arith.constant 0 : i32
      %dma_start3A_25 = arith.constant 0 : i32
      %dma_start3A_26 = tpu.memref_slice %arg8[%dma_start3A, %dma_start3A_25] : memref<16x64xi32, #tpu.memory_space<vmem>> -> memref<1x64xi32, #tpu.memory_space<vmem>>
      %dma_start3A_27 = tpu.memref_squeeze %dma_start3A_26 : memref<1x64xi32, #tpu.memory_space<vmem>> -> memref<64xi32, #tpu.memory_space<vmem>>
      %dma_start3A_28 = arith.constant 0 : i32
      %dma_start3A_29 = arith.constant 0 : i32
      %dma_start3A_30 = tpu.memref_slice %arg2[%dma_start3A_28, %dma_start3A_29] : memref<30000x64xf32, #tpu.memory_space<hbm>> -> memref<30000x64xf32, #tpu.memory_space<hbm>>
      tpu.enqueue_indirect_dma source(%dma_start3A_30 : memref<30000x64xf32, #tpu.memory_space<hbm>>) target(%arg10 : memref<64x64xf32, #tpu.memory_space<vmem>>) offsets(%dma_start3A_27 : memref<64xi32, #tpu.memory_space<vmem>>) semaphore(%arg12 : memref<!tpu.dma_semaphore, #tpu.memory_space<semaphore_mem>>)
      %dma_start3A_31 = arith.constant 1 : i32
      %dma_start3A_32 = arith.constant 0 : i32
      %dma_start3A_33 = tpu.memref_slice %arg8[%dma_start3A_31, %dma_start3A_32] : memref<16x64xi32, #tpu.memory_space<vmem>> -> memref<1x64xi32, #tpu.memory_space<vmem>>
      %dma_start3A_34 = tpu.memref_squeeze %dma_start3A_33 : memref<1x64xi32, #tpu.memory_space<vmem>> -> memref<64xi32, #tpu.memory_space<vmem>>
      %dma_start3A_35 = arith.constant 0 : i32
      %dma_start3A_36 = arith.constant 0 : i32
      %dma_start3A_37 = tpu.memref_slice %arg2[%dma_start3A_35, %dma_start3A_36] : memref<30000x64xf32, #tpu.memory_space<hbm>> -> memref<30000x64xf32, #tpu.memory_space<hbm>>
      tpu.enqueue_indirect_dma source(%dma_start3A_37 : memref<30000x64xf32, #tpu.memory_space<hbm>>) target(%arg11 : memref<64x64xf32, #tpu.memory_space<vmem>>) offsets(%dma_start3A_34 : memref<64xi32, #tpu.memory_space<vmem>>) semaphore(%arg13 : memref<!tpu.dma_semaphore, #tpu.memory_space<semaphore_mem>>)
      %dma_wait3A = arith.constant 0 : i32
      %dma_wait3A_38 = arith.constant 0 : i32
      %dma_wait3A_39 = tpu.memref_slice %arg8[%dma_wait3A, %dma_wait3A_38] : memref<16x64xi32, #tpu.memory_space<vmem>> -> memref<1x64xi32, #tpu.memory_space<vmem>>
      %dma_wait3A_40 = tpu.memref_squeeze %dma_wait3A_39 : memref<1x64xi32, #tpu.memory_space<vmem>> -> memref<64xi32, #tpu.memory_space<vmem>>
      %dma_wait3A_41 = arith.constant 0 : i32
      %dma_wait3A_42 = arith.constant 0 : i32
      %dma_wait3A_43 = tpu.memref_slice %arg2[%dma_wait3A_41, %dma_wait3A_42] : memref<30000x64xf32, #tpu.memory_space<hbm>> -> memref<30000x64xf32, #tpu.memory_space<hbm>>
      tpu.wait_indirect_dma semaphore(%arg12 : memref<!tpu.dma_semaphore, #tpu.memory_space<semaphore_mem>>) src(%dma_wait3A_43 : memref<30000x64xf32, #tpu.memory_space<hbm>>) dst(%arg10 : memref<64x64xf32, #tpu.memory_space<vmem>>)
      %dma_start3A_44 = arith.constant 0 : i32
      %dma_start3A_45 = arith.constant 0 : i32
      %dma_start3A_46 = tpu.memref_slice %arg9[%dma_start3A_44, %dma_start3A_45] : memref<16x64xi32, #tpu.memory_space<vmem>> -> memref<1x64xi32, #tpu.memory_space<vmem>>
      %dma_start3A_47 = tpu.memref_squeeze %dma_start3A_46 : memref<1x64xi32, #tpu.memory_space<vmem>> -> memref<64xi32, #tpu.memory_space<vmem>>
      %dma_start3A_48 = arith.constant 0 : i32
      %dma_start3A_49 = arith.constant 0 : i32
      %dma_start3A_50 = tpu.memref_slice %arg7[%dma_start3A_48, %dma_start3A_49] : memref<30128x64xf32, #tpu.memory_space<vmem_shared>> -> memref<30128x64xf32, #tpu.memory_space<vmem_shared>>
      tpu.enqueue_indirect_dma source(%arg10 : memref<64x64xf32, #tpu.memory_space<vmem>>) target(%dma_start3A_50 : memref<30128x64xf32, #tpu.memory_space<vmem_shared>>) offsets(%dma_start3A_47 : memref<64xi32, #tpu.memory_space<vmem>>) semaphore(%arg14 : memref<!tpu.dma_semaphore, #tpu.memory_space<semaphore_mem>>) {add = true}
      %dma_wait3A_51 = arith.constant 1 : i32
      %dma_wait3A_52 = arith.constant 0 : i32
      %dma_wait3A_53 = tpu.memref_slice %arg8[%dma_wait3A_51, %dma_wait3A_52] : memref<16x64xi32, #tpu.memory_space<vmem>> -> memref<1x64xi32, #tpu.memory_space<vmem>>
      %dma_wait3A_54 = tpu.memref_squeeze %dma_wait3A_53 : memref<1x64xi32, #tpu.memory_space<vmem>> -> memref<64xi32, #tpu.memory_space<vmem>>
      %dma_wait3A_55 = arith.constant 0 : i32
      %dma_wait3A_56 = arith.constant 0 : i32
      %dma_wait3A_57 = tpu.memref_slice %arg2[%dma_wait3A_55, %dma_wait3A_56] : memref<30000x64xf32, #tpu.memory_space<hbm>> -> memref<30000x64xf32, #tpu.memory_space<hbm>>
      tpu.wait_indirect_dma semaphore(%arg13 : memref<!tpu.dma_semaphore, #tpu.memory_space<semaphore_mem>>) src(%dma_wait3A_57 : memref<30000x64xf32, #tpu.memory_space<hbm>>) dst(%arg11 : memref<64x64xf32, #tpu.memory_space<vmem>>)
      %dma_start3A_58 = arith.constant 1 : i32
      %dma_start3A_59 = arith.constant 0 : i32
      %dma_start3A_60 = tpu.memref_slice %arg9[%dma_start3A_58, %dma_start3A_59] : memref<16x64xi32, #tpu.memory_space<vmem>> -> memref<1x64xi32, #tpu.memory_space<vmem>>
      %dma_start3A_61 = tpu.memref_squeeze %dma_start3A_60 : memref<1x64xi32, #tpu.memory_space<vmem>> -> memref<64xi32, #tpu.memory_space<vmem>>
      %dma_start3A_62 = arith.constant 0 : i32
      %dma_start3A_63 = arith.constant 0 : i32
      %dma_start3A_64 = tpu.memref_slice %arg7[%dma_start3A_62, %dma_start3A_63] : memref<30128x64xf32, #tpu.memory_space<vmem_shared>> -> memref<30128x64xf32, #tpu.memory_space<vmem_shared>>
      tpu.enqueue_indirect_dma source(%arg11 : memref<64x64xf32, #tpu.memory_space<vmem>>) target(%dma_start3A_64 : memref<30128x64xf32, #tpu.memory_space<vmem_shared>>) offsets(%dma_start3A_61 : memref<64xi32, #tpu.memory_space<vmem>>) semaphore(%arg15 : memref<!tpu.dma_semaphore, #tpu.memory_space<semaphore_mem>>) {add = true}
      %dma_wait3A_65 = arith.constant 0 : i32
      %dma_wait3A_66 = arith.constant 0 : i32
      %dma_wait3A_67 = tpu.memref_slice %arg9[%dma_wait3A_65, %dma_wait3A_66] : memref<16x64xi32, #tpu.memory_space<vmem>> -> memref<1x64xi32, #tpu.memory_space<vmem>>
      %dma_wait3A_68 = tpu.memref_squeeze %dma_wait3A_67 : memref<1x64xi32, #tpu.memory_space<vmem>> -> memref<64xi32, #tpu.memory_space<vmem>>
      %dma_wait3A_69 = arith.constant 0 : i32
      %dma_wait3A_70 = arith.constant 0 : i32
      %dma_wait3A_71 = tpu.memref_slice %arg7[%dma_wait3A_69, %dma_wait3A_70] : memref<30128x64xf32, #tpu.memory_space<vmem_shared>> -> memref<30128x64xf32, #tpu.memory_space<vmem_shared>>
      tpu.wait_indirect_dma semaphore(%arg14 : memref<!tpu.dma_semaphore, #tpu.memory_space<semaphore_mem>>) src(%arg10 : memref<64x64xf32, #tpu.memory_space<vmem>>) dst(%dma_wait3A_71 : memref<30128x64xf32, #tpu.memory_space<vmem_shared>>)
      %dma_wait3A_72 = arith.constant 1 : i32
      %dma_wait3A_73 = arith.constant 0 : i32
      %dma_wait3A_74 = tpu.memref_slice %arg9[%dma_wait3A_72, %dma_wait3A_73] : memref<16x64xi32, #tpu.memory_space<vmem>> -> memref<1x64xi32, #tpu.memory_space<vmem>>
      %dma_wait3A_75 = tpu.memref_squeeze %dma_wait3A_74 : memref<1x64xi32, #tpu.memory_space<vmem>> -> memref<64xi32, #tpu.memory_space<vmem>>
      %dma_wait3A_76 = arith.constant 0 : i32
      %dma_wait3A_77 = arith.constant 0 : i32
      %dma_wait3A_78 = tpu.memref_slice %arg7[%dma_wait3A_76, %dma_wait3A_77] : memref<30128x64xf32, #tpu.memory_space<vmem_shared>> -> memref<30128x64xf32, #tpu.memory_space<vmem_shared>>
      tpu.wait_indirect_dma semaphore(%arg15 : memref<!tpu.dma_semaphore, #tpu.memory_space<semaphore_mem>>) src(%arg11 : memref<64x64xf32, #tpu.memory_space<vmem>>) dst(%dma_wait3A_78 : memref<30128x64xf32, #tpu.memory_space<vmem_shared>>)
      %dma_start3A_79 = arith.constant 2 : i32
      %dma_start3A_80 = arith.constant 0 : i32
      %dma_start3A_81 = tpu.memref_slice %arg8[%dma_start3A_79, %dma_start3A_80] : memref<16x64xi32, #tpu.memory_space<vmem>> -> memref<1x64xi32, #tpu.memory_space<vmem>>
      %dma_start3A_82 = tpu.memref_squeeze %dma_start3A_81 : memref<1x64xi32, #tpu.memory_space<vmem>> -> memref<64xi32, #tpu.memory_space<vmem>>
      %dma_start3A_83 = arith.constant 0 : i32
      %dma_start3A_84 = arith.constant 0 : i32
      %dma_start3A_85 = tpu.memref_slice %arg2[%dma_start3A_83, %dma_start3A_84] : memref<30000x64xf32, #tpu.memory_space<hbm>> -> memref<30000x64xf32, #tpu.memory_space<hbm>>
      tpu.enqueue_indirect_dma source(%dma_start3A_85 : memref<30000x64xf32, #tpu.memory_space<hbm>>) target(%arg10 : memref<64x64xf32, #tpu.memory_space<vmem>>) offsets(%dma_start3A_82 : memref<64xi32, #tpu.memory_space<vmem>>) semaphore(%arg12 : memref<!tpu.dma_semaphore, #tpu.memory_space<semaphore_mem>>)
      %dma_start3A_86 = arith.constant 3 : i32
      %dma_start3A_87 = arith.constant 0 : i32
      %dma_start3A_88 = tpu.memref_slice %arg8[%dma_start3A_86, %dma_start3A_87] : memref<16x64xi32, #tpu.memory_space<vmem>> -> memref<1x64xi32, #tpu.memory_space<vmem>>
      %dma_start3A_89 = tpu.memref_squeeze %dma_start3A_88 : memref<1x64xi32, #tpu.memory_space<vmem>> -> memref<64xi32, #tpu.memory_space<vmem>>
      %dma_start3A_90 = arith.constant 0 : i32
      %dma_start3A_91 = arith.constant 0 : i32
      %dma_start3A_92 = tpu.memref_slice %arg2[%dma_start3A_90, %dma_start3A_91] : memref<30000x64xf32, #tpu.memory_space<hbm>> -> memref<30000x64xf32, #tpu.memory_space<hbm>>
      tpu.enqueue_indirect_dma source(%dma_start3A_92 : memref<30000x64xf32, #tpu.memory_space<hbm>>) target(%arg11 : memref<64x64xf32, #tpu.memory_space<vmem>>) offsets(%dma_start3A_89 : memref<64xi32, #tpu.memory_space<vmem>>) semaphore(%arg13 : memref<!tpu.dma_semaphore, #tpu.memory_space<semaphore_mem>>)
      %dma_wait3A_93 = arith.constant 2 : i32
      %dma_wait3A_94 = arith.constant 0 : i32
      %dma_wait3A_95 = tpu.memref_slice %arg8[%dma_wait3A_93, %dma_wait3A_94] : memref<16x64xi32, #tpu.memory_space<vmem>> -> memref<1x64xi32, #tpu.memory_space<vmem>>
      %dma_wait3A_96 = tpu.memref_squeeze %dma_wait3A_95 : memref<1x64xi32, #tpu.memory_space<vmem>> -> memref<64xi32, #tpu.memory_space<vmem>>
      %dma_wait3A_97 = arith.constant 0 : i32
      %dma_wait3A_98 = arith.constant 0 : i32
      %dma_wait3A_99 = tpu.memref_slice %arg2[%dma_wait3A_97, %dma_wait3A_98] : memref<30000x64xf32, #tpu.memory_space<hbm>> -> memref<30000x64xf32, #tpu.memory_space<hbm>>
      tpu.wait_indirect_dma semaphore(%arg12 : memref<!tpu.dma_semaphore, #tpu.memory_space<semaphore_mem>>) src(%dma_wait3A_99 : memref<30000x64xf32, #tpu.memory_space<hbm>>) dst(%arg10 : memref<64x64xf32, #tpu.memory_space<vmem>>)
      %dma_start3A_100 = arith.constant 2 : i32
      %dma_start3A_101 = arith.constant 0 : i32
      %dma_start3A_102 = tpu.memref_slice %arg9[%dma_start3A_100, %dma_start3A_101] : memref<16x64xi32, #tpu.memory_space<vmem>> -> memref<1x64xi32, #tpu.memory_space<vmem>>
      %dma_start3A_103 = tpu.memref_squeeze %dma_start3A_102 : memref<1x64xi32, #tpu.memory_space<vmem>> -> memref<64xi32, #tpu.memory_space<vmem>>
      %dma_start3A_104 = arith.constant 0 : i32
      %dma_start3A_105 = arith.constant 0 : i32
      %dma_start3A_106 = tpu.memref_slice %arg7[%dma_start3A_104, %dma_start3A_105] : memref<30128x64xf32, #tpu.memory_space<vmem_shared>> -> memref<30128x64xf32, #tpu.memory_space<vmem_shared>>
      tpu.enqueue_indirect_dma source(%arg10 : memref<64x64xf32, #tpu.memory_space<vmem>>) target(%dma_start3A_106 : memref<30128x64xf32, #tpu.memory_space<vmem_shared>>) offsets(%dma_start3A_103 : memref<64xi32, #tpu.memory_space<vmem>>) semaphore(%arg14 : memref<!tpu.dma_semaphore, #tpu.memory_space<semaphore_mem>>) {add = true}
      %dma_wait3A_107 = arith.constant 3 : i32
      %dma_wait3A_108 = arith.constant 0 : i32
      %dma_wait3A_109 = tpu.memref_slice %arg8[%dma_wait3A_107, %dma_wait3A_108] : memref<16x64xi32, #tpu.memory_space<vmem>> -> memref<1x64xi32, #tpu.memory_space<vmem>>
      %dma_wait3A_110 = tpu.memref_squeeze %dma_wait3A_109 : memref<1x64xi32, #tpu.memory_space<vmem>> -> memref<64xi32, #tpu.memory_space<vmem>>
      %dma_wait3A_111 = arith.constant 0 : i32
      %dma_wait3A_112 = arith.constant 0 : i32
      %dma_wait3A_113 = tpu.memref_slice %arg2[%dma_wait3A_111, %dma_wait3A_112] : memref<30000x64xf32, #tpu.memory_space<hbm>> -> memref<30000x64xf32, #tpu.memory_space<hbm>>
      tpu.wait_indirect_dma semaphore(%arg13 : memref<!tpu.dma_semaphore, #tpu.memory_space<semaphore_mem>>) src(%dma_wait3A_113 : memref<30000x64xf32, #tpu.memory_space<hbm>>) dst(%arg11 : memref<64x64xf32, #tpu.memory_space<vmem>>)
      %dma_start3A_114 = arith.constant 3 : i32
      %dma_start3A_115 = arith.constant 0 : i32
      %dma_start3A_116 = tpu.memref_slice %arg9[%dma_start3A_114, %dma_start3A_115] : memref<16x64xi32, #tpu.memory_space<vmem>> -> memref<1x64xi32, #tpu.memory_space<vmem>>
      %dma_start3A_117 = tpu.memref_squeeze %dma_start3A_116 : memref<1x64xi32, #tpu.memory_space<vmem>> -> memref<64xi32, #tpu.memory_space<vmem>>
      %dma_start3A_118 = arith.constant 0 : i32
      %dma_start3A_119 = arith.constant 0 : i32
      %dma_start3A_120 = tpu.memref_slice %arg7[%dma_start3A_118, %dma_start3A_119] : memref<30128x64xf32, #tpu.memory_space<vmem_shared>> -> memref<30128x64xf32, #tpu.memory_space<vmem_shared>>
      tpu.enqueue_indirect_dma source(%arg11 : memref<64x64xf32, #tpu.memory_space<vmem>>) target(%dma_start3A_120 : memref<30128x64xf32, #tpu.memory_space<vmem_shared>>) offsets(%dma_start3A_117 : memref<64xi32, #tpu.memory_space<vmem>>) semaphore(%arg15 : memref<!tpu.dma_semaphore, #tpu.memory_space<semaphore_mem>>) {add = true}
      %dma_wait3A_121 = arith.constant 2 : i32
      %dma_wait3A_122 = arith.constant 0 : i32
      %dma_wait3A_123 = tpu.memref_slice %arg9[%dma_wait3A_121, %dma_wait3A_122] : memref<16x64xi32, #tpu.memory_space<vmem>> -> memref<1x64xi32, #tpu.memory_space<vmem>>
      %dma_wait3A_124 = tpu.memref_squeeze %dma_wait3A_123 : memref<1x64xi32, #tpu.memory_space<vmem>> -> memref<64xi32, #tpu.memory_space<vmem>>
      %dma_wait3A_125 = arith.constant 0 : i32
      %dma_wait3A_126 = arith.constant 0 : i32
      %dma_wait3A_127 = tpu.memref_slice %arg7[%dma_wait3A_125, %dma_wait3A_126] : memref<30128x64xf32, #tpu.memory_space<vmem_shared>> -> memref<30128x64xf32, #tpu.memory_space<vmem_shared>>
      tpu.wait_indirect_dma semaphore(%arg14 : memref<!tpu.dma_semaphore, #tpu.memory_space<semaphore_mem>>) src(%arg10 : memref<64x64xf32, #tpu.memory_space<vmem>>) dst(%dma_wait3A_127 : memref<30128x64xf32, #tpu.memory_space<vmem_shared>>)
      %dma_wait3A_128 = arith.constant 3 : i32
      %dma_wait3A_129 = arith.constant 0 : i32
      %dma_wait3A_130 = tpu.memref_slice %arg9[%dma_wait3A_128, %dma_wait3A_129] : memref<16x64xi32, #tpu.memory_space<vmem>> -> memref<1x64xi32, #tpu.memory_space<vmem>>
      %dma_wait3A_131 = tpu.memref_squeeze %dma_wait3A_130 : memref<1x64xi32, #tpu.memory_space<vmem>> -> memref<64xi32, #tpu.memory_space<vmem>>
      %dma_wait3A_132 = arith.constant 0 : i32
      %dma_wait3A_133 = arith.constant 0 : i32
      %dma_wait3A_134 = tpu.memref_slice %arg7[%dma_wait3A_132, %dma_wait3A_133] : memref<30128x64xf32, #tpu.memory_space<vmem_shared>> -> memref<30128x64xf32, #tpu.memory_space<vmem_shared>>
      tpu.wait_indirect_dma semaphore(%arg15 : memref<!tpu.dma_semaphore, #tpu.memory_space<semaphore_mem>>) src(%arg11 : memref<64x64xf32, #tpu.memory_space<vmem>>) dst(%dma_wait3A_134 : memref<30128x64xf32, #tpu.memory_space<vmem_shared>>)
      %dma_start3A_135 = arith.constant 4 : i32
      %dma_start3A_136 = arith.constant 0 : i32
      %dma_start3A_137 = tpu.memref_slice %arg8[%dma_start3A_135, %dma_start3A_136] : memref<16x64xi32, #tpu.memory_space<vmem>> -> memref<1x64xi32, #tpu.memory_space<vmem>>
      %dma_start3A_138 = tpu.memref_squeeze %dma_start3A_137 : memref<1x64xi32, #tpu.memory_space<vmem>> -> memref<64xi32, #tpu.memory_space<vmem>>
      %dma_start3A_139 = arith.constant 0 : i32
      %dma_start3A_140 = arith.constant 0 : i32
      %dma_start3A_141 = tpu.memref_slice %arg2[%dma_start3A_139, %dma_start3A_140] : memref<30000x64xf32, #tpu.memory_space<hbm>> -> memref<30000x64xf32, #tpu.memory_space<hbm>>
      tpu.enqueue_indirect_dma source(%dma_start3A_141 : memref<30000x64xf32, #tpu.memory_space<hbm>>) target(%arg10 : memref<64x64xf32, #tpu.memory_space<vmem>>) offsets(%dma_start3A_138 : memref<64xi32, #tpu.memory_space<vmem>>) semaphore(%arg12 : memref<!tpu.dma_semaphore, #tpu.memory_space<semaphore_mem>>)
      %dma_start3A_142 = arith.constant 5 : i32
      %dma_start3A_143 = arith.constant 0 : i32
      %dma_start3A_144 = tpu.memref_slice %arg8[%dma_start3A_142, %dma_start3A_143] : memref<16x64xi32, #tpu.memory_space<vmem>> -> memref<1x64xi32, #tpu.memory_space<vmem>>
      %dma_start3A_145 = tpu.memref_squeeze %dma_start3A_144 : memref<1x64xi32, #tpu.memory_space<vmem>> -> memref<64xi32, #tpu.memory_space<vmem>>
      %dma_start3A_146 = arith.constant 0 : i32
      %dma_start3A_147 = arith.constant 0 : i32
      %dma_start3A_148 = tpu.memref_slice %arg2[%dma_start3A_146, %dma_start3A_147] : memref<30000x64xf32, #tpu.memory_space<hbm>> -> memref<30000x64xf32, #tpu.memory_space<hbm>>
      tpu.enqueue_indirect_dma source(%dma_start3A_148 : memref<30000x64xf32, #tpu.memory_space<hbm>>) target(%arg11 : memref<64x64xf32, #tpu.memory_space<vmem>>) offsets(%dma_start3A_145 : memref<64xi32, #tpu.memory_space<vmem>>) semaphore(%arg13 : memref<!tpu.dma_semaphore, #tpu.memory_space<semaphore_mem>>)
      %dma_wait3A_149 = arith.constant 4 : i32
      %dma_wait3A_150 = arith.constant 0 : i32
      %dma_wait3A_151 = tpu.memref_slice %arg8[%dma_wait3A_149, %dma_wait3A_150] : memref<16x64xi32, #tpu.memory_space<vmem>> -> memref<1x64xi32, #tpu.memory_space<vmem>>
      %dma_wait3A_152 = tpu.memref_squeeze %dma_wait3A_151 : memref<1x64xi32, #tpu.memory_space<vmem>> -> memref<64xi32, #tpu.memory_space<vmem>>
      %dma_wait3A_153 = arith.constant 0 : i32
      %dma_wait3A_154 = arith.constant 0 : i32
      %dma_wait3A_155 = tpu.memref_slice %arg2[%dma_wait3A_153, %dma_wait3A_154] : memref<30000x64xf32, #tpu.memory_space<hbm>> -> memref<30000x64xf32, #tpu.memory_space<hbm>>
      tpu.wait_indirect_dma semaphore(%arg12 : memref<!tpu.dma_semaphore, #tpu.memory_space<semaphore_mem>>) src(%dma_wait3A_155 : memref<30000x64xf32, #tpu.memory_space<hbm>>) dst(%arg10 : memref<64x64xf32, #tpu.memory_space<vmem>>)
      %dma_start3A_156 = arith.constant 4 : i32
      %dma_start3A_157 = arith.constant 0 : i32
      %dma_start3A_158 = tpu.memref_slice %arg9[%dma_start3A_156, %dma_start3A_157] : memref<16x64xi32, #tpu.memory_space<vmem>> -> memref<1x64xi32, #tpu.memory_space<vmem>>
      %dma_start3A_159 = tpu.memref_squeeze %dma_start3A_158 : memref<1x64xi32, #tpu.memory_space<vmem>> -> memref<64xi32, #tpu.memory_space<vmem>>
      %dma_start3A_160 = arith.constant 0 : i32
      %dma_start3A_161 = arith.constant 0 : i32
      %dma_start3A_162 = tpu.memref_slice %arg7[%dma_start3A_160, %dma_start3A_161] : memref<30128x64xf32, #tpu.memory_space<vmem_shared>> -> memref<30128x64xf32, #tpu.memory_space<vmem_shared>>
      tpu.enqueue_indirect_dma source(%arg10 : memref<64x64xf32, #tpu.memory_space<vmem>>) target(%dma_start3A_162 : memref<30128x64xf32, #tpu.memory_space<vmem_shared>>) offsets(%dma_start3A_159 : memref<64xi32, #tpu.memory_space<vmem>>) semaphore(%arg14 : memref<!tpu.dma_semaphore, #tpu.memory_space<semaphore_mem>>) {add = true}
      %dma_wait3A_163 = arith.constant 5 : i32
      %dma_wait3A_164 = arith.constant 0 : i32
      %dma_wait3A_165 = tpu.memref_slice %arg8[%dma_wait3A_163, %dma_wait3A_164] : memref<16x64xi32, #tpu.memory_space<vmem>> -> memref<1x64xi32, #tpu.memory_space<vmem>>
      %dma_wait3A_166 = tpu.memref_squeeze %dma_wait3A_165 : memref<1x64xi32, #tpu.memory_space<vmem>> -> memref<64xi32, #tpu.memory_space<vmem>>
      %dma_wait3A_167 = arith.constant 0 : i32
      %dma_wait3A_168 = arith.constant 0 : i32
      %dma_wait3A_169 = tpu.memref_slice %arg2[%dma_wait3A_167, %dma_wait3A_168] : memref<30000x64xf32, #tpu.memory_space<hbm>> -> memref<30000x64xf32, #tpu.memory_space<hbm>>
      tpu.wait_indirect_dma semaphore(%arg13 : memref<!tpu.dma_semaphore, #tpu.memory_space<semaphore_mem>>) src(%dma_wait3A_169 : memref<30000x64xf32, #tpu.memory_space<hbm>>) dst(%arg11 : memref<64x64xf32, #tpu.memory_space<vmem>>)
      %dma_start3A_170 = arith.constant 5 : i32
      %dma_start3A_171 = arith.constant 0 : i32
      %dma_start3A_172 = tpu.memref_slice %arg9[%dma_start3A_170, %dma_start3A_171] : memref<16x64xi32, #tpu.memory_space<vmem>> -> memref<1x64xi32, #tpu.memory_space<vmem>>
      %dma_start3A_173 = tpu.memref_squeeze %dma_start3A_172 : memref<1x64xi32, #tpu.memory_space<vmem>> -> memref<64xi32, #tpu.memory_space<vmem>>
      %dma_start3A_174 = arith.constant 0 : i32
      %dma_start3A_175 = arith.constant 0 : i32
      %dma_start3A_176 = tpu.memref_slice %arg7[%dma_start3A_174, %dma_start3A_175] : memref<30128x64xf32, #tpu.memory_space<vmem_shared>> -> memref<30128x64xf32, #tpu.memory_space<vmem_shared>>
      tpu.enqueue_indirect_dma source(%arg11 : memref<64x64xf32, #tpu.memory_space<vmem>>) target(%dma_start3A_176 : memref<30128x64xf32, #tpu.memory_space<vmem_shared>>) offsets(%dma_start3A_173 : memref<64xi32, #tpu.memory_space<vmem>>) semaphore(%arg15 : memref<!tpu.dma_semaphore, #tpu.memory_space<semaphore_mem>>) {add = true}
      %dma_wait3A_177 = arith.constant 4 : i32
      %dma_wait3A_178 = arith.constant 0 : i32
      %dma_wait3A_179 = tpu.memref_slice %arg9[%dma_wait3A_177, %dma_wait3A_178] : memref<16x64xi32, #tpu.memory_space<vmem>> -> memref<1x64xi32, #tpu.memory_space<vmem>>
      %dma_wait3A_180 = tpu.memref_squeeze %dma_wait3A_179 : memref<1x64xi32, #tpu.memory_space<vmem>> -> memref<64xi32, #tpu.memory_space<vmem>>
      %dma_wait3A_181 = arith.constant 0 : i32
      %dma_wait3A_182 = arith.constant 0 : i32
      %dma_wait3A_183 = tpu.memref_slice %arg7[%dma_wait3A_181, %dma_wait3A_182] : memref<30128x64xf32, #tpu.memory_space<vmem_shared>> -> memref<30128x64xf32, #tpu.memory_space<vmem_shared>>
      tpu.wait_indirect_dma semaphore(%arg14 : memref<!tpu.dma_semaphore, #tpu.memory_space<semaphore_mem>>) src(%arg10 : memref<64x64xf32, #tpu.memory_space<vmem>>) dst(%dma_wait3A_183 : memref<30128x64xf32, #tpu.memory_space<vmem_shared>>)
      %dma_wait3A_184 = arith.constant 5 : i32
      %dma_wait3A_185 = arith.constant 0 : i32
      %dma_wait3A_186 = tpu.memref_slice %arg9[%dma_wait3A_184, %dma_wait3A_185] : memref<16x64xi32, #tpu.memory_space<vmem>> -> memref<1x64xi32, #tpu.memory_space<vmem>>
      %dma_wait3A_187 = tpu.memref_squeeze %dma_wait3A_186 : memref<1x64xi32, #tpu.memory_space<vmem>> -> memref<64xi32, #tpu.memory_space<vmem>>
      %dma_wait3A_188 = arith.constant 0 : i32
      %dma_wait3A_189 = arith.constant 0 : i32
      %dma_wait3A_190 = tpu.memref_slice %arg7[%dma_wait3A_188, %dma_wait3A_189] : memref<30128x64xf32, #tpu.memory_space<vmem_shared>> -> memref<30128x64xf32, #tpu.memory_space<vmem_shared>>
      tpu.wait_indirect_dma semaphore(%arg15 : memref<!tpu.dma_semaphore, #tpu.memory_space<semaphore_mem>>) src(%arg11 : memref<64x64xf32, #tpu.memory_space<vmem>>) dst(%dma_wait3A_190 : memref<30128x64xf32, #tpu.memory_space<vmem_shared>>)
      %dma_start3A_191 = arith.constant 6 : i32
      %dma_start3A_192 = arith.constant 0 : i32
      %dma_start3A_193 = tpu.memref_slice %arg8[%dma_start3A_191, %dma_start3A_192] : memref<16x64xi32, #tpu.memory_space<vmem>> -> memref<1x64xi32, #tpu.memory_space<vmem>>
      %dma_start3A_194 = tpu.memref_squeeze %dma_start3A_193 : memref<1x64xi32, #tpu.memory_space<vmem>> -> memref<64xi32, #tpu.memory_space<vmem>>
      %dma_start3A_195 = arith.constant 0 : i32
      %dma_start3A_196 = arith.constant 0 : i32
      %dma_start3A_197 = tpu.memref_slice %arg2[%dma_start3A_195, %dma_start3A_196] : memref<30000x64xf32, #tpu.memory_space<hbm>> -> memref<30000x64xf32, #tpu.memory_space<hbm>>
      tpu.enqueue_indirect_dma source(%dma_start3A_197 : memref<30000x64xf32, #tpu.memory_space<hbm>>) target(%arg10 : memref<64x64xf32, #tpu.memory_space<vmem>>) offsets(%dma_start3A_194 : memref<64xi32, #tpu.memory_space<vmem>>) semaphore(%arg12 : memref<!tpu.dma_semaphore, #tpu.memory_space<semaphore_mem>>)
      %dma_start3A_198 = arith.constant 7 : i32
      %dma_start3A_199 = arith.constant 0 : i32
      %dma_start3A_200 = tpu.memref_slice %arg8[%dma_start3A_198, %dma_start3A_199] : memref<16x64xi32, #tpu.memory_space<vmem>> -> memref<1x64xi32, #tpu.memory_space<vmem>>
      %dma_start3A_201 = tpu.memref_squeeze %dma_start3A_200 : memref<1x64xi32, #tpu.memory_space<vmem>> -> memref<64xi32, #tpu.memory_space<vmem>>
      %dma_start3A_202 = arith.constant 0 : i32
      %dma_start3A_203 = arith.constant 0 : i32
      %dma_start3A_204 = tpu.memref_slice %arg2[%dma_start3A_202, %dma_start3A_203] : memref<30000x64xf32, #tpu.memory_space<hbm>> -> memref<30000x64xf32, #tpu.memory_space<hbm>>
      tpu.enqueue_indirect_dma source(%dma_start3A_204 : memref<30000x64xf32, #tpu.memory_space<hbm>>) target(%arg11 : memref<64x64xf32, #tpu.memory_space<vmem>>) offsets(%dma_start3A_201 : memref<64xi32, #tpu.memory_space<vmem>>) semaphore(%arg13 : memref<!tpu.dma_semaphore, #tpu.memory_space<semaphore_mem>>)
      %dma_wait3A_205 = arith.constant 6 : i32
      %dma_wait3A_206 = arith.constant 0 : i32
      %dma_wait3A_207 = tpu.memref_slice %arg8[%dma_wait3A_205, %dma_wait3A_206] : memref<16x64xi32, #tpu.memory_space<vmem>> -> memref<1x64xi32, #tpu.memory_space<vmem>>
      %dma_wait3A_208 = tpu.memref_squeeze %dma_wait3A_207 : memref<1x64xi32, #tpu.memory_space<vmem>> -> memref<64xi32, #tpu.memory_space<vmem>>
      %dma_wait3A_209 = arith.constant 0 : i32
      %dma_wait3A_210 = arith.constant 0 : i32
      %dma_wait3A_211 = tpu.memref_slice %arg2[%dma_wait3A_209, %dma_wait3A_210] : memref<30000x64xf32, #tpu.memory_space<hbm>> -> memref<30000x64xf32, #tpu.memory_space<hbm>>
      tpu.wait_indirect_dma semaphore(%arg12 : memref<!tpu.dma_semaphore, #tpu.memory_space<semaphore_mem>>) src(%dma_wait3A_211 : memref<30000x64xf32, #tpu.memory_space<hbm>>) dst(%arg10 : memref<64x64xf32, #tpu.memory_space<vmem>>)
      %dma_start3A_212 = arith.constant 6 : i32
      %dma_start3A_213 = arith.constant 0 : i32
      %dma_start3A_214 = tpu.memref_slice %arg9[%dma_start3A_212, %dma_start3A_213] : memref<16x64xi32, #tpu.memory_space<vmem>> -> memref<1x64xi32, #tpu.memory_space<vmem>>
      %dma_start3A_215 = tpu.memref_squeeze %dma_start3A_214 : memref<1x64xi32, #tpu.memory_space<vmem>> -> memref<64xi32, #tpu.memory_space<vmem>>
      %dma_start3A_216 = arith.constant 0 : i32
      %dma_start3A_217 = arith.constant 0 : i32
      %dma_start3A_218 = tpu.memref_slice %arg7[%dma_start3A_216, %dma_start3A_217] : memref<30128x64xf32, #tpu.memory_space<vmem_shared>> -> memref<30128x64xf32, #tpu.memory_space<vmem_shared>>
      tpu.enqueue_indirect_dma source(%arg10 : memref<64x64xf32, #tpu.memory_space<vmem>>) target(%dma_start3A_218 : memref<30128x64xf32, #tpu.memory_space<vmem_shared>>) offsets(%dma_start3A_215 : memref<64xi32, #tpu.memory_space<vmem>>) semaphore(%arg14 : memref<!tpu.dma_semaphore, #tpu.memory_space<semaphore_mem>>) {add = true}
      %dma_wait3A_219 = arith.constant 7 : i32
      %dma_wait3A_220 = arith.constant 0 : i32
      %dma_wait3A_221 = tpu.memref_slice %arg8[%dma_wait3A_219, %dma_wait3A_220] : memref<16x64xi32, #tpu.memory_space<vmem>> -> memref<1x64xi32, #tpu.memory_space<vmem>>
      %dma_wait3A_222 = tpu.memref_squeeze %dma_wait3A_221 : memref<1x64xi32, #tpu.memory_space<vmem>> -> memref<64xi32, #tpu.memory_space<vmem>>
      %dma_wait3A_223 = arith.constant 0 : i32
      %dma_wait3A_224 = arith.constant 0 : i32
      %dma_wait3A_225 = tpu.memref_slice %arg2[%dma_wait3A_223, %dma_wait3A_224] : memref<30000x64xf32, #tpu.memory_space<hbm>> -> memref<30000x64xf32, #tpu.memory_space<hbm>>
      tpu.wait_indirect_dma semaphore(%arg13 : memref<!tpu.dma_semaphore, #tpu.memory_space<semaphore_mem>>) src(%dma_wait3A_225 : memref<30000x64xf32, #tpu.memory_space<hbm>>) dst(%arg11 : memref<64x64xf32, #tpu.memory_space<vmem>>)
      %dma_start3A_226 = arith.constant 7 : i32
      %dma_start3A_227 = arith.constant 0 : i32
      %dma_start3A_228 = tpu.memref_slice %arg9[%dma_start3A_226, %dma_start3A_227] : memref<16x64xi32, #tpu.memory_space<vmem>> -> memref<1x64xi32, #tpu.memory_space<vmem>>
      %dma_start3A_229 = tpu.memref_squeeze %dma_start3A_228 : memref<1x64xi32, #tpu.memory_space<vmem>> -> memref<64xi32, #tpu.memory_space<vmem>>
      %dma_start3A_230 = arith.constant 0 : i32
      %dma_start3A_231 = arith.constant 0 : i32
      %dma_start3A_232 = tpu.memref_slice %arg7[%dma_start3A_230, %dma_start3A_231] : memref<30128x64xf32, #tpu.memory_space<vmem_shared>> -> memref<30128x64xf32, #tpu.memory_space<vmem_shared>>
      tpu.enqueue_indirect_dma source(%arg11 : memref<64x64xf32, #tpu.memory_space<vmem>>) target(%dma_start3A_232 : memref<30128x64xf32, #tpu.memory_space<vmem_shared>>) offsets(%dma_start3A_229 : memref<64xi32, #tpu.memory_space<vmem>>) semaphore(%arg15 : memref<!tpu.dma_semaphore, #tpu.memory_space<semaphore_mem>>) {add = true}
      %dma_wait3A_233 = arith.constant 6 : i32
      %dma_wait3A_234 = arith.constant 0 : i32
      %dma_wait3A_235 = tpu.memref_slice %arg9[%dma_wait3A_233, %dma_wait3A_234] : memref<16x64xi32, #tpu.memory_space<vmem>> -> memref<1x64xi32, #tpu.memory_space<vmem>>
      %dma_wait3A_236 = tpu.memref_squeeze %dma_wait3A_235 : memref<1x64xi32, #tpu.memory_space<vmem>> -> memref<64xi32, #tpu.memory_space<vmem>>
      %dma_wait3A_237 = arith.constant 0 : i32
      %dma_wait3A_238 = arith.constant 0 : i32
      %dma_wait3A_239 = tpu.memref_slice %arg7[%dma_wait3A_237, %dma_wait3A_238] : memref<30128x64xf32, #tpu.memory_space<vmem_shared>> -> memref<30128x64xf32, #tpu.memory_space<vmem_shared>>
      tpu.wait_indirect_dma semaphore(%arg14 : memref<!tpu.dma_semaphore, #tpu.memory_space<semaphore_mem>>) src(%arg10 : memref<64x64xf32, #tpu.memory_space<vmem>>) dst(%dma_wait3A_239 : memref<30128x64xf32, #tpu.memory_space<vmem_shared>>)
      %dma_wait3A_240 = arith.constant 7 : i32
      %dma_wait3A_241 = arith.constant 0 : i32
      %dma_wait3A_242 = tpu.memref_slice %arg9[%dma_wait3A_240, %dma_wait3A_241] : memref<16x64xi32, #tpu.memory_space<vmem>> -> memref<1x64xi32, #tpu.memory_space<vmem>>
      %dma_wait3A_243 = tpu.memref_squeeze %dma_wait3A_242 : memref<1x64xi32, #tpu.memory_space<vmem>> -> memref<64xi32, #tpu.memory_space<vmem>>
      %dma_wait3A_244 = arith.constant 0 : i32
      %dma_wait3A_245 = arith.constant 0 : i32
      %dma_wait3A_246 = tpu.memref_slice %arg7[%dma_wait3A_244, %dma_wait3A_245] : memref<30128x64xf32, #tpu.memory_space<vmem_shared>> -> memref<30128x64xf32, #tpu.memory_space<vmem_shared>>
      tpu.wait_indirect_dma semaphore(%arg15 : memref<!tpu.dma_semaphore, #tpu.memory_space<semaphore_mem>>) src(%arg11 : memref<64x64xf32, #tpu.memory_space<vmem>>) dst(%dma_wait3A_246 : memref<30128x64xf32, #tpu.memory_space<vmem_shared>>)
      %dma_start3A_247 = arith.constant 8 : i32
      %dma_start3A_248 = arith.constant 0 : i32
      %dma_start3A_249 = tpu.memref_slice %arg8[%dma_start3A_247, %dma_start3A_248] : memref<16x64xi32, #tpu.memory_space<vmem>> -> memref<1x64xi32, #tpu.memory_space<vmem>>
      %dma_start3A_250 = tpu.memref_squeeze %dma_start3A_249 : memref<1x64xi32, #tpu.memory_space<vmem>> -> memref<64xi32, #tpu.memory_space<vmem>>
      %dma_start3A_251 = arith.constant 0 : i32
      %dma_start3A_252 = arith.constant 0 : i32
      %dma_start3A_253 = tpu.memref_slice %arg2[%dma_start3A_251, %dma_start3A_252] : memref<30000x64xf32, #tpu.memory_space<hbm>> -> memref<30000x64xf32, #tpu.memory_space<hbm>>
      tpu.enqueue_indirect_dma source(%dma_start3A_253 : memref<30000x64xf32, #tpu.memory_space<hbm>>) target(%arg10 : memref<64x64xf32, #tpu.memory_space<vmem>>) offsets(%dma_start3A_250 : memref<64xi32, #tpu.memory_space<vmem>>) semaphore(%arg12 : memref<!tpu.dma_semaphore, #tpu.memory_space<semaphore_mem>>)
      %dma_start3A_254 = arith.constant 9 : i32
      %dma_start3A_255 = arith.constant 0 : i32
      %dma_start3A_256 = tpu.memref_slice %arg8[%dma_start3A_254, %dma_start3A_255] : memref<16x64xi32, #tpu.memory_space<vmem>> -> memref<1x64xi32, #tpu.memory_space<vmem>>
      %dma_start3A_257 = tpu.memref_squeeze %dma_start3A_256 : memref<1x64xi32, #tpu.memory_space<vmem>> -> memref<64xi32, #tpu.memory_space<vmem>>
      %dma_start3A_258 = arith.constant 0 : i32
      %dma_start3A_259 = arith.constant 0 : i32
      %dma_start3A_260 = tpu.memref_slice %arg2[%dma_start3A_258, %dma_start3A_259] : memref<30000x64xf32, #tpu.memory_space<hbm>> -> memref<30000x64xf32, #tpu.memory_space<hbm>>
      tpu.enqueue_indirect_dma source(%dma_start3A_260 : memref<30000x64xf32, #tpu.memory_space<hbm>>) target(%arg11 : memref<64x64xf32, #tpu.memory_space<vmem>>) offsets(%dma_start3A_257 : memref<64xi32, #tpu.memory_space<vmem>>) semaphore(%arg13 : memref<!tpu.dma_semaphore, #tpu.memory_space<semaphore_mem>>)
      %dma_wait3A_261 = arith.constant 8 : i32
      %dma_wait3A_262 = arith.constant 0 : i32
      %dma_wait3A_263 = tpu.memref_slice %arg8[%dma_wait3A_261, %dma_wait3A_262] : memref<16x64xi32, #tpu.memory_space<vmem>> -> memref<1x64xi32, #tpu.memory_space<vmem>>
      %dma_wait3A_264 = tpu.memref_squeeze %dma_wait3A_263 : memref<1x64xi32, #tpu.memory_space<vmem>> -> memref<64xi32, #tpu.memory_space<vmem>>
      %dma_wait3A_265 = arith.constant 0 : i32
      %dma_wait3A_266 = arith.constant 0 : i32
      %dma_wait3A_267 = tpu.memref_slice %arg2[%dma_wait3A_265, %dma_wait3A_266] : memref<30000x64xf32, #tpu.memory_space<hbm>> -> memref<30000x64xf32, #tpu.memory_space<hbm>>
      tpu.wait_indirect_dma semaphore(%arg12 : memref<!tpu.dma_semaphore, #tpu.memory_space<semaphore_mem>>) src(%dma_wait3A_267 : memref<30000x64xf32, #tpu.memory_space<hbm>>) dst(%arg10 : memref<64x64xf32, #tpu.memory_space<vmem>>)
      %dma_start3A_268 = arith.constant 8 : i32
      %dma_start3A_269 = arith.constant 0 : i32
      %dma_start3A_270 = tpu.memref_slice %arg9[%dma_start3A_268, %dma_start3A_269] : memref<16x64xi32, #tpu.memory_space<vmem>> -> memref<1x64xi32, #tpu.memory_space<vmem>>
      %dma_start3A_271 = tpu.memref_squeeze %dma_start3A_270 : memref<1x64xi32, #tpu.memory_space<vmem>> -> memref<64xi32, #tpu.memory_space<vmem>>
      %dma_start3A_272 = arith.constant 0 : i32
      %dma_start3A_273 = arith.constant 0 : i32
      %dma_start3A_274 = tpu.memref_slice %arg7[%dma_start3A_272, %dma_start3A_273] : memref<30128x64xf32, #tpu.memory_space<vmem_shared>> -> memref<30128x64xf32, #tpu.memory_space<vmem_shared>>
      tpu.enqueue_indirect_dma source(%arg10 : memref<64x64xf32, #tpu.memory_space<vmem>>) target(%dma_start3A_274 : memref<30128x64xf32, #tpu.memory_space<vmem_shared>>) offsets(%dma_start3A_271 : memref<64xi32, #tpu.memory_space<vmem>>) semaphore(%arg14 : memref<!tpu.dma_semaphore, #tpu.memory_space<semaphore_mem>>) {add = true}
      %dma_wait3A_275 = arith.constant 9 : i32
      %dma_wait3A_276 = arith.constant 0 : i32
      %dma_wait3A_277 = tpu.memref_slice %arg8[%dma_wait3A_275, %dma_wait3A_276] : memref<16x64xi32, #tpu.memory_space<vmem>> -> memref<1x64xi32, #tpu.memory_space<vmem>>
      %dma_wait3A_278 = tpu.memref_squeeze %dma_wait3A_277 : memref<1x64xi32, #tpu.memory_space<vmem>> -> memref<64xi32, #tpu.memory_space<vmem>>
      %dma_wait3A_279 = arith.constant 0 : i32
      %dma_wait3A_280 = arith.constant 0 : i32
      %dma_wait3A_281 = tpu.memref_slice %arg2[%dma_wait3A_279, %dma_wait3A_280] : memref<30000x64xf32, #tpu.memory_space<hbm>> -> memref<30000x64xf32, #tpu.memory_space<hbm>>
      tpu.wait_indirect_dma semaphore(%arg13 : memref<!tpu.dma_semaphore, #tpu.memory_space<semaphore_mem>>) src(%dma_wait3A_281 : memref<30000x64xf32, #tpu.memory_space<hbm>>) dst(%arg11 : memref<64x64xf32, #tpu.memory_space<vmem>>)
      %dma_start3A_282 = arith.constant 9 : i32
      %dma_start3A_283 = arith.constant 0 : i32
      %dma_start3A_284 = tpu.memref_slice %arg9[%dma_start3A_282, %dma_start3A_283] : memref<16x64xi32, #tpu.memory_space<vmem>> -> memref<1x64xi32, #tpu.memory_space<vmem>>
      %dma_start3A_285 = tpu.memref_squeeze %dma_start3A_284 : memref<1x64xi32, #tpu.memory_space<vmem>> -> memref<64xi32, #tpu.memory_space<vmem>>
      %dma_start3A_286 = arith.constant 0 : i32
      %dma_start3A_287 = arith.constant 0 : i32
      %dma_start3A_288 = tpu.memref_slice %arg7[%dma_start3A_286, %dma_start3A_287] : memref<30128x64xf32, #tpu.memory_space<vmem_shared>> -> memref<30128x64xf32, #tpu.memory_space<vmem_shared>>
      tpu.enqueue_indirect_dma source(%arg11 : memref<64x64xf32, #tpu.memory_space<vmem>>) target(%dma_start3A_288 : memref<30128x64xf32, #tpu.memory_space<vmem_shared>>) offsets(%dma_start3A_285 : memref<64xi32, #tpu.memory_space<vmem>>) semaphore(%arg15 : memref<!tpu.dma_semaphore, #tpu.memory_space<semaphore_mem>>) {add = true}
      %dma_wait3A_289 = arith.constant 8 : i32
      %dma_wait3A_290 = arith.constant 0 : i32
      %dma_wait3A_291 = tpu.memref_slice %arg9[%dma_wait3A_289, %dma_wait3A_290] : memref<16x64xi32, #tpu.memory_space<vmem>> -> memref<1x64xi32, #tpu.memory_space<vmem>>
      %dma_wait3A_292 = tpu.memref_squeeze %dma_wait3A_291 : memref<1x64xi32, #tpu.memory_space<vmem>> -> memref<64xi32, #tpu.memory_space<vmem>>
      %dma_wait3A_293 = arith.constant 0 : i32
      %dma_wait3A_294 = arith.constant 0 : i32
      %dma_wait3A_295 = tpu.memref_slice %arg7[%dma_wait3A_293, %dma_wait3A_294] : memref<30128x64xf32, #tpu.memory_space<vmem_shared>> -> memref<30128x64xf32, #tpu.memory_space<vmem_shared>>
      tpu.wait_indirect_dma semaphore(%arg14 : memref<!tpu.dma_semaphore, #tpu.memory_space<semaphore_mem>>) src(%arg10 : memref<64x64xf32, #tpu.memory_space<vmem>>) dst(%dma_wait3A_295 : memref<30128x64xf32, #tpu.memory_space<vmem_shared>>)
      %dma_wait3A_296 = arith.constant 9 : i32
      %dma_wait3A_297 = arith.constant 0 : i32
      %dma_wait3A_298 = tpu.memref_slice %arg9[%dma_wait3A_296, %dma_wait3A_297] : memref<16x64xi32, #tpu.memory_space<vmem>> -> memref<1x64xi32, #tpu.memory_space<vmem>>
      %dma_wait3A_299 = tpu.memref_squeeze %dma_wait3A_298 : memref<1x64xi32, #tpu.memory_space<vmem>> -> memref<64xi32, #tpu.memory_space<vmem>>
      %dma_wait3A_300 = arith.constant 0 : i32
      %dma_wait3A_301 = arith.constant 0 : i32
      %dma_wait3A_302 = tpu.memref_slice %arg7[%dma_wait3A_300, %dma_wait3A_301] : memref<30128x64xf32, #tpu.memory_space<vmem_shared>> -> memref<30128x64xf32, #tpu.memory_space<vmem_shared>>
      tpu.wait_indirect_dma semaphore(%arg15 : memref<!tpu.dma_semaphore, #tpu.memory_space<semaphore_mem>>) src(%arg11 : memref<64x64xf32, #tpu.memory_space<vmem>>) dst(%dma_wait3A_302 : memref<30128x64xf32, #tpu.memory_space<vmem_shared>>)
      %dma_start3A_303 = arith.constant 10 : i32
      %dma_start3A_304 = arith.constant 0 : i32
      %dma_start3A_305 = tpu.memref_slice %arg8[%dma_start3A_303, %dma_start3A_304] : memref<16x64xi32, #tpu.memory_space<vmem>> -> memref<1x64xi32, #tpu.memory_space<vmem>>
      %dma_start3A_306 = tpu.memref_squeeze %dma_start3A_305 : memref<1x64xi32, #tpu.memory_space<vmem>> -> memref<64xi32, #tpu.memory_space<vmem>>
      %dma_start3A_307 = arith.constant 0 : i32
      %dma_start3A_308 = arith.constant 0 : i32
      %dma_start3A_309 = tpu.memref_slice %arg2[%dma_start3A_307, %dma_start3A_308] : memref<30000x64xf32, #tpu.memory_space<hbm>> -> memref<30000x64xf32, #tpu.memory_space<hbm>>
      tpu.enqueue_indirect_dma source(%dma_start3A_309 : memref<30000x64xf32, #tpu.memory_space<hbm>>) target(%arg10 : memref<64x64xf32, #tpu.memory_space<vmem>>) offsets(%dma_start3A_306 : memref<64xi32, #tpu.memory_space<vmem>>) semaphore(%arg12 : memref<!tpu.dma_semaphore, #tpu.memory_space<semaphore_mem>>)
      %dma_start3A_310 = arith.constant 11 : i32
      %dma_start3A_311 = arith.constant 0 : i32
      %dma_start3A_312 = tpu.memref_slice %arg8[%dma_start3A_310, %dma_start3A_311] : memref<16x64xi32, #tpu.memory_space<vmem>> -> memref<1x64xi32, #tpu.memory_space<vmem>>
      %dma_start3A_313 = tpu.memref_squeeze %dma_start3A_312 : memref<1x64xi32, #tpu.memory_space<vmem>> -> memref<64xi32, #tpu.memory_space<vmem>>
      %dma_start3A_314 = arith.constant 0 : i32
      %dma_start3A_315 = arith.constant 0 : i32
      %dma_start3A_316 = tpu.memref_slice %arg2[%dma_start3A_314, %dma_start3A_315] : memref<30000x64xf32, #tpu.memory_space<hbm>> -> memref<30000x64xf32, #tpu.memory_space<hbm>>
      tpu.enqueue_indirect_dma source(%dma_start3A_316 : memref<30000x64xf32, #tpu.memory_space<hbm>>) target(%arg11 : memref<64x64xf32, #tpu.memory_space<vmem>>) offsets(%dma_start3A_313 : memref<64xi32, #tpu.memory_space<vmem>>) semaphore(%arg13 : memref<!tpu.dma_semaphore, #tpu.memory_space<semaphore_mem>>)
      %dma_wait3A_317 = arith.constant 10 : i32
      %dma_wait3A_318 = arith.constant 0 : i32
      %dma_wait3A_319 = tpu.memref_slice %arg8[%dma_wait3A_317, %dma_wait3A_318] : memref<16x64xi32, #tpu.memory_space<vmem>> -> memref<1x64xi32, #tpu.memory_space<vmem>>
      %dma_wait3A_320 = tpu.memref_squeeze %dma_wait3A_319 : memref<1x64xi32, #tpu.memory_space<vmem>> -> memref<64xi32, #tpu.memory_space<vmem>>
      %dma_wait3A_321 = arith.constant 0 : i32
      %dma_wait3A_322 = arith.constant 0 : i32
      %dma_wait3A_323 = tpu.memref_slice %arg2[%dma_wait3A_321, %dma_wait3A_322] : memref<30000x64xf32, #tpu.memory_space<hbm>> -> memref<30000x64xf32, #tpu.memory_space<hbm>>
      tpu.wait_indirect_dma semaphore(%arg12 : memref<!tpu.dma_semaphore, #tpu.memory_space<semaphore_mem>>) src(%dma_wait3A_323 : memref<30000x64xf32, #tpu.memory_space<hbm>>) dst(%arg10 : memref<64x64xf32, #tpu.memory_space<vmem>>)
      %dma_start3A_324 = arith.constant 10 : i32
      %dma_start3A_325 = arith.constant 0 : i32
      %dma_start3A_326 = tpu.memref_slice %arg9[%dma_start3A_324, %dma_start3A_325] : memref<16x64xi32, #tpu.memory_space<vmem>> -> memref<1x64xi32, #tpu.memory_space<vmem>>
      %dma_start3A_327 = tpu.memref_squeeze %dma_start3A_326 : memref<1x64xi32, #tpu.memory_space<vmem>> -> memref<64xi32, #tpu.memory_space<vmem>>
      %dma_start3A_328 = arith.constant 0 : i32
      %dma_start3A_329 = arith.constant 0 : i32
      %dma_start3A_330 = tpu.memref_slice %arg7[%dma_start3A_328, %dma_start3A_329] : memref<30128x64xf32, #tpu.memory_space<vmem_shared>> -> memref<30128x64xf32, #tpu.memory_space<vmem_shared>>
      tpu.enqueue_indirect_dma source(%arg10 : memref<64x64xf32, #tpu.memory_space<vmem>>) target(%dma_start3A_330 : memref<30128x64xf32, #tpu.memory_space<vmem_shared>>) offsets(%dma_start3A_327 : memref<64xi32, #tpu.memory_space<vmem>>) semaphore(%arg14 : memref<!tpu.dma_semaphore, #tpu.memory_space<semaphore_mem>>) {add = true}
      %dma_wait3A_331 = arith.constant 11 : i32
      %dma_wait3A_332 = arith.constant 0 : i32
      %dma_wait3A_333 = tpu.memref_slice %arg8[%dma_wait3A_331, %dma_wait3A_332] : memref<16x64xi32, #tpu.memory_space<vmem>> -> memref<1x64xi32, #tpu.memory_space<vmem>>
      %dma_wait3A_334 = tpu.memref_squeeze %dma_wait3A_333 : memref<1x64xi32, #tpu.memory_space<vmem>> -> memref<64xi32, #tpu.memory_space<vmem>>
      %dma_wait3A_335 = arith.constant 0 : i32
      %dma_wait3A_336 = arith.constant 0 : i32
      %dma_wait3A_337 = tpu.memref_slice %arg2[%dma_wait3A_335, %dma_wait3A_336] : memref<30000x64xf32, #tpu.memory_space<hbm>> -> memref<30000x64xf32, #tpu.memory_space<hbm>>
      tpu.wait_indirect_dma semaphore(%arg13 : memref<!tpu.dma_semaphore, #tpu.memory_space<semaphore_mem>>) src(%dma_wait3A_337 : memref<30000x64xf32, #tpu.memory_space<hbm>>) dst(%arg11 : memref<64x64xf32, #tpu.memory_space<vmem>>)
      %dma_start3A_338 = arith.constant 11 : i32
      %dma_start3A_339 = arith.constant 0 : i32
      %dma_start3A_340 = tpu.memref_slice %arg9[%dma_start3A_338, %dma_start3A_339] : memref<16x64xi32, #tpu.memory_space<vmem>> -> memref<1x64xi32, #tpu.memory_space<vmem>>
      %dma_start3A_341 = tpu.memref_squeeze %dma_start3A_340 : memref<1x64xi32, #tpu.memory_space<vmem>> -> memref<64xi32, #tpu.memory_space<vmem>>
      %dma_start3A_342 = arith.constant 0 : i32
      %dma_start3A_343 = arith.constant 0 : i32
      %dma_start3A_344 = tpu.memref_slice %arg7[%dma_start3A_342, %dma_start3A_343] : memref<30128x64xf32, #tpu.memory_space<vmem_shared>> -> memref<30128x64xf32, #tpu.memory_space<vmem_shared>>
      tpu.enqueue_indirect_dma source(%arg11 : memref<64x64xf32, #tpu.memory_space<vmem>>) target(%dma_start3A_344 : memref<30128x64xf32, #tpu.memory_space<vmem_shared>>) offsets(%dma_start3A_341 : memref<64xi32, #tpu.memory_space<vmem>>) semaphore(%arg15 : memref<!tpu.dma_semaphore, #tpu.memory_space<semaphore_mem>>) {add = true}
      %dma_wait3A_345 = arith.constant 10 : i32
      %dma_wait3A_346 = arith.constant 0 : i32
      %dma_wait3A_347 = tpu.memref_slice %arg9[%dma_wait3A_345, %dma_wait3A_346] : memref<16x64xi32, #tpu.memory_space<vmem>> -> memref<1x64xi32, #tpu.memory_space<vmem>>
      %dma_wait3A_348 = tpu.memref_squeeze %dma_wait3A_347 : memref<1x64xi32, #tpu.memory_space<vmem>> -> memref<64xi32, #tpu.memory_space<vmem>>
      %dma_wait3A_349 = arith.constant 0 : i32
      %dma_wait3A_350 = arith.constant 0 : i32
      %dma_wait3A_351 = tpu.memref_slice %arg7[%dma_wait3A_349, %dma_wait3A_350] : memref<30128x64xf32, #tpu.memory_space<vmem_shared>> -> memref<30128x64xf32, #tpu.memory_space<vmem_shared>>
      tpu.wait_indirect_dma semaphore(%arg14 : memref<!tpu.dma_semaphore, #tpu.memory_space<semaphore_mem>>) src(%arg10 : memref<64x64xf32, #tpu.memory_space<vmem>>) dst(%dma_wait3A_351 : memref<30128x64xf32, #tpu.memory_space<vmem_shared>>)
      %dma_wait3A_352 = arith.constant 11 : i32
      %dma_wait3A_353 = arith.constant 0 : i32
      %dma_wait3A_354 = tpu.memref_slice %arg9[%dma_wait3A_352, %dma_wait3A_353] : memref<16x64xi32, #tpu.memory_space<vmem>> -> memref<1x64xi32, #tpu.memory_space<vmem>>
      %dma_wait3A_355 = tpu.memref_squeeze %dma_wait3A_354 : memref<1x64xi32, #tpu.memory_space<vmem>> -> memref<64xi32, #tpu.memory_space<vmem>>
      %dma_wait3A_356 = arith.constant 0 : i32
      %dma_wait3A_357 = arith.constant 0 : i32
      %dma_wait3A_358 = tpu.memref_slice %arg7[%dma_wait3A_356, %dma_wait3A_357] : memref<30128x64xf32, #tpu.memory_space<vmem_shared>> -> memref<30128x64xf32, #tpu.memory_space<vmem_shared>>
      tpu.wait_indirect_dma semaphore(%arg15 : memref<!tpu.dma_semaphore, #tpu.memory_space<semaphore_mem>>) src(%arg11 : memref<64x64xf32, #tpu.memory_space<vmem>>) dst(%dma_wait3A_358 : memref<30128x64xf32, #tpu.memory_space<vmem_shared>>)
      %dma_start3A_359 = arith.constant 12 : i32
      %dma_start3A_360 = arith.constant 0 : i32
      %dma_start3A_361 = tpu.memref_slice %arg8[%dma_start3A_359, %dma_start3A_360] : memref<16x64xi32, #tpu.memory_space<vmem>> -> memref<1x64xi32, #tpu.memory_space<vmem>>
      %dma_start3A_362 = tpu.memref_squeeze %dma_start3A_361 : memref<1x64xi32, #tpu.memory_space<vmem>> -> memref<64xi32, #tpu.memory_space<vmem>>
      %dma_start3A_363 = arith.constant 0 : i32
      %dma_start3A_364 = arith.constant 0 : i32
      %dma_start3A_365 = tpu.memref_slice %arg2[%dma_start3A_363, %dma_start3A_364] : memref<30000x64xf32, #tpu.memory_space<hbm>> -> memref<30000x64xf32, #tpu.memory_space<hbm>>
      tpu.enqueue_indirect_dma source(%dma_start3A_365 : memref<30000x64xf32, #tpu.memory_space<hbm>>) target(%arg10 : memref<64x64xf32, #tpu.memory_space<vmem>>) offsets(%dma_start3A_362 : memref<64xi32, #tpu.memory_space<vmem>>) semaphore(%arg12 : memref<!tpu.dma_semaphore, #tpu.memory_space<semaphore_mem>>)
      %dma_start3A_366 = arith.constant 13 : i32
      %dma_start3A_367 = arith.constant 0 : i32
      %dma_start3A_368 = tpu.memref_slice %arg8[%dma_start3A_366, %dma_start3A_367] : memref<16x64xi32, #tpu.memory_space<vmem>> -> memref<1x64xi32, #tpu.memory_space<vmem>>
      %dma_start3A_369 = tpu.memref_squeeze %dma_start3A_368 : memref<1x64xi32, #tpu.memory_space<vmem>> -> memref<64xi32, #tpu.memory_space<vmem>>
      %dma_start3A_370 = arith.constant 0 : i32
      %dma_start3A_371 = arith.constant 0 : i32
      %dma_start3A_372 = tpu.memref_slice %arg2[%dma_start3A_370, %dma_start3A_371] : memref<30000x64xf32, #tpu.memory_space<hbm>> -> memref<30000x64xf32, #tpu.memory_space<hbm>>
      tpu.enqueue_indirect_dma source(%dma_start3A_372 : memref<30000x64xf32, #tpu.memory_space<hbm>>) target(%arg11 : memref<64x64xf32, #tpu.memory_space<vmem>>) offsets(%dma_start3A_369 : memref<64xi32, #tpu.memory_space<vmem>>) semaphore(%arg13 : memref<!tpu.dma_semaphore, #tpu.memory_space<semaphore_mem>>)
      %dma_wait3A_373 = arith.constant 12 : i32
      %dma_wait3A_374 = arith.constant 0 : i32
      %dma_wait3A_375 = tpu.memref_slice %arg8[%dma_wait3A_373, %dma_wait3A_374] : memref<16x64xi32, #tpu.memory_space<vmem>> -> memref<1x64xi32, #tpu.memory_space<vmem>>
      %dma_wait3A_376 = tpu.memref_squeeze %dma_wait3A_375 : memref<1x64xi32, #tpu.memory_space<vmem>> -> memref<64xi32, #tpu.memory_space<vmem>>
      %dma_wait3A_377 = arith.constant 0 : i32
      %dma_wait3A_378 = arith.constant 0 : i32
      %dma_wait3A_379 = tpu.memref_slice %arg2[%dma_wait3A_377, %dma_wait3A_378] : memref<30000x64xf32, #tpu.memory_space<hbm>> -> memref<30000x64xf32, #tpu.memory_space<hbm>>
      tpu.wait_indirect_dma semaphore(%arg12 : memref<!tpu.dma_semaphore, #tpu.memory_space<semaphore_mem>>) src(%dma_wait3A_379 : memref<30000x64xf32, #tpu.memory_space<hbm>>) dst(%arg10 : memref<64x64xf32, #tpu.memory_space<vmem>>)
      %dma_start3A_380 = arith.constant 12 : i32
      %dma_start3A_381 = arith.constant 0 : i32
      %dma_start3A_382 = tpu.memref_slice %arg9[%dma_start3A_380, %dma_start3A_381] : memref<16x64xi32, #tpu.memory_space<vmem>> -> memref<1x64xi32, #tpu.memory_space<vmem>>
      %dma_start3A_383 = tpu.memref_squeeze %dma_start3A_382 : memref<1x64xi32, #tpu.memory_space<vmem>> -> memref<64xi32, #tpu.memory_space<vmem>>
      %dma_start3A_384 = arith.constant 0 : i32
      %dma_start3A_385 = arith.constant 0 : i32
      %dma_start3A_386 = tpu.memref_slice %arg7[%dma_start3A_384, %dma_start3A_385] : memref<30128x64xf32, #tpu.memory_space<vmem_shared>> -> memref<30128x64xf32, #tpu.memory_space<vmem_shared>>
      tpu.enqueue_indirect_dma source(%arg10 : memref<64x64xf32, #tpu.memory_space<vmem>>) target(%dma_start3A_386 : memref<30128x64xf32, #tpu.memory_space<vmem_shared>>) offsets(%dma_start3A_383 : memref<64xi32, #tpu.memory_space<vmem>>) semaphore(%arg14 : memref<!tpu.dma_semaphore, #tpu.memory_space<semaphore_mem>>) {add = true}
      %dma_wait3A_387 = arith.constant 13 : i32
      %dma_wait3A_388 = arith.constant 0 : i32
      %dma_wait3A_389 = tpu.memref_slice %arg8[%dma_wait3A_387, %dma_wait3A_388] : memref<16x64xi32, #tpu.memory_space<vmem>> -> memref<1x64xi32, #tpu.memory_space<vmem>>
      %dma_wait3A_390 = tpu.memref_squeeze %dma_wait3A_389 : memref<1x64xi32, #tpu.memory_space<vmem>> -> memref<64xi32, #tpu.memory_space<vmem>>
      %dma_wait3A_391 = arith.constant 0 : i32
      %dma_wait3A_392 = arith.constant 0 : i32
      %dma_wait3A_393 = tpu.memref_slice %arg2[%dma_wait3A_391, %dma_wait3A_392] : memref<30000x64xf32, #tpu.memory_space<hbm>> -> memref<30000x64xf32, #tpu.memory_space<hbm>>
      tpu.wait_indirect_dma semaphore(%arg13 : memref<!tpu.dma_semaphore, #tpu.memory_space<semaphore_mem>>) src(%dma_wait3A_393 : memref<30000x64xf32, #tpu.memory_space<hbm>>) dst(%arg11 : memref<64x64xf32, #tpu.memory_space<vmem>>)
      %dma_start3A_394 = arith.constant 13 : i32
      %dma_start3A_395 = arith.constant 0 : i32
      %dma_start3A_396 = tpu.memref_slice %arg9[%dma_start3A_394, %dma_start3A_395] : memref<16x64xi32, #tpu.memory_space<vmem>> -> memref<1x64xi32, #tpu.memory_space<vmem>>
      %dma_start3A_397 = tpu.memref_squeeze %dma_start3A_396 : memref<1x64xi32, #tpu.memory_space<vmem>> -> memref<64xi32, #tpu.memory_space<vmem>>
      %dma_start3A_398 = arith.constant 0 : i32
      %dma_start3A_399 = arith.constant 0 : i32
      %dma_start3A_400 = tpu.memref_slice %arg7[%dma_start3A_398, %dma_start3A_399] : memref<30128x64xf32, #tpu.memory_space<vmem_shared>> -> memref<30128x64xf32, #tpu.memory_space<vmem_shared>>
      tpu.enqueue_indirect_dma source(%arg11 : memref<64x64xf32, #tpu.memory_space<vmem>>) target(%dma_start3A_400 : memref<30128x64xf32, #tpu.memory_space<vmem_shared>>) offsets(%dma_start3A_397 : memref<64xi32, #tpu.memory_space<vmem>>) semaphore(%arg15 : memref<!tpu.dma_semaphore, #tpu.memory_space<semaphore_mem>>) {add = true}
      %dma_wait3A_401 = arith.constant 12 : i32
      %dma_wait3A_402 = arith.constant 0 : i32
      %dma_wait3A_403 = tpu.memref_slice %arg9[%dma_wait3A_401, %dma_wait3A_402] : memref<16x64xi32, #tpu.memory_space<vmem>> -> memref<1x64xi32, #tpu.memory_space<vmem>>
      %dma_wait3A_404 = tpu.memref_squeeze %dma_wait3A_403 : memref<1x64xi32, #tpu.memory_space<vmem>> -> memref<64xi32, #tpu.memory_space<vmem>>
      %dma_wait3A_405 = arith.constant 0 : i32
      %dma_wait3A_406 = arith.constant 0 : i32
      %dma_wait3A_407 = tpu.memref_slice %arg7[%dma_wait3A_405, %dma_wait3A_406] : memref<30128x64xf32, #tpu.memory_space<vmem_shared>> -> memref<30128x64xf32, #tpu.memory_space<vmem_shared>>
      tpu.wait_indirect_dma semaphore(%arg14 : memref<!tpu.dma_semaphore, #tpu.memory_space<semaphore_mem>>) src(%arg10 : memref<64x64xf32, #tpu.memory_space<vmem>>) dst(%dma_wait3A_407 : memref<30128x64xf32, #tpu.memory_space<vmem_shared>>)
      %dma_wait3A_408 = arith.constant 13 : i32
      %dma_wait3A_409 = arith.constant 0 : i32
      %dma_wait3A_410 = tpu.memref_slice %arg9[%dma_wait3A_408, %dma_wait3A_409] : memref<16x64xi32, #tpu.memory_space<vmem>> -> memref<1x64xi32, #tpu.memory_space<vmem>>
      %dma_wait3A_411 = tpu.memref_squeeze %dma_wait3A_410 : memref<1x64xi32, #tpu.memory_space<vmem>> -> memref<64xi32, #tpu.memory_space<vmem>>
      %dma_wait3A_412 = arith.constant 0 : i32
      %dma_wait3A_413 = arith.constant 0 : i32
      %dma_wait3A_414 = tpu.memref_slice %arg7[%dma_wait3A_412, %dma_wait3A_413] : memref<30128x64xf32, #tpu.memory_space<vmem_shared>> -> memref<30128x64xf32, #tpu.memory_space<vmem_shared>>
      tpu.wait_indirect_dma semaphore(%arg15 : memref<!tpu.dma_semaphore, #tpu.memory_space<semaphore_mem>>) src(%arg11 : memref<64x64xf32, #tpu.memory_space<vmem>>) dst(%dma_wait3A_414 : memref<30128x64xf32, #tpu.memory_space<vmem_shared>>)
      %dma_start3A_415 = arith.constant 14 : i32
      %dma_start3A_416 = arith.constant 0 : i32
      %dma_start3A_417 = tpu.memref_slice %arg8[%dma_start3A_415, %dma_start3A_416] : memref<16x64xi32, #tpu.memory_space<vmem>> -> memref<1x64xi32, #tpu.memory_space<vmem>>
      %dma_start3A_418 = tpu.memref_squeeze %dma_start3A_417 : memref<1x64xi32, #tpu.memory_space<vmem>> -> memref<64xi32, #tpu.memory_space<vmem>>
      %dma_start3A_419 = arith.constant 0 : i32
      %dma_start3A_420 = arith.constant 0 : i32
      %dma_start3A_421 = tpu.memref_slice %arg2[%dma_start3A_419, %dma_start3A_420] : memref<30000x64xf32, #tpu.memory_space<hbm>> -> memref<30000x64xf32, #tpu.memory_space<hbm>>
      tpu.enqueue_indirect_dma source(%dma_start3A_421 : memref<30000x64xf32, #tpu.memory_space<hbm>>) target(%arg10 : memref<64x64xf32, #tpu.memory_space<vmem>>) offsets(%dma_start3A_418 : memref<64xi32, #tpu.memory_space<vmem>>) semaphore(%arg12 : memref<!tpu.dma_semaphore, #tpu.memory_space<semaphore_mem>>)
      %dma_start3A_422 = arith.constant 15 : i32
      %dma_start3A_423 = arith.constant 0 : i32
      %dma_start3A_424 = tpu.memref_slice %arg8[%dma_start3A_422, %dma_start3A_423] : memref<16x64xi32, #tpu.memory_space<vmem>> -> memref<1x64xi32, #tpu.memory_space<vmem>>
      %dma_start3A_425 = tpu.memref_squeeze %dma_start3A_424 : memref<1x64xi32, #tpu.memory_space<vmem>> -> memref<64xi32, #tpu.memory_space<vmem>>
      %dma_start3A_426 = arith.constant 0 : i32
      %dma_start3A_427 = arith.constant 0 : i32
      %dma_start3A_428 = tpu.memref_slice %arg2[%dma_start3A_426, %dma_start3A_427] : memref<30000x64xf32, #tpu.memory_space<hbm>> -> memref<30000x64xf32, #tpu.memory_space<hbm>>
      tpu.enqueue_indirect_dma source(%dma_start3A_428 : memref<30000x64xf32, #tpu.memory_space<hbm>>) target(%arg11 : memref<64x64xf32, #tpu.memory_space<vmem>>) offsets(%dma_start3A_425 : memref<64xi32, #tpu.memory_space<vmem>>) semaphore(%arg13 : memref<!tpu.dma_semaphore, #tpu.memory_space<semaphore_mem>>)
      %dma_wait3A_429 = arith.constant 14 : i32
      %dma_wait3A_430 = arith.constant 0 : i32
      %dma_wait3A_431 = tpu.memref_slice %arg8[%dma_wait3A_429, %dma_wait3A_430] : memref<16x64xi32, #tpu.memory_space<vmem>> -> memref<1x64xi32, #tpu.memory_space<vmem>>
      %dma_wait3A_432 = tpu.memref_squeeze %dma_wait3A_431 : memref<1x64xi32, #tpu.memory_space<vmem>> -> memref<64xi32, #tpu.memory_space<vmem>>
      %dma_wait3A_433 = arith.constant 0 : i32
      %dma_wait3A_434 = arith.constant 0 : i32
      %dma_wait3A_435 = tpu.memref_slice %arg2[%dma_wait3A_433, %dma_wait3A_434] : memref<30000x64xf32, #tpu.memory_space<hbm>> -> memref<30000x64xf32, #tpu.memory_space<hbm>>
      tpu.wait_indirect_dma semaphore(%arg12 : memref<!tpu.dma_semaphore, #tpu.memory_space<semaphore_mem>>) src(%dma_wait3A_435 : memref<30000x64xf32, #tpu.memory_space<hbm>>) dst(%arg10 : memref<64x64xf32, #tpu.memory_space<vmem>>)
      %dma_start3A_436 = arith.constant 14 : i32
      %dma_start3A_437 = arith.constant 0 : i32
      %dma_start3A_438 = tpu.memref_slice %arg9[%dma_start3A_436, %dma_start3A_437] : memref<16x64xi32, #tpu.memory_space<vmem>> -> memref<1x64xi32, #tpu.memory_space<vmem>>
      %dma_start3A_439 = tpu.memref_squeeze %dma_start3A_438 : memref<1x64xi32, #tpu.memory_space<vmem>> -> memref<64xi32, #tpu.memory_space<vmem>>
      %dma_start3A_440 = arith.constant 0 : i32
      %dma_start3A_441 = arith.constant 0 : i32
      %dma_start3A_442 = tpu.memref_slice %arg7[%dma_start3A_440, %dma_start3A_441] : memref<30128x64xf32, #tpu.memory_space<vmem_shared>> -> memref<30128x64xf32, #tpu.memory_space<vmem_shared>>
      tpu.enqueue_indirect_dma source(%arg10 : memref<64x64xf32, #tpu.memory_space<vmem>>) target(%dma_start3A_442 : memref<30128x64xf32, #tpu.memory_space<vmem_shared>>) offsets(%dma_start3A_439 : memref<64xi32, #tpu.memory_space<vmem>>) semaphore(%arg14 : memref<!tpu.dma_semaphore, #tpu.memory_space<semaphore_mem>>) {add = true}
      %dma_wait3A_443 = arith.constant 15 : i32
      %dma_wait3A_444 = arith.constant 0 : i32
      %dma_wait3A_445 = tpu.memref_slice %arg8[%dma_wait3A_443, %dma_wait3A_444] : memref<16x64xi32, #tpu.memory_space<vmem>> -> memref<1x64xi32, #tpu.memory_space<vmem>>
      %dma_wait3A_446 = tpu.memref_squeeze %dma_wait3A_445 : memref<1x64xi32, #tpu.memory_space<vmem>> -> memref<64xi32, #tpu.memory_space<vmem>>
      %dma_wait3A_447 = arith.constant 0 : i32
      %dma_wait3A_448 = arith.constant 0 : i32
      %dma_wait3A_449 = tpu.memref_slice %arg2[%dma_wait3A_447, %dma_wait3A_448] : memref<30000x64xf32, #tpu.memory_space<hbm>> -> memref<30000x64xf32, #tpu.memory_space<hbm>>
      tpu.wait_indirect_dma semaphore(%arg13 : memref<!tpu.dma_semaphore, #tpu.memory_space<semaphore_mem>>) src(%dma_wait3A_449 : memref<30000x64xf32, #tpu.memory_space<hbm>>) dst(%arg11 : memref<64x64xf32, #tpu.memory_space<vmem>>)
      %dma_start3A_450 = arith.constant 15 : i32
      %dma_start3A_451 = arith.constant 0 : i32
      %dma_start3A_452 = tpu.memref_slice %arg9[%dma_start3A_450, %dma_start3A_451] : memref<16x64xi32, #tpu.memory_space<vmem>> -> memref<1x64xi32, #tpu.memory_space<vmem>>
      %dma_start3A_453 = tpu.memref_squeeze %dma_start3A_452 : memref<1x64xi32, #tpu.memory_space<vmem>> -> memref<64xi32, #tpu.memory_space<vmem>>
      %dma_start3A_454 = arith.constant 0 : i32
      %dma_start3A_455 = arith.constant 0 : i32
      %dma_start3A_456 = tpu.memref_slice %arg7[%dma_start3A_454, %dma_start3A_455] : memref<30128x64xf32, #tpu.memory_space<vmem_shared>> -> memref<30128x64xf32, #tpu.memory_space<vmem_shared>>
      tpu.enqueue_indirect_dma source(%arg11 : memref<64x64xf32, #tpu.memory_space<vmem>>) target(%dma_start3A_456 : memref<30128x64xf32, #tpu.memory_space<vmem_shared>>) offsets(%dma_start3A_453 : memref<64xi32, #tpu.memory_space<vmem>>) semaphore(%arg15 : memref<!tpu.dma_semaphore, #tpu.memory_space<semaphore_mem>>) {add = true}
      %dma_wait3A_457 = arith.constant 14 : i32
      %dma_wait3A_458 = arith.constant 0 : i32
      %dma_wait3A_459 = tpu.memref_slice %arg9[%dma_wait3A_457, %dma_wait3A_458] : memref<16x64xi32, #tpu.memory_space<vmem>> -> memref<1x64xi32, #tpu.memory_space<vmem>>
      %dma_wait3A_460 = tpu.memref_squeeze %dma_wait3A_459 : memref<1x64xi32, #tpu.memory_space<vmem>> -> memref<64xi32, #tpu.memory_space<vmem>>
      %dma_wait3A_461 = arith.constant 0 : i32
      %dma_wait3A_462 = arith.constant 0 : i32
      %dma_wait3A_463 = tpu.memref_slice %arg7[%dma_wait3A_461, %dma_wait3A_462] : memref<30128x64xf32, #tpu.memory_space<vmem_shared>> -> memref<30128x64xf32, #tpu.memory_space<vmem_shared>>
      tpu.wait_indirect_dma semaphore(%arg14 : memref<!tpu.dma_semaphore, #tpu.memory_space<semaphore_mem>>) src(%arg10 : memref<64x64xf32, #tpu.memory_space<vmem>>) dst(%dma_wait3A_463 : memref<30128x64xf32, #tpu.memory_space<vmem_shared>>)
      %dma_wait3A_464 = arith.constant 15 : i32
      %dma_wait3A_465 = arith.constant 0 : i32
      %dma_wait3A_466 = tpu.memref_slice %arg9[%dma_wait3A_464, %dma_wait3A_465] : memref<16x64xi32, #tpu.memory_space<vmem>> -> memref<1x64xi32, #tpu.memory_space<vmem>>
      %dma_wait3A_467 = tpu.memref_squeeze %dma_wait3A_466 : memref<1x64xi32, #tpu.memory_space<vmem>> -> memref<64xi32, #tpu.memory_space<vmem>>
      %dma_wait3A_468 = arith.constant 0 : i32
      %dma_wait3A_469 = arith.constant 0 : i32
      %dma_wait3A_470 = tpu.memref_slice %arg7[%dma_wait3A_468, %dma_wait3A_469] : memref<30128x64xf32, #tpu.memory_space<vmem_shared>> -> memref<30128x64xf32, #tpu.memory_space<vmem_shared>>
      tpu.wait_indirect_dma semaphore(%arg15 : memref<!tpu.dma_semaphore, #tpu.memory_space<semaphore_mem>>) src(%arg11 : memref<64x64xf32, #tpu.memory_space<vmem>>) dst(%dma_wait3A_470 : memref<30128x64xf32, #tpu.memory_space<vmem_shared>>)
    }
    %scan3A_9 = arith.constant 10 : i32
    %barrier3A_10 = arith.constant 0 : index
    tpu.barrier barrier_id(%barrier3A_10)
    %scan3A_11 = arith.constant 0 : i32
    %scan3A_12 = arith.constant 10 : i32
    %scan3A_13 = arith.addi %scan3A_11, %scan3A_12 : i32
    %scan3A_14 = arith.constant 1 : i32
    scf.for %scan3A_16 = %scan3A_11 to %scan3A_13 step %scan3A_14  : i32 {
      %mul3A_17 = arith.constant 1 : i32
      %mul3A_18 = arith.muli %scan3A_16, %mul3A_17 : i32
      %add3A_19 = arith.constant 0 : i32
      %add3A_20 = arith.addi %add3A_19, %mul3A_18 : i32
      %mul3A_21 = arith.constant 16 : i32
      %mul3A_22 = arith.muli %add3A_20, %mul3A_21 : i32
      %add3A_23 = arith.addi %arg1, %mul3A_22 : i32
      %lt3A = arith.constant 150 : i32
      %lt3A_24 = arith.cmpi slt, %add3A_23, %lt3A : i32
      %convert_element_type3A = arith.extui %lt3A_24 : i1 to i32
      %cond3A = arith.constant 0 : i32
      %cond3A_25 = arith.cmpi ne, %convert_element_type3A, %cond3A : i32
      scf.if %cond3A_25 {
        %mul3A_26 = arith.constant 200 : i32
        %mul3A_27 = arith.muli %add3A_23, %mul3A_26 : i32
        %mul3A_28 = arith.constant 200 : i32
        %mul3A_29 = arith.muli %add3A_23, %mul3A_28 : i32
        "tpu.region"() ({
          %run_scoped3A = tpu.sem_alloc : memref<!tpu.dma_semaphore, #tpu.memory_space<semaphore_mem>>
          %dma_start3A = arith.constant 0 : i32
          %dma_start3A_30 = tpu.memref_slice %arg6[%arg0, %mul3A_29, %dma_start3A] : memref<2x30000x64xf32, #tpu.memory_space<hbm>> -> memref<1x200x64xf32, #tpu.memory_space<hbm>>
          %dma_start3A_31 = tpu.memref_squeeze %dma_start3A_30 : memref<1x200x64xf32, #tpu.memory_space<hbm>> -> memref<200x64xf32, #tpu.memory_space<hbm>>
          %dma_start3A_32 = arith.constant 0 : i32
          %dma_start3A_33 = tpu.memref_slice %arg7[%mul3A_27, %dma_start3A_32] : memref<30128x64xf32, #tpu.memory_space<vmem_shared>> -> memref<200x64xf32, #tpu.memory_space<vmem_shared>>
          tpu.enqueue_dma source(%dma_start3A_33 : memref<200x64xf32, #tpu.memory_space<vmem_shared>>) target(%dma_start3A_31 : memref<200x64xf32, #tpu.memory_space<hbm>>) target_semaphore(%run_scoped3A : memref<!tpu.dma_semaphore, #tpu.memory_space<semaphore_mem>>)
          %dma_wait3A = arith.constant 0 : i32
          %dma_wait3A_34 = tpu.memref_slice %arg6[%arg0, %mul3A_29, %dma_wait3A] : memref<2x30000x64xf32, #tpu.memory_space<hbm>> -> memref<1x200x64xf32, #tpu.memory_space<hbm>>
          %dma_wait3A_35 = tpu.memref_squeeze %dma_wait3A_34 : memref<1x200x64xf32, #tpu.memory_space<hbm>> -> memref<200x64xf32, #tpu.memory_space<hbm>>
          %dma_wait3A_36 = arith.constant 0 : i32
          %dma_wait3A_37 = tpu.memref_slice %arg7[%mul3A_27, %dma_wait3A_36] : memref<30128x64xf32, #tpu.memory_space<vmem_shared>> -> memref<200x64xf32, #tpu.memory_space<vmem_shared>>
          tpu.wait_dma2 semaphore(%run_scoped3A : memref<!tpu.dma_semaphore, #tpu.memory_space<semaphore_mem>>) src(%dma_wait3A_37 : memref<200x64xf32, #tpu.memory_space<vmem_shared>>) dst(%dma_wait3A_35 : memref<200x64xf32, #tpu.memory_space<hbm>>)
          tpu.yield
        }) : () -> ()
      } else {
      }
    }
    %scan3A_15 = arith.constant 10 : i32
    return
  }
}

module attributes {stable_mosaic.version = 14 : i64} {
  func.func @body(%arg0: i32, %arg1: memref<16x32x64xi32, #tpu.memory_space<vmem>>, %arg2: memref<16x32x64xi32, #tpu.memory_space<vmem>>, %arg3: memref<16x32x64xi32, #tpu.memory_space<vmem>>, %arg4: memref<16x32x64xi32, #tpu.memory_space<vmem>>, %arg5: memref<16x32x64xi32, #tpu.memory_space<vmem>>) attributes {dimension_semantics = [#tpu.dimension_semantics<arbitrary>], iteration_bounds = array<i64: 10>, scalar_prefetch = 0 : i64, scratch_operands = 0 : i64, tpu.core_type = #tpu.core_type<tc>, window_params = [{transform_indices = @transform_0, window_bounds = array<i64: 16, 32, 64>}, {transform_indices = @transform_1, window_bounds = array<i64: 16, 32, 64>}, {transform_indices = @transform_2, window_bounds = array<i64: 16, 32, 64>}, {transform_indices = @transform_3, window_bounds = array<i64: 16, 32, 64>}, {transform_indices = @transform_4, window_bounds = array<i64: 16, 32, 64>}]} {
    %get3A = arith.constant 0 : index
    %get3A_0 = arith.constant 0 : index
    %get3A_1 = arith.constant 0 : index
    %get3A_2 = vector.load %arg3[%get3A, %get3A_0, %get3A_1] : memref<16x32x64xi32, #tpu.memory_space<vmem>>, vector<16x32x64xi32>
    %mul3A = arith.constant 10000 : i32
    %mul3A_3 = vector.broadcast %mul3A : i32 to vector<16x32x64xi32>
    %mul3A_4 = arith.muli %get3A_2, %mul3A_3 : vector<16x32x64xi32>
    %get3A_5 = arith.constant 0 : index
    %get3A_6 = arith.constant 0 : index
    %get3A_7 = arith.constant 0 : index
    %get3A_8 = vector.load %arg1[%get3A_5, %get3A_6, %get3A_7] : memref<16x32x64xi32, #tpu.memory_space<vmem>>, vector<16x32x64xi32>
    %add3A = arith.addi %mul3A_4, %get3A_8 : vector<16x32x64xi32>
    %swap3A = arith.constant 0 : index
    %swap3A_9 = arith.constant 0 : index
    %swap3A_10 = arith.constant 0 : index
    %swap3A_11 = vector.load %arg4[%swap3A, %swap3A_9, %swap3A_10] : memref<16x32x64xi32, #tpu.memory_space<vmem>>, vector<16x32x64xi32>
    tpu.vector_store %arg4[%swap3A, %swap3A_9, %swap3A_10], %add3A {strides = array<i32>} : memref<16x32x64xi32, #tpu.memory_space<vmem>>, vector<16x32x64xi32>,
    %get3A_12 = arith.constant 0 : index
    %get3A_13 = arith.constant 0 : index
    %get3A_14 = arith.constant 0 : index
    %get3A_15 = vector.load %arg2[%get3A_12, %get3A_13, %get3A_14] : memref<16x32x64xi32, #tpu.memory_space<vmem>>, vector<16x32x64xi32>
    %add3A_16 = arith.addi %mul3A_4, %get3A_15 : vector<16x32x64xi32>
    %swap3A_17 = arith.constant 0 : index
    %swap3A_18 = arith.constant 0 : index
    %swap3A_19 = arith.constant 0 : index
    %swap3A_20 = vector.load %arg5[%swap3A_17, %swap3A_18, %swap3A_19] : memref<16x32x64xi32, #tpu.memory_space<vmem>>, vector<16x32x64xi32>
    tpu.vector_store %arg5[%swap3A_17, %swap3A_18, %swap3A_19], %add3A_16 {strides = array<i32>} : memref<16x32x64xi32, #tpu.memory_space<vmem>>, vector<16x32x64xi32>,
    return
  }
  func.func @transform_0(%arg0: i32) -> (i32, i32, i32) {
    %c0_i32 = arith.constant 0 : i32
    %c0_i32_0 = arith.constant 0 : i32
    %c0_i32_1 = arith.constant 0 : i32
    return %arg0, %c0_i32, %c0_i32_0 : i32, i32, i32
  }
  func.func @transform_1(%arg0: i32) -> (i32, i32, i32) {
    %c0_i32 = arith.constant 0 : i32
    %c0_i32_0 = arith.constant 0 : i32
    %c0_i32_1 = arith.constant 0 : i32
    return %arg0, %c0_i32, %c0_i32_0 : i32, i32, i32
  }
  func.func @transform_2(%arg0: i32) -> (i32, i32, i32) {
    %c0_i32 = arith.constant 0 : i32
    %c0_i32_0 = arith.constant 0 : i32
    %c0_i32_1 = arith.constant 0 : i32
    return %arg0, %c0_i32, %c0_i32_0 : i32, i32, i32
  }
  func.func @transform_3(%arg0: i32) -> (i32, i32, i32) {
    %c0_i32 = arith.constant 0 : i32
    %c0_i32_0 = arith.constant 0 : i32
    %c0_i32_1 = arith.constant 0 : i32
    return %arg0, %c0_i32, %c0_i32_0 : i32, i32, i32
  }
  func.func @transform_4(%arg0: i32) -> (i32, i32, i32) {
    %c0_i32 = arith.constant 0 : i32
    %c0_i32_0 = arith.constant 0 : i32
    %c0_i32_1 = arith.constant 0 : i32
    return %arg0, %c0_i32, %c0_i32_0 : i32, i32, i32
  }
}

module attributes {stable_mosaic.version = 14 : i64} {
  func.func @body(%arg0: i32, %arg1: memref<2000x128xf32, #tpu.memory_space<vmem>>, %arg2: memref<3x128x64xf32, #tpu.memory_space<vmem>>, %arg3: memref<128x64xf32, #tpu.memory_space<vmem>>, %arg4: memref<1x64xf32, #tpu.memory_space<vmem>>, %arg5: memref<3x2000x64xf32, #tpu.memory_space<vmem>>, %arg6: memref<2000x64xf32, #tpu.memory_space<vmem>>) attributes {dimension_semantics = [#tpu.dimension_semantics<arbitrary>], iteration_bounds = array<i64: 5>, scalar_prefetch = 0 : i64, scratch_operands = 0 : i64, tpu.core_type = #tpu.core_type<tc>, window_params = [{transform_indices = @transform_0, window_bounds = array<i64: 2000, 128>}, {pipeline_mode = #tpu.pipeline_mode<synchronous>, transform_indices = @transform_1, window_bounds = array<i64: 3, 128, 64>}, {pipeline_mode = #tpu.pipeline_mode<synchronous>, transform_indices = @transform_2, window_bounds = array<i64: 128, 64>}, {pipeline_mode = #tpu.pipeline_mode<synchronous>, transform_indices = @transform_3, window_bounds = array<i64: 1, 64>}, {transform_indices = @transform_4, window_bounds = array<i64: 3, 2000, 64>}, {transform_indices = @transform_5, window_bounds = array<i64: 2000, 64>}]} {
    %get3A = arith.constant 0 : index
    %get3A_0 = arith.constant 0 : index
    %get3A_1 = vector.load %arg1[%get3A, %get3A_0] : memref<2000x128xf32, #tpu.memory_space<vmem>>, vector<2000x128xf32>
    %get3A_2 = arith.constant 0 : index
    %get3A_3 = arith.constant 0 : index
    %get3A_4 = arith.constant 0 : index
    %get3A_5 = vector.load %arg2[%get3A_2, %get3A_3, %get3A_4] : memref<3x128x64xf32, #tpu.memory_space<vmem>>, vector<1x128x64xf32>
    %get3A_6 = vector.shape_cast %get3A_5 : vector<1x128x64xf32> to vector<128x64xf32>
    %dot_general3A = arith.constant dense<0.000000e+00> : vector<2000x64xf32>
    %dot_general3A_7 = tpu.matmul %get3A_1, %get3A_6, %dot_general3A {dimension_numbers = #tpu.dot_dimension_numbers<[1], [0], [0], [1], [0, 0, 1, 1], [], []>, transpose_lhs_hint = false} : vector<2000x128xf32>, vector<128x64xf32>, vector<2000x64xf32> -> vector<2000x64xf32>
    %swap3A = arith.constant 0 : index
    %swap3A_8 = arith.constant 0 : index
    %swap3A_9 = arith.constant 0 : index
    %swap3A_10 = vector.load %arg5[%swap3A, %swap3A_8, %swap3A_9] : memref<3x2000x64xf32, #tpu.memory_space<vmem>>, vector<1x2000x64xf32>
    %swap3A_11 = vector.shape_cast %swap3A_10 : vector<1x2000x64xf32> to vector<2000x64xf32>
    %swap3A_12 = vector.shape_cast %dot_general3A_7 : vector<2000x64xf32> to vector<1x2000x64xf32>
    tpu.vector_store %arg5[%swap3A, %swap3A_8, %swap3A_9], %swap3A_12 {strides = array<i32>} : memref<3x2000x64xf32, #tpu.memory_space<vmem>>, vector<1x2000x64xf32>,
    %get3A_13 = arith.constant 1 : index
    %get3A_14 = arith.constant 0 : index
    %get3A_15 = arith.constant 0 : index
    %get3A_16 = vector.load %arg2[%get3A_13, %get3A_14, %get3A_15] : memref<3x128x64xf32, #tpu.memory_space<vmem>>, vector<1x128x64xf32>
    %get3A_17 = vector.shape_cast %get3A_16 : vector<1x128x64xf32> to vector<128x64xf32>
    %dot_general3A_18 = arith.constant dense<0.000000e+00> : vector<2000x64xf32>
    %dot_general3A_19 = tpu.matmul %get3A_1, %get3A_17, %dot_general3A_18 {dimension_numbers = #tpu.dot_dimension_numbers<[1], [0], [0], [1], [0, 0, 1, 1], [], []>, transpose_lhs_hint = false} : vector<2000x128xf32>, vector<128x64xf32>, vector<2000x64xf32> -> vector<2000x64xf32>
    %swap3A_20 = arith.constant 1 : index
    %swap3A_21 = arith.constant 0 : index
    %swap3A_22 = arith.constant 0 : index
    %swap3A_23 = vector.load %arg5[%swap3A_20, %swap3A_21, %swap3A_22] : memref<3x2000x64xf32, #tpu.memory_space<vmem>>, vector<1x2000x64xf32>
    %swap3A_24 = vector.shape_cast %swap3A_23 : vector<1x2000x64xf32> to vector<2000x64xf32>
    %swap3A_25 = vector.shape_cast %dot_general3A_19 : vector<2000x64xf32> to vector<1x2000x64xf32>
    tpu.vector_store %arg5[%swap3A_20, %swap3A_21, %swap3A_22], %swap3A_25 {strides = array<i32>} : memref<3x2000x64xf32, #tpu.memory_space<vmem>>, vector<1x2000x64xf32>,
    %get3A_26 = arith.constant 2 : index
    %get3A_27 = arith.constant 0 : index
    %get3A_28 = arith.constant 0 : index
    %get3A_29 = vector.load %arg2[%get3A_26, %get3A_27, %get3A_28] : memref<3x128x64xf32, #tpu.memory_space<vmem>>, vector<1x128x64xf32>
    %get3A_30 = vector.shape_cast %get3A_29 : vector<1x128x64xf32> to vector<128x64xf32>
    %dot_general3A_31 = arith.constant dense<0.000000e+00> : vector<2000x64xf32>
    %dot_general3A_32 = tpu.matmul %get3A_1, %get3A_30, %dot_general3A_31 {dimension_numbers = #tpu.dot_dimension_numbers<[1], [0], [0], [1], [0, 0, 1, 1], [], []>, transpose_lhs_hint = false} : vector<2000x128xf32>, vector<128x64xf32>, vector<2000x64xf32> -> vector<2000x64xf32>
    %swap3A_33 = arith.constant 2 : index
    %swap3A_34 = arith.constant 0 : index
    %swap3A_35 = arith.constant 0 : index
    %swap3A_36 = vector.load %arg5[%swap3A_33, %swap3A_34, %swap3A_35] : memref<3x2000x64xf32, #tpu.memory_space<vmem>>, vector<1x2000x64xf32>
    %swap3A_37 = vector.shape_cast %swap3A_36 : vector<1x2000x64xf32> to vector<2000x64xf32>
    %swap3A_38 = vector.shape_cast %dot_general3A_32 : vector<2000x64xf32> to vector<1x2000x64xf32>
    tpu.vector_store %arg5[%swap3A_33, %swap3A_34, %swap3A_35], %swap3A_38 {strides = array<i32>} : memref<3x2000x64xf32, #tpu.memory_space<vmem>>, vector<1x2000x64xf32>,
    %get3A_39 = arith.constant 0 : index
    %get3A_40 = arith.constant 0 : index
    %get3A_41 = vector.load %arg3[%get3A_39, %get3A_40] : memref<128x64xf32, #tpu.memory_space<vmem>>, vector<128x64xf32>
    %dot_general3A_42 = arith.constant dense<0.000000e+00> : vector<2000x64xf32>
    %dot_general3A_43 = tpu.matmul %get3A_1, %get3A_41, %dot_general3A_42 {dimension_numbers = #tpu.dot_dimension_numbers<[1], [0], [0], [1], [0, 0, 1, 1], [], []>, transpose_lhs_hint = false} : vector<2000x128xf32>, vector<128x64xf32>, vector<2000x64xf32> -> vector<2000x64xf32>
    %get3A_44 = arith.constant 0 : index
    %get3A_45 = arith.constant 0 : index
    %get3A_46 = vector.load %arg4[%get3A_44, %get3A_45] : memref<1x64xf32, #tpu.memory_space<vmem>>, vector<1x64xf32>
    %add3A = vector.broadcast %get3A_46 : vector<1x64xf32> to vector<2000x64xf32>
    %add3A_47 = arith.addf %dot_general3A_43, %add3A : vector<2000x64xf32>
    %swap3A_48 = arith.constant 0 : index
    %swap3A_49 = arith.constant 0 : index
    %swap3A_50 = vector.load %arg6[%swap3A_48, %swap3A_49] : memref<2000x64xf32, #tpu.memory_space<vmem>>, vector<2000x64xf32>
    tpu.vector_store %arg6[%swap3A_48, %swap3A_49], %add3A_47 {strides = array<i32>} : memref<2000x64xf32, #tpu.memory_space<vmem>>, vector<2000x64xf32>,
    return
  }
  func.func @transform_0(%arg0: i32) -> (i32, i32) {
    %c0_i32 = arith.constant 0 : i32
    %c0_i32_0 = arith.constant 0 : i32
    return %arg0, %c0_i32 : i32, i32
  }
  func.func @transform_1(%arg0: i32) -> (i32, i32, i32) {
    %c0_i32 = arith.constant 0 : i32
    %c0_i32_0 = arith.constant 0 : i32
    %c0_i32_1 = arith.constant 0 : i32
    %c0_i32_2 = arith.constant 0 : i32
    return %c0_i32, %c0_i32_0, %c0_i32_1 : i32, i32, i32
  }
  func.func @transform_2(%arg0: i32) -> (i32, i32) {
    %c0_i32 = arith.constant 0 : i32
    %c0_i32_0 = arith.constant 0 : i32
    %c0_i32_1 = arith.constant 0 : i32
    return %c0_i32, %c0_i32_0 : i32, i32
  }
  func.func @transform_3(%arg0: i32) -> (i32, i32) {
    %c0_i32 = arith.constant 0 : i32
    %c0_i32_0 = arith.constant 0 : i32
    %c0_i32_1 = arith.constant 0 : i32
    return %c0_i32, %c0_i32_0 : i32, i32
  }
  func.func @transform_4(%arg0: i32) -> (i32, i32, i32) {
    %c0_i32 = arith.constant 0 : i32
    %c0_i32_0 = arith.constant 0 : i32
    %c0_i32_1 = arith.constant 0 : i32
    return %c0_i32, %arg0, %c0_i32_0 : i32, i32, i32
  }
  func.func @transform_5(%arg0: i32) -> (i32, i32) {
    %c0_i32 = arith.constant 0 : i32
    %c0_i32_0 = arith.constant 0 : i32
    return %arg0, %c0_i32 : i32, i32
  }
}

module attributes {stable_mosaic.version = 14 : i64} {
  func.func @body(%arg0: i32, %arg1: memref<2000x64xf32, #tpu.memory_space<vmem>>, %arg2: memref<2x3x2000x64xf32, #tpu.memory_space<vmem>>, %arg3: memref<2x3x2000x16xf32, #tpu.memory_space<vmem>>, %arg4: memref<3x64x64xf32, #tpu.memory_space<vmem>>, %arg5: memref<64x64xf32, #tpu.memory_space<vmem>>, %arg6: memref<1x64xf32, #tpu.memory_space<vmem>>, %arg7: memref<3x2000x64xf32, #tpu.memory_space<vmem>>, %arg8: memref<2000x64xf32, #tpu.memory_space<vmem>>) attributes {dimension_semantics = [#tpu.dimension_semantics<arbitrary>], iteration_bounds = array<i64: 5>, scalar_prefetch = 0 : i64, scratch_operands = 0 : i64, tpu.core_type = #tpu.core_type<tc>, window_params = [{transform_indices = @transform_0, window_bounds = array<i64: 2000, 64>}, {transform_indices = @transform_1, window_bounds = array<i64: 2, 3, 2000, 64>}, {transform_indices = @transform_2, window_bounds = array<i64: 2, 3, 2000, 16>}, {pipeline_mode = #tpu.pipeline_mode<synchronous>, transform_indices = @transform_3, window_bounds = array<i64: 3, 64, 64>}, {pipeline_mode = #tpu.pipeline_mode<synchronous>, transform_indices = @transform_4, window_bounds = array<i64: 64, 64>}, {pipeline_mode = #tpu.pipeline_mode<synchronous>, transform_indices = @transform_5, window_bounds = array<i64: 1, 64>}, {transform_indices = @transform_6, window_bounds = array<i64: 3, 2000, 64>}, {transform_indices = @transform_7, window_bounds = array<i64: 2000, 64>}]} {
    %get3A = arith.constant 0 : index
    %get3A_0 = arith.constant 0 : index
    %get3A_1 = vector.load %arg1[%get3A, %get3A_0] : memref<2000x64xf32, #tpu.memory_space<vmem>>, vector<2000x64xf32>
    %get3A_2 = arith.constant 0 : index
    %get3A_3 = arith.constant 0 : index
    %get3A_4 = arith.constant 0 : index
    %get3A_5 = arith.constant 0 : index
    %get3A_6 = vector.load %arg2[%get3A_2, %get3A_3, %get3A_4, %get3A_5] : memref<2x3x2000x64xf32, #tpu.memory_space<vmem>>, vector<1x1x2000x64xf32>
    %get3A_7 = vector.shape_cast %get3A_6 : vector<1x1x2000x64xf32> to vector<2000x64xf32>
    %get3A_8 = arith.constant 1 : index
    %get3A_9 = arith.constant 0 : index
    %get3A_10 = arith.constant 0 : index
    %get3A_11 = arith.constant 0 : index
    %get3A_12 = vector.load %arg2[%get3A_8, %get3A_9, %get3A_10, %get3A_11] : memref<2x3x2000x64xf32, #tpu.memory_space<vmem>>, vector<1x1x2000x64xf32>
    %get3A_13 = vector.shape_cast %get3A_12 : vector<1x1x2000x64xf32> to vector<2000x64xf32>
    %add3A = arith.addf %get3A_7, %get3A_13 : vector<2000x64xf32>
    %get3A_14 = arith.constant 0 : index
    %get3A_15 = arith.constant 0 : index
    %get3A_16 = arith.constant 0 : index
    %get3A_17 = arith.constant 0 : index
    %get3A_18 = vector.load %arg3[%get3A_14, %get3A_15, %get3A_16, %get3A_17] : memref<2x3x2000x16xf32, #tpu.memory_space<vmem>>, vector<1x1x2000x1xf32>
    %get3A_19 = vector.shape_cast %get3A_18 : vector<1x1x2000x1xf32> to vector<2000x1xf32>
    %get3A_20 = arith.constant 1 : index
    %get3A_21 = arith.constant 0 : index
    %get3A_22 = arith.constant 0 : index
    %get3A_23 = arith.constant 0 : index
    %get3A_24 = vector.load %arg3[%get3A_20, %get3A_21, %get3A_22, %get3A_23] : memref<2x3x2000x16xf32, #tpu.memory_space<vmem>>, vector<1x1x2000x1xf32>
    %get3A_25 = vector.shape_cast %get3A_24 : vector<1x1x2000x1xf32> to vector<2000x1xf32>
    %add3A_26 = arith.addf %get3A_19, %get3A_25 : vector<2000x1xf32>
    %max3A = arith.constant 1.000000e+00 : f32
    %max3A_27 = vector.broadcast %max3A : f32 to vector<2000x1xf32>
    %max3A_28 = arith.maximumf %add3A_26, %max3A_27 : vector<2000x1xf32>
    %div3A = arith.constant 1.000000e+00 : f32
    %div3A_29 = vector.broadcast %div3A : f32 to vector<2000x1xf32>
    %div3A_30 = arith.divf %div3A_29, %max3A_28 : vector<2000x1xf32>
    %mul3A = vector.broadcast %div3A_30 : vector<2000x1xf32> to vector<2000x64xf32>
    %mul3A_31 = arith.mulf %add3A, %mul3A : vector<2000x64xf32>
    %add3A_32 = arith.addf %get3A_1, %mul3A_31 : vector<2000x64xf32>
    %get3A_33 = arith.constant 0 : index
    %get3A_34 = arith.constant 1 : index
    %get3A_35 = arith.constant 0 : index
    %get3A_36 = arith.constant 0 : index
    %get3A_37 = vector.load %arg2[%get3A_33, %get3A_34, %get3A_35, %get3A_36] : memref<2x3x2000x64xf32, #tpu.memory_space<vmem>>, vector<1x1x2000x64xf32>
    %get3A_38 = vector.shape_cast %get3A_37 : vector<1x1x2000x64xf32> to vector<2000x64xf32>
    %get3A_39 = arith.constant 1 : index
    %get3A_40 = arith.constant 1 : index
    %get3A_41 = arith.constant 0 : index
    %get3A_42 = arith.constant 0 : index
    %get3A_43 = vector.load %arg2[%get3A_39, %get3A_40, %get3A_41, %get3A_42] : memref<2x3x2000x64xf32, #tpu.memory_space<vmem>>, vector<1x1x2000x64xf32>
    %get3A_44 = vector.shape_cast %get3A_43 : vector<1x1x2000x64xf32> to vector<2000x64xf32>
    %add3A_45 = arith.addf %get3A_38, %get3A_44 : vector<2000x64xf32>
    %get3A_46 = arith.constant 0 : index
    %get3A_47 = arith.constant 1 : index
    %get3A_48 = arith.constant 0 : index
    %get3A_49 = arith.constant 0 : index
    %get3A_50 = vector.load %arg3[%get3A_46, %get3A_47, %get3A_48, %get3A_49] : memref<2x3x2000x16xf32, #tpu.memory_space<vmem>>, vector<1x1x2000x1xf32>
    %get3A_51 = vector.shape_cast %get3A_50 : vector<1x1x2000x1xf32> to vector<2000x1xf32>
    %get3A_52 = arith.constant 1 : index
    %get3A_53 = arith.constant 1 : index
    %get3A_54 = arith.constant 0 : index
    %get3A_55 = arith.constant 0 : index
    %get3A_56 = vector.load %arg3[%get3A_52, %get3A_53, %get3A_54, %get3A_55] : memref<2x3x2000x16xf32, #tpu.memory_space<vmem>>, vector<1x1x2000x1xf32>
    %get3A_57 = vector.shape_cast %get3A_56 : vector<1x1x2000x1xf32> to vector<2000x1xf32>
    %add3A_58 = arith.addf %get3A_51, %get3A_57 : vector<2000x1xf32>
    %max3A_59 = arith.constant 1.000000e+00 : f32
    %max3A_60 = vector.broadcast %max3A_59 : f32 to vector<2000x1xf32>
    %max3A_61 = arith.maximumf %add3A_58, %max3A_60 : vector<2000x1xf32>
    %div3A_62 = arith.constant 1.000000e+00 : f32
    %div3A_63 = vector.broadcast %div3A_62 : f32 to vector<2000x1xf32>
    %div3A_64 = arith.divf %div3A_63, %max3A_61 : vector<2000x1xf32>
    %mul3A_65 = vector.broadcast %div3A_64 : vector<2000x1xf32> to vector<2000x64xf32>
    %mul3A_66 = arith.mulf %add3A_45, %mul3A_65 : vector<2000x64xf32>
    %add3A_67 = arith.addf %add3A_32, %mul3A_66 : vector<2000x64xf32>
    %get3A_68 = arith.constant 0 : index
    %get3A_69 = arith.constant 2 : index
    %get3A_70 = arith.constant 0 : index
    %get3A_71 = arith.constant 0 : index
    %get3A_72 = vector.load %arg2[%get3A_68, %get3A_69, %get3A_70, %get3A_71] : memref<2x3x2000x64xf32, #tpu.memory_space<vmem>>, vector<1x1x2000x64xf32>
    %get3A_73 = vector.shape_cast %get3A_72 : vector<1x1x2000x64xf32> to vector<2000x64xf32>
    %get3A_74 = arith.constant 1 : index
    %get3A_75 = arith.constant 2 : index
    %get3A_76 = arith.constant 0 : index
    %get3A_77 = arith.constant 0 : index
    %get3A_78 = vector.load %arg2[%get3A_74, %get3A_75, %get3A_76, %get3A_77] : memref<2x3x2000x64xf32, #tpu.memory_space<vmem>>, vector<1x1x2000x64xf32>
    %get3A_79 = vector.shape_cast %get3A_78 : vector<1x1x2000x64xf32> to vector<2000x64xf32>
    %add3A_80 = arith.addf %get3A_73, %get3A_79 : vector<2000x64xf32>
    %get3A_81 = arith.constant 0 : index
    %get3A_82 = arith.constant 2 : index
    %get3A_83 = arith.constant 0 : index
    %get3A_84 = arith.constant 0 : index
    %get3A_85 = vector.load %arg3[%get3A_81, %get3A_82, %get3A_83, %get3A_84] : memref<2x3x2000x16xf32, #tpu.memory_space<vmem>>, vector<1x1x2000x1xf32>
    %get3A_86 = vector.shape_cast %get3A_85 : vector<1x1x2000x1xf32> to vector<2000x1xf32>
    %get3A_87 = arith.constant 1 : index
    %get3A_88 = arith.constant 2 : index
    %get3A_89 = arith.constant 0 : index
    %get3A_90 = arith.constant 0 : index
    %get3A_91 = vector.load %arg3[%get3A_87, %get3A_88, %get3A_89, %get3A_90] : memref<2x3x2000x16xf32, #tpu.memory_space<vmem>>, vector<1x1x2000x1xf32>
    %get3A_92 = vector.shape_cast %get3A_91 : vector<1x1x2000x1xf32> to vector<2000x1xf32>
    %add3A_93 = arith.addf %get3A_86, %get3A_92 : vector<2000x1xf32>
    %max3A_94 = arith.constant 1.000000e+00 : f32
    %max3A_95 = vector.broadcast %max3A_94 : f32 to vector<2000x1xf32>
    %max3A_96 = arith.maximumf %add3A_93, %max3A_95 : vector<2000x1xf32>
    %div3A_97 = arith.constant 1.000000e+00 : f32
    %div3A_98 = vector.broadcast %div3A_97 : f32 to vector<2000x1xf32>
    %div3A_99 = arith.divf %div3A_98, %max3A_96 : vector<2000x1xf32>
    %mul3A_100 = vector.broadcast %div3A_99 : vector<2000x1xf32> to vector<2000x64xf32>
    %mul3A_101 = arith.mulf %add3A_80, %mul3A_100 : vector<2000x64xf32>
    %add3A_102 = arith.addf %add3A_67, %mul3A_101 : vector<2000x64xf32>
    %max3A_103 = arith.constant 0.000000e+00 : f32
    %max3A_104 = vector.broadcast %max3A_103 : f32 to vector<2000x64xf32>
    %max3A_105 = arith.maximumf %add3A_102, %max3A_104 : vector<2000x64xf32>
    %get3A_106 = arith.constant 0 : index
    %get3A_107 = arith.constant 0 : index
    %get3A_108 = arith.constant 0 : index
    %get3A_109 = vector.load %arg4[%get3A_106, %get3A_107, %get3A_108] : memref<3x64x64xf32, #tpu.memory_space<vmem>>, vector<1x64x64xf32>
    %get3A_110 = vector.shape_cast %get3A_109 : vector<1x64x64xf32> to vector<64x64xf32>
    %dot_general3A = arith.constant dense<0.000000e+00> : vector<2000x64xf32>
    %dot_general3A_111 = tpu.matmul %max3A_105, %get3A_110, %dot_general3A {dimension_numbers = #tpu.dot_dimension_numbers<[1], [0], [0], [1], [0, 0, 1, 1], [], []>, transpose_lhs_hint = false} : vector<2000x64xf32>, vector<64x64xf32>, vector<2000x64xf32> -> vector<2000x64xf32>
    %swap3A = arith.constant 0 : index
    %swap3A_112 = arith.constant 0 : index
    %swap3A_113 = arith.constant 0 : index
    %swap3A_114 = vector.load %arg7[%swap3A, %swap3A_112, %swap3A_113] : memref<3x2000x64xf32, #tpu.memory_space<vmem>>, vector<1x2000x64xf32>
    %swap3A_115 = vector.shape_cast %swap3A_114 : vector<1x2000x64xf32> to vector<2000x64xf32>
    %swap3A_116 = vector.shape_cast %dot_general3A_111 : vector<2000x64xf32> to vector<1x2000x64xf32>
    tpu.vector_store %arg7[%swap3A, %swap3A_112, %swap3A_113], %swap3A_116 {strides = array<i32>} : memref<3x2000x64xf32, #tpu.memory_space<vmem>>, vector<1x2000x64xf32>,
    %get3A_117 = arith.constant 1 : index
    %get3A_118 = arith.constant 0 : index
    %get3A_119 = arith.constant 0 : index
    %get3A_120 = vector.load %arg4[%get3A_117, %get3A_118, %get3A_119] : memref<3x64x64xf32, #tpu.memory_space<vmem>>, vector<1x64x64xf32>
    %get3A_121 = vector.shape_cast %get3A_120 : vector<1x64x64xf32> to vector<64x64xf32>
    %dot_general3A_122 = arith.constant dense<0.000000e+00> : vector<2000x64xf32>
    %dot_general3A_123 = tpu.matmul %max3A_105, %get3A_121, %dot_general3A_122 {dimension_numbers = #tpu.dot_dimension_numbers<[1], [0], [0], [1], [0, 0, 1, 1], [], []>, transpose_lhs_hint = false} : vector<2000x64xf32>, vector<64x64xf32>, vector<2000x64xf32> -> vector<2000x64xf32>
    %swap3A_124 = arith.constant 1 : index
    %swap3A_125 = arith.constant 0 : index
    %swap3A_126 = arith.constant 0 : index
    %swap3A_127 = vector.load %arg7[%swap3A_124, %swap3A_125, %swap3A_126] : memref<3x2000x64xf32, #tpu.memory_space<vmem>>, vector<1x2000x64xf32>
    %swap3A_128 = vector.shape_cast %swap3A_127 : vector<1x2000x64xf32> to vector<2000x64xf32>
    %swap3A_129 = vector.shape_cast %dot_general3A_123 : vector<2000x64xf32> to vector<1x2000x64xf32>
    tpu.vector_store %arg7[%swap3A_124, %swap3A_125, %swap3A_126], %swap3A_129 {strides = array<i32>} : memref<3x2000x64xf32, #tpu.memory_space<vmem>>, vector<1x2000x64xf32>,
    %get3A_130 = arith.constant 2 : index
    %get3A_131 = arith.constant 0 : index
    %get3A_132 = arith.constant 0 : index
    %get3A_133 = vector.load %arg4[%get3A_130, %get3A_131, %get3A_132] : memref<3x64x64xf32, #tpu.memory_space<vmem>>, vector<1x64x64xf32>
    %get3A_134 = vector.shape_cast %get3A_133 : vector<1x64x64xf32> to vector<64x64xf32>
    %dot_general3A_135 = arith.constant dense<0.000000e+00> : vector<2000x64xf32>
    %dot_general3A_136 = tpu.matmul %max3A_105, %get3A_134, %dot_general3A_135 {dimension_numbers = #tpu.dot_dimension_numbers<[1], [0], [0], [1], [0, 0, 1, 1], [], []>, transpose_lhs_hint = false} : vector<2000x64xf32>, vector<64x64xf32>, vector<2000x64xf32> -> vector<2000x64xf32>
    %swap3A_137 = arith.constant 2 : index
    %swap3A_138 = arith.constant 0 : index
    %swap3A_139 = arith.constant 0 : index
    %swap3A_140 = vector.load %arg7[%swap3A_137, %swap3A_138, %swap3A_139] : memref<3x2000x64xf32, #tpu.memory_space<vmem>>, vector<1x2000x64xf32>
    %swap3A_141 = vector.shape_cast %swap3A_140 : vector<1x2000x64xf32> to vector<2000x64xf32>
    %swap3A_142 = vector.shape_cast %dot_general3A_136 : vector<2000x64xf32> to vector<1x2000x64xf32>
    tpu.vector_store %arg7[%swap3A_137, %swap3A_138, %swap3A_139], %swap3A_142 {strides = array<i32>} : memref<3x2000x64xf32, #tpu.memory_space<vmem>>, vector<1x2000x64xf32>,
    %get3A_143 = arith.constant 0 : index
    %get3A_144 = arith.constant 0 : index
    %get3A_145 = vector.load %arg5[%get3A_143, %get3A_144] : memref<64x64xf32, #tpu.memory_space<vmem>>, vector<64x64xf32>
    %dot_general3A_146 = arith.constant dense<0.000000e+00> : vector<2000x64xf32>
    %dot_general3A_147 = tpu.matmul %max3A_105, %get3A_145, %dot_general3A_146 {dimension_numbers = #tpu.dot_dimension_numbers<[1], [0], [0], [1], [0, 0, 1, 1], [], []>, transpose_lhs_hint = false} : vector<2000x64xf32>, vector<64x64xf32>, vector<2000x64xf32> -> vector<2000x64xf32>
    %get3A_148 = arith.constant 0 : index
    %get3A_149 = arith.constant 0 : index
    %get3A_150 = vector.load %arg6[%get3A_148, %get3A_149] : memref<1x64xf32, #tpu.memory_space<vmem>>, vector<1x64xf32>
    %add3A_151 = vector.broadcast %get3A_150 : vector<1x64xf32> to vector<2000x64xf32>
    %add3A_152 = arith.addf %dot_general3A_147, %add3A_151 : vector<2000x64xf32>
    %swap3A_153 = arith.constant 0 : index
    %swap3A_154 = arith.constant 0 : index
    %swap3A_155 = vector.load %arg8[%swap3A_153, %swap3A_154] : memref<2000x64xf32, #tpu.memory_space<vmem>>, vector<2000x64xf32>
    tpu.vector_store %arg8[%swap3A_153, %swap3A_154], %add3A_152 {strides = array<i32>} : memref<2000x64xf32, #tpu.memory_space<vmem>>, vector<2000x64xf32>,
    return
  }
  func.func @transform_0(%arg0: i32) -> (i32, i32) {
    %c0_i32 = arith.constant 0 : i32
    %c0_i32_0 = arith.constant 0 : i32
    return %arg0, %c0_i32 : i32, i32
  }
  func.func @transform_1(%arg0: i32) -> (i32, i32, i32, i32) {
    %c0_i32 = arith.constant 0 : i32
    %c0_i32_0 = arith.constant 0 : i32
    %c0_i32_1 = arith.constant 0 : i32
    %c0_i32_2 = arith.constant 0 : i32
    return %c0_i32, %c0_i32_0, %arg0, %c0_i32_1 : i32, i32, i32, i32
  }
  func.func @transform_2(%arg0: i32) -> (i32, i32, i32, i32) {
    %c0_i32 = arith.constant 0 : i32
    %c0_i32_0 = arith.constant 0 : i32
    %c0_i32_1 = arith.constant 0 : i32
    %c0_i32_2 = arith.constant 0 : i32
    return %c0_i32, %c0_i32_0, %arg0, %c0_i32_1 : i32, i32, i32, i32
  }
  func.func @transform_3(%arg0: i32) -> (i32, i32, i32) {
    %c0_i32 = arith.constant 0 : i32
    %c0_i32_0 = arith.constant 0 : i32
    %c0_i32_1 = arith.constant 0 : i32
    %c0_i32_2 = arith.constant 0 : i32
    return %c0_i32, %c0_i32_0, %c0_i32_1 : i32, i32, i32
  }
  func.func @transform_4(%arg0: i32) -> (i32, i32) {
    %c0_i32 = arith.constant 0 : i32
    %c0_i32_0 = arith.constant 0 : i32
    %c0_i32_1 = arith.constant 0 : i32
    return %c0_i32, %c0_i32_0 : i32, i32
  }
  func.func @transform_5(%arg0: i32) -> (i32, i32) {
    %c0_i32 = arith.constant 0 : i32
    %c0_i32_0 = arith.constant 0 : i32
    %c0_i32_1 = arith.constant 0 : i32
    return %c0_i32, %c0_i32_0 : i32, i32
  }
  func.func @transform_6(%arg0: i32) -> (i32, i32, i32) {
    %c0_i32 = arith.constant 0 : i32
    %c0_i32_0 = arith.constant 0 : i32
    %c0_i32_1 = arith.constant 0 : i32
    return %c0_i32, %arg0, %c0_i32_0 : i32, i32, i32
  }
  func.func @transform_7(%arg0: i32) -> (i32, i32) {
    %c0_i32 = arith.constant 0 : i32
    %c0_i32_0 = arith.constant 0 : i32
    return %arg0, %c0_i32 : i32, i32
  }
}

module attributes {stable_mosaic.version = 14 : i64} {
  func.func @body(%arg0: i32, %arg1: memref<2000x64xf32, #tpu.memory_space<vmem>>, %arg2: memref<2x3x2000x64xf32, #tpu.memory_space<vmem>>, %arg3: memref<2x3x2000x16xf32, #tpu.memory_space<vmem>>, %arg4: memref<64x5xf32, #tpu.memory_space<vmem>>, %arg5: memref<1x5xf32, #tpu.memory_space<vmem>>, %arg6: memref<2000x5xf32, #tpu.memory_space<vmem>>) attributes {dimension_semantics = [#tpu.dimension_semantics<arbitrary>], iteration_bounds = array<i64: 5>, scalar_prefetch = 0 : i64, scratch_operands = 0 : i64, tpu.core_type = #tpu.core_type<tc>, window_params = [{transform_indices = @transform_0, window_bounds = array<i64: 2000, 64>}, {transform_indices = @transform_1, window_bounds = array<i64: 2, 3, 2000, 64>}, {transform_indices = @transform_2, window_bounds = array<i64: 2, 3, 2000, 16>}, {pipeline_mode = #tpu.pipeline_mode<synchronous>, transform_indices = @transform_3, window_bounds = array<i64: 64, 5>}, {pipeline_mode = #tpu.pipeline_mode<synchronous>, transform_indices = @transform_4, window_bounds = array<i64: 1, 5>}, {transform_indices = @transform_5, window_bounds = array<i64: 2000, 5>}]} {
    %get3A = arith.constant 0 : index
    %get3A_0 = arith.constant 0 : index
    %get3A_1 = vector.load %arg1[%get3A, %get3A_0] : memref<2000x64xf32, #tpu.memory_space<vmem>>, vector<2000x64xf32>
    %get3A_2 = arith.constant 0 : index
    %get3A_3 = arith.constant 0 : index
    %get3A_4 = arith.constant 0 : index
    %get3A_5 = arith.constant 0 : index
    %get3A_6 = vector.load %arg2[%get3A_2, %get3A_3, %get3A_4, %get3A_5] : memref<2x3x2000x64xf32, #tpu.memory_space<vmem>>, vector<1x1x2000x64xf32>
    %get3A_7 = vector.shape_cast %get3A_6 : vector<1x1x2000x64xf32> to vector<2000x64xf32>
    %get3A_8 = arith.constant 1 : index
    %get3A_9 = arith.constant 0 : index
    %get3A_10 = arith.constant 0 : index
    %get3A_11 = arith.constant 0 : index
    %get3A_12 = vector.load %arg2[%get3A_8, %get3A_9, %get3A_10, %get3A_11] : memref<2x3x2000x64xf32, #tpu.memory_space<vmem>>, vector<1x1x2000x64xf32>
    %get3A_13 = vector.shape_cast %get3A_12 : vector<1x1x2000x64xf32> to vector<2000x64xf32>
    %add3A = arith.addf %get3A_7, %get3A_13 : vector<2000x64xf32>
    %get3A_14 = arith.constant 0 : index
    %get3A_15 = arith.constant 0 : index
    %get3A_16 = arith.constant 0 : index
    %get3A_17 = arith.constant 0 : index
    %get3A_18 = vector.load %arg3[%get3A_14, %get3A_15, %get3A_16, %get3A_17] : memref<2x3x2000x16xf32, #tpu.memory_space<vmem>>, vector<1x1x2000x1xf32>
    %get3A_19 = vector.shape_cast %get3A_18 : vector<1x1x2000x1xf32> to vector<2000x1xf32>
    %get3A_20 = arith.constant 1 : index
    %get3A_21 = arith.constant 0 : index
    %get3A_22 = arith.constant 0 : index
    %get3A_23 = arith.constant 0 : index
    %get3A_24 = vector.load %arg3[%get3A_20, %get3A_21, %get3A_22, %get3A_23] : memref<2x3x2000x16xf32, #tpu.memory_space<vmem>>, vector<1x1x2000x1xf32>
    %get3A_25 = vector.shape_cast %get3A_24 : vector<1x1x2000x1xf32> to vector<2000x1xf32>
    %add3A_26 = arith.addf %get3A_19, %get3A_25 : vector<2000x1xf32>
    %max3A = arith.constant 1.000000e+00 : f32
    %max3A_27 = vector.broadcast %max3A : f32 to vector<2000x1xf32>
    %max3A_28 = arith.maximumf %add3A_26, %max3A_27 : vector<2000x1xf32>
    %div3A = arith.constant 1.000000e+00 : f32
    %div3A_29 = vector.broadcast %div3A : f32 to vector<2000x1xf32>
    %div3A_30 = arith.divf %div3A_29, %max3A_28 : vector<2000x1xf32>
    %mul3A = vector.broadcast %div3A_30 : vector<2000x1xf32> to vector<2000x64xf32>
    %mul3A_31 = arith.mulf %add3A, %mul3A : vector<2000x64xf32>
    %add3A_32 = arith.addf %get3A_1, %mul3A_31 : vector<2000x64xf32>
    %get3A_33 = arith.constant 0 : index
    %get3A_34 = arith.constant 1 : index
    %get3A_35 = arith.constant 0 : index
    %get3A_36 = arith.constant 0 : index
    %get3A_37 = vector.load %arg2[%get3A_33, %get3A_34, %get3A_35, %get3A_36] : memref<2x3x2000x64xf32, #tpu.memory_space<vmem>>, vector<1x1x2000x64xf32>
    %get3A_38 = vector.shape_cast %get3A_37 : vector<1x1x2000x64xf32> to vector<2000x64xf32>
    %get3A_39 = arith.constant 1 : index
    %get3A_40 = arith.constant 1 : index
    %get3A_41 = arith.constant 0 : index
    %get3A_42 = arith.constant 0 : index
    %get3A_43 = vector.load %arg2[%get3A_39, %get3A_40, %get3A_41, %get3A_42] : memref<2x3x2000x64xf32, #tpu.memory_space<vmem>>, vector<1x1x2000x64xf32>
    %get3A_44 = vector.shape_cast %get3A_43 : vector<1x1x2000x64xf32> to vector<2000x64xf32>
    %add3A_45 = arith.addf %get3A_38, %get3A_44 : vector<2000x64xf32>
    %get3A_46 = arith.constant 0 : index
    %get3A_47 = arith.constant 1 : index
    %get3A_48 = arith.constant 0 : index
    %get3A_49 = arith.constant 0 : index
    %get3A_50 = vector.load %arg3[%get3A_46, %get3A_47, %get3A_48, %get3A_49] : memref<2x3x2000x16xf32, #tpu.memory_space<vmem>>, vector<1x1x2000x1xf32>
    %get3A_51 = vector.shape_cast %get3A_50 : vector<1x1x2000x1xf32> to vector<2000x1xf32>
    %get3A_52 = arith.constant 1 : index
    %get3A_53 = arith.constant 1 : index
    %get3A_54 = arith.constant 0 : index
    %get3A_55 = arith.constant 0 : index
    %get3A_56 = vector.load %arg3[%get3A_52, %get3A_53, %get3A_54, %get3A_55] : memref<2x3x2000x16xf32, #tpu.memory_space<vmem>>, vector<1x1x2000x1xf32>
    %get3A_57 = vector.shape_cast %get3A_56 : vector<1x1x2000x1xf32> to vector<2000x1xf32>
    %add3A_58 = arith.addf %get3A_51, %get3A_57 : vector<2000x1xf32>
    %max3A_59 = arith.constant 1.000000e+00 : f32
    %max3A_60 = vector.broadcast %max3A_59 : f32 to vector<2000x1xf32>
    %max3A_61 = arith.maximumf %add3A_58, %max3A_60 : vector<2000x1xf32>
    %div3A_62 = arith.constant 1.000000e+00 : f32
    %div3A_63 = vector.broadcast %div3A_62 : f32 to vector<2000x1xf32>
    %div3A_64 = arith.divf %div3A_63, %max3A_61 : vector<2000x1xf32>
    %mul3A_65 = vector.broadcast %div3A_64 : vector<2000x1xf32> to vector<2000x64xf32>
    %mul3A_66 = arith.mulf %add3A_45, %mul3A_65 : vector<2000x64xf32>
    %add3A_67 = arith.addf %add3A_32, %mul3A_66 : vector<2000x64xf32>
    %get3A_68 = arith.constant 0 : index
    %get3A_69 = arith.constant 2 : index
    %get3A_70 = arith.constant 0 : index
    %get3A_71 = arith.constant 0 : index
    %get3A_72 = vector.load %arg2[%get3A_68, %get3A_69, %get3A_70, %get3A_71] : memref<2x3x2000x64xf32, #tpu.memory_space<vmem>>, vector<1x1x2000x64xf32>
    %get3A_73 = vector.shape_cast %get3A_72 : vector<1x1x2000x64xf32> to vector<2000x64xf32>
    %get3A_74 = arith.constant 1 : index
    %get3A_75 = arith.constant 2 : index
    %get3A_76 = arith.constant 0 : index
    %get3A_77 = arith.constant 0 : index
    %get3A_78 = vector.load %arg2[%get3A_74, %get3A_75, %get3A_76, %get3A_77] : memref<2x3x2000x64xf32, #tpu.memory_space<vmem>>, vector<1x1x2000x64xf32>
    %get3A_79 = vector.shape_cast %get3A_78 : vector<1x1x2000x64xf32> to vector<2000x64xf32>
    %add3A_80 = arith.addf %get3A_73, %get3A_79 : vector<2000x64xf32>
    %get3A_81 = arith.constant 0 : index
    %get3A_82 = arith.constant 2 : index
    %get3A_83 = arith.constant 0 : index
    %get3A_84 = arith.constant 0 : index
    %get3A_85 = vector.load %arg3[%get3A_81, %get3A_82, %get3A_83, %get3A_84] : memref<2x3x2000x16xf32, #tpu.memory_space<vmem>>, vector<1x1x2000x1xf32>
    %get3A_86 = vector.shape_cast %get3A_85 : vector<1x1x2000x1xf32> to vector<2000x1xf32>
    %get3A_87 = arith.constant 1 : index
    %get3A_88 = arith.constant 2 : index
    %get3A_89 = arith.constant 0 : index
    %get3A_90 = arith.constant 0 : index
    %get3A_91 = vector.load %arg3[%get3A_87, %get3A_88, %get3A_89, %get3A_90] : memref<2x3x2000x16xf32, #tpu.memory_space<vmem>>, vector<1x1x2000x1xf32>
    %get3A_92 = vector.shape_cast %get3A_91 : vector<1x1x2000x1xf32> to vector<2000x1xf32>
    %add3A_93 = arith.addf %get3A_86, %get3A_92 : vector<2000x1xf32>
    %max3A_94 = arith.constant 1.000000e+00 : f32
    %max3A_95 = vector.broadcast %max3A_94 : f32 to vector<2000x1xf32>
    %max3A_96 = arith.maximumf %add3A_93, %max3A_95 : vector<2000x1xf32>
    %div3A_97 = arith.constant 1.000000e+00 : f32
    %div3A_98 = vector.broadcast %div3A_97 : f32 to vector<2000x1xf32>
    %div3A_99 = arith.divf %div3A_98, %max3A_96 : vector<2000x1xf32>
    %mul3A_100 = vector.broadcast %div3A_99 : vector<2000x1xf32> to vector<2000x64xf32>
    %mul3A_101 = arith.mulf %add3A_80, %mul3A_100 : vector<2000x64xf32>
    %add3A_102 = arith.addf %add3A_67, %mul3A_101 : vector<2000x64xf32>
    %max3A_103 = arith.constant 0.000000e+00 : f32
    %max3A_104 = vector.broadcast %max3A_103 : f32 to vector<2000x64xf32>
    %max3A_105 = arith.maximumf %add3A_102, %max3A_104 : vector<2000x64xf32>
    %get3A_106 = arith.constant 0 : index
    %get3A_107 = arith.constant 0 : index
    %get3A_108 = vector.load %arg4[%get3A_106, %get3A_107] : memref<64x5xf32, #tpu.memory_space<vmem>>, vector<64x5xf32>
    %dot_general3A = arith.constant dense<0.000000e+00> : vector<2000x5xf32>
    %dot_general3A_109 = tpu.matmul %max3A_105, %get3A_108, %dot_general3A {dimension_numbers = #tpu.dot_dimension_numbers<[1], [0], [0], [1], [0, 0, 1, 1], [], []>, transpose_lhs_hint = false} : vector<2000x64xf32>, vector<64x5xf32>, vector<2000x5xf32> -> vector<2000x5xf32>
    %get3A_110 = arith.constant 0 : index
    %get3A_111 = arith.constant 0 : index
    %get3A_112 = vector.load %arg5[%get3A_110, %get3A_111] : memref<1x5xf32, #tpu.memory_space<vmem>>, vector<1x5xf32>
    %add3A_113 = vector.broadcast %get3A_112 : vector<1x5xf32> to vector<2000x5xf32>
    %add3A_114 = arith.addf %dot_general3A_109, %add3A_113 : vector<2000x5xf32>
    %swap3A = arith.constant 0 : index
    %swap3A_115 = arith.constant 0 : index
    %swap3A_116 = vector.load %arg6[%swap3A, %swap3A_115] : memref<2000x5xf32, #tpu.memory_space<vmem>>, vector<2000x5xf32>
    tpu.vector_store %arg6[%swap3A, %swap3A_115], %add3A_114 {strides = array<i32>} : memref<2000x5xf32, #tpu.memory_space<vmem>>, vector<2000x5xf32>,
    return
  }
  func.func @transform_0(%arg0: i32) -> (i32, i32) {
    %c0_i32 = arith.constant 0 : i32
    %c0_i32_0 = arith.constant 0 : i32
    return %arg0, %c0_i32 : i32, i32
  }
  func.func @transform_1(%arg0: i32) -> (i32, i32, i32, i32) {
    %c0_i32 = arith.constant 0 : i32
    %c0_i32_0 = arith.constant 0 : i32
    %c0_i32_1 = arith.constant 0 : i32
    %c0_i32_2 = arith.constant 0 : i32
    return %c0_i32, %c0_i32_0, %arg0, %c0_i32_1 : i32, i32, i32, i32
  }
  func.func @transform_2(%arg0: i32) -> (i32, i32, i32, i32) {
    %c0_i32 = arith.constant 0 : i32
    %c0_i32_0 = arith.constant 0 : i32
    %c0_i32_1 = arith.constant 0 : i32
    %c0_i32_2 = arith.constant 0 : i32
    return %c0_i32, %c0_i32_0, %arg0, %c0_i32_1 : i32, i32, i32, i32
  }
  func.func @transform_3(%arg0: i32) -> (i32, i32) {
    %c0_i32 = arith.constant 0 : i32
    %c0_i32_0 = arith.constant 0 : i32
    %c0_i32_1 = arith.constant 0 : i32
    return %c0_i32, %c0_i32_0 : i32, i32
  }
  func.func @transform_4(%arg0: i32) -> (i32, i32) {
    %c0_i32 = arith.constant 0 : i32
    %c0_i32_0 = arith.constant 0 : i32
    %c0_i32_1 = arith.constant 0 : i32
    return %c0_i32, %c0_i32_0 : i32, i32
  }
  func.func @transform_5(%arg0: i32) -> (i32, i32) {
    %c0_i32 = arith.constant 0 : i32
    %c0_i32_0 = arith.constant 0 : i32
    return %arg0, %c0_i32 : i32, i32
  }
}

</mosaic_0001>

<sc_bundles>
// kernel: kernel.12.cloned.1.call-start
scs
__scs_entry_jumppad:
0x0: {  	(pc) =	sbr.rel $0x88, $3  }
0x1: {  	(tag) =	ssettag $0x0;
	lr =	simm.s32 $0x1  }
0x2: {  	[smem:$0x3F96] =	sst lr;
	_ =	strace $0xD0000000  }
0x3: {  	_ = 	snop  }
0x4: {  	_ = 	snop  }
0x5: {  	_ = 	snop  }
0x6: {  	_ = 	snop  }
0x7: {  	_ = 	snop  }
__scs_overlays_trampoline_lowered:
0x8: {  	[smem:$0x3FA5] =	sst s0  }
0x9: {  	[smem:$0x3FA6] =	sst s1  }
0xa: {  	[smem:$0x3FA7] =	sst s2  }
0xb: {  	[smem:$0x3FA8] =	sst s3  }
0xc: {  	[smem:$0x3FA9] =	sst s4  }
0xd: {  	[smem:$0x3FAA] =	sst s5  }
0xe: {  	[smem:$0x3FAB] =	sst s6  }
0xf: {  	[smem:$0x3FAC] =	sst s7  }
0x10: {  	[smem:$0x3FAD] =	sst s8  }
0x11: {  	[smem:$0x3FAE] =	sst s9;
	s0 =	simm.s32 @!p0 $0x0  }
0x12: {  	s1 =	sld [smem:$0x3F94];
	s0 =	simm.s32 @p0 $0x1  }
0x13: {  	[smem:$0x3FAF] =	sst s0;
	s0 =	simm.s32 @!p1 $0x0  }
0x14: {  	s2 =	sld [smem:$0x3F93];
	s0 =	simm.s32 @p1 $0x1  }
0x15: {  	[smem:$0x3FB0] =	sst s0;
	s0 =	simm.s32 @!p2 $0x0  }
0x16: {  	s3 =	sld [smem:$0x3FDB];
	s0 =	simm.s32 @p2 $0x1  }
0x17: {  	s4 =	simm.s32 $0x1BF5;
	[smem:$0x3FB2] =	sst s0  }
0x18: {  	s0 =	sld [smem:$0x3F95];
	_ =	swait.ge [sflag:s4], $0x0  }
0x19: {  	s7 =	sld [smem:$0x3F96]  }
0x1a: {  	s8 =	sadd.s32 $0xFFFFE003, lr  }
0x1b: {  	s9 =	sadd.s32 $0xFFFFFEF7, lr;
	s5 =	simm.s32 $0xFFFFFFFF;
	p2 =	slt.u32 s8, $0xFFFFF086  }
0x1c: {  	p1 =	slt.u32 s9, $0xF7A;
	s5 =	simm.s32 @!p2 $0x0  }
0x1d: {  	s5 =	simm.s32 @p1 $0x1;
	p0 =	seq.s32 s7, s2  }
0x1e: {  	s7 =	smul.u32 @!p0 $0xF7A, s2;
	p2 =	seq.s32 @!p0 s5, $0x0  }
0x1f: {  	s9 =	smul.u32 $0xF7A, s1;
	s8 =	simm.s32 @!p0 $0x1BF5;
	p2 =	por !p2, p0  }
0x20: {  	[sflag:s8] =	ssyncset.s32 @!p0 $0xFFFFF086;
	s6 =	sadd.s32 @!p0 s3, s7;
	s7 =	simm.s32 @!p0 $0x108  }
0x21: {  	s3 =	sadd.s32 s3, s9;
	s6 =	sadd.s32 @!p0 $0x88, s6;
	s7 =	simm.s32 @p2 $0x1082  }
0x22: {  	[simem:s7], [sflag:s8] =	dma.local @!p0 [hbm:s6], $0xF7A  }
0x23: {  	s9 =	sor.u32 $0xD0000000, s2;
	s6 =	simm.s32 $0x108;
	_ =	swait.ge @!p0 [sflag:s8], $0x0  }
0x24: {  	s3 =	sadd.s32 $0x88, s3;
	s6 =	simm.s32 @!p1 $0x1082;
	[sflag:s4] =	ssyncset.s32 $0xFFFFF086  }
0x25: {  	[simem:s6], [sflag:s4] =	dma.local [hbm:s3], $0xF7A  }
0x26: {  	[smem:$0x3F96] =	sst s1;
	(tag) =	ssettag s2;
	_ =	strace s9  }
0x27: {  	s1 =	sld [smem:$0x3FA6]  }
0x28: {  	s2 =	sld [smem:$0x3FA7]  }
0x29: {  	s4 =	sld [smem:$0x3FA9]  }
0x2a: {  	p0 =	seq.s32 s5, $0x0;
	s5 =	sld [smem:$0x3FAA]  }
0x2b: {  	s6 =	sld [smem:$0x3FAB]  }
0x2c: {  	s7 =	sld [smem:$0x3FAC]  }
0x2d: {  	s3 =	simm.s32 $0x108;
	s8 =	sld [smem:$0x3FAD]  }
0x2e: {  	s3 =	simm.s32 @!p0 $0x1082;
	s9 =	sld [smem:$0x3FAE]  }
0x2f: {  	lr =	sadd.s32 s0, s3;
	s0 =	sld [smem:$0x3FA5]  }
0x30: {  	s3 =	sld [smem:$0x3FA8]  }
0x31: {  	[smem:$0x3FB1] =	sst s10  }
0x32: {  	s10 =	sld [smem:$0x3FAF];
	_ =	sdelay $0x3  }
0x33: {  	p0 =	seq.s32 s10, $0x1;
	s10 =	sld [smem:$0x3FB1];
	_ =	sdelay $0x3  }
0x34: {  	[smem:$0x3FB1] =	sst s10  }
0x35: {  	s10 =	sld [smem:$0x3FB0];
	_ =	sdelay $0x3  }
0x36: {  	p1 =	seq.s32 s10, $0x1;
	s10 =	sld [smem:$0x3FB1];
	_ =	sdelay $0x3  }
0x37: {  	[smem:$0x3FB1] =	sst s10  }
0x38: {  	s10 =	sld [smem:$0x3FB2]  }
0x39: {  	_ = 	snop;
	(pc) =	sbr.ind lr, $3  }
0x3a: {  	_ = 	snop  }
0x3b: {  	_ = 	snop  }
0x3c: {  	p2 =	seq.s32 s10, $0x1;
	s10 =	sld [smem:$0x3FB1]  }
0x3d: {  	_ =	shalt  }
0x3e: {  	_ =	shalt  }
0x3f: {  	_ =	shalt  }
0x40: {  	_ =	shalt  }
0x41: {  	_ =	shalt  }
0x42: {  	_ =	shalt  }
0x43: {  	_ =	shalt  }
0x44: {  	_ =	shalt  }
0x45: {  	_ =	shalt  }
0x46: {  	_ =	shalt  }
0x47: {  	_ =	shalt  }
0x48: {  	_ =	shalt  }
0x49: {  	_ =	shalt  }
0x4a: {  	_ =	shalt  }
0x4b: {  	_ =	shalt  }
0x4c: {  	_ =	shalt  }
0x4d: {  	_ =	shalt  }
0x4e: {  	_ =	shalt  }
0x4f: {  	_ =	shalt  }
0x50: {  	_ =	shalt  }
0x51: {  	_ =	shalt  }
0x52: {  	_ =	shalt  }
0x53: {  	_ =	shalt  }
0x54: {  	_ =	shalt  }
0x55: {  	_ =	shalt  }
0x56: {  	_ =	shalt  }
0x57: {  	_ =	shalt  }
0x58: {  	_ =	shalt  }
0x59: {  	_ =	shalt  }
0x5a: {  	_ =	shalt  }
0x5b: {  	_ =	shalt  }
0x5c: {  	_ =	shalt  }
0x5d: {  	_ =	shalt  }
0x5e: {  	_ =	shalt  }
0x5f: {  	_ =	shalt  }
0x60: {  	_ =	shalt  }
0x61: {  	_ =	shalt  }
0x62: {  	_ =	shalt  }
0x63: {  	_ =	shalt  }
0x64: {  	_ =	shalt  }
0x65: {  	_ =	shalt  }
0x66: {  	_ =	shalt  }
0x67: {  	_ =	shalt  }
0x68: {  	_ =	shalt  }
0x69: {  	_ =	shalt  }
0x6a: {  	_ =	shalt  }
0x6b: {  	_ =	shalt  }
0x6c: {  	_ =	shalt  }
0x6d: {  	_ =	shalt  }
0x6e: {  	_ =	shalt  }
0x6f: {  	_ =	shalt  }
0x70: {  	_ =	shalt  }
0x71: {  	_ =	shalt  }
0x72: {  	_ =	shalt  }
0x73: {  	_ =	shalt  }
0x74: {  	_ =	shalt  }
0x75: {  	_ =	shalt  }
0x76: {  	_ =	shalt  }
0x77: {  	_ =	shalt  }
0x78: {  	_ =	shalt  }
0x79: {  	_ =	shalt  }
0x7a: {  	_ =	shalt  }
0x7b: {  	_ =	shalt  }
0x7c: {  	_ =	shalt  }
0x7d: {  	_ =	shalt  }
0x7e: {  	_ =	shalt  }
0x7f: {  	_ =	shalt  }
0x80: {  	_ =	shalt  }
0x81: {  	_ =	shalt  }
0x82: {  	_ =	shalt  }
0x83: {  	_ =	shalt  }
0x84: {  	_ =	shalt  }
0x85: {  	_ =	shalt  }
0x86: {  	_ =	shalt  }
0x87: {  	_ =	shalt  }
.Lfunc_end0:
.L_simem_size_0:
called_computation.1_lowered:
.L_overlay_start_0:
0x88: {  	s2 =	sld [smem:$0x3FD9]  }
0x89: {  	s3 =	sld [smem:$0x3FFE];
	_ =	sdelay $0x1  }
0x8a: {  	s1 =	srdreg.scid  }
0x8b: {  	s0 =	sand.u32 $0x1, s1  }
0x8c: {  	s17 =	sshll.u32 s0, $0xA;
	s2 =	sadd.s32 s3, s2  }
0x8d: {  	s2 =	sadd.s32 s2, s17  }
0x8e: {  	[smem:$0x3FBD] =	sst s2  }
0x8f: {  	_ = 	snop  }
0x90: {  	s2 =	sld [smem:$0x3FD0];
	(tm) =	ssettm $0x1  }
0x91: {  	s18 =	sld [smem:$0x3FFB];
	_ =	sdelay $0x3  }
0x92: {  	_ =	strace s18  }
0x93: {  	s3 =	sld [smem:$0x3FFC];
	_ =	sdelay $0x3  }
0x94: {  	_ =	strace s3  }
0x95: {  	s3 =	sld [smem:$0x3FFD];
	_ =	sdelay $0x3  }
0x96: {  	_ =	strace s3  }
0x97: {  	_ =	strace $0x8FFFFFFF  }
0x98: {  	s19 =	sld [smem:$0x3FDB];
	_ =	sdelay $0x1  }
0x99: {  	s4 =	simm.s32 $_scs_section_size  }
0x9a: {  	s5 =	simm.s32 $_size__tile_overlayer_lowered;
	s6 =	simm.s32 $_tile_overlayer_lowered  }
0x9b: {  	s22 =	simm.s32 $0x1BFF;
	s21 =	sshll.u32 s6, $0x1;
	s3 =	sadd.s32 s4, s19  }
0x9c: {  	s7 =	simm.s32 $0x0;
	s20 =	sshll.u32 s5, $0x1;
	s5 =	sadd.s32 s21, s3  }
0x9d: {  	[timem:s7], [sflag:s22] =	dma.local [hbm:s5], s20  }
0x9e: {  	_ =	swait.ge [sflag:s22], s20  }
0x9f: {  	s4 =	ssub.s32 $0x0, s20;
	[sflag:s22] =	ssyncset.done $0x0  }
0xa0: {  	[sflag:s22] =	ssyncadd.s32 s4;
	_ =	sdelay $0x1  }
0xa1: {  	s23 =	simm.s32 $0x1B8B  }
0xa2: {  	_ =	swait.ge [sflag:s23], $0x1  }
0xa3: {  	[sflag:s23] =	ssyncset.done $0x0  }
0xa4: {  	s25 =	simm.s32 $0x1B8E;
	s24 =	sld [smem:$0x3FFE];
	[sflag:s23] =	ssyncadd.s32 $0xFFFFFFFF  }
0xa5: {  	s26 =	simm.s32 $execute0_lowered;
	[smem:$0x3FD2] =	sst s25  }
0xa6: {  	s5 =	sshll.u32 s26, $0x1;
	_ =	strace $0x80000046;
	[dreg:$0x1] =	wrdreg $0xFFFFFFFF  }
0xa7: {  	s28 =	simm.s32 $_size_execute0_lowered;
	s3 =	sadd.s32 s3, s5;
	[dreg:$0x0] =	wrdreg $0x0  }
0xa8: {  	s5 =	sshll.u32 s28, $0x1;
	[dreg:$0x2] =	wrdreg s3  }
0xa9: {  	[dreg:$0x3] =	wrdreg s5  }
0xaa: {  	[dreg:$0x4] =	wrdreg $0xC0  }
0xab: {  	_ =	task [dreg:s7], $0x5FFFF  }
0xac: {  	[dreg:$0x1] =	wrdreg $0xFFFFFFFF  }
0xad: {  	[dreg:$0x0] =	wrdreg $0x60  }
0xae: {  	[dreg:$0x2] =	wrdreg s24  }
0xaf: {  	[dreg:$0x3] =	wrdreg s2  }
0xb0: {  	[dreg:$0x4] =	wrdreg $0x0  }
0xb1: {  	[dreg:$0x5] =	wrdreg $0xA  }
0xb2: {  	_ =	task.clear_ibuf [dreg:s7], $0x6FFFF;
	_ =	strace $0x90000046  }
0xb3: {  	s29 =	simm.s32 $0xA;
	_ =	strace $0x80000048  }
0xb4: {  	_ =	swait.ge [sflag:s29], $0x1  }
0xb5: {  	[sflag:s29] =	ssyncadd.s32 $0xFFFFFFFF  }
0xb6: {  	_ =	strace $0x90000048  }
0xb7: {  	_ =	sfence  }
0xb8: {  	s30 =	sld [smem:$0x0];
	_ =	sdelay $0x2  }
0xb9: {  	s31 =	sshll.u32 s1, $0xD;
	s1 =	sshrl.u32 s1, $0x2  }
0xba: {  	s3 =	sand.u32 $0x4000, s31;
	s1 =	sadd.s32 s1, s30  }
0xbb: {  	s0 =	sor.u32 s3, s0;
	s1 =	sshll.u32 s1, $0x11  }
0xbc: {  	s0 =	sor.u32 s1, s0  }
0xbd: {  	s0 =	sadd.s32 $0x8F2B, s0  }
0xbe: {  	[sflag:s0] =	ssyncadd.remote.s32 $0x1  }
0xbf: {  	_ =	sfence.sel $0xFFFF  }
0xc0: {  	[dreg:$0x0] =	wrdreg $0xFFFFFFFF;
	(pc) =	sbr.abs _section_cstart, $3  }
0xc1: {  	[dreg:$0x1] =	wrdreg $0xFFFFFFFF  }
0xc2: {  	_ =	task.clear_ibuf [dreg:s7], $0x2FFFF;
	_ =	strace $0x9FFFFFFF  }
0xc3: {  	(tm) =	ssettm $0x7FFFFFFF  }
tec
execute0_lowered:
.L_overlay_start_1:
0x0: {  	(tag) =	ssettag $0x1  }
0x1: {  	s1 =	rddreg [dreg:$0x0]  }
0x2: {  	s3 =	rddreg [dreg:$0x2];
	s0 =	srdreg.scid;
	s4 =	simm.s32 $0x0  }
0x3: {  	s26 =	stileid.u32;
	s2 =	simm.s32 $0x0;
	s24 =	simm.s32 $0x1D700  }
0x4: {  	s8 =	simm.s32 $0x1DB00;
	s25 =	simm.s32 $0x1D740;
	s16 =	simm.s32 $0x1DB40  }
0x5: {  	s17 =	simm.s32 $0x1DB80;
	s18 =	simm.s32 $0x1D7C0;
	s19 =	simm.s32 $0x1D800  }
0x6: {  	s28 =	simm.s32 $0x1DD40;
	s29 =	simm.s32 $0x1DD80;
	s30 =	simm.s32 $0x1D9C0  }
0x7: {  	s31 =	simm.s32 $0x1DA00;
	s0 =	sand.u32 $0x1, s0;
	[dreg:$0x16] =	wrdreg s2  }
0x8: {  	[smem:$0x7FF] =	sst s4;
	s20 =	sshll.u32 s26, $0x4;
	s13 =	sadd.s32 $0x16600, s1  }
0x9: {  	s12 =	sor.u32 $0x10, s26;
	_ =	strace $0x80000047;
	[dreg:$0x6] =	wrdreg s24  }
0xa: {  	s11 =	sor.u32 $0x20, s26;
	s10 =	sor.u32 $0x30, s26;
	[dreg:$0x7] =	wrdreg s8  }
0xb: {  	s7 =	sor.u32 $0x40, s26;
	s6 =	sor.u32 $0x60, s26;
	[dreg:$0x8] =	wrdreg s25  }
0xc: {  	s21 =	ssub.s32 $0x2, s0;
	s2 =	sadd.s32 s20, s1;
	[dreg:$0xa] =	wrdreg s16  }
0xd: {  	s22 =	sshll.u32 s0, $0x3;
	s15 =	smul.u32 $0x1D4C00, s0;
	[dreg:$0xb] =	wrdreg s17  }
0xe: {  	s0 =	smul.u32 $0x3200, s26;
	s8 =	simm.s32 $0x1D780;
	[dreg:$0xc] =	wrdreg s18  }
0xf: {  	[dreg:$0xd] =	wrdreg s19;
	s16 =	smul.u32 $0x3200, s7;
	s24 =	simm.s32 $0x1D880  }
0x10: {  	s25 =	simm.s32 $0x1DC40;
	s7 =	smul.u32 $0xC800, s7;
	[dreg:$0x9] =	wrdreg s8  }
0x11: {  	s5 =	sshrl.u32 s21, $0x1;
	s2 =	sadd.s32 s22, s2;
	[dreg:$0x11] =	wrdreg s24  }
0x12: {  	s8 =	smul.u32 $0x3200, s11;
	s22 =	simm.s32 $0x1DC00;
	[dreg:$0x12] =	wrdreg s25  }
0x13: {  	s11 =	smul.u32 $0xC800, s11;
	s9 =	ssub.s32 s21, s5;
	s5 =	sor.u32 $0x50, s26  }
0x14: {  	s4 =	sadd.s32 $0xC600, s2;
	s2 =	sadd.s32 $0x2600, s2;
	[dreg:$0xf] =	wrdreg s22  }
0x15: {  	s23 =	sadd.s32 s15, s0;
	s21 =	simm.s32 $0x1DBC0;
	[dreg:$0x4] =	wrdreg s4  }
0x16: {  	s7 =	sshrl.u32 s7, $0x2;
	s0 =	sadd.s32 s0, s3;
	[dreg:$0x5] =	wrdreg s2  }
0x17: {  	s4 =	sshrl.u32 s23, $0x3;
	s2 =	smul.u32 $0x3200, s12;
	s20 =	sadd.s32 s15, s8  }
0x18: {  	[dreg:$0xe] =	wrdreg s21;
	s23 =	simm.s32 $0x1D840;
	s18 =	smul.u32 $0x3200, s5  }
0x19: {  	s9 =	smax.u32 s9, $0x1;
	s11 =	sshrl.u32 s11, $0x2;
	s5 =	smul.u32 $0xC800, s5  }
0x1a: {  	s7 =	sadd.s32 s7, s3;
	s8 =	sadd.s32 s8, s3;
	[dreg:$0x10] =	wrdreg s23  }
0x1b: {  	s0 =	sshrl.u32 s0, $0x3;
	s4 =	sadd.s32 s13, s4;
	[smem:$0x7E8] =	sst s9  }
0x1c: {  	s17 =	sshrl.u32 s20, $0x3;
	s20 =	sadd.s32 s15, s16;
	[smem:$0x7F3] =	sst s0  }
0x1d: {  	s11 =	sadd.s32 s11, s3;
	s16 =	sadd.s32 s16, s3;
	[dreg:$0x17] =	wrdreg s4  }
0x1e: {  	s14 =	sadd.s32 s15, s2;
	s17 =	sadd.s32 s13, s17;
	s22 =	sshrl.u32 s20, $0x3  }
0x1f: {  	s24 =	sadd.s32 s15, s18;
	s5 =	sshrl.u32 s5, $0x2;
	s2 =	sadd.s32 s2, s3  }
0x20: {  	s18 =	sadd.s32 s18, s3;
	s16 =	sshrl.u32 s16, $0x3;
	s14 =	sshrl.u32 s14, $0x3  }
0x21: {  	[dreg:$0x19] =	wrdreg s17;
	s23 =	sadd.s32 s13, s22;
	s14 =	sadd.s32 s13, s14  }
0x22: {  	s22 =	sor.u32 $0x90, s26;
	[dreg:$0x18] =	wrdreg s14;
	s14 =	smul.u32 $0x3200, s10  }
0x23: {  	s5 =	sadd.s32 s5, s3;
	[smem:$0x7F7] =	sst s16;
	s16 =	simm.s32 $0x1DEC0  }
0x24: {  	[dreg:$0x1b] =	wrdreg s23;
	s10 =	smul.u32 $0xC800, s10;
	s19 =	sadd.s32 s15, s14  }
0x25: {  	p0 =	sgt.u32 s22, $0x95;
	s21 =	sshrl.u32 s19, $0x3;
	s19 =	smul.u32 $0x3200, s6  }
0x26: {  	s10 =	sshrl.u32 s10, $0x2;
	s14 =	sadd.s32 s14, s3;
	s6 =	smul.u32 $0xC800, s6  }
0x27: {  	s10 =	sadd.s32 s10, s3;
	s14 =	sshrl.u32 s14, $0x3;
	s4 =	sadd.s32 s13, s21  }
0x28: {  	s21 =	sor.u32 $0x70, s26;
	[smem:$0x7F6] =	sst s14;
	s14 =	simm.s32 $0x1DAC0  }
0x29: {  	[dreg:$0x1a] =	wrdreg s4;
	s4 =	sshrl.u32 s24, $0x3;
	s20 =	smul.u32 $0x3200, s21  }
0x2a: {  	s25 =	sadd.s32 s15, s19;
	s21 =	smul.u32 $0xC800, s21;
	s6 =	sshrl.u32 s6, $0x2  }
0x2b: {  	s4 =	sadd.s32 s13, s4;
	s17 =	sshrl.u32 s25, $0x3;
	s25 =	smul.u32 $0x3200, s22  }
0x2c: {  	s22 =	smul.u32 $0xC800, s22;
	[dreg:$0x1c] =	wrdreg s4;
	s4 =	sor.u32 $0x80, s26  }
0x2d: {  	s19 =	sadd.s32 s19, s3;
	s17 =	sadd.s32 s13, s17;
	s23 =	smul.u32 $0x3200, s4  }
0x2e: {  	s6 =	sadd.s32 s6, s3;
	s24 =	sadd.s32 s15, s20;
	[dreg:$0x1d] =	wrdreg s17  }
0x2f: {  	s17 =	sshrl.u32 s24, $0x3;
	s4 =	smul.u32 $0xC800, s4;
	s24 =	sadd.s32 s15, s23  }
0x30: {  	s17 =	sadd.s32 s13, s17;
	s15 =	sadd.s32 s15, s25;
	s24 =	sshrl.u32 s24, $0x3  }
0x31: {  	[dreg:$0x1e] =	wrdreg s17;
	s15 =	sshrl.u32 s15, $0x3;
	s17 =	sadd.s32 s13, s24  }
0x32: {  	s20 =	sadd.s32 s20, s3;
	s13 =	sadd.s32 s13, s15;
	[dreg:$0x1f] =	wrdreg s17  }
0x33: {  	s4 =	sshrl.u32 s4, $0x2;
	s24 =	simm.s32 $0x1DC80;
	[smem:$0x7E7] =	sst s13  }
0x34: {  	s4 =	sadd.s32 s4, s3;
	s15 =	simm.s32 $0x1D8C0;
	[dreg:$0x13] =	wrdreg s24  }
0x35: {  	[dreg:$0x14] =	wrdreg s15;
	s13 =	smul.u32 $0xC800, s26;
	s17 =	simm.s32 $0x1D900  }
0x36: {  	s15 =	sadd.s32 $0x8BA00, s1;
	s24 =	smul.u32 $0xC800, s12;
	s12 =	sshrl.u32 s21, $0x2  }
0x37: {  	s21 =	sadd.s32 s23, s3;
	s23 =	sshrl.u32 s18, $0x3;
	s18 =	simm.s32 $0x1EEC0  }
0x38: {  	[dreg:$0x15] =	wrdreg s17;
	s17 =	sshll.u32 s26, $0x6;
	s12 =	sadd.s32 s12, s3  }
0x39: {  	s26 =	sshrl.u32 s7, $0x3;
	s7 =	sshrl.u32 s5, $0x3;
	[smem:$0x7F8] =	sst s23  }
0x3a: {  	s23 =	simm.s32 $0x1DCC0;
	s5 =	simm.s32 $0x1DA40;
	s13 =	sshrl.u32 s13, $0x2  }
0x3b: {  	s17 =	sor.u32 $0x1C05, s17;
	s1 =	sshrl.u32 s24, $0x2;
	[smem:$0x7ED] =	sst s26  }
0x3c: {  	s24 =	sshrl.u32 s11, $0x3;
	[smem:$0x7EE] =	sst s7;
	s11 =	sshrl.u32 s4, $0x3  }
0x3d: {  	s26 =	sshrl.u32 s21, $0x3;
	s21 =	simm.s32 $0x3;
	s7 =	simm.s32 $0x1DE40  }
0x3e: {  	s9 =	sadd.s32 s13, s3;
	s1 =	sadd.s32 s1, s3;
	[smem:$0x7EB] =	sst s24  }
0x3f: {  	s13 =	sshrl.u32 s22, $0x2;
	s22 =	sadd.s32 s25, s3;
	[smem:$0x7F1] =	sst s11  }
0x40: {  	s25 =	sshrl.u32 s10, $0x3;
	s10 =	sshrl.u32 s12, $0x3;
	[smem:$0x7FB] =	sst s26  }
0x41: {  	s12 =	sshrl.u32 s2, $0x3;
	s24 =	sshrl.u32 s19, $0x3;
	[smem:$0x7FD] =	sst s17  }
0x42: {  	s11 =	simm.s32 $0x40;
	s19 =	simm.s32 $0x1;
	[smem:$0x7EC] =	sst s25  }
0x43: {  	s26 =	simm.s32 $0x1D980;
	s2 =	simm.s32 $0x1DE00;
	[smem:$0x7F0] =	sst s10  }
0x44: {  	s13 =	sadd.s32 s13, s3;
	s9 =	sshrl.u32 s9, $0x3;
	[smem:$0x7F4] =	sst s12  }
0x45: {  	s1 =	sshrl.u32 s1, $0x3;
	[smem:$0x7F9] =	sst s24;
	s25 =	sshrl.u32 s20, $0x3  }
0x46: {  	s0 =	sshrl.u32 @!p0 s22, $0x3;
	s10 =	simm.s32 $0x5;
	[smem:$0x7E9] =	sst s9  }
0x47: {  	s12 =	simm.s32 $0x800;
	s20 =	simm.s32 $0x2;
	[smem:$0x7EA] =	sst s1  }
0x48: {  	s22 =	simm.s32 $0x4;
	s24 =	simm.s32 $0x1DD00;
	[smem:$0x7FA] =	sst s25  }
0x49: {  	s9 =	sshrl.u32 s6, $0x3;
	s1 =	sshrl.u32 @!p0 s13, $0x3;
	[smem:$0x7FC] =	sst s0  }
0x4a: {  	s13 =	sshrl.u32 s8, $0x3;
	s25 =	simm.s32 $0x1D940;
	[smem:$0x7EF] =	sst s9  }
0x4b: {  	s0 =	simm.s32 $0x1DDC0;
	s6 =	simm.s32 $0x1DA80;
	[smem:$0x7F2] =	sst s1  }
0x4c: {  	s8 =	simm.s32 $0x1DE80;
	[smem:$0x7F5] =	sst s13;
	s13 =	simm.s32 $0x1D6C0  }
.LBB2_1:
0x4d: {  	s4 =	sld [smem:$0x7E9];
	_ =	sdelay $0x1  }
0x4e: {  	s1 =	rddreg [dreg:$0x1]  }
0x4f: {  	[spmem:s4], [sflag:s17] =	dma.local [hbm:s1], $0x640  }
0x50: {  	_ =	swait.ge [sflag:s10], $0x640  }
0x51: {  	s9 =	sld [smem:$0x7EA]  }
0x52: {  	[sflag:s10] =	ssyncset.done $0x0  }
0x53: {  	[sflag:s10] =	ssyncadd.s32 $0xFFFFF9C0  }
0x54: {  	[spmem:s9], [sflag:s17] =	dma.local [hbm:s1], $0x640  }
0x55: {  	_ =	swait.ge [sflag:s10], $0x640  }
0x56: {  	s9 =	sld [smem:$0x7EB]  }
0x57: {  	[sflag:s10] =	ssyncset.done $0x0  }
0x58: {  	[sflag:s10] =	ssyncadd.s32 $0xFFFFF9C0  }
0x59: {  	[spmem:s9], [sflag:s17] =	dma.local [hbm:s1], $0x640  }
0x5a: {  	_ =	swait.ge [sflag:s10], $0x640  }
0x5b: {  	s9 =	sld [smem:$0x7EC]  }
0x5c: {  	[sflag:s10] =	ssyncset.done $0x0  }
0x5d: {  	[sflag:s10] =	ssyncadd.s32 $0xFFFFF9C0  }
0x5e: {  	[spmem:s9], [sflag:s17] =	dma.local [hbm:s1], $0x640  }
0x5f: {  	_ =	swait.ge [sflag:s10], $0x640  }
0x60: {  	s9 =	sld [smem:$0x7ED]  }
0x61: {  	[sflag:s10] =	ssyncset.done $0x0  }
0x62: {  	[sflag:s10] =	ssyncadd.s32 $0xFFFFF9C0  }
0x63: {  	[spmem:s9], [sflag:s17] =	dma.local [hbm:s1], $0x640  }
0x64: {  	_ =	swait.ge [sflag:s10], $0x640  }
0x65: {  	s9 =	sld [smem:$0x7EE]  }
0x66: {  	[sflag:s10] =	ssyncset.done $0x0  }
0x67: {  	[sflag:s10] =	ssyncadd.s32 $0xFFFFF9C0  }
0x68: {  	[spmem:s9], [sflag:s17] =	dma.local [hbm:s1], $0x640  }
0x69: {  	_ =	swait.ge [sflag:s10], $0x640  }
0x6a: {  	s9 =	sld [smem:$0x7EF]  }
0x6b: {  	[sflag:s10] =	ssyncset.done $0x0  }
0x6c: {  	[sflag:s10] =	ssyncadd.s32 $0xFFFFF9C0  }
0x6d: {  	[spmem:s9], [sflag:s17] =	dma.local [hbm:s1], $0x640  }
0x6e: {  	_ =	swait.ge [sflag:s10], $0x640  }
0x6f: {  	s9 =	sld [smem:$0x7F0]  }
0x70: {  	[sflag:s10] =	ssyncset.done $0x0  }
0x71: {  	[sflag:s10] =	ssyncadd.s32 $0xFFFFF9C0  }
0x72: {  	[spmem:s9], [sflag:s17] =	dma.local [hbm:s1], $0x640  }
0x73: {  	_ =	swait.ge [sflag:s10], $0x640  }
0x74: {  	s9 =	sld [smem:$0x7F1]  }
0x75: {  	[sflag:s10] =	ssyncset.done $0x0  }
0x76: {  	[sflag:s10] =	ssyncadd.s32 $0xFFFFF9C0  }
0x77: {  	[spmem:s9], [sflag:s17] =	dma.local [hbm:s1], $0x640  }
0x78: {  	_ =	swait.ge [sflag:s10], $0x640  }
0x79: {  	s4 =	sld [smem:$0x7F2]  }
0x7a: {  	[sflag:s10] =	ssyncset.done $0x0  }
0x7b: {  	[sflag:s10] =	ssyncadd.s32 $0xFFFFF9C0  }
0x7c: {  	[spmem:s4], [sflag:s17] =	dma.local @!p0 [hbm:s1], $0x640  }
0x7d: {  	s1 =	simm.s32 @!p0 $0x5  }
0x7e: {  	_ =	swait.ge @!p0 [sflag:s1], $0x640  }
0x7f: {  	[sflag:s1] =	ssyncset.done @!p0 $0x0  }
0x80: {  	[sflag:s1] =	ssyncadd.s32 @!p0 $0xFFFFF9C0  }
0x81: {  	[bflag:$0x0] =	sbarrier.arrive $0xFFFF  }
0x82: {  	s17 =	rddreg [dreg:$0x4]  }
0x83: {  	s1 =	sadd.s32 $0x0, s17  }
0x84: {  	[tilespmem:s13], [sflag:$0x5] =	stream.strided.gather [hbm4b:s1+s11], $0x400, s12, s11, $0x38;
	[tilespmem:$0x1FEC0] =	vst v63  }
0x85: {  	_ =	swait.ge [sflag:s10], $0x400  }
0x86: {  	s4 =	rddreg [dreg:$0x5];
	[sflag:s10] =	ssyncset.done $0x0  }
0x87: {  	[sflag:s10] =	ssyncadd.s32 $0xFFFFFC00;
	s1 =	sadd.s32 $0x0, s4  }
0x88: {  	[tilespmem:s14], [sflag:$0x5] =	stream.strided.gather [hbm4b:s1+s11], $0x400, s12, s11, $0x38;
	[tilespmem:$0x1FEC0] =	vst v63  }
0x89: {  	_ =	swait.ge [sflag:s10], $0x400  }
0x8a: {  	[sflag:s10] =	ssyncset.done $0x0  }
0x8b: {  	[sflag:s10] =	ssyncadd.s32 $0xFFFFFC00  }
0x8c: {  	[tilespmem:s16], [sflag:$0x1] =	stream.indirect.gather [hbm4b:s15+s11], $0x40, s13, s11, $0xb8;
	[tilespmem:$0x1FEC0] =	vst v63  }
0x8d: {  	s9 =	rddreg [dreg:$0x6]  }
0x8e: {  	[tilespmem:s18], [sflag:$0x2] =	stream.indirect.gather [hbm4b:s15+s11], $0x40, s9, s11, $0xb8;
	[tilespmem:$0x1FEC0] =	vst v63  }
0x8f: {  	_ =	swait.ge [sflag:s19], $0x1000  }
0x90: {  	[sflag:s19] =	ssyncset.done $0x0  }
0x91: {  	[sflag:s19] =	ssyncadd.s32 $0xFFFFF000  }
0x92: {  	[spmem:s3] =	stream.indirect.scatter.add.f32 [tilespmem:s16], [sflag:$0x3], $0x40, s14, s11, $0xb8;
	[tilespmem:$0x1FEC0] =	vst v63  }
0x93: {  	_ =	swait.ge [sflag:s20], $0x1000  }
0x94: {  	[sflag:s20] =	ssyncset.done $0x0  }
0x95: {  	s17 =	rddreg [dreg:$0x7];
	[sflag:s20] =	ssyncadd.s32 $0xFFFFF000  }
0x96: {  	[spmem:s3] =	stream.indirect.scatter.add.f32 [tilespmem:s18], [sflag:$0x4], $0x40, s17, s11, $0xb8;
	[tilespmem:$0x1FEC0] =	vst v63  }
0x97: {  	_ =	swait.ge [sflag:s21], $0x1000  }
0x98: {  	[sflag:s21] =	ssyncset.done $0x0  }
0x99: {  	[sflag:s21] =	ssyncadd.s32 $0xFFFFF000  }
0x9a: {  	_ =	swait.ge [sflag:s22], $0x1000  }
0x9b: {  	[sflag:s22] =	ssyncset.done $0x0  }
0x9c: {  	s4 =	rddreg [dreg:$0x8];
	[sflag:s22] =	ssyncadd.s32 $0xFFFFF000  }
0x9d: {  	[tilespmem:s16], [sflag:$0x1] =	stream.indirect.gather [hbm4b:s15+s11], $0x40, s4, s11, $0xb8;
	[tilespmem:$0x1FEC0] =	vst v63  }
0x9e: {  	s9 =	rddreg [dreg:$0x9]  }
0x9f: {  	[tilespmem:s18], [sflag:$0x2] =	stream.indirect.gather [hbm4b:s15+s11], $0x40, s9, s11, $0xb8;
	[tilespmem:$0x1FEC0] =	vst v63  }
0xa0: {  	_ =	swait.ge [sflag:s19], $0x1000  }
0xa1: {  	[sflag:s19] =	ssyncset.done $0x0  }
0xa2: {  	s17 =	rddreg [dreg:$0xa];
	[sflag:s19] =	ssyncadd.s32 $0xFFFFF000  }
0xa3: {  	[spmem:s3] =	stream.indirect.scatter.add.f32 [tilespmem:s16], [sflag:$0x3], $0x40, s17, s11, $0xb8;
	[tilespmem:$0x1FEC0] =	vst v63  }
0xa4: {  	_ =	swait.ge [sflag:s20], $0x1000  }
0xa5: {  	[sflag:s20] =	ssyncset.done $0x0  }
0xa6: {  	s4 =	rddreg [dreg:$0xb];
	[sflag:s20] =	ssyncadd.s32 $0xFFFFF000  }
0xa7: {  	[spmem:s3] =	stream.indirect.scatter.add.f32 [tilespmem:s18], [sflag:$0x4], $0x40, s4, s11, $0xb8;
	[tilespmem:$0x1FEC0] =	vst v63  }
0xa8: {  	_ =	swait.ge [sflag:s21], $0x1000  }
0xa9: {  	[sflag:s21] =	ssyncset.done $0x0  }
0xaa: {  	[sflag:s21] =	ssyncadd.s32 $0xFFFFF000  }
0xab: {  	_ =	swait.ge [sflag:s22], $0x1000  }
0xac: {  	[sflag:s22] =	ssyncset.done $0x0  }
0xad: {  	s9 =	rddreg [dreg:$0xc];
	[sflag:s22] =	ssyncadd.s32 $0xFFFFF000  }
0xae: {  	[tilespmem:s16], [sflag:$0x1] =	stream.indirect.gather [hbm4b:s15+s11], $0x40, s9, s11, $0xb8;
	[tilespmem:$0x1FEC0] =	vst v63  }
0xaf: {  	s17 =	rddreg [dreg:$0xd]  }
0xb0: {  	[tilespmem:s18], [sflag:$0x2] =	stream.indirect.gather [hbm4b:s15+s11], $0x40, s17, s11, $0xb8;
	[tilespmem:$0x1FEC0] =	vst v63  }
0xb1: {  	_ =	swait.ge [sflag:s19], $0x1000  }
0xb2: {  	[sflag:s19] =	ssyncset.done $0x0  }
0xb3: {  	s9 =	rddreg [dreg:$0xe];
	[sflag:s19] =	ssyncadd.s32 $0xFFFFF000  }
0xb4: {  	[spmem:s3] =	stream.indirect.scatter.add.f32 [tilespmem:s16], [sflag:$0x3], $0x40, s9, s11, $0xb8;
	[tilespmem:$0x1FEC0] =	vst v63  }
0xb5: {  	_ =	swait.ge [sflag:s20], $0x1000  }
0xb6: {  	[sflag:s20] =	ssyncset.done $0x0  }
0xb7: {  	s17 =	rddreg [dreg:$0xf];
	[sflag:s20] =	ssyncadd.s32 $0xFFFFF000  }
0xb8: {  	[spmem:s3] =	stream.indirect.scatter.add.f32 [tilespmem:s18], [sflag:$0x4], $0x40, s17, s11, $0xb8;
	[tilespmem:$0x1FEC0] =	vst v63  }
0xb9: {  	_ =	swait.ge [sflag:s21], $0x1000  }
0xba: {  	[sflag:s21] =	ssyncset.done $0x0  }
0xbb: {  	[sflag:s21] =	ssyncadd.s32 $0xFFFFF000  }
0xbc: {  	_ =	swait.ge [sflag:s22], $0x1000  }
0xbd: {  	[sflag:s22] =	ssyncset.done $0x0  }
0xbe: {  	s4 =	rddreg [dreg:$0x10];
	[sflag:s22] =	ssyncadd.s32 $0xFFFFF000  }
0xbf: {  	[tilespmem:s16], [sflag:$0x1] =	stream.indirect.gather [hbm4b:s15+s11], $0x40, s4, s11, $0xb8;
	[tilespmem:$0x1FEC0] =	vst v63  }
0xc0: {  	s9 =	rddreg [dreg:$0x11]  }
0xc1: {  	[tilespmem:s18], [sflag:$0x2] =	stream.indirect.gather [hbm4b:s15+s11], $0x40, s9, s11, $0xb8;
	[tilespmem:$0x1FEC0] =	vst v63  }
0xc2: {  	_ =	swait.ge [sflag:s19], $0x1000  }
0xc3: {  	[sflag:s19] =	ssyncset.done $0x0  }
0xc4: {  	s17 =	rddreg [dreg:$0x12];
	[sflag:s19] =	ssyncadd.s32 $0xFFFFF000  }
0xc5: {  	[spmem:s3] =	stream.indirect.scatter.add.f32 [tilespmem:s16], [sflag:$0x3], $0x40, s17, s11, $0xb8;
	[tilespmem:$0x1FEC0] =	vst v63  }
0xc6: {  	_ =	swait.ge [sflag:s20], $0x1000  }
0xc7: {  	[sflag:s20] =	ssyncset.done $0x0  }
0xc8: {  	s4 =	rddreg [dreg:$0x13];
	[sflag:s20] =	ssyncadd.s32 $0xFFFFF000  }
0xc9: {  	[spmem:s3] =	stream.indirect.scatter.add.f32 [tilespmem:s18], [sflag:$0x4], $0x40, s4, s11, $0xb8;
	[tilespmem:$0x1FEC0] =	vst v63  }
0xca: {  	_ =	swait.ge [sflag:s21], $0x1000  }
0xcb: {  	[sflag:s21] =	ssyncset.done $0x0  }
0xcc: {  	[sflag:s21] =	ssyncadd.s32 $0xFFFFF000  }
0xcd: {  	_ =	swait.ge [sflag:s22], $0x1000  }
0xce: {  	[sflag:s22] =	ssyncset.done $0x0  }
0xcf: {  	s9 =	rddreg [dreg:$0x14];
	[sflag:s22] =	ssyncadd.s32 $0xFFFFF000  }
0xd0: {  	[tilespmem:s16], [sflag:$0x1] =	stream.indirect.gather [hbm4b:s15+s11], $0x40, s9, s11, $0xb8;
	[tilespmem:$0x1FEC0] =	vst v63  }
0xd1: {  	s17 =	rddreg [dreg:$0x15]  }
0xd2: {  	[tilespmem:s18], [sflag:$0x2] =	stream.indirect.gather [hbm4b:s15+s11], $0x40, s17, s11, $0xb8;
	[tilespmem:$0x1FEC0] =	vst v63  }
0xd3: {  	_ =	swait.ge [sflag:s19], $0x1000  }
0xd4: {  	[sflag:s19] =	ssyncset.done $0x0  }
0xd5: {  	[sflag:s19] =	ssyncadd.s32 $0xFFFFF000  }
0xd6: {  	[spmem:s3] =	stream.indirect.scatter.add.f32 [tilespmem:s16], [sflag:$0x3], $0x40, s23, s11, $0xb8;
	[tilespmem:$0x1FEC0] =	vst v63  }
0xd7: {  	_ =	swait.ge [sflag:s20], $0x1000  }
0xd8: {  	[sflag:s20] =	ssyncset.done $0x0  }
0xd9: {  	[sflag:s20] =	ssyncadd.s32 $0xFFFFF000  }
0xda: {  	[spmem:s3] =	stream.indirect.scatter.add.f32 [tilespmem:s18], [sflag:$0x4], $0x40, s24, s11, $0xb8;
	[tilespmem:$0x1FEC0] =	vst v63  }
0xdb: {  	_ =	swait.ge [sflag:s21], $0x1000  }
0xdc: {  	[sflag:s21] =	ssyncset.done $0x0  }
0xdd: {  	[sflag:s21] =	ssyncadd.s32 $0xFFFFF000  }
0xde: {  	_ =	swait.ge [sflag:s22], $0x1000  }
0xdf: {  	[sflag:s22] =	ssyncset.done $0x0  }
0xe0: {  	[sflag:s22] =	ssyncadd.s32 $0xFFFFF000  }
0xe1: {  	[tilespmem:s16], [sflag:$0x1] =	stream.indirect.gather [hbm4b:s15+s11], $0x40, s25, s11, $0xb8;
	[tilespmem:$0x1FEC0] =	vst v63  }
0xe2: {  	_ = 	snop  }
0xe3: {  	[tilespmem:s18], [sflag:$0x2] =	stream.indirect.gather [hbm4b:s15+s11], $0x40, s26, s11, $0xb8;
	[tilespmem:$0x1FEC0] =	vst v63  }
0xe4: {  	_ =	swait.ge [sflag:s19], $0x1000  }
0xe5: {  	[sflag:s19] =	ssyncset.done $0x0  }
0xe6: {  	[sflag:s19] =	ssyncadd.s32 $0xFFFFF000  }
0xe7: {  	[spmem:s3] =	stream.indirect.scatter.add.f32 [tilespmem:s16], [sflag:$0x3], $0x40, s28, s11, $0xb8;
	[tilespmem:$0x1FEC0] =	vst v63  }
0xe8: {  	_ =	swait.ge [sflag:s20], $0x1000  }
0xe9: {  	[sflag:s20] =	ssyncset.done $0x0  }
0xea: {  	[sflag:s20] =	ssyncadd.s32 $0xFFFFF000  }
0xeb: {  	[spmem:s3] =	stream.indirect.scatter.add.f32 [tilespmem:s18], [sflag:$0x4], $0x40, s29, s11, $0xb8;
	[tilespmem:$0x1FEC0] =	vst v63  }
0xec: {  	_ =	swait.ge [sflag:s21], $0x1000  }
0xed: {  	[sflag:s21] =	ssyncset.done $0x0  }
0xee: {  	[sflag:s21] =	ssyncadd.s32 $0xFFFFF000  }
0xef: {  	_ =	swait.ge [sflag:s22], $0x1000  }
0xf0: {  	[sflag:s22] =	ssyncset.done $0x0  }
0xf1: {  	[sflag:s22] =	ssyncadd.s32 $0xFFFFF000  }
0xf2: {  	[tilespmem:s16], [sflag:$0x1] =	stream.indirect.gather [hbm4b:s15+s11], $0x40, s30, s11, $0xb8;
	[tilespmem:$0x1FEC0] =	vst v63  }
0xf3: {  	_ = 	snop  }
0xf4: {  	[tilespmem:s18], [sflag:$0x2] =	stream.indirect.gather [hbm4b:s15+s11], $0x40, s31, s11, $0xb8;
	[tilespmem:$0x1FEC0] =	vst v63  }
0xf5: {  	_ =	swait.ge [sflag:s19], $0x1000  }
0xf6: {  	[sflag:s19] =	ssyncset.done $0x0  }
0xf7: {  	[sflag:s19] =	ssyncadd.s32 $0xFFFFF000  }
0xf8: {  	[spmem:s3] =	stream.indirect.scatter.add.f32 [tilespmem:s16], [sflag:$0x3], $0x40, s0, s11, $0xb8;
	[tilespmem:$0x1FEC0] =	vst v63  }
0xf9: {  	_ =	swait.ge [sflag:s20], $0x1000  }
0xfa: {  	[sflag:s20] =	ssyncset.done $0x0  }
0xfb: {  	[sflag:s20] =	ssyncadd.s32 $0xFFFFF000  }
0xfc: {  	[spmem:s3] =	stream.indirect.scatter.add.f32 [tilespmem:s18], [sflag:$0x4], $0x40, s2, s11, $0xb8;
	[tilespmem:$0x1FEC0] =	vst v63  }
0xfd: {  	_ =	swait.ge [sflag:s21], $0x1000  }
0xfe: {  	[sflag:s21] =	ssyncset.done $0x0  }
0xff: {  	[sflag:s21] =	ssyncadd.s32 $0xFFFFF000  }
0x100: {  	_ =	swait.ge [sflag:s22], $0x1000  }
0x101: {  	[sflag:s22] =	ssyncset.done $0x0  }
0x102: {  	[sflag:s22] =	ssyncadd.s32 $0xFFFFF000  }
0x103: {  	[tilespmem:s16], [sflag:$0x1] =	stream.indirect.gather [hbm4b:s15+s11], $0x40, s5, s11, $0xb8;
	[tilespmem:$0x1FEC0] =	vst v63  }
0x104: {  	_ = 	snop  }
0x105: {  	[tilespmem:s18], [sflag:$0x2] =	stream.indirect.gather [hbm4b:s15+s11], $0x40, s6, s11, $0xb8;
	[tilespmem:$0x1FEC0] =	vst v63  }
0x106: {  	_ =	swait.ge [sflag:s19], $0x1000  }
0x107: {  	[sflag:s19] =	ssyncset.done $0x0  }
0x108: {  	[sflag:s19] =	ssyncadd.s32 $0xFFFFF000  }
0x109: {  	[spmem:s3] =	stream.indirect.scatter.add.f32 [tilespmem:s16], [sflag:$0x3], $0x40, s7, s11, $0xb8;
	[tilespmem:$0x1FEC0] =	vst v63  }
0x10a: {  	_ =	swait.ge [sflag:s20], $0x1000  }
0x10b: {  	[sflag:s20] =	ssyncset.done $0x0  }
0x10c: {  	[sflag:s20] =	ssyncadd.s32 $0xFFFFF000  }
0x10d: {  	[spmem:s3] =	stream.indirect.scatter.add.f32 [tilespmem:s18], [sflag:$0x4], $0x40, s8, s11, $0xb8;
	[tilespmem:$0x1FEC0] =	vst v63  }
0x10e: {  	_ =	swait.ge [sflag:s21], $0x1000  }
0x10f: {  	[sflag:s21] =	ssyncset.done $0x0  }
0x110: {  	[sflag:s21] =	ssyncadd.s32 $0xFFFFF000  }
0x111: {  	s1 =	simm.s32 $0x2000;
	_ =	swait.ge [sflag:s22], $0x1000  }
0x112: {  	s9 =	simm.s32 $0x1000;
	s4 =	rddreg [dreg:$0x4];
	[sflag:s22] =	ssyncset.done $0x0  }
.LBB2_2:
0x113: {  	[sflag:s22] =	ssyncadd.s32 $0xFFFFF000;
	s4 =	sadd.s32 s9, s4  }
0x114: {  	[tilespmem:s13], [sflag:$0x5] =	stream.strided.gather [hbm4b:s4+s11], $0x400, s12, s11, $0x38;
	[tilespmem:$0x1FEC0] =	vst v63  }
0x115: {  	_ =	swait.ge [sflag:s10], $0x400  }
0x116: {  	s4 =	rddreg [dreg:$0x5];
	[sflag:s10] =	ssyncset.done $0x0  }
0x117: {  	[sflag:s10] =	ssyncadd.s32 $0xFFFFFC00;
	s4 =	sadd.s32 s9, s4  }
0x118: {  	[tilespmem:s14], [sflag:$0x5] =	stream.strided.gather [hbm4b:s4+s11], $0x400, s12, s11, $0x38;
	[tilespmem:$0x1FEC0] =	vst v63  }
0x119: {  	_ =	swait.ge [sflag:s10], $0x400  }
0x11a: {  	[sflag:s10] =	ssyncset.done $0x0  }
0x11b: {  	s17 =	smov.u32 s1;
	[sflag:s10] =	ssyncadd.s32 $0xFFFFFC00  }
0x11c: {  	[tilespmem:s16], [sflag:$0x1] =	stream.indirect.gather [hbm4b:s15+s11], $0x40, s13, s11, $0xb8;
	[tilespmem:$0x1FEC0] =	vst v63  }
0x11d: {  	s9 =	smov.u32 s17;
	s17 =	rddreg [dreg:$0x6]  }
0x11e: {  	[tilespmem:s18], [sflag:$0x2] =	stream.indirect.gather [hbm4b:s15+s11], $0x40, s17, s11, $0xb8;
	[tilespmem:$0x1FEC0] =	vst v63  }
0x11f: {  	_ =	swait.ge [sflag:s19], $0x1000  }
0x120: {  	[sflag:s19] =	ssyncset.done $0x0  }
0x121: {  	[sflag:s19] =	ssyncadd.s32 $0xFFFFF000  }
0x122: {  	[spmem:s3] =	stream.indirect.scatter.add.f32 [tilespmem:s16], [sflag:$0x3], $0x40, s14, s11, $0xb8;
	[tilespmem:$0x1FEC0] =	vst v63  }
0x123: {  	_ =	swait.ge [sflag:s20], $0x1000  }
0x124: {  	[sflag:s20] =	ssyncset.done $0x0  }
0x125: {  	s17 =	rddreg [dreg:$0x7];
	[sflag:s20] =	ssyncadd.s32 $0xFFFFF000  }
0x126: {  	[spmem:s3] =	stream.indirect.scatter.add.f32 [tilespmem:s18], [sflag:$0x4], $0x40, s17, s11, $0xb8;
	[tilespmem:$0x1FEC0] =	vst v63  }
0x127: {  	_ =	swait.ge [sflag:s21], $0x1000  }
0x128: {  	[sflag:s21] =	ssyncset.done $0x0  }
0x129: {  	[sflag:s21] =	ssyncadd.s32 $0xFFFFF000  }
0x12a: {  	_ =	swait.ge [sflag:s22], $0x1000  }
0x12b: {  	[sflag:s22] =	ssyncset.done $0x0  }
0x12c: {  	s4 =	rddreg [dreg:$0x8];
	[sflag:s22] =	ssyncadd.s32 $0xFFFFF000  }
0x12d: {  	[tilespmem:s16], [sflag:$0x1] =	stream.indirect.gather [hbm4b:s15+s11], $0x40, s4, s11, $0xb8;
	[tilespmem:$0x1FEC0] =	vst v63  }
0x12e: {  	s17 =	rddreg [dreg:$0x9]  }
0x12f: {  	[tilespmem:s18], [sflag:$0x2] =	stream.indirect.gather [hbm4b:s15+s11], $0x40, s17, s11, $0xb8;
	[tilespmem:$0x1FEC0] =	vst v63  }
0x130: {  	_ =	swait.ge [sflag:s19], $0x1000  }
0x131: {  	[sflag:s19] =	ssyncset.done $0x0  }
0x132: {  	s17 =	rddreg [dreg:$0xa];
	[sflag:s19] =	ssyncadd.s32 $0xFFFFF000  }
0x133: {  	[spmem:s3] =	stream.indirect.scatter.add.f32 [tilespmem:s16], [sflag:$0x3], $0x40, s17, s11, $0xb8;
	[tilespmem:$0x1FEC0] =	vst v63  }
0x134: {  	_ =	swait.ge [sflag:s20], $0x1000  }
0x135: {  	[sflag:s20] =	ssyncset.done $0x0  }
0x136: {  	s17 =	rddreg [dreg:$0xb];
	[sflag:s20] =	ssyncadd.s32 $0xFFFFF000  }
0x137: {  	[spmem:s3] =	stream.indirect.scatter.add.f32 [tilespmem:s18], [sflag:$0x4], $0x40, s17, s11, $0xb8;
	[tilespmem:$0x1FEC0] =	vst v63  }
0x138: {  	_ =	swait.ge [sflag:s21], $0x1000  }
0x139: {  	[sflag:s21] =	ssyncset.done $0x0  }
0x13a: {  	[sflag:s21] =	ssyncadd.s32 $0xFFFFF000  }
0x13b: {  	_ =	swait.ge [sflag:s22], $0x1000  }
0x13c: {  	[sflag:s22] =	ssyncset.done $0x0  }
0x13d: {  	s4 =	rddreg [dreg:$0xc];
	[sflag:s22] =	ssyncadd.s32 $0xFFFFF000  }
0x13e: {  	[tilespmem:s16], [sflag:$0x1] =	stream.indirect.gather [hbm4b:s15+s11], $0x40, s4, s11, $0xb8;
	[tilespmem:$0x1FEC0] =	vst v63  }
0x13f: {  	s17 =	rddreg [dreg:$0xd]  }
0x140: {  	[tilespmem:s18], [sflag:$0x2] =	stream.indirect.gather [hbm4b:s15+s11], $0x40, s17, s11, $0xb8;
	[tilespmem:$0x1FEC0] =	vst v63  }
0x141: {  	_ =	swait.ge [sflag:s19], $0x1000  }
0x142: {  	[sflag:s19] =	ssyncset.done $0x0  }
0x143: {  	s17 =	rddreg [dreg:$0xe];
	[sflag:s19] =	ssyncadd.s32 $0xFFFFF000  }
0x144: {  	[spmem:s3] =	stream.indirect.scatter.add.f32 [tilespmem:s16], [sflag:$0x3], $0x40, s17, s11, $0xb8;
	[tilespmem:$0x1FEC0] =	vst v63  }
0x145: {  	_ =	swait.ge [sflag:s20], $0x1000  }
0x146: {  	[sflag:s20] =	ssyncset.done $0x0  }
0x147: {  	s17 =	rddreg [dreg:$0xf];
	[sflag:s20] =	ssyncadd.s32 $0xFFFFF000  }
0x148: {  	[spmem:s3] =	stream.indirect.scatter.add.f32 [tilespmem:s18], [sflag:$0x4], $0x40, s17, s11, $0xb8;
	[tilespmem:$0x1FEC0] =	vst v63  }
0x149: {  	_ =	swait.ge [sflag:s21], $0x1000  }
0x14a: {  	[sflag:s21] =	ssyncset.done $0x0  }
0x14b: {  	[sflag:s21] =	ssyncadd.s32 $0xFFFFF000  }
0x14c: {  	_ =	swait.ge [sflag:s22], $0x1000  }
0x14d: {  	[sflag:s22] =	ssyncset.done $0x0  }
0x14e: {  	s4 =	rddreg [dreg:$0x10];
	[sflag:s22] =	ssyncadd.s32 $0xFFFFF000  }
0x14f: {  	[tilespmem:s16], [sflag:$0x1] =	stream.indirect.gather [hbm4b:s15+s11], $0x40, s4, s11, $0xb8;
	[tilespmem:$0x1FEC0] =	vst v63  }
0x150: {  	s17 =	rddreg [dreg:$0x11]  }
0x151: {  	[tilespmem:s18], [sflag:$0x2] =	stream.indirect.gather [hbm4b:s15+s11], $0x40, s17, s11, $0xb8;
	[tilespmem:$0x1FEC0] =	vst v63  }
0x152: {  	_ =	swait.ge [sflag:s19], $0x1000  }
0x153: {  	[sflag:s19] =	ssyncset.done $0x0  }
0x154: {  	s17 =	rddreg [dreg:$0x12];
	[sflag:s19] =	ssyncadd.s32 $0xFFFFF000  }
0x155: {  	[spmem:s3] =	stream.indirect.scatter.add.f32 [tilespmem:s16], [sflag:$0x3], $0x40, s17, s11, $0xb8;
	[tilespmem:$0x1FEC0] =	vst v63  }
0x156: {  	_ =	swait.ge [sflag:s20], $0x1000  }
0x157: {  	[sflag:s20] =	ssyncset.done $0x0  }
0x158: {  	s17 =	rddreg [dreg:$0x13];
	[sflag:s20] =	ssyncadd.s32 $0xFFFFF000  }
0x159: {  	[spmem:s3] =	stream.indirect.scatter.add.f32 [tilespmem:s18], [sflag:$0x4], $0x40, s17, s11, $0xb8;
	[tilespmem:$0x1FEC0] =	vst v63  }
0x15a: {  	_ =	swait.ge [sflag:s21], $0x1000  }
0x15b: {  	[sflag:s21] =	ssyncset.done $0x0  }
0x15c: {  	[sflag:s21] =	ssyncadd.s32 $0xFFFFF000  }
0x15d: {  	_ =	swait.ge [sflag:s22], $0x1000  }
0x15e: {  	[sflag:s22] =	ssyncset.done $0x0  }
0x15f: {  	s4 =	rddreg [dreg:$0x14];
	[sflag:s22] =	ssyncadd.s32 $0xFFFFF000  }
0x160: {  	[tilespmem:s16], [sflag:$0x1] =	stream.indirect.gather [hbm4b:s15+s11], $0x40, s4, s11, $0xb8;
	[tilespmem:$0x1FEC0] =	vst v63  }
0x161: {  	s17 =	rddreg [dreg:$0x15]  }
0x162: {  	[tilespmem:s18], [sflag:$0x2] =	stream.indirect.gather [hbm4b:s15+s11], $0x40, s17, s11, $0xb8;
	[tilespmem:$0x1FEC0] =	vst v63  }
0x163: {  	_ =	swait.ge [sflag:s19], $0x1000  }
0x164: {  	[sflag:s19] =	ssyncset.done $0x0  }
0x165: {  	[sflag:s19] =	ssyncadd.s32 $0xFFFFF000  }
0x166: {  	[spmem:s3] =	stream.indirect.scatter.add.f32 [tilespmem:s16], [sflag:$0x3], $0x40, s23, s11, $0xb8;
	[tilespmem:$0x1FEC0] =	vst v63  }
0x167: {  	_ =	swait.ge [sflag:s20], $0x1000  }
0x168: {  	[sflag:s20] =	ssyncset.done $0x0  }
0x169: {  	[sflag:s20] =	ssyncadd.s32 $0xFFFFF000  }
0x16a: {  	[spmem:s3] =	stream.indirect.scatter.add.f32 [tilespmem:s18], [sflag:$0x4], $0x40, s24, s11, $0xb8;
	[tilespmem:$0x1FEC0] =	vst v63  }
0x16b: {  	_ =	swait.ge [sflag:s21], $0x1000  }
0x16c: {  	[sflag:s21] =	ssyncset.done $0x0  }
0x16d: {  	[sflag:s21] =	ssyncadd.s32 $0xFFFFF000  }
0x16e: {  	_ =	swait.ge [sflag:s22], $0x1000  }
0x16f: {  	[sflag:s22] =	ssyncset.done $0x0  }
0x170: {  	[sflag:s22] =	ssyncadd.s32 $0xFFFFF000  }
0x171: {  	[tilespmem:s16], [sflag:$0x1] =	stream.indirect.gather [hbm4b:s15+s11], $0x40, s25, s11, $0xb8;
	[tilespmem:$0x1FEC0] =	vst v63  }
0x172: {  	_ = 	snop  }
0x173: {  	[tilespmem:s18], [sflag:$0x2] =	stream.indirect.gather [hbm4b:s15+s11], $0x40, s26, s11, $0xb8;
	[tilespmem:$0x1FEC0] =	vst v63  }
0x174: {  	_ =	swait.ge [sflag:s19], $0x1000  }
0x175: {  	[sflag:s19] =	ssyncset.done $0x0  }
0x176: {  	[sflag:s19] =	ssyncadd.s32 $0xFFFFF000  }
0x177: {  	[spmem:s3] =	stream.indirect.scatter.add.f32 [tilespmem:s16], [sflag:$0x3], $0x40, s28, s11, $0xb8;
	[tilespmem:$0x1FEC0] =	vst v63  }
0x178: {  	_ =	swait.ge [sflag:s20], $0x1000  }
0x179: {  	[sflag:s20] =	ssyncset.done $0x0  }
0x17a: {  	[sflag:s20] =	ssyncadd.s32 $0xFFFFF000  }
0x17b: {  	[spmem:s3] =	stream.indirect.scatter.add.f32 [tilespmem:s18], [sflag:$0x4], $0x40, s29, s11, $0xb8;
	[tilespmem:$0x1FEC0] =	vst v63  }
0x17c: {  	_ =	swait.ge [sflag:s21], $0x1000  }
0x17d: {  	[sflag:s21] =	ssyncset.done $0x0  }
0x17e: {  	[sflag:s21] =	ssyncadd.s32 $0xFFFFF000  }
0x17f: {  	_ =	swait.ge [sflag:s22], $0x1000  }
0x180: {  	[sflag:s22] =	ssyncset.done $0x0  }
0x181: {  	[sflag:s22] =	ssyncadd.s32 $0xFFFFF000  }
0x182: {  	[tilespmem:s16], [sflag:$0x1] =	stream.indirect.gather [hbm4b:s15+s11], $0x40, s30, s11, $0xb8;
	[tilespmem:$0x1FEC0] =	vst v63  }
0x183: {  	_ = 	snop  }
0x184: {  	[tilespmem:s18], [sflag:$0x2] =	stream.indirect.gather [hbm4b:s15+s11], $0x40, s31, s11, $0xb8;
	[tilespmem:$0x1FEC0] =	vst v63  }
0x185: {  	_ =	swait.ge [sflag:s19], $0x1000  }
0x186: {  	[sflag:s19] =	ssyncset.done $0x0  }
0x187: {  	[sflag:s19] =	ssyncadd.s32 $0xFFFFF000  }
0x188: {  	[spmem:s3] =	stream.indirect.scatter.add.f32 [tilespmem:s16], [sflag:$0x3], $0x40, s0, s11, $0xb8;
	[tilespmem:$0x1FEC0] =	vst v63  }
0x189: {  	_ =	swait.ge [sflag:s20], $0x1000  }
0x18a: {  	[sflag:s20] =	ssyncset.done $0x0  }
0x18b: {  	[sflag:s20] =	ssyncadd.s32 $0xFFFFF000  }
0x18c: {  	[spmem:s3] =	stream.indirect.scatter.add.f32 [tilespmem:s18], [sflag:$0x4], $0x40, s2, s11, $0xb8;
	[tilespmem:$0x1FEC0] =	vst v63  }
0x18d: {  	_ =	swait.ge [sflag:s21], $0x1000  }
0x18e: {  	[sflag:s21] =	ssyncset.done $0x0  }
0x18f: {  	[sflag:s21] =	ssyncadd.s32 $0xFFFFF000  }
0x190: {  	_ =	swait.ge [sflag:s22], $0x1000  }
0x191: {  	[sflag:s22] =	ssyncset.done $0x0  }
0x192: {  	[sflag:s22] =	ssyncadd.s32 $0xFFFFF000  }
0x193: {  	[tilespmem:s16], [sflag:$0x1] =	stream.indirect.gather [hbm4b:s15+s11], $0x40, s5, s11, $0xb8;
	[tilespmem:$0x1FEC0] =	vst v63  }
0x194: {  	_ = 	snop  }
0x195: {  	[tilespmem:s18], [sflag:$0x2] =	stream.indirect.gather [hbm4b:s15+s11], $0x40, s6, s11, $0xb8;
	[tilespmem:$0x1FEC0] =	vst v63  }
0x196: {  	_ =	swait.ge [sflag:s19], $0x1000  }
0x197: {  	[sflag:s19] =	ssyncset.done $0x0  }
0x198: {  	[sflag:s19] =	ssyncadd.s32 $0xFFFFF000  }
0x199: {  	[spmem:s3] =	stream.indirect.scatter.add.f32 [tilespmem:s16], [sflag:$0x3], $0x40, s7, s11, $0xb8;
	[tilespmem:$0x1FEC0] =	vst v63  }
0x19a: {  	_ =	swait.ge [sflag:s20], $0x1000  }
0x19b: {  	[sflag:s20] =	ssyncset.done $0x0  }
0x19c: {  	p1 =	sne.s32 s1, $0x9000;
	[sflag:s20] =	ssyncadd.s32 $0xFFFFF000  }
0x19d: {  	[spmem:s3] =	stream.indirect.scatter.add.f32 [tilespmem:s18], [sflag:$0x4], $0x40, s8, s11, $0xb8;
	[tilespmem:$0x1FEC0] =	vst v63  }
.Ltmp0:
0x19e: {  	_ =	swait.ge [sflag:s21], $0x1000;
	(pc) =	sbr.rel @p1 .LBB2_2-.Ltmp0, $4  }
0x19f: {  	[sflag:s21] =	ssyncset.done $0x0  }
0x1a0: {  	[sflag:s21] =	ssyncadd.s32 $0xFFFFF000  }
0x1a1: {  	_ =	swait.ge [sflag:s22], $0x1000  }
0x1a2: {  	s1 =	sadd.s32 $0x1000, s1;
	s4 =	rddreg [dreg:$0x4];
	[sflag:s22] =	ssyncset.done $0x0  }
0x1a3: {  	[sflag:s22] =	ssyncadd.s32 $0xFFFFF000;
	s1 =	sadd.s32 s9, s4  }
0x1a4: {  	[tilespmem:s13], [sflag:$0x5] =	stream.strided.gather [hbm4b:s1+s11], $0x400, s12, s11, $0x38;
	[tilespmem:$0x1FEC0] =	vst v63  }
0x1a5: {  	_ =	swait.ge [sflag:s10], $0x400  }
0x1a6: {  	s4 =	rddreg [dreg:$0x5];
	[sflag:s10] =	ssyncset.done $0x0  }
0x1a7: {  	[sflag:s10] =	ssyncadd.s32 $0xFFFFFC00;
	s1 =	sadd.s32 s9, s4  }
0x1a8: {  	[tilespmem:s14], [sflag:$0x5] =	stream.strided.gather [hbm4b:s1+s11], $0x400, s12, s11, $0x38;
	[tilespmem:$0x1FEC0] =	vst v63  }
0x1a9: {  	_ =	swait.ge [sflag:s10], $0x400  }
0x1aa: {  	[sflag:s10] =	ssyncset.done $0x0  }
0x1ab: {  	[sflag:s10] =	ssyncadd.s32 $0xFFFFFC00  }
0x1ac: {  	[tilespmem:s16], [sflag:$0x1] =	stream.indirect.gather [hbm4b:s15+s11], $0x40, s13, s11, $0xb8;
	[tilespmem:$0x1FEC0] =	vst v63  }
0x1ad: {  	s9 =	rddreg [dreg:$0x6]  }
0x1ae: {  	[tilespmem:s18], [sflag:$0x2] =	stream.indirect.gather [hbm4b:s15+s11], $0x40, s9, s11, $0xb8;
	[tilespmem:$0x1FEC0] =	vst v63  }
0x1af: {  	_ =	swait.ge [sflag:s19], $0x1000  }
0x1b0: {  	[sflag:s19] =	ssyncset.done $0x0  }
0x1b1: {  	[sflag:s19] =	ssyncadd.s32 $0xFFFFF000  }
0x1b2: {  	[spmem:s3] =	stream.indirect.scatter.add.f32 [tilespmem:s16], [sflag:$0x3], $0x40, s14, s11, $0xb8;
	[tilespmem:$0x1FEC0] =	vst v63  }
0x1b3: {  	_ =	swait.ge [sflag:s20], $0x1000  }
0x1b4: {  	[sflag:s20] =	ssyncset.done $0x0  }
0x1b5: {  	s17 =	rddreg [dreg:$0x7];
	[sflag:s20] =	ssyncadd.s32 $0xFFFFF000  }
0x1b6: {  	[spmem:s3] =	stream.indirect.scatter.add.f32 [tilespmem:s18], [sflag:$0x4], $0x40, s17, s11, $0xb8;
	[tilespmem:$0x1FEC0] =	vst v63  }
0x1b7: {  	_ =	swait.ge [sflag:s21], $0x1000  }
0x1b8: {  	[sflag:s21] =	ssyncset.done $0x0  }
0x1b9: {  	[sflag:s21] =	ssyncadd.s32 $0xFFFFF000  }
0x1ba: {  	_ =	swait.ge [sflag:s22], $0x1000  }
0x1bb: {  	[sflag:s22] =	ssyncset.done $0x0  }
0x1bc: {  	s4 =	rddreg [dreg:$0x8];
	[sflag:s22] =	ssyncadd.s32 $0xFFFFF000  }
0x1bd: {  	[tilespmem:s16], [sflag:$0x1] =	stream.indirect.gather [hbm4b:s15+s11], $0x40, s4, s11, $0xb8;
	[tilespmem:$0x1FEC0] =	vst v63  }
0x1be: {  	s9 =	rddreg [dreg:$0x9]  }
0x1bf: {  	[tilespmem:s18], [sflag:$0x2] =	stream.indirect.gather [hbm4b:s15+s11], $0x40, s9, s11, $0xb8;
	[tilespmem:$0x1FEC0] =	vst v63  }
0x1c0: {  	_ =	swait.ge [sflag:s19], $0x1000  }
0x1c1: {  	[sflag:s19] =	ssyncset.done $0x0  }
0x1c2: {  	s17 =	rddreg [dreg:$0xa];
	[sflag:s19] =	ssyncadd.s32 $0xFFFFF000  }
0x1c3: {  	[spmem:s3] =	stream.indirect.scatter.add.f32 [tilespmem:s16], [sflag:$0x3], $0x40, s17, s11, $0xb8;
	[tilespmem:$0x1FEC0] =	vst v63  }
0x1c4: {  	_ =	swait.ge [sflag:s20], $0x1000  }
0x1c5: {  	[sflag:s20] =	ssyncset.done $0x0  }
0x1c6: {  	s4 =	rddreg [dreg:$0xb];
	[sflag:s20] =	ssyncadd.s32 $0xFFFFF000  }
0x1c7: {  	[spmem:s3] =	stream.indirect.scatter.add.f32 [tilespmem:s18], [sflag:$0x4], $0x40, s4, s11, $0xb8;
	[tilespmem:$0x1FEC0] =	vst v63  }
0x1c8: {  	_ =	swait.ge [sflag:s21], $0x1000  }
0x1c9: {  	[sflag:s21] =	ssyncset.done $0x0  }
0x1ca: {  	[sflag:s21] =	ssyncadd.s32 $0xFFFFF000  }
0x1cb: {  	_ =	swait.ge [sflag:s22], $0x1000  }
0x1cc: {  	[sflag:s22] =	ssyncset.done $0x0  }
0x1cd: {  	s9 =	rddreg [dreg:$0xc];
	[sflag:s22] =	ssyncadd.s32 $0xFFFFF000  }
0x1ce: {  	[tilespmem:s16], [sflag:$0x1] =	stream.indirect.gather [hbm4b:s15+s11], $0x40, s9, s11, $0xb8;
	[tilespmem:$0x1FEC0] =	vst v63  }
0x1cf: {  	s17 =	rddreg [dreg:$0xd]  }
0x1d0: {  	[tilespmem:s18], [sflag:$0x2] =	stream.indirect.gather [hbm4b:s15+s11], $0x40, s17, s11, $0xb8;
	[tilespmem:$0x1FEC0] =	vst v63  }
0x1d1: {  	_ =	swait.ge [sflag:s19], $0x1000  }
0x1d2: {  	[sflag:s19] =	ssyncset.done $0x0  }
0x1d3: {  	s9 =	rddreg [dreg:$0xe];
	[sflag:s19] =	ssyncadd.s32 $0xFFFFF000  }
0x1d4: {  	[spmem:s3] =	stream.indirect.scatter.add.f32 [tilespmem:s16], [sflag:$0x3], $0x40, s9, s11, $0xb8;
	[tilespmem:$0x1FEC0] =	vst v63  }
0x1d5: {  	_ =	swait.ge [sflag:s20], $0x1000  }
0x1d6: {  	[sflag:s20] =	ssyncset.done $0x0  }
0x1d7: {  	s17 =	rddreg [dreg:$0xf];
	[sflag:s20] =	ssyncadd.s32 $0xFFFFF000  }
0x1d8: {  	[spmem:s3] =	stream.indirect.scatter.add.f32 [tilespmem:s18], [sflag:$0x4], $0x40, s17, s11, $0xb8;
	[tilespmem:$0x1FEC0] =	vst v63  }
0x1d9: {  	_ =	swait.ge [sflag:s21], $0x1000  }
0x1da: {  	[sflag:s21] =	ssyncset.done $0x0  }
0x1db: {  	[sflag:s21] =	ssyncadd.s32 $0xFFFFF000  }
0x1dc: {  	_ =	swait.ge [sflag:s22], $0x1000  }
0x1dd: {  	[sflag:s22] =	ssyncset.done $0x0  }
0x1de: {  	s4 =	rddreg [dreg:$0x10];
	[sflag:s22] =	ssyncadd.s32 $0xFFFFF000  }
0x1df: {  	[tilespmem:s16], [sflag:$0x1] =	stream.indirect.gather [hbm4b:s15+s11], $0x40, s4, s11, $0xb8;
	[tilespmem:$0x1FEC0] =	vst v63  }
0x1e0: {  	s9 =	rddreg [dreg:$0x11]  }
0x1e1: {  	[tilespmem:s18], [sflag:$0x2] =	stream.indirect.gather [hbm4b:s15+s11], $0x40, s9, s11, $0xb8;
	[tilespmem:$0x1FEC0] =	vst v63  }
0x1e2: {  	_ =	swait.ge [sflag:s19], $0x1000  }
0x1e3: {  	[sflag:s19] =	ssyncset.done $0x0  }
0x1e4: {  	s17 =	rddreg [dreg:$0x12];
	[sflag:s19] =	ssyncadd.s32 $0xFFFFF000  }
0x1e5: {  	[spmem:s3] =	stream.indirect.scatter.add.f32 [tilespmem:s16], [sflag:$0x3], $0x40, s17, s11, $0xb8;
	[tilespmem:$0x1FEC0] =	vst v63  }
0x1e6: {  	_ =	swait.ge [sflag:s20], $0x1000  }
0x1e7: {  	[sflag:s20] =	ssyncset.done $0x0  }
0x1e8: {  	s4 =	rddreg [dreg:$0x13];
	[sflag:s20] =	ssyncadd.s32 $0xFFFFF000  }
0x1e9: {  	[spmem:s3] =	stream.indirect.scatter.add.f32 [tilespmem:s18], [sflag:$0x4], $0x40, s4, s11, $0xb8;
	[tilespmem:$0x1FEC0] =	vst v63  }
0x1ea: {  	_ =	swait.ge [sflag:s21], $0x1000  }
0x1eb: {  	[sflag:s21] =	ssyncset.done $0x0  }
0x1ec: {  	[sflag:s21] =	ssyncadd.s32 $0xFFFFF000  }
0x1ed: {  	_ =	swait.ge [sflag:s22], $0x1000  }
0x1ee: {  	[sflag:s22] =	ssyncset.done $0x0  }
0x1ef: {  	s9 =	rddreg [dreg:$0x14];
	[sflag:s22] =	ssyncadd.s32 $0xFFFFF000  }
0x1f0: {  	[tilespmem:s16], [sflag:$0x1] =	stream.indirect.gather [hbm4b:s15+s11], $0x40, s9, s11, $0xb8;
	[tilespmem:$0x1FEC0] =	vst v63  }
0x1f1: {  	s17 =	rddreg [dreg:$0x15]  }
0x1f2: {  	[tilespmem:s18], [sflag:$0x2] =	stream.indirect.gather [hbm4b:s15+s11], $0x40, s17, s11, $0xb8;
	[tilespmem:$0x1FEC0] =	vst v63  }
0x1f3: {  	_ =	swait.ge [sflag:s19], $0x1000  }
0x1f4: {  	[sflag:s19] =	ssyncset.done $0x0  }
0x1f5: {  	[sflag:s19] =	ssyncadd.s32 $0xFFFFF000  }
0x1f6: {  	[spmem:s3] =	stream.indirect.scatter.add.f32 [tilespmem:s16], [sflag:$0x3], $0x40, s23, s11, $0xb8;
	[tilespmem:$0x1FEC0] =	vst v63  }
0x1f7: {  	_ =	swait.ge [sflag:s20], $0x1000  }
0x1f8: {  	[sflag:s20] =	ssyncset.done $0x0  }
0x1f9: {  	[sflag:s20] =	ssyncadd.s32 $0xFFFFF000  }
0x1fa: {  	[spmem:s3] =	stream.indirect.scatter.add.f32 [tilespmem:s18], [sflag:$0x4], $0x40, s24, s11, $0xb8;
	[tilespmem:$0x1FEC0] =	vst v63  }
0x1fb: {  	_ =	swait.ge [sflag:s21], $0x1000  }
0x1fc: {  	[sflag:s21] =	ssyncset.done $0x0  }
0x1fd: {  	[sflag:s21] =	ssyncadd.s32 $0xFFFFF000  }
0x1fe: {  	_ =	swait.ge [sflag:s22], $0x1000  }
0x1ff: {  	[sflag:s22] =	ssyncset.done $0x0  }
0x200: {  	[sflag:s22] =	ssyncadd.s32 $0xFFFFF000  }
0x201: {  	[tilespmem:s16], [sflag:$0x1] =	stream.indirect.gather [hbm4b:s15+s11], $0x40, s25, s11, $0xb8;
	[tilespmem:$0x1FEC0] =	vst v63  }
0x202: {  	_ = 	snop  }
0x203: {  	[tilespmem:s18], [sflag:$0x2] =	stream.indirect.gather [hbm4b:s15+s11], $0x40, s26, s11, $0xb8;
	[tilespmem:$0x1FEC0] =	vst v63  }
0x204: {  	_ =	swait.ge [sflag:s19], $0x1000  }
0x205: {  	[sflag:s19] =	ssyncset.done $0x0  }
0x206: {  	[sflag:s19] =	ssyncadd.s32 $0xFFFFF000  }
0x207: {  	[spmem:s3] =	stream.indirect.scatter.add.f32 [tilespmem:s16], [sflag:$0x3], $0x40, s28, s11, $0xb8;
	[tilespmem:$0x1FEC0] =	vst v63  }
0x208: {  	_ =	swait.ge [sflag:s20], $0x1000  }
0x209: {  	[sflag:s20] =	ssyncset.done $0x0  }
0x20a: {  	[sflag:s20] =	ssyncadd.s32 $0xFFFFF000  }
0x20b: {  	[spmem:s3] =	stream.indirect.scatter.add.f32 [tilespmem:s18], [sflag:$0x4], $0x40, s29, s11, $0xb8;
	[tilespmem:$0x1FEC0] =	vst v63  }
0x20c: {  	_ =	swait.ge [sflag:s21], $0x1000  }
0x20d: {  	[sflag:s21] =	ssyncset.done $0x0  }
0x20e: {  	[sflag:s21] =	ssyncadd.s32 $0xFFFFF000  }
0x20f: {  	_ =	swait.ge [sflag:s22], $0x1000  }
0x210: {  	[sflag:s22] =	ssyncset.done $0x0  }
0x211: {  	[sflag:s22] =	ssyncadd.s32 $0xFFFFF000  }
0x212: {  	[tilespmem:s16], [sflag:$0x1] =	stream.indirect.gather [hbm4b:s15+s11], $0x40, s30, s11, $0xb8;
	[tilespmem:$0x1FEC0] =	vst v63  }
0x213: {  	_ = 	snop  }
0x214: {  	[tilespmem:s18], [sflag:$0x2] =	stream.indirect.gather [hbm4b:s15+s11], $0x40, s31, s11, $0xb8;
	[tilespmem:$0x1FEC0] =	vst v63  }
0x215: {  	_ =	swait.ge [sflag:s19], $0x1000  }
0x216: {  	[sflag:s19] =	ssyncset.done $0x0  }
0x217: {  	[sflag:s19] =	ssyncadd.s32 $0xFFFFF000  }
0x218: {  	[spmem:s3] =	stream.indirect.scatter.add.f32 [tilespmem:s16], [sflag:$0x3], $0x40, s0, s11, $0xb8;
	[tilespmem:$0x1FEC0] =	vst v63  }
0x219: {  	_ =	swait.ge [sflag:s20], $0x1000  }
0x21a: {  	[sflag:s20] =	ssyncset.done $0x0  }
0x21b: {  	[sflag:s20] =	ssyncadd.s32 $0xFFFFF000  }
0x21c: {  	[spmem:s3] =	stream.indirect.scatter.add.f32 [tilespmem:s18], [sflag:$0x4], $0x40, s2, s11, $0xb8;
	[tilespmem:$0x1FEC0] =	vst v63  }
0x21d: {  	_ =	swait.ge [sflag:s21], $0x1000  }
0x21e: {  	[sflag:s21] =	ssyncset.done $0x0  }
0x21f: {  	[sflag:s21] =	ssyncadd.s32 $0xFFFFF000  }
0x220: {  	_ =	swait.ge [sflag:s22], $0x1000  }
0x221: {  	[sflag:s22] =	ssyncset.done $0x0  }
0x222: {  	[sflag:s22] =	ssyncadd.s32 $0xFFFFF000  }
0x223: {  	[tilespmem:s16], [sflag:$0x1] =	stream.indirect.gather [hbm4b:s15+s11], $0x40, s5, s11, $0xb8;
	[tilespmem:$0x1FEC0] =	vst v63  }
0x224: {  	_ = 	snop  }
0x225: {  	[tilespmem:s18], [sflag:$0x2] =	stream.indirect.gather [hbm4b:s15+s11], $0x40, s6, s11, $0xb8;
	[tilespmem:$0x1FEC0] =	vst v63  }
0x226: {  	_ =	swait.ge [sflag:s19], $0x1000  }
0x227: {  	[sflag:s19] =	ssyncset.done $0x0  }
0x228: {  	[sflag:s19] =	ssyncadd.s32 $0xFFFFF000  }
0x229: {  	[spmem:s3] =	stream.indirect.scatter.add.f32 [tilespmem:s16], [sflag:$0x3], $0x40, s7, s11, $0xb8;
	[tilespmem:$0x1FEC0] =	vst v63  }
0x22a: {  	_ =	swait.ge [sflag:s20], $0x1000  }
0x22b: {  	[sflag:s20] =	ssyncset.done $0x0  }
0x22c: {  	[sflag:s20] =	ssyncadd.s32 $0xFFFFF000  }
0x22d: {  	[spmem:s3] =	stream.indirect.scatter.add.f32 [tilespmem:s18], [sflag:$0x4], $0x40, s8, s11, $0xb8;
	[tilespmem:$0x1FEC0] =	vst v63  }
0x22e: {  	_ =	swait.ge [sflag:s21], $0x1000  }
0x22f: {  	[sflag:s21] =	ssyncset.done $0x0  }
0x230: {  	[sflag:s21] =	ssyncadd.s32 $0xFFFFF000  }
0x231: {  	_ =	swait.ge [sflag:s22], $0x1000  }
0x232: {  	[sflag:s22] =	ssyncset.done $0x0  }
0x233: {  	[sflag:s22] =	ssyncadd.s32 $0xFFFFF000  }
0x234: {  	[bflag:$0x0] =	sbarrier.arrive $0xFFFF  }
0x235: {  	s17 =	sld [smem:$0x7FD]  }
0x236: {  	s9 =	sld [smem:$0x7F3];
	_ =	sdelay $0x1  }
0x237: {  	s4 =	rddreg [dreg:$0x17]  }
0x238: {  	[hbm:s4], [sflag:s17] =	dma.local [spmem:s9], $0x640  }
0x239: {  	_ =	swait.ge [sflag:s10], $0x640  }
0x23a: {  	s9 =	sld [smem:$0x7F4]  }
0x23b: {  	[sflag:s10] =	ssyncset.done $0x0  }
0x23c: {  	s4 =	rddreg [dreg:$0x18];
	[sflag:s10] =	ssyncadd.s32 $0xFFFFF9C0  }
0x23d: {  	[hbm:s4], [sflag:s17] =	dma.local [spmem:s9], $0x640  }
0x23e: {  	_ =	swait.ge [sflag:s10], $0x640  }
0x23f: {  	s9 =	sld [smem:$0x7F5]  }
0x240: {  	[sflag:s10] =	ssyncset.done $0x0  }
0x241: {  	s4 =	rddreg [dreg:$0x19];
	[sflag:s10] =	ssyncadd.s32 $0xFFFFF9C0  }
0x242: {  	[hbm:s4], [sflag:s17] =	dma.local [spmem:s9], $0x640  }
0x243: {  	_ =	swait.ge [sflag:s10], $0x640  }
0x244: {  	s9 =	sld [smem:$0x7F6]  }
0x245: {  	[sflag:s10] =	ssyncset.done $0x0  }
0x246: {  	s4 =	rddreg [dreg:$0x1a];
	[sflag:s10] =	ssyncadd.s32 $0xFFFFF9C0  }
0x247: {  	[hbm:s4], [sflag:s17] =	dma.local [spmem:s9], $0x640  }
0x248: {  	_ =	swait.ge [sflag:s10], $0x640  }
0x249: {  	s9 =	sld [smem:$0x7F7]  }
0x24a: {  	[sflag:s10] =	ssyncset.done $0x0  }
0x24b: {  	s4 =	rddreg [dreg:$0x1b];
	[sflag:s10] =	ssyncadd.s32 $0xFFFFF9C0  }
0x24c: {  	[hbm:s4], [sflag:s17] =	dma.local [spmem:s9], $0x640  }
0x24d: {  	_ =	swait.ge [sflag:s10], $0x640  }
0x24e: {  	s9 =	sld [smem:$0x7F8]  }
0x24f: {  	[sflag:s10] =	ssyncset.done $0x0  }
0x250: {  	s4 =	rddreg [dreg:$0x1c];
	[sflag:s10] =	ssyncadd.s32 $0xFFFFF9C0  }
0x251: {  	[hbm:s4], [sflag:s17] =	dma.local [spmem:s9], $0x640  }
0x252: {  	_ =	swait.ge [sflag:s10], $0x640  }
0x253: {  	s9 =	sld [smem:$0x7F9]  }
0x254: {  	[sflag:s10] =	ssyncset.done $0x0  }
0x255: {  	s4 =	rddreg [dreg:$0x1d];
	[sflag:s10] =	ssyncadd.s32 $0xFFFFF9C0  }
0x256: {  	[hbm:s4], [sflag:s17] =	dma.local [spmem:s9], $0x640  }
0x257: {  	_ =	swait.ge [sflag:s10], $0x640  }
0x258: {  	s9 =	sld [smem:$0x7FA]  }
0x259: {  	[sflag:s10] =	ssyncset.done $0x0  }
0x25a: {  	s4 =	rddreg [dreg:$0x1e];
	[sflag:s10] =	ssyncadd.s32 $0xFFFFF9C0  }
0x25b: {  	[hbm:s4], [sflag:s17] =	dma.local [spmem:s9], $0x640  }
0x25c: {  	_ =	swait.ge [sflag:s10], $0x640  }
0x25d: {  	s9 =	sld [smem:$0x7FB]  }
0x25e: {  	[sflag:s10] =	ssyncset.done $0x0  }
0x25f: {  	s4 =	rddreg [dreg:$0x1f];
	[sflag:s10] =	ssyncadd.s32 $0xFFFFF9C0  }
0x260: {  	[hbm:s4], [sflag:s17] =	dma.local [spmem:s9], $0x640  }
0x261: {  	_ =	swait.ge [sflag:s10], $0x640  }
0x262: {  	s1 =	sld [smem:$0x7E7]  }
0x263: {  	s4 =	sld [smem:$0x7FC]  }
0x264: {  	[sflag:s10] =	ssyncset.done $0x0  }
0x265: {  	[sflag:s10] =	ssyncadd.s32 $0xFFFFF9C0  }
0x266: {  	[hbm:s1], [sflag:s17] =	dma.local @!p0 [spmem:s4], $0x640  }
0x267: {  	s1 =	simm.s32 @!p0 $0x5  }
0x268: {  	_ =	swait.ge @!p0 [sflag:s1], $0x640  }
0x269: {  	s9 =	rddreg [dreg:$0x16]  }
0x26a: {  	s4 =	sadd.s32 $0x1, s9;
	s9 =	sld [smem:$0x7E8];
	_ =	sdelay $0x2  }
0x26b: {  	p1 =	sne.s32 s4, s9  }
.Ltmp1:
0x26c: {  	_ = 	snop;
	(pc) =	sbr.rel @p1 .LBB2_1-.Ltmp1, $3  }
0x26d: {  	_ =	sdelay $0x1  }
0x26e: {  	[sflag:s1] =	ssyncset.done @!p0 $0x0  }
0x26f: {  	[sflag:s1] =	ssyncadd.s32 @!p0 $0xFFFFF9C0;
	[dreg:$0x16] =	wrdreg s4  }
0x270: {  	_ =	sfence.sel $0x180000  }
0x271: {  	[bflag:$0x0] =	sbarrier.arrive $0xFFFF  }
0x272: {  	_ =	strace $0x90000047  }
0x273: {  	s0 =	stileid.u32;
	[bflag:$0x2] =	sbarrier.arrive $0xFFFF  }
0x274: {  	p0 =	sne.s32 s0, $0x0;
	s0 =	rddreg [dreg:$0x3]  }
0x275: {  	s0 =	sadd.s32 @!p0 $0x100000, s0  }
0x276: {  	[sflag:s0] =	ssyncadd.tile.s32 @!p0 $0x1;
	_ =	shalt  }
.Lfunc_end2:
_tile_overlayer_lowered:
.L_overlay_start_2:
0x277: {  	(tag) =	ssettag $0x2  }
0x278: {  	s0 =	rddreg [dreg:$0x0];
	s2 =	stileid.u32  }
0x279: {  	s1 =	rddreg [dreg:$0x1];
	p0 =	sne.s32 s2, $0x0  }
0x27a: {  	s3 =	rddreg [dreg:$0x2];
	[bflag:$0x3] =	sbarrier.arrive $0xFFFF;
	s2 =	simm.s32 @!p0 $0x1C05  }
0x27b: {  	[timem:s3], [sflag:s2] =	dma.local @!p0 [hbm:s0], s1  }
0x27c: {  	s0 =	simm.s32 @!p0 $0x5  }
0x27d: {  	_ =	swait.ge @!p0 [sflag:s0], s1  }
0x27e: {  	s1 =	ssub.s32 @!p0 $0x0, s1;
	[sflag:s0] =	ssyncset.done @!p0 $0x0  }
0x27f: {  	[sflag:s0] =	ssyncadd.s32 @!p0 s1  }
0x280: {  	[bflag:$0x3] =	sbarrier.arrive $0xFFFF  }
0x281: {  	_ =	shalt  }

// kernel: kernel.15.cloned.1.call-start
scs
__scs_entry_jumppad:
0x0: {  	(pc) =	sbr.rel $0x88, $3  }
0x1: {  	(tag) =	ssettag $0x0;
	lr =	simm.s32 $0x1  }
0x2: {  	[smem:$0x3F96] =	sst lr;
	_ =	strace $0xD0000000  }
0x3: {  	_ = 	snop  }
0x4: {  	_ = 	snop  }
0x5: {  	_ = 	snop  }
0x6: {  	_ = 	snop  }
0x7: {  	_ = 	snop  }
__scs_overlays_trampoline_lowered:
0x8: {  	[smem:$0x3FA5] =	sst s0  }
0x9: {  	[smem:$0x3FA6] =	sst s1  }
0xa: {  	[smem:$0x3FA7] =	sst s2  }
0xb: {  	[smem:$0x3FA8] =	sst s3  }
0xc: {  	[smem:$0x3FA9] =	sst s4  }
0xd: {  	[smem:$0x3FAA] =	sst s5  }
0xe: {  	[smem:$0x3FAB] =	sst s6  }
0xf: {  	[smem:$0x3FAC] =	sst s7  }
0x10: {  	[smem:$0x3FAD] =	sst s8  }
0x11: {  	[smem:$0x3FAE] =	sst s9;
	s0 =	simm.s32 @!p0 $0x0  }
0x12: {  	s1 =	sld [smem:$0x3F94];
	s0 =	simm.s32 @p0 $0x1  }
0x13: {  	[smem:$0x3FAF] =	sst s0;
	s0 =	simm.s32 @!p1 $0x0  }
0x14: {  	s2 =	sld [smem:$0x3F93];
	s0 =	simm.s32 @p1 $0x1  }
0x15: {  	[smem:$0x3FB0] =	sst s0;
	s0 =	simm.s32 @!p2 $0x0  }
0x16: {  	s3 =	sld [smem:$0x3FDB];
	s0 =	simm.s32 @p2 $0x1  }
0x17: {  	s4 =	simm.s32 $0x1BF5;
	[smem:$0x3FB2] =	sst s0  }
0x18: {  	s0 =	sld [smem:$0x3F95];
	_ =	swait.ge [sflag:s4], $0x0  }
0x19: {  	s7 =	sld [smem:$0x3F96]  }
0x1a: {  	s8 =	sadd.s32 $0xFFFFE003, lr  }
0x1b: {  	s9 =	sadd.s32 $0xFFFFFEF7, lr;
	s5 =	simm.s32 $0xFFFFFFFF;
	p2 =	slt.u32 s8, $0xFFFFF086  }
0x1c: {  	p1 =	slt.u32 s9, $0xF7A;
	s5 =	simm.s32 @!p2 $0x0  }
0x1d: {  	s5 =	simm.s32 @p1 $0x1;
	p0 =	seq.s32 s7, s2  }
0x1e: {  	s7 =	smul.u32 @!p0 $0xF7A, s2;
	p2 =	seq.s32 @!p0 s5, $0x0  }
0x1f: {  	s9 =	smul.u32 $0xF7A, s1;
	s8 =	simm.s32 @!p0 $0x1BF5;
	p2 =	por !p2, p0  }
0x20: {  	[sflag:s8] =	ssyncset.s32 @!p0 $0xFFFFF086;
	s6 =	sadd.s32 @!p0 s3, s7;
	s7 =	simm.s32 @!p0 $0x108  }
0x21: {  	s3 =	sadd.s32 s3, s9;
	s6 =	sadd.s32 @!p0 $0x88, s6;
	s7 =	simm.s32 @p2 $0x1082  }
0x22: {  	[simem:s7], [sflag:s8] =	dma.local @!p0 [hbm:s6], $0xF7A  }
0x23: {  	s9 =	sor.u32 $0xD0000000, s2;
	s6 =	simm.s32 $0x108;
	_ =	swait.ge @!p0 [sflag:s8], $0x0  }
0x24: {  	s3 =	sadd.s32 $0x88, s3;
	s6 =	simm.s32 @!p1 $0x1082;
	[sflag:s4] =	ssyncset.s32 $0xFFFFF086  }
0x25: {  	[simem:s6], [sflag:s4] =	dma.local [hbm:s3], $0xF7A  }
0x26: {  	[smem:$0x3F96] =	sst s1;
	(tag) =	ssettag s2;
	_ =	strace s9  }
0x27: {  	s1 =	sld [smem:$0x3FA6]  }
0x28: {  	s2 =	sld [smem:$0x3FA7]  }
0x29: {  	s4 =	sld [smem:$0x3FA9]  }
0x2a: {  	p0 =	seq.s32 s5, $0x0;
	s5 =	sld [smem:$0x3FAA]  }
0x2b: {  	s6 =	sld [smem:$0x3FAB]  }
0x2c: {  	s7 =	sld [smem:$0x3FAC]  }
0x2d: {  	s3 =	simm.s32 $0x108;
	s8 =	sld [smem:$0x3FAD]  }
0x2e: {  	s3 =	simm.s32 @!p0 $0x1082;
	s9 =	sld [smem:$0x3FAE]  }
0x2f: {  	lr =	sadd.s32 s0, s3;
	s0 =	sld [smem:$0x3FA5]  }
0x30: {  	s3 =	sld [smem:$0x3FA8]  }
0x31: {  	[smem:$0x3FB1] =	sst s10  }
0x32: {  	s10 =	sld [smem:$0x3FAF];
	_ =	sdelay $0x3  }
0x33: {  	p0 =	seq.s32 s10, $0x1;
	s10 =	sld [smem:$0x3FB1];
	_ =	sdelay $0x3  }
0x34: {  	[smem:$0x3FB1] =	sst s10  }
0x35: {  	s10 =	sld [smem:$0x3FB0];
	_ =	sdelay $0x3  }
0x36: {  	p1 =	seq.s32 s10, $0x1;
	s10 =	sld [smem:$0x3FB1];
	_ =	sdelay $0x3  }
0x37: {  	[smem:$0x3FB1] =	sst s10  }
0x38: {  	s10 =	sld [smem:$0x3FB2]  }
0x39: {  	_ = 	snop;
	(pc) =	sbr.ind lr, $3  }
0x3a: {  	_ = 	snop  }
0x3b: {  	_ = 	snop  }
0x3c: {  	p2 =	seq.s32 s10, $0x1;
	s10 =	sld [smem:$0x3FB1]  }
0x3d: {  	_ =	shalt  }
0x3e: {  	_ =	shalt  }
0x3f: {  	_ =	shalt  }
0x40: {  	_ =	shalt  }
0x41: {  	_ =	shalt  }
0x42: {  	_ =	shalt  }
0x43: {  	_ =	shalt  }
0x44: {  	_ =	shalt  }
0x45: {  	_ =	shalt  }
0x46: {  	_ =	shalt  }
0x47: {  	_ =	shalt  }
0x48: {  	_ =	shalt  }
0x49: {  	_ =	shalt  }
0x4a: {  	_ =	shalt  }
0x4b: {  	_ =	shalt  }
0x4c: {  	_ =	shalt  }
0x4d: {  	_ =	shalt  }
0x4e: {  	_ =	shalt  }
0x4f: {  	_ =	shalt  }
0x50: {  	_ =	shalt  }
0x51: {  	_ =	shalt  }
0x52: {  	_ =	shalt  }
0x53: {  	_ =	shalt  }
0x54: {  	_ =	shalt  }
0x55: {  	_ =	shalt  }
0x56: {  	_ =	shalt  }
0x57: {  	_ =	shalt  }
0x58: {  	_ =	shalt  }
0x59: {  	_ =	shalt  }
0x5a: {  	_ =	shalt  }
0x5b: {  	_ =	shalt  }
0x5c: {  	_ =	shalt  }
0x5d: {  	_ =	shalt  }
0x5e: {  	_ =	shalt  }
0x5f: {  	_ =	shalt  }
0x60: {  	_ =	shalt  }
0x61: {  	_ =	shalt  }
0x62: {  	_ =	shalt  }
0x63: {  	_ =	shalt  }
0x64: {  	_ =	shalt  }
0x65: {  	_ =	shalt  }
0x66: {  	_ =	shalt  }
0x67: {  	_ =	shalt  }
0x68: {  	_ =	shalt  }
0x69: {  	_ =	shalt  }
0x6a: {  	_ =	shalt  }
0x6b: {  	_ =	shalt  }
0x6c: {  	_ =	shalt  }
0x6d: {  	_ =	shalt  }
0x6e: {  	_ =	shalt  }
0x6f: {  	_ =	shalt  }
0x70: {  	_ =	shalt  }
0x71: {  	_ =	shalt  }
0x72: {  	_ =	shalt  }
0x73: {  	_ =	shalt  }
0x74: {  	_ =	shalt  }
0x75: {  	_ =	shalt  }
0x76: {  	_ =	shalt  }
0x77: {  	_ =	shalt  }
0x78: {  	_ =	shalt  }
0x79: {  	_ =	shalt  }
0x7a: {  	_ =	shalt  }
0x7b: {  	_ =	shalt  }
0x7c: {  	_ =	shalt  }
0x7d: {  	_ =	shalt  }
0x7e: {  	_ =	shalt  }
0x7f: {  	_ =	shalt  }
0x80: {  	_ =	shalt  }
0x81: {  	_ =	shalt  }
0x82: {  	_ =	shalt  }
0x83: {  	_ =	shalt  }
0x84: {  	_ =	shalt  }
0x85: {  	_ =	shalt  }
0x86: {  	_ =	shalt  }
0x87: {  	_ =	shalt  }
.Lfunc_end0:
.L_simem_size_0:
called_computation.2_lowered:
.L_overlay_start_0:
0x88: {  	s2 =	sld [smem:$0x3FD9]  }
0x89: {  	s3 =	sld [smem:$0x3FFE];
	_ =	sdelay $0x1  }
0x8a: {  	s1 =	srdreg.scid  }
0x8b: {  	s0 =	sand.u32 $0x1, s1  }
0x8c: {  	s17 =	sshll.u32 s0, $0xA;
	s2 =	sadd.s32 s3, s2  }
0x8d: {  	s2 =	sadd.s32 s2, s17  }
0x8e: {  	[smem:$0x3FBD] =	sst s2  }
0x8f: {  	_ = 	snop  }
0x90: {  	s2 =	sld [smem:$0x3FD0];
	(tm) =	ssettm $0x1  }
0x91: {  	s18 =	sld [smem:$0x3FFB];
	_ =	sdelay $0x3  }
0x92: {  	_ =	strace s18  }
0x93: {  	s3 =	sld [smem:$0x3FFC];
	_ =	sdelay $0x3  }
0x94: {  	_ =	strace s3  }
0x95: {  	s3 =	sld [smem:$0x3FFD];
	_ =	sdelay $0x3  }
0x96: {  	_ =	strace s3  }
0x97: {  	_ =	strace $0x8FFFFFFF  }
0x98: {  	s19 =	sld [smem:$0x3FDB];
	_ =	sdelay $0x1  }
0x99: {  	s4 =	simm.s32 $_scs_section_size  }
0x9a: {  	s5 =	simm.s32 $_size__tile_overlayer_lowered;
	s6 =	simm.s32 $_tile_overlayer_lowered  }
0x9b: {  	s22 =	simm.s32 $0x1BFF;
	s21 =	sshll.u32 s6, $0x1;
	s3 =	sadd.s32 s4, s19  }
0x9c: {  	s7 =	simm.s32 $0x0;
	s20 =	sshll.u32 s5, $0x1;
	s5 =	sadd.s32 s21, s3  }
0x9d: {  	[timem:s7], [sflag:s22] =	dma.local [hbm:s5], s20  }
0x9e: {  	_ =	swait.ge [sflag:s22], s20  }
0x9f: {  	s4 =	ssub.s32 $0x0, s20;
	[sflag:s22] =	ssyncset.done $0x0  }
0xa0: {  	[sflag:s22] =	ssyncadd.s32 s4;
	_ =	sdelay $0x1  }
0xa1: {  	s23 =	simm.s32 $0x1B8B  }
0xa2: {  	_ =	swait.ge [sflag:s23], $0x1  }
0xa3: {  	[sflag:s23] =	ssyncset.done $0x0  }
0xa4: {  	s25 =	simm.s32 $0x1B8E;
	s24 =	sld [smem:$0x3FFE];
	[sflag:s23] =	ssyncadd.s32 $0xFFFFFFFF  }
0xa5: {  	s26 =	simm.s32 $execute0_lowered;
	[smem:$0x3FD2] =	sst s25  }
0xa6: {  	s5 =	sshll.u32 s26, $0x1;
	_ =	strace $0x8000004C;
	[dreg:$0x1] =	wrdreg $0xFFFFFFFF  }
0xa7: {  	s28 =	simm.s32 $_size_execute0_lowered;
	s3 =	sadd.s32 s3, s5;
	[dreg:$0x0] =	wrdreg $0x0  }
0xa8: {  	s5 =	sshll.u32 s28, $0x1;
	[dreg:$0x2] =	wrdreg s3  }
0xa9: {  	[dreg:$0x3] =	wrdreg s5  }
0xaa: {  	[dreg:$0x4] =	wrdreg $0xC0  }
0xab: {  	_ =	task [dreg:s7], $0x5FFFF  }
0xac: {  	[dreg:$0x1] =	wrdreg $0xFFFFFFFF  }
0xad: {  	[dreg:$0x0] =	wrdreg $0x60  }
0xae: {  	[dreg:$0x2] =	wrdreg s24  }
0xaf: {  	[dreg:$0x3] =	wrdreg s2  }
0xb0: {  	[dreg:$0x4] =	wrdreg $0x0  }
0xb1: {  	[dreg:$0x5] =	wrdreg $0x9  }
0xb2: {  	_ =	task.clear_ibuf [dreg:s7], $0x6FFFF;
	_ =	strace $0x9000004C  }
0xb3: {  	s29 =	simm.s32 $0x9;
	_ =	strace $0x8000004E  }
0xb4: {  	_ =	swait.ge [sflag:s29], $0x1  }
0xb5: {  	[sflag:s29] =	ssyncadd.s32 $0xFFFFFFFF  }
0xb6: {  	_ =	strace $0x9000004E  }
0xb7: {  	_ =	sfence  }
0xb8: {  	s30 =	sld [smem:$0x0];
	_ =	sdelay $0x2  }
0xb9: {  	s31 =	sshll.u32 s1, $0xD;
	s1 =	sshrl.u32 s1, $0x2  }
0xba: {  	s3 =	sand.u32 $0x4000, s31;
	s1 =	sadd.s32 s1, s30  }
0xbb: {  	s0 =	sor.u32 s3, s0;
	s1 =	sshll.u32 s1, $0x11  }
0xbc: {  	s0 =	sor.u32 s1, s0  }
0xbd: {  	s0 =	sadd.s32 $0x8F2B, s0  }
0xbe: {  	[sflag:s0] =	ssyncadd.remote.s32 $0x1  }
0xbf: {  	_ =	sfence.sel $0xFFFF  }
0xc0: {  	[dreg:$0x0] =	wrdreg $0xFFFFFFFF;
	(pc) =	sbr.abs _section_cstart, $3  }
0xc1: {  	[dreg:$0x1] =	wrdreg $0xFFFFFFFF  }
0xc2: {  	_ =	task.clear_ibuf [dreg:s7], $0x2FFFF;
	_ =	strace $0x9FFFFFFF  }
0xc3: {  	(tm) =	ssettm $0x7FFFFFFF  }
tec
execute0_lowered:
.L_overlay_start_1:
0x0: {  	(tag) =	ssettag $0x1  }
0x1: {  	s1 =	rddreg [dreg:$0x0]  }
0x2: {  	s3 =	rddreg [dreg:$0x2];
	s0 =	srdreg.scid;
	s4 =	simm.s32 $0x0  }
0x3: {  	s26 =	stileid.u32;
	s2 =	simm.s32 $0x0;
	s24 =	simm.s32 $0x1D700  }
0x4: {  	s8 =	simm.s32 $0x1DB00;
	s25 =	simm.s32 $0x1D740;
	s16 =	simm.s32 $0x1DB40  }
0x5: {  	s17 =	simm.s32 $0x1DB80;
	s18 =	simm.s32 $0x1D7C0;
	s19 =	simm.s32 $0x1D800  }
0x6: {  	s28 =	simm.s32 $0x1DD40;
	s29 =	simm.s32 $0x1DD80;
	s30 =	simm.s32 $0x1D9C0  }
0x7: {  	s31 =	simm.s32 $0x1DA00;
	s0 =	sand.u32 $0x1, s0;
	[dreg:$0x16] =	wrdreg s2  }
0x8: {  	[smem:$0x7FF] =	sst s4;
	s20 =	sshll.u32 s26, $0x4;
	s13 =	sadd.s32 $0x16600, s1  }
0x9: {  	s12 =	sor.u32 $0x10, s26;
	_ =	strace $0x8000004D;
	[dreg:$0x6] =	wrdreg s24  }
0xa: {  	s11 =	sor.u32 $0x20, s26;
	s10 =	sor.u32 $0x30, s26;
	[dreg:$0x7] =	wrdreg s8  }
0xb: {  	s7 =	sor.u32 $0x40, s26;
	s6 =	sor.u32 $0x60, s26;
	[dreg:$0x8] =	wrdreg s25  }
0xc: {  	s21 =	ssub.s32 $0x2, s0;
	s2 =	sadd.s32 s20, s1;
	[dreg:$0xa] =	wrdreg s16  }
0xd: {  	s22 =	sshll.u32 s0, $0x3;
	s15 =	smul.u32 $0x1D4C00, s0;
	[dreg:$0xb] =	wrdreg s17  }
0xe: {  	s0 =	smul.u32 $0x3200, s26;
	s8 =	simm.s32 $0x1D780;
	[dreg:$0xc] =	wrdreg s18  }
0xf: {  	[dreg:$0xd] =	wrdreg s19;
	s16 =	smul.u32 $0x3200, s7;
	s24 =	simm.s32 $0x1D880  }
0x10: {  	s25 =	simm.s32 $0x1DC40;
	s7 =	smul.u32 $0xC800, s7;
	[dreg:$0x9] =	wrdreg s8  }
0x11: {  	s5 =	sshrl.u32 s21, $0x1;
	s2 =	sadd.s32 s22, s2;
	[dreg:$0x11] =	wrdreg s24  }
0x12: {  	s8 =	smul.u32 $0x3200, s11;
	s22 =	simm.s32 $0x1DC00;
	[dreg:$0x12] =	wrdreg s25  }
0x13: {  	s11 =	smul.u32 $0xC800, s11;
	s9 =	ssub.s32 s21, s5;
	s5 =	sor.u32 $0x50, s26  }
0x14: {  	s4 =	sadd.s32 $0xC600, s2;
	s2 =	sadd.s32 $0x2600, s2;
	[dreg:$0xf] =	wrdreg s22  }
0x15: {  	s23 =	sadd.s32 s15, s0;
	s21 =	simm.s32 $0x1DBC0;
	[dreg:$0x4] =	wrdreg s4  }
0x16: {  	s7 =	sshrl.u32 s7, $0x2;
	s0 =	sadd.s32 s0, s3;
	[dreg:$0x5] =	wrdreg s2  }
0x17: {  	s4 =	sshrl.u32 s23, $0x3;
	s2 =	smul.u32 $0x3200, s12;
	s20 =	sadd.s32 s15, s8  }
0x18: {  	[dreg:$0xe] =	wrdreg s21;
	s23 =	simm.s32 $0x1D840;
	s18 =	smul.u32 $0x3200, s5  }
0x19: {  	s9 =	smax.u32 s9, $0x1;
	s11 =	sshrl.u32 s11, $0x2;
	s5 =	smul.u32 $0xC800, s5  }
0x1a: {  	s7 =	sadd.s32 s7, s3;
	s8 =	sadd.s32 s8, s3;
	[dreg:$0x10] =	wrdreg s23  }
0x1b: {  	s0 =	sshrl.u32 s0, $0x3;
	s4 =	sadd.s32 s13, s4;
	[smem:$0x7E8] =	sst s9  }
0x1c: {  	s17 =	sshrl.u32 s20, $0x3;
	s20 =	sadd.s32 s15, s16;
	[smem:$0x7F3] =	sst s0  }
0x1d: {  	s11 =	sadd.s32 s11, s3;
	s16 =	sadd.s32 s16, s3;
	[dreg:$0x17] =	wrdreg s4  }
0x1e: {  	s14 =	sadd.s32 s15, s2;
	s17 =	sadd.s32 s13, s17;
	s22 =	sshrl.u32 s20, $0x3  }
0x1f: {  	s24 =	sadd.s32 s15, s18;
	s5 =	sshrl.u32 s5, $0x2;
	s2 =	sadd.s32 s2, s3  }
0x20: {  	s18 =	sadd.s32 s18, s3;
	s16 =	sshrl.u32 s16, $0x3;
	s14 =	sshrl.u32 s14, $0x3  }
0x21: {  	[dreg:$0x19] =	wrdreg s17;
	s23 =	sadd.s32 s13, s22;
	s14 =	sadd.s32 s13, s14  }
0x22: {  	s22 =	sor.u32 $0x90, s26;
	[dreg:$0x18] =	wrdreg s14;
	s14 =	smul.u32 $0x3200, s10  }
0x23: {  	s5 =	sadd.s32 s5, s3;
	[smem:$0x7F7] =	sst s16;
	s16 =	simm.s32 $0x1DEC0  }
0x24: {  	[dreg:$0x1b] =	wrdreg s23;
	s10 =	smul.u32 $0xC800, s10;
	s19 =	sadd.s32 s15, s14  }
0x25: {  	p0 =	sgt.u32 s22, $0x95;
	s21 =	sshrl.u32 s19, $0x3;
	s19 =	smul.u32 $0x3200, s6  }
0x26: {  	s10 =	sshrl.u32 s10, $0x2;
	s14 =	sadd.s32 s14, s3;
	s6 =	smul.u32 $0xC800, s6  }
0x27: {  	s10 =	sadd.s32 s10, s3;
	s14 =	sshrl.u32 s14, $0x3;
	s4 =	sadd.s32 s13, s21  }
0x28: {  	s21 =	sor.u32 $0x70, s26;
	[smem:$0x7F6] =	sst s14;
	s14 =	simm.s32 $0x1DAC0  }
0x29: {  	[dreg:$0x1a] =	wrdreg s4;
	s4 =	sshrl.u32 s24, $0x3;
	s20 =	smul.u32 $0x3200, s21  }
0x2a: {  	s25 =	sadd.s32 s15, s19;
	s21 =	smul.u32 $0xC800, s21;
	s6 =	sshrl.u32 s6, $0x2  }
0x2b: {  	s4 =	sadd.s32 s13, s4;
	s17 =	sshrl.u32 s25, $0x3;
	s25 =	smul.u32 $0x3200, s22  }
0x2c: {  	s22 =	smul.u32 $0xC800, s22;
	[dreg:$0x1c] =	wrdreg s4;
	s4 =	sor.u32 $0x80, s26  }
0x2d: {  	s19 =	sadd.s32 s19, s3;
	s17 =	sadd.s32 s13, s17;
	s23 =	smul.u32 $0x3200, s4  }
0x2e: {  	s6 =	sadd.s32 s6, s3;
	s24 =	sadd.s32 s15, s20;
	[dreg:$0x1d] =	wrdreg s17  }
0x2f: {  	s17 =	sshrl.u32 s24, $0x3;
	s4 =	smul.u32 $0xC800, s4;
	s24 =	sadd.s32 s15, s23  }
0x30: {  	s17 =	sadd.s32 s13, s17;
	s15 =	sadd.s32 s15, s25;
	s24 =	sshrl.u32 s24, $0x3  }
0x31: {  	[dreg:$0x1e] =	wrdreg s17;
	s15 =	sshrl.u32 s15, $0x3;
	s17 =	sadd.s32 s13, s24  }
0x32: {  	s20 =	sadd.s32 s20, s3;
	s13 =	sadd.s32 s13, s15;
	[dreg:$0x1f] =	wrdreg s17  }
0x33: {  	s4 =	sshrl.u32 s4, $0x2;
	s24 =	simm.s32 $0x1DC80;
	[smem:$0x7E7] =	sst s13  }
0x34: {  	s4 =	sadd.s32 s4, s3;
	s15 =	simm.s32 $0x1D8C0;
	[dreg:$0x13] =	wrdreg s24  }
0x35: {  	[dreg:$0x14] =	wrdreg s15;
	s13 =	smul.u32 $0xC800, s26;
	s17 =	simm.s32 $0x1D900  }
0x36: {  	s15 =	sadd.s32 $0x8BA00, s1;
	s24 =	smul.u32 $0xC800, s12;
	s12 =	sshrl.u32 s21, $0x2  }
0x37: {  	s21 =	sadd.s32 s23, s3;
	s23 =	sshrl.u32 s18, $0x3;
	s18 =	simm.s32 $0x1EEC0  }
0x38: {  	[dreg:$0x15] =	wrdreg s17;
	s17 =	sshll.u32 s26, $0x6;
	s12 =	sadd.s32 s12, s3  }
0x39: {  	s26 =	sshrl.u32 s7, $0x3;
	s7 =	sshrl.u32 s5, $0x3;
	[smem:$0x7F8] =	sst s23  }
0x3a: {  	s23 =	simm.s32 $0x1DCC0;
	s5 =	simm.s32 $0x1DA40;
	s13 =	sshrl.u32 s13, $0x2  }
0x3b: {  	s17 =	sor.u32 $0x1C05, s17;
	s1 =	sshrl.u32 s24, $0x2;
	[smem:$0x7ED] =	sst s26  }
0x3c: {  	s24 =	sshrl.u32 s11, $0x3;
	[smem:$0x7EE] =	sst s7;
	s11 =	sshrl.u32 s4, $0x3  }
0x3d: {  	s26 =	sshrl.u32 s21, $0x3;
	s21 =	simm.s32 $0x3;
	s7 =	simm.s32 $0x1DE40  }
0x3e: {  	s9 =	sadd.s32 s13, s3;
	s1 =	sadd.s32 s1, s3;
	[smem:$0x7EB] =	sst s24  }
0x3f: {  	s13 =	sshrl.u32 s22, $0x2;
	s22 =	sadd.s32 s25, s3;
	[smem:$0x7F1] =	sst s11  }
0x40: {  	s25 =	sshrl.u32 s10, $0x3;
	s10 =	sshrl.u32 s12, $0x3;
	[smem:$0x7FB] =	sst s26  }
0x41: {  	s12 =	sshrl.u32 s2, $0x3;
	s24 =	sshrl.u32 s19, $0x3;
	[smem:$0x7FD] =	sst s17  }
0x42: {  	s11 =	simm.s32 $0x40;
	s19 =	simm.s32 $0x1;
	[smem:$0x7EC] =	sst s25  }
0x43: {  	s26 =	simm.s32 $0x1D980;
	s2 =	simm.s32 $0x1DE00;
	[smem:$0x7F0] =	sst s10  }
0x44: {  	s13 =	sadd.s32 s13, s3;
	s9 =	sshrl.u32 s9, $0x3;
	[smem:$0x7F4] =	sst s12  }
0x45: {  	s1 =	sshrl.u32 s1, $0x3;
	[smem:$0x7F9] =	sst s24;
	s25 =	sshrl.u32 s20, $0x3  }
0x46: {  	s0 =	sshrl.u32 @!p0 s22, $0x3;
	s10 =	simm.s32 $0x5;
	[smem:$0x7E9] =	sst s9  }
0x47: {  	s12 =	simm.s32 $0x800;
	s20 =	simm.s32 $0x2;
	[smem:$0x7EA] =	sst s1  }
0x48: {  	s22 =	simm.s32 $0x4;
	s24 =	simm.s32 $0x1DD00;
	[smem:$0x7FA] =	sst s25  }
0x49: {  	s9 =	sshrl.u32 s6, $0x3;
	s1 =	sshrl.u32 @!p0 s13, $0x3;
	[smem:$0x7FC] =	sst s0  }
0x4a: {  	s13 =	sshrl.u32 s8, $0x3;
	s25 =	simm.s32 $0x1D940;
	[smem:$0x7EF] =	sst s9  }
0x4b: {  	s0 =	simm.s32 $0x1DDC0;
	s6 =	simm.s32 $0x1DA80;
	[smem:$0x7F2] =	sst s1  }
0x4c: {  	s8 =	simm.s32 $0x1DE80;
	[smem:$0x7F5] =	sst s13;
	s13 =	simm.s32 $0x1D6C0  }
.LBB2_1:
0x4d: {  	s4 =	sld [smem:$0x7E9];
	_ =	sdelay $0x1  }
0x4e: {  	s1 =	rddreg [dreg:$0x1]  }
0x4f: {  	[spmem:s4], [sflag:s17] =	dma.local [hbm:s1], $0x640  }
0x50: {  	_ =	swait.ge [sflag:s10], $0x640  }
0x51: {  	s9 =	sld [smem:$0x7EA]  }
0x52: {  	[sflag:s10] =	ssyncset.done $0x0  }
0x53: {  	[sflag:s10] =	ssyncadd.s32 $0xFFFFF9C0  }
0x54: {  	[spmem:s9], [sflag:s17] =	dma.local [hbm:s1], $0x640  }
0x55: {  	_ =	swait.ge [sflag:s10], $0x640  }
0x56: {  	s9 =	sld [smem:$0x7EB]  }
0x57: {  	[sflag:s10] =	ssyncset.done $0x0  }
0x58: {  	[sflag:s10] =	ssyncadd.s32 $0xFFFFF9C0  }
0x59: {  	[spmem:s9], [sflag:s17] =	dma.local [hbm:s1], $0x640  }
0x5a: {  	_ =	swait.ge [sflag:s10], $0x640  }
0x5b: {  	s9 =	sld [smem:$0x7EC]  }
0x5c: {  	[sflag:s10] =	ssyncset.done $0x0  }
0x5d: {  	[sflag:s10] =	ssyncadd.s32 $0xFFFFF9C0  }
0x5e: {  	[spmem:s9], [sflag:s17] =	dma.local [hbm:s1], $0x640  }
0x5f: {  	_ =	swait.ge [sflag:s10], $0x640  }
0x60: {  	s9 =	sld [smem:$0x7ED]  }
0x61: {  	[sflag:s10] =	ssyncset.done $0x0  }
0x62: {  	[sflag:s10] =	ssyncadd.s32 $0xFFFFF9C0  }
0x63: {  	[spmem:s9], [sflag:s17] =	dma.local [hbm:s1], $0x640  }
0x64: {  	_ =	swait.ge [sflag:s10], $0x640  }
0x65: {  	s9 =	sld [smem:$0x7EE]  }
0x66: {  	[sflag:s10] =	ssyncset.done $0x0  }
0x67: {  	[sflag:s10] =	ssyncadd.s32 $0xFFFFF9C0  }
0x68: {  	[spmem:s9], [sflag:s17] =	dma.local [hbm:s1], $0x640  }
0x69: {  	_ =	swait.ge [sflag:s10], $0x640  }
0x6a: {  	s9 =	sld [smem:$0x7EF]  }
0x6b: {  	[sflag:s10] =	ssyncset.done $0x0  }
0x6c: {  	[sflag:s10] =	ssyncadd.s32 $0xFFFFF9C0  }
0x6d: {  	[spmem:s9], [sflag:s17] =	dma.local [hbm:s1], $0x640  }
0x6e: {  	_ =	swait.ge [sflag:s10], $0x640  }
0x6f: {  	s9 =	sld [smem:$0x7F0]  }
0x70: {  	[sflag:s10] =	ssyncset.done $0x0  }
0x71: {  	[sflag:s10] =	ssyncadd.s32 $0xFFFFF9C0  }
0x72: {  	[spmem:s9], [sflag:s17] =	dma.local [hbm:s1], $0x640  }
0x73: {  	_ =	swait.ge [sflag:s10], $0x640  }
0x74: {  	s9 =	sld [smem:$0x7F1]  }
0x75: {  	[sflag:s10] =	ssyncset.done $0x0  }
0x76: {  	[sflag:s10] =	ssyncadd.s32 $0xFFFFF9C0  }
0x77: {  	[spmem:s9], [sflag:s17] =	dma.local [hbm:s1], $0x640  }
0x78: {  	_ =	swait.ge [sflag:s10], $0x640  }
0x79: {  	s4 =	sld [smem:$0x7F2]  }
0x7a: {  	[sflag:s10] =	ssyncset.done $0x0  }
0x7b: {  	[sflag:s10] =	ssyncadd.s32 $0xFFFFF9C0  }
0x7c: {  	[spmem:s4], [sflag:s17] =	dma.local @!p0 [hbm:s1], $0x640  }
0x7d: {  	s1 =	simm.s32 @!p0 $0x5  }
0x7e: {  	_ =	swait.ge @!p0 [sflag:s1], $0x640  }
0x7f: {  	[sflag:s1] =	ssyncset.done @!p0 $0x0  }
0x80: {  	[sflag:s1] =	ssyncadd.s32 @!p0 $0xFFFFF9C0  }
0x81: {  	[bflag:$0x0] =	sbarrier.arrive $0xFFFF  }
0x82: {  	s17 =	rddreg [dreg:$0x4]  }
0x83: {  	s1 =	sadd.s32 $0x0, s17  }
0x84: {  	[tilespmem:s13], [sflag:$0x5] =	stream.strided.gather [hbm4b:s1+s11], $0x400, s12, s11, $0x38;
	[tilespmem:$0x1FEC0] =	vst v63  }
0x85: {  	_ =	swait.ge [sflag:s10], $0x400  }
0x86: {  	s4 =	rddreg [dreg:$0x5];
	[sflag:s10] =	ssyncset.done $0x0  }
0x87: {  	[sflag:s10] =	ssyncadd.s32 $0xFFFFFC00;
	s1 =	sadd.s32 $0x0, s4  }
0x88: {  	[tilespmem:s14], [sflag:$0x5] =	stream.strided.gather [hbm4b:s1+s11], $0x400, s12, s11, $0x38;
	[tilespmem:$0x1FEC0] =	vst v63  }
0x89: {  	_ =	swait.ge [sflag:s10], $0x400  }
0x8a: {  	[sflag:s10] =	ssyncset.done $0x0  }
0x8b: {  	[sflag:s10] =	ssyncadd.s32 $0xFFFFFC00  }
0x8c: {  	[tilespmem:s16], [sflag:$0x1] =	stream.indirect.gather [hbm4b:s15+s11], $0x40, s13, s11, $0xb8;
	[tilespmem:$0x1FEC0] =	vst v63  }
0x8d: {  	s9 =	rddreg [dreg:$0x6]  }
0x8e: {  	[tilespmem:s18], [sflag:$0x2] =	stream.indirect.gather [hbm4b:s15+s11], $0x40, s9, s11, $0xb8;
	[tilespmem:$0x1FEC0] =	vst v63  }
0x8f: {  	_ =	swait.ge [sflag:s19], $0x1000  }
0x90: {  	[sflag:s19] =	ssyncset.done $0x0  }
0x91: {  	[sflag:s19] =	ssyncadd.s32 $0xFFFFF000  }
0x92: {  	[spmem:s3] =	stream.indirect.scatter.add.f32 [tilespmem:s16], [sflag:$0x3], $0x40, s14, s11, $0xb8;
	[tilespmem:$0x1FEC0] =	vst v63  }
0x93: {  	_ =	swait.ge [sflag:s20], $0x1000  }
0x94: {  	[sflag:s20] =	ssyncset.done $0x0  }
0x95: {  	s17 =	rddreg [dreg:$0x7];
	[sflag:s20] =	ssyncadd.s32 $0xFFFFF000  }
0x96: {  	[spmem:s3] =	stream.indirect.scatter.add.f32 [tilespmem:s18], [sflag:$0x4], $0x40, s17, s11, $0xb8;
	[tilespmem:$0x1FEC0] =	vst v63  }
0x97: {  	_ =	swait.ge [sflag:s21], $0x1000  }
0x98: {  	[sflag:s21] =	ssyncset.done $0x0  }
0x99: {  	[sflag:s21] =	ssyncadd.s32 $0xFFFFF000  }
0x9a: {  	_ =	swait.ge [sflag:s22], $0x1000  }
0x9b: {  	[sflag:s22] =	ssyncset.done $0x0  }
0x9c: {  	s4 =	rddreg [dreg:$0x8];
	[sflag:s22] =	ssyncadd.s32 $0xFFFFF000  }
0x9d: {  	[tilespmem:s16], [sflag:$0x1] =	stream.indirect.gather [hbm4b:s15+s11], $0x40, s4, s11, $0xb8;
	[tilespmem:$0x1FEC0] =	vst v63  }
0x9e: {  	s9 =	rddreg [dreg:$0x9]  }
0x9f: {  	[tilespmem:s18], [sflag:$0x2] =	stream.indirect.gather [hbm4b:s15+s11], $0x40, s9, s11, $0xb8;
	[tilespmem:$0x1FEC0] =	vst v63  }
0xa0: {  	_ =	swait.ge [sflag:s19], $0x1000  }
0xa1: {  	[sflag:s19] =	ssyncset.done $0x0  }
0xa2: {  	s17 =	rddreg [dreg:$0xa];
	[sflag:s19] =	ssyncadd.s32 $0xFFFFF000  }
0xa3: {  	[spmem:s3] =	stream.indirect.scatter.add.f32 [tilespmem:s16], [sflag:$0x3], $0x40, s17, s11, $0xb8;
	[tilespmem:$0x1FEC0] =	vst v63  }
0xa4: {  	_ =	swait.ge [sflag:s20], $0x1000  }
0xa5: {  	[sflag:s20] =	ssyncset.done $0x0  }
0xa6: {  	s4 =	rddreg [dreg:$0xb];
	[sflag:s20] =	ssyncadd.s32 $0xFFFFF000  }
0xa7: {  	[spmem:s3] =	stream.indirect.scatter.add.f32 [tilespmem:s18], [sflag:$0x4], $0x40, s4, s11, $0xb8;
	[tilespmem:$0x1FEC0] =	vst v63  }
0xa8: {  	_ =	swait.ge [sflag:s21], $0x1000  }
0xa9: {  	[sflag:s21] =	ssyncset.done $0x0  }
0xaa: {  	[sflag:s21] =	ssyncadd.s32 $0xFFFFF000  }
0xab: {  	_ =	swait.ge [sflag:s22], $0x1000  }
0xac: {  	[sflag:s22] =	ssyncset.done $0x0  }
0xad: {  	s9 =	rddreg [dreg:$0xc];
	[sflag:s22] =	ssyncadd.s32 $0xFFFFF000  }
0xae: {  	[tilespmem:s16], [sflag:$0x1] =	stream.indirect.gather [hbm4b:s15+s11], $0x40, s9, s11, $0xb8;
	[tilespmem:$0x1FEC0] =	vst v63  }
0xaf: {  	s17 =	rddreg [dreg:$0xd]  }
0xb0: {  	[tilespmem:s18], [sflag:$0x2] =	stream.indirect.gather [hbm4b:s15+s11], $0x40, s17, s11, $0xb8;
	[tilespmem:$0x1FEC0] =	vst v63  }
0xb1: {  	_ =	swait.ge [sflag:s19], $0x1000  }
0xb2: {  	[sflag:s19] =	ssyncset.done $0x0  }
0xb3: {  	s9 =	rddreg [dreg:$0xe];
	[sflag:s19] =	ssyncadd.s32 $0xFFFFF000  }
0xb4: {  	[spmem:s3] =	stream.indirect.scatter.add.f32 [tilespmem:s16], [sflag:$0x3], $0x40, s9, s11, $0xb8;
	[tilespmem:$0x1FEC0] =	vst v63  }
0xb5: {  	_ =	swait.ge [sflag:s20], $0x1000  }
0xb6: {  	[sflag:s20] =	ssyncset.done $0x0  }
0xb7: {  	s17 =	rddreg [dreg:$0xf];
	[sflag:s20] =	ssyncadd.s32 $0xFFFFF000  }
0xb8: {  	[spmem:s3] =	stream.indirect.scatter.add.f32 [tilespmem:s18], [sflag:$0x4], $0x40, s17, s11, $0xb8;
	[tilespmem:$0x1FEC0] =	vst v63  }
0xb9: {  	_ =	swait.ge [sflag:s21], $0x1000  }
0xba: {  	[sflag:s21] =	ssyncset.done $0x0  }
0xbb: {  	[sflag:s21] =	ssyncadd.s32 $0xFFFFF000  }
0xbc: {  	_ =	swait.ge [sflag:s22], $0x1000  }
0xbd: {  	[sflag:s22] =	ssyncset.done $0x0  }
0xbe: {  	s4 =	rddreg [dreg:$0x10];
	[sflag:s22] =	ssyncadd.s32 $0xFFFFF000  }
0xbf: {  	[tilespmem:s16], [sflag:$0x1] =	stream.indirect.gather [hbm4b:s15+s11], $0x40, s4, s11, $0xb8;
	[tilespmem:$0x1FEC0] =	vst v63  }
0xc0: {  	s9 =	rddreg [dreg:$0x11]  }
0xc1: {  	[tilespmem:s18], [sflag:$0x2] =	stream.indirect.gather [hbm4b:s15+s11], $0x40, s9, s11, $0xb8;
	[tilespmem:$0x1FEC0] =	vst v63  }
0xc2: {  	_ =	swait.ge [sflag:s19], $0x1000  }
0xc3: {  	[sflag:s19] =	ssyncset.done $0x0  }
0xc4: {  	s17 =	rddreg [dreg:$0x12];
	[sflag:s19] =	ssyncadd.s32 $0xFFFFF000  }
0xc5: {  	[spmem:s3] =	stream.indirect.scatter.add.f32 [tilespmem:s16], [sflag:$0x3], $0x40, s17, s11, $0xb8;
	[tilespmem:$0x1FEC0] =	vst v63  }
0xc6: {  	_ =	swait.ge [sflag:s20], $0x1000  }
0xc7: {  	[sflag:s20] =	ssyncset.done $0x0  }
0xc8: {  	s4 =	rddreg [dreg:$0x13];
	[sflag:s20] =	ssyncadd.s32 $0xFFFFF000  }
0xc9: {  	[spmem:s3] =	stream.indirect.scatter.add.f32 [tilespmem:s18], [sflag:$0x4], $0x40, s4, s11, $0xb8;
	[tilespmem:$0x1FEC0] =	vst v63  }
0xca: {  	_ =	swait.ge [sflag:s21], $0x1000  }
0xcb: {  	[sflag:s21] =	ssyncset.done $0x0  }
0xcc: {  	[sflag:s21] =	ssyncadd.s32 $0xFFFFF000  }
0xcd: {  	_ =	swait.ge [sflag:s22], $0x1000  }
0xce: {  	[sflag:s22] =	ssyncset.done $0x0  }
0xcf: {  	s9 =	rddreg [dreg:$0x14];
	[sflag:s22] =	ssyncadd.s32 $0xFFFFF000  }
0xd0: {  	[tilespmem:s16], [sflag:$0x1] =	stream.indirect.gather [hbm4b:s15+s11], $0x40, s9, s11, $0xb8;
	[tilespmem:$0x1FEC0] =	vst v63  }
0xd1: {  	s17 =	rddreg [dreg:$0x15]  }
0xd2: {  	[tilespmem:s18], [sflag:$0x2] =	stream.indirect.gather [hbm4b:s15+s11], $0x40, s17, s11, $0xb8;
	[tilespmem:$0x1FEC0] =	vst v63  }
0xd3: {  	_ =	swait.ge [sflag:s19], $0x1000  }
0xd4: {  	[sflag:s19] =	ssyncset.done $0x0  }
0xd5: {  	[sflag:s19] =	ssyncadd.s32 $0xFFFFF000  }
0xd6: {  	[spmem:s3] =	stream.indirect.scatter.add.f32 [tilespmem:s16], [sflag:$0x3], $0x40, s23, s11, $0xb8;
	[tilespmem:$0x1FEC0] =	vst v63  }
0xd7: {  	_ =	swait.ge [sflag:s20], $0x1000  }
0xd8: {  	[sflag:s20] =	ssyncset.done $0x0  }
0xd9: {  	[sflag:s20] =	ssyncadd.s32 $0xFFFFF000  }
0xda: {  	[spmem:s3] =	stream.indirect.scatter.add.f32 [tilespmem:s18], [sflag:$0x4], $0x40, s24, s11, $0xb8;
	[tilespmem:$0x1FEC0] =	vst v63  }
0xdb: {  	_ =	swait.ge [sflag:s21], $0x1000  }
0xdc: {  	[sflag:s21] =	ssyncset.done $0x0  }
0xdd: {  	[sflag:s21] =	ssyncadd.s32 $0xFFFFF000  }
0xde: {  	_ =	swait.ge [sflag:s22], $0x1000  }
0xdf: {  	[sflag:s22] =	ssyncset.done $0x0  }
0xe0: {  	[sflag:s22] =	ssyncadd.s32 $0xFFFFF000  }
0xe1: {  	[tilespmem:s16], [sflag:$0x1] =	stream.indirect.gather [hbm4b:s15+s11], $0x40, s25, s11, $0xb8;
	[tilespmem:$0x1FEC0] =	vst v63  }
0xe2: {  	_ = 	snop  }
0xe3: {  	[tilespmem:s18], [sflag:$0x2] =	stream.indirect.gather [hbm4b:s15+s11], $0x40, s26, s11, $0xb8;
	[tilespmem:$0x1FEC0] =	vst v63  }
0xe4: {  	_ =	swait.ge [sflag:s19], $0x1000  }
0xe5: {  	[sflag:s19] =	ssyncset.done $0x0  }
0xe6: {  	[sflag:s19] =	ssyncadd.s32 $0xFFFFF000  }
0xe7: {  	[spmem:s3] =	stream.indirect.scatter.add.f32 [tilespmem:s16], [sflag:$0x3], $0x40, s28, s11, $0xb8;
	[tilespmem:$0x1FEC0] =	vst v63  }
0xe8: {  	_ =	swait.ge [sflag:s20], $0x1000  }
0xe9: {  	[sflag:s20] =	ssyncset.done $0x0  }
0xea: {  	[sflag:s20] =	ssyncadd.s32 $0xFFFFF000  }
0xeb: {  	[spmem:s3] =	stream.indirect.scatter.add.f32 [tilespmem:s18], [sflag:$0x4], $0x40, s29, s11, $0xb8;
	[tilespmem:$0x1FEC0] =	vst v63  }
0xec: {  	_ =	swait.ge [sflag:s21], $0x1000  }
0xed: {  	[sflag:s21] =	ssyncset.done $0x0  }
0xee: {  	[sflag:s21] =	ssyncadd.s32 $0xFFFFF000  }
0xef: {  	_ =	swait.ge [sflag:s22], $0x1000  }
0xf0: {  	[sflag:s22] =	ssyncset.done $0x0  }
0xf1: {  	[sflag:s22] =	ssyncadd.s32 $0xFFFFF000  }
0xf2: {  	[tilespmem:s16], [sflag:$0x1] =	stream.indirect.gather [hbm4b:s15+s11], $0x40, s30, s11, $0xb8;
	[tilespmem:$0x1FEC0] =	vst v63  }
0xf3: {  	_ = 	snop  }
0xf4: {  	[tilespmem:s18], [sflag:$0x2] =	stream.indirect.gather [hbm4b:s15+s11], $0x40, s31, s11, $0xb8;
	[tilespmem:$0x1FEC0] =	vst v63  }
0xf5: {  	_ =	swait.ge [sflag:s19], $0x1000  }
0xf6: {  	[sflag:s19] =	ssyncset.done $0x0  }
0xf7: {  	[sflag:s19] =	ssyncadd.s32 $0xFFFFF000  }
0xf8: {  	[spmem:s3] =	stream.indirect.scatter.add.f32 [tilespmem:s16], [sflag:$0x3], $0x40, s0, s11, $0xb8;
	[tilespmem:$0x1FEC0] =	vst v63  }
0xf9: {  	_ =	swait.ge [sflag:s20], $0x1000  }
0xfa: {  	[sflag:s20] =	ssyncset.done $0x0  }
0xfb: {  	[sflag:s20] =	ssyncadd.s32 $0xFFFFF000  }
0xfc: {  	[spmem:s3] =	stream.indirect.scatter.add.f32 [tilespmem:s18], [sflag:$0x4], $0x40, s2, s11, $0xb8;
	[tilespmem:$0x1FEC0] =	vst v63  }
0xfd: {  	_ =	swait.ge [sflag:s21], $0x1000  }
0xfe: {  	[sflag:s21] =	ssyncset.done $0x0  }
0xff: {  	[sflag:s21] =	ssyncadd.s32 $0xFFFFF000  }
0x100: {  	_ =	swait.ge [sflag:s22], $0x1000  }
0x101: {  	[sflag:s22] =	ssyncset.done $0x0  }
0x102: {  	[sflag:s22] =	ssyncadd.s32 $0xFFFFF000  }
0x103: {  	[tilespmem:s16], [sflag:$0x1] =	stream.indirect.gather [hbm4b:s15+s11], $0x40, s5, s11, $0xb8;
	[tilespmem:$0x1FEC0] =	vst v63  }
0x104: {  	_ = 	snop  }
0x105: {  	[tilespmem:s18], [sflag:$0x2] =	stream.indirect.gather [hbm4b:s15+s11], $0x40, s6, s11, $0xb8;
	[tilespmem:$0x1FEC0] =	vst v63  }
0x106: {  	_ =	swait.ge [sflag:s19], $0x1000  }
0x107: {  	[sflag:s19] =	ssyncset.done $0x0  }
0x108: {  	[sflag:s19] =	ssyncadd.s32 $0xFFFFF000  }
0x109: {  	[spmem:s3] =	stream.indirect.scatter.add.f32 [tilespmem:s16], [sflag:$0x3], $0x40, s7, s11, $0xb8;
	[tilespmem:$0x1FEC0] =	vst v63  }
0x10a: {  	_ =	swait.ge [sflag:s20], $0x1000  }
0x10b: {  	[sflag:s20] =	ssyncset.done $0x0  }
0x10c: {  	[sflag:s20] =	ssyncadd.s32 $0xFFFFF000  }
0x10d: {  	[spmem:s3] =	stream.indirect.scatter.add.f32 [tilespmem:s18], [sflag:$0x4], $0x40, s8, s11, $0xb8;
	[tilespmem:$0x1FEC0] =	vst v63  }
0x10e: {  	_ =	swait.ge [sflag:s21], $0x1000  }
0x10f: {  	[sflag:s21] =	ssyncset.done $0x0  }
0x110: {  	[sflag:s21] =	ssyncadd.s32 $0xFFFFF000  }
0x111: {  	s1 =	simm.s32 $0x2000;
	_ =	swait.ge [sflag:s22], $0x1000  }
0x112: {  	s9 =	simm.s32 $0x1000;
	s4 =	rddreg [dreg:$0x4];
	[sflag:s22] =	ssyncset.done $0x0  }
.LBB2_2:
0x113: {  	[sflag:s22] =	ssyncadd.s32 $0xFFFFF000;
	s4 =	sadd.s32 s9, s4  }
0x114: {  	[tilespmem:s13], [sflag:$0x5] =	stream.strided.gather [hbm4b:s4+s11], $0x400, s12, s11, $0x38;
	[tilespmem:$0x1FEC0] =	vst v63  }
0x115: {  	_ =	swait.ge [sflag:s10], $0x400  }
0x116: {  	s4 =	rddreg [dreg:$0x5];
	[sflag:s10] =	ssyncset.done $0x0  }
0x117: {  	[sflag:s10] =	ssyncadd.s32 $0xFFFFFC00;
	s4 =	sadd.s32 s9, s4  }
0x118: {  	[tilespmem:s14], [sflag:$0x5] =	stream.strided.gather [hbm4b:s4+s11], $0x400, s12, s11, $0x38;
	[tilespmem:$0x1FEC0] =	vst v63  }
0x119: {  	_ =	swait.ge [sflag:s10], $0x400  }
0x11a: {  	[sflag:s10] =	ssyncset.done $0x0  }
0x11b: {  	s17 =	smov.u32 s1;
	[sflag:s10] =	ssyncadd.s32 $0xFFFFFC00  }
0x11c: {  	[tilespmem:s16], [sflag:$0x1] =	stream.indirect.gather [hbm4b:s15+s11], $0x40, s13, s11, $0xb8;
	[tilespmem:$0x1FEC0] =	vst v63  }
0x11d: {  	s9 =	smov.u32 s17;
	s17 =	rddreg [dreg:$0x6]  }
0x11e: {  	[tilespmem:s18], [sflag:$0x2] =	stream.indirect.gather [hbm4b:s15+s11], $0x40, s17, s11, $0xb8;
	[tilespmem:$0x1FEC0] =	vst v63  }
0x11f: {  	_ =	swait.ge [sflag:s19], $0x1000  }
0x120: {  	[sflag:s19] =	ssyncset.done $0x0  }
0x121: {  	[sflag:s19] =	ssyncadd.s32 $0xFFFFF000  }
0x122: {  	[spmem:s3] =	stream.indirect.scatter.add.f32 [tilespmem:s16], [sflag:$0x3], $0x40, s14, s11, $0xb8;
	[tilespmem:$0x1FEC0] =	vst v63  }
0x123: {  	_ =	swait.ge [sflag:s20], $0x1000  }
0x124: {  	[sflag:s20] =	ssyncset.done $0x0  }
0x125: {  	s17 =	rddreg [dreg:$0x7];
	[sflag:s20] =	ssyncadd.s32 $0xFFFFF000  }
0x126: {  	[spmem:s3] =	stream.indirect.scatter.add.f32 [tilespmem:s18], [sflag:$0x4], $0x40, s17, s11, $0xb8;
	[tilespmem:$0x1FEC0] =	vst v63  }
0x127: {  	_ =	swait.ge [sflag:s21], $0x1000  }
0x128: {  	[sflag:s21] =	ssyncset.done $0x0  }
0x129: {  	[sflag:s21] =	ssyncadd.s32 $0xFFFFF000  }
0x12a: {  	_ =	swait.ge [sflag:s22], $0x1000  }
0x12b: {  	[sflag:s22] =	ssyncset.done $0x0  }
0x12c: {  	s4 =	rddreg [dreg:$0x8];
	[sflag:s22] =	ssyncadd.s32 $0xFFFFF000  }
0x12d: {  	[tilespmem:s16], [sflag:$0x1] =	stream.indirect.gather [hbm4b:s15+s11], $0x40, s4, s11, $0xb8;
	[tilespmem:$0x1FEC0] =	vst v63  }
0x12e: {  	s17 =	rddreg [dreg:$0x9]  }
0x12f: {  	[tilespmem:s18], [sflag:$0x2] =	stream.indirect.gather [hbm4b:s15+s11], $0x40, s17, s11, $0xb8;
	[tilespmem:$0x1FEC0] =	vst v63  }
0x130: {  	_ =	swait.ge [sflag:s19], $0x1000  }
0x131: {  	[sflag:s19] =	ssyncset.done $0x0  }
0x132: {  	s17 =	rddreg [dreg:$0xa];
	[sflag:s19] =	ssyncadd.s32 $0xFFFFF000  }
0x133: {  	[spmem:s3] =	stream.indirect.scatter.add.f32 [tilespmem:s16], [sflag:$0x3], $0x40, s17, s11, $0xb8;
	[tilespmem:$0x1FEC0] =	vst v63  }
0x134: {  	_ =	swait.ge [sflag:s20], $0x1000  }
0x135: {  	[sflag:s20] =	ssyncset.done $0x0  }
0x136: {  	s17 =	rddreg [dreg:$0xb];
	[sflag:s20] =	ssyncadd.s32 $0xFFFFF000  }
0x137: {  	[spmem:s3] =	stream.indirect.scatter.add.f32 [tilespmem:s18], [sflag:$0x4], $0x40, s17, s11, $0xb8;
	[tilespmem:$0x1FEC0] =	vst v63  }
0x138: {  	_ =	swait.ge [sflag:s21], $0x1000  }
0x139: {  	[sflag:s21] =	ssyncset.done $0x0  }
0x13a: {  	[sflag:s21] =	ssyncadd.s32 $0xFFFFF000  }
0x13b: {  	_ =	swait.ge [sflag:s22], $0x1000  }
0x13c: {  	[sflag:s22] =	ssyncset.done $0x0  }
0x13d: {  	s4 =	rddreg [dreg:$0xc];
	[sflag:s22] =	ssyncadd.s32 $0xFFFFF000  }
0x13e: {  	[tilespmem:s16], [sflag:$0x1] =	stream.indirect.gather [hbm4b:s15+s11], $0x40, s4, s11, $0xb8;
	[tilespmem:$0x1FEC0] =	vst v63  }
0x13f: {  	s17 =	rddreg [dreg:$0xd]  }
0x140: {  	[tilespmem:s18], [sflag:$0x2] =	stream.indirect.gather [hbm4b:s15+s11], $0x40, s17, s11, $0xb8;
	[tilespmem:$0x1FEC0] =	vst v63  }
0x141: {  	_ =	swait.ge [sflag:s19], $0x1000  }
0x142: {  	[sflag:s19] =	ssyncset.done $0x0  }
0x143: {  	s17 =	rddreg [dreg:$0xe];
	[sflag:s19] =	ssyncadd.s32 $0xFFFFF000  }
0x144: {  	[spmem:s3] =	stream.indirect.scatter.add.f32 [tilespmem:s16], [sflag:$0x3], $0x40, s17, s11, $0xb8;
	[tilespmem:$0x1FEC0] =	vst v63  }
0x145: {  	_ =	swait.ge [sflag:s20], $0x1000  }
0x146: {  	[sflag:s20] =	ssyncset.done $0x0  }
0x147: {  	s17 =	rddreg [dreg:$0xf];
	[sflag:s20] =	ssyncadd.s32 $0xFFFFF000  }
0x148: {  	[spmem:s3] =	stream.indirect.scatter.add.f32 [tilespmem:s18], [sflag:$0x4], $0x40, s17, s11, $0xb8;
	[tilespmem:$0x1FEC0] =	vst v63  }
0x149: {  	_ =	swait.ge [sflag:s21], $0x1000  }
0x14a: {  	[sflag:s21] =	ssyncset.done $0x0  }
0x14b: {  	[sflag:s21] =	ssyncadd.s32 $0xFFFFF000  }
0x14c: {  	_ =	swait.ge [sflag:s22], $0x1000  }
0x14d: {  	[sflag:s22] =	ssyncset.done $0x0  }
0x14e: {  	s4 =	rddreg [dreg:$0x10];
	[sflag:s22] =	ssyncadd.s32 $0xFFFFF000  }
0x14f: {  	[tilespmem:s16], [sflag:$0x1] =	stream.indirect.gather [hbm4b:s15+s11], $0x40, s4, s11, $0xb8;
	[tilespmem:$0x1FEC0] =	vst v63  }
0x150: {  	s17 =	rddreg [dreg:$0x11]  }
0x151: {  	[tilespmem:s18], [sflag:$0x2] =	stream.indirect.gather [hbm4b:s15+s11], $0x40, s17, s11, $0xb8;
	[tilespmem:$0x1FEC0] =	vst v63  }
0x152: {  	_ =	swait.ge [sflag:s19], $0x1000  }
0x153: {  	[sflag:s19] =	ssyncset.done $0x0  }
0x154: {  	s17 =	rddreg [dreg:$0x12];
	[sflag:s19] =	ssyncadd.s32 $0xFFFFF000  }
0x155: {  	[spmem:s3] =	stream.indirect.scatter.add.f32 [tilespmem:s16], [sflag:$0x3], $0x40, s17, s11, $0xb8;
	[tilespmem:$0x1FEC0] =	vst v63  }
0x156: {  	_ =	swait.ge [sflag:s20], $0x1000  }
0x157: {  	[sflag:s20] =	ssyncset.done $0x0  }
0x158: {  	s17 =	rddreg [dreg:$0x13];
	[sflag:s20] =	ssyncadd.s32 $0xFFFFF000  }
0x159: {  	[spmem:s3] =	stream.indirect.scatter.add.f32 [tilespmem:s18], [sflag:$0x4], $0x40, s17, s11, $0xb8;
	[tilespmem:$0x1FEC0] =	vst v63  }
0x15a: {  	_ =	swait.ge [sflag:s21], $0x1000  }
0x15b: {  	[sflag:s21] =	ssyncset.done $0x0  }
0x15c: {  	[sflag:s21] =	ssyncadd.s32 $0xFFFFF000  }
0x15d: {  	_ =	swait.ge [sflag:s22], $0x1000  }
0x15e: {  	[sflag:s22] =	ssyncset.done $0x0  }
0x15f: {  	s4 =	rddreg [dreg:$0x14];
	[sflag:s22] =	ssyncadd.s32 $0xFFFFF000  }
0x160: {  	[tilespmem:s16], [sflag:$0x1] =	stream.indirect.gather [hbm4b:s15+s11], $0x40, s4, s11, $0xb8;
	[tilespmem:$0x1FEC0] =	vst v63  }
0x161: {  	s17 =	rddreg [dreg:$0x15]  }
0x162: {  	[tilespmem:s18], [sflag:$0x2] =	stream.indirect.gather [hbm4b:s15+s11], $0x40, s17, s11, $0xb8;
	[tilespmem:$0x1FEC0] =	vst v63  }
0x163: {  	_ =	swait.ge [sflag:s19], $0x1000  }
0x164: {  	[sflag:s19] =	ssyncset.done $0x0  }
0x165: {  	[sflag:s19] =	ssyncadd.s32 $0xFFFFF000  }
0x166: {  	[spmem:s3] =	stream.indirect.scatter.add.f32 [tilespmem:s16], [sflag:$0x3], $0x40, s23, s11, $0xb8;
	[tilespmem:$0x1FEC0] =	vst v63  }
0x167: {  	_ =	swait.ge [sflag:s20], $0x1000  }
0x168: {  	[sflag:s20] =	ssyncset.done $0x0  }
0x169: {  	[sflag:s20] =	ssyncadd.s32 $0xFFFFF000  }
0x16a: {  	[spmem:s3] =	stream.indirect.scatter.add.f32 [tilespmem:s18], [sflag:$0x4], $0x40, s24, s11, $0xb8;
	[tilespmem:$0x1FEC0] =	vst v63  }
0x16b: {  	_ =	swait.ge [sflag:s21], $0x1000  }
0x16c: {  	[sflag:s21] =	ssyncset.done $0x0  }
0x16d: {  	[sflag:s21] =	ssyncadd.s32 $0xFFFFF000  }
0x16e: {  	_ =	swait.ge [sflag:s22], $0x1000  }
0x16f: {  	[sflag:s22] =	ssyncset.done $0x0  }
0x170: {  	[sflag:s22] =	ssyncadd.s32 $0xFFFFF000  }
0x171: {  	[tilespmem:s16], [sflag:$0x1] =	stream.indirect.gather [hbm4b:s15+s11], $0x40, s25, s11, $0xb8;
	[tilespmem:$0x1FEC0] =	vst v63  }
0x172: {  	_ = 	snop  }
0x173: {  	[tilespmem:s18], [sflag:$0x2] =	stream.indirect.gather [hbm4b:s15+s11], $0x40, s26, s11, $0xb8;
	[tilespmem:$0x1FEC0] =	vst v63  }
0x174: {  	_ =	swait.ge [sflag:s19], $0x1000  }
0x175: {  	[sflag:s19] =	ssyncset.done $0x0  }
0x176: {  	[sflag:s19] =	ssyncadd.s32 $0xFFFFF000  }
0x177: {  	[spmem:s3] =	stream.indirect.scatter.add.f32 [tilespmem:s16], [sflag:$0x3], $0x40, s28, s11, $0xb8;
	[tilespmem:$0x1FEC0] =	vst v63  }
0x178: {  	_ =	swait.ge [sflag:s20], $0x1000  }
0x179: {  	[sflag:s20] =	ssyncset.done $0x0  }
0x17a: {  	[sflag:s20] =	ssyncadd.s32 $0xFFFFF000  }
0x17b: {  	[spmem:s3] =	stream.indirect.scatter.add.f32 [tilespmem:s18], [sflag:$0x4], $0x40, s29, s11, $0xb8;
	[tilespmem:$0x1FEC0] =	vst v63  }
0x17c: {  	_ =	swait.ge [sflag:s21], $0x1000  }
0x17d: {  	[sflag:s21] =	ssyncset.done $0x0  }
0x17e: {  	[sflag:s21] =	ssyncadd.s32 $0xFFFFF000  }
0x17f: {  	_ =	swait.ge [sflag:s22], $0x1000  }
0x180: {  	[sflag:s22] =	ssyncset.done $0x0  }
0x181: {  	[sflag:s22] =	ssyncadd.s32 $0xFFFFF000  }
0x182: {  	[tilespmem:s16], [sflag:$0x1] =	stream.indirect.gather [hbm4b:s15+s11], $0x40, s30, s11, $0xb8;
	[tilespmem:$0x1FEC0] =	vst v63  }
0x183: {  	_ = 	snop  }
0x184: {  	[tilespmem:s18], [sflag:$0x2] =	stream.indirect.gather [hbm4b:s15+s11], $0x40, s31, s11, $0xb8;
	[tilespmem:$0x1FEC0] =	vst v63  }
0x185: {  	_ =	swait.ge [sflag:s19], $0x1000  }
0x186: {  	[sflag:s19] =	ssyncset.done $0x0  }
0x187: {  	[sflag:s19] =	ssyncadd.s32 $0xFFFFF000  }
0x188: {  	[spmem:s3] =	stream.indirect.scatter.add.f32 [tilespmem:s16], [sflag:$0x3], $0x40, s0, s11, $0xb8;
	[tilespmem:$0x1FEC0] =	vst v63  }
0x189: {  	_ =	swait.ge [sflag:s20], $0x1000  }
0x18a: {  	[sflag:s20] =	ssyncset.done $0x0  }
0x18b: {  	[sflag:s20] =	ssyncadd.s32 $0xFFFFF000  }
0x18c: {  	[spmem:s3] =	stream.indirect.scatter.add.f32 [tilespmem:s18], [sflag:$0x4], $0x40, s2, s11, $0xb8;
	[tilespmem:$0x1FEC0] =	vst v63  }
0x18d: {  	_ =	swait.ge [sflag:s21], $0x1000  }
0x18e: {  	[sflag:s21] =	ssyncset.done $0x0  }
0x18f: {  	[sflag:s21] =	ssyncadd.s32 $0xFFFFF000  }
0x190: {  	_ =	swait.ge [sflag:s22], $0x1000  }
0x191: {  	[sflag:s22] =	ssyncset.done $0x0  }
0x192: {  	[sflag:s22] =	ssyncadd.s32 $0xFFFFF000  }
0x193: {  	[tilespmem:s16], [sflag:$0x1] =	stream.indirect.gather [hbm4b:s15+s11], $0x40, s5, s11, $0xb8;
	[tilespmem:$0x1FEC0] =	vst v63  }
0x194: {  	_ = 	snop  }
0x195: {  	[tilespmem:s18], [sflag:$0x2] =	stream.indirect.gather [hbm4b:s15+s11], $0x40, s6, s11, $0xb8;
	[tilespmem:$0x1FEC0] =	vst v63  }
0x196: {  	_ =	swait.ge [sflag:s19], $0x1000  }
0x197: {  	[sflag:s19] =	ssyncset.done $0x0  }
0x198: {  	[sflag:s19] =	ssyncadd.s32 $0xFFFFF000  }
0x199: {  	[spmem:s3] =	stream.indirect.scatter.add.f32 [tilespmem:s16], [sflag:$0x3], $0x40, s7, s11, $0xb8;
	[tilespmem:$0x1FEC0] =	vst v63  }
0x19a: {  	_ =	swait.ge [sflag:s20], $0x1000  }
0x19b: {  	[sflag:s20] =	ssyncset.done $0x0  }
0x19c: {  	p1 =	sne.s32 s1, $0x9000;
	[sflag:s20] =	ssyncadd.s32 $0xFFFFF000  }
0x19d: {  	[spmem:s3] =	stream.indirect.scatter.add.f32 [tilespmem:s18], [sflag:$0x4], $0x40, s8, s11, $0xb8;
	[tilespmem:$0x1FEC0] =	vst v63  }
.Ltmp0:
0x19e: {  	_ =	swait.ge [sflag:s21], $0x1000;
	(pc) =	sbr.rel @p1 .LBB2_2-.Ltmp0, $4  }
0x19f: {  	[sflag:s21] =	ssyncset.done $0x0  }
0x1a0: {  	[sflag:s21] =	ssyncadd.s32 $0xFFFFF000  }
0x1a1: {  	_ =	swait.ge [sflag:s22], $0x1000  }
0x1a2: {  	s1 =	sadd.s32 $0x1000, s1;
	s4 =	rddreg [dreg:$0x4];
	[sflag:s22] =	ssyncset.done $0x0  }
0x1a3: {  	[sflag:s22] =	ssyncadd.s32 $0xFFFFF000;
	s1 =	sadd.s32 s9, s4  }
0x1a4: {  	[tilespmem:s13], [sflag:$0x5] =	stream.strided.gather [hbm4b:s1+s11], $0x400, s12, s11, $0x38;
	[tilespmem:$0x1FEC0] =	vst v63  }
0x1a5: {  	_ =	swait.ge [sflag:s10], $0x400  }
0x1a6: {  	s4 =	rddreg [dreg:$0x5];
	[sflag:s10] =	ssyncset.done $0x0  }
0x1a7: {  	[sflag:s10] =	ssyncadd.s32 $0xFFFFFC00;
	s1 =	sadd.s32 s9, s4  }
0x1a8: {  	[tilespmem:s14], [sflag:$0x5] =	stream.strided.gather [hbm4b:s1+s11], $0x400, s12, s11, $0x38;
	[tilespmem:$0x1FEC0] =	vst v63  }
0x1a9: {  	_ =	swait.ge [sflag:s10], $0x400  }
0x1aa: {  	[sflag:s10] =	ssyncset.done $0x0  }
0x1ab: {  	[sflag:s10] =	ssyncadd.s32 $0xFFFFFC00  }
0x1ac: {  	[tilespmem:s16], [sflag:$0x1] =	stream.indirect.gather [hbm4b:s15+s11], $0x40, s13, s11, $0xb8;
	[tilespmem:$0x1FEC0] =	vst v63  }
0x1ad: {  	s9 =	rddreg [dreg:$0x6]  }
0x1ae: {  	[tilespmem:s18], [sflag:$0x2] =	stream.indirect.gather [hbm4b:s15+s11], $0x40, s9, s11, $0xb8;
	[tilespmem:$0x1FEC0] =	vst v63  }
0x1af: {  	_ =	swait.ge [sflag:s19], $0x1000  }
0x1b0: {  	[sflag:s19] =	ssyncset.done $0x0  }
0x1b1: {  	[sflag:s19] =	ssyncadd.s32 $0xFFFFF000  }
0x1b2: {  	[spmem:s3] =	stream.indirect.scatter.add.f32 [tilespmem:s16], [sflag:$0x3], $0x40, s14, s11, $0xb8;
	[tilespmem:$0x1FEC0] =	vst v63  }
0x1b3: {  	_ =	swait.ge [sflag:s20], $0x1000  }
0x1b4: {  	[sflag:s20] =	ssyncset.done $0x0  }
0x1b5: {  	s17 =	rddreg [dreg:$0x7];
	[sflag:s20] =	ssyncadd.s32 $0xFFFFF000  }
0x1b6: {  	[spmem:s3] =	stream.indirect.scatter.add.f32 [tilespmem:s18], [sflag:$0x4], $0x40, s17, s11, $0xb8;
	[tilespmem:$0x1FEC0] =	vst v63  }
0x1b7: {  	_ =	swait.ge [sflag:s21], $0x1000  }
0x1b8: {  	[sflag:s21] =	ssyncset.done $0x0  }
0x1b9: {  	[sflag:s21] =	ssyncadd.s32 $0xFFFFF000  }
0x1ba: {  	_ =	swait.ge [sflag:s22], $0x1000  }
0x1bb: {  	[sflag:s22] =	ssyncset.done $0x0  }
0x1bc: {  	s4 =	rddreg [dreg:$0x8];
	[sflag:s22] =	ssyncadd.s32 $0xFFFFF000  }
0x1bd: {  	[tilespmem:s16], [sflag:$0x1] =	stream.indirect.gather [hbm4b:s15+s11], $0x40, s4, s11, $0xb8;
	[tilespmem:$0x1FEC0] =	vst v63  }
0x1be: {  	s9 =	rddreg [dreg:$0x9]  }
0x1bf: {  	[tilespmem:s18], [sflag:$0x2] =	stream.indirect.gather [hbm4b:s15+s11], $0x40, s9, s11, $0xb8;
	[tilespmem:$0x1FEC0] =	vst v63  }
0x1c0: {  	_ =	swait.ge [sflag:s19], $0x1000  }
0x1c1: {  	[sflag:s19] =	ssyncset.done $0x0  }
0x1c2: {  	s17 =	rddreg [dreg:$0xa];
	[sflag:s19] =	ssyncadd.s32 $0xFFFFF000  }
0x1c3: {  	[spmem:s3] =	stream.indirect.scatter.add.f32 [tilespmem:s16], [sflag:$0x3], $0x40, s17, s11, $0xb8;
	[tilespmem:$0x1FEC0] =	vst v63  }
0x1c4: {  	_ =	swait.ge [sflag:s20], $0x1000  }
0x1c5: {  	[sflag:s20] =	ssyncset.done $0x0  }
0x1c6: {  	s4 =	rddreg [dreg:$0xb];
	[sflag:s20] =	ssyncadd.s32 $0xFFFFF000  }
0x1c7: {  	[spmem:s3] =	stream.indirect.scatter.add.f32 [tilespmem:s18], [sflag:$0x4], $0x40, s4, s11, $0xb8;
	[tilespmem:$0x1FEC0] =	vst v63  }
0x1c8: {  	_ =	swait.ge [sflag:s21], $0x1000  }
0x1c9: {  	[sflag:s21] =	ssyncset.done $0x0  }
0x1ca: {  	[sflag:s21] =	ssyncadd.s32 $0xFFFFF000  }
0x1cb: {  	_ =	swait.ge [sflag:s22], $0x1000  }
0x1cc: {  	[sflag:s22] =	ssyncset.done $0x0  }
0x1cd: {  	s9 =	rddreg [dreg:$0xc];
	[sflag:s22] =	ssyncadd.s32 $0xFFFFF000  }
0x1ce: {  	[tilespmem:s16], [sflag:$0x1] =	stream.indirect.gather [hbm4b:s15+s11], $0x40, s9, s11, $0xb8;
	[tilespmem:$0x1FEC0] =	vst v63  }
0x1cf: {  	s17 =	rddreg [dreg:$0xd]  }
0x1d0: {  	[tilespmem:s18], [sflag:$0x2] =	stream.indirect.gather [hbm4b:s15+s11], $0x40, s17, s11, $0xb8;
	[tilespmem:$0x1FEC0] =	vst v63  }
0x1d1: {  	_ =	swait.ge [sflag:s19], $0x1000  }
0x1d2: {  	[sflag:s19] =	ssyncset.done $0x0  }
0x1d3: {  	s9 =	rddreg [dreg:$0xe];
	[sflag:s19] =	ssyncadd.s32 $0xFFFFF000  }
0x1d4: {  	[spmem:s3] =	stream.indirect.scatter.add.f32 [tilespmem:s16], [sflag:$0x3], $0x40, s9, s11, $0xb8;
	[tilespmem:$0x1FEC0] =	vst v63  }
0x1d5: {  	_ =	swait.ge [sflag:s20], $0x1000  }
0x1d6: {  	[sflag:s20] =	ssyncset.done $0x0  }
0x1d7: {  	s17 =	rddreg [dreg:$0xf];
	[sflag:s20] =	ssyncadd.s32 $0xFFFFF000  }
0x1d8: {  	[spmem:s3] =	stream.indirect.scatter.add.f32 [tilespmem:s18], [sflag:$0x4], $0x40, s17, s11, $0xb8;
	[tilespmem:$0x1FEC0] =	vst v63  }
0x1d9: {  	_ =	swait.ge [sflag:s21], $0x1000  }
0x1da: {  	[sflag:s21] =	ssyncset.done $0x0  }
0x1db: {  	[sflag:s21] =	ssyncadd.s32 $0xFFFFF000  }
0x1dc: {  	_ =	swait.ge [sflag:s22], $0x1000  }
0x1dd: {  	[sflag:s22] =	ssyncset.done $0x0  }
0x1de: {  	s4 =	rddreg [dreg:$0x10];
	[sflag:s22] =	ssyncadd.s32 $0xFFFFF000  }
0x1df: {  	[tilespmem:s16], [sflag:$0x1] =	stream.indirect.gather [hbm4b:s15+s11], $0x40, s4, s11, $0xb8;
	[tilespmem:$0x1FEC0] =	vst v63  }
0x1e0: {  	s9 =	rddreg [dreg:$0x11]  }
0x1e1: {  	[tilespmem:s18], [sflag:$0x2] =	stream.indirect.gather [hbm4b:s15+s11], $0x40, s9, s11, $0xb8;
	[tilespmem:$0x1FEC0] =	vst v63  }
0x1e2: {  	_ =	swait.ge [sflag:s19], $0x1000  }
0x1e3: {  	[sflag:s19] =	ssyncset.done $0x0  }
0x1e4: {  	s17 =	rddreg [dreg:$0x12];
	[sflag:s19] =	ssyncadd.s32 $0xFFFFF000  }
0x1e5: {  	[spmem:s3] =	stream.indirect.scatter.add.f32 [tilespmem:s16], [sflag:$0x3], $0x40, s17, s11, $0xb8;
	[tilespmem:$0x1FEC0] =	vst v63  }
0x1e6: {  	_ =	swait.ge [sflag:s20], $0x1000  }
0x1e7: {  	[sflag:s20] =	ssyncset.done $0x0  }
0x1e8: {  	s4 =	rddreg [dreg:$0x13];
	[sflag:s20] =	ssyncadd.s32 $0xFFFFF000  }
0x1e9: {  	[spmem:s3] =	stream.indirect.scatter.add.f32 [tilespmem:s18], [sflag:$0x4], $0x40, s4, s11, $0xb8;
	[tilespmem:$0x1FEC0] =	vst v63  }
0x1ea: {  	_ =	swait.ge [sflag:s21], $0x1000  }
0x1eb: {  	[sflag:s21] =	ssyncset.done $0x0  }
0x1ec: {  	[sflag:s21] =	ssyncadd.s32 $0xFFFFF000  }
0x1ed: {  	_ =	swait.ge [sflag:s22], $0x1000  }
0x1ee: {  	[sflag:s22] =	ssyncset.done $0x0  }
0x1ef: {  	s9 =	rddreg [dreg:$0x14];
	[sflag:s22] =	ssyncadd.s32 $0xFFFFF000  }
0x1f0: {  	[tilespmem:s16], [sflag:$0x1] =	stream.indirect.gather [hbm4b:s15+s11], $0x40, s9, s11, $0xb8;
	[tilespmem:$0x1FEC0] =	vst v63  }
0x1f1: {  	s17 =	rddreg [dreg:$0x15]  }
0x1f2: {  	[tilespmem:s18], [sflag:$0x2] =	stream.indirect.gather [hbm4b:s15+s11], $0x40, s17, s11, $0xb8;
	[tilespmem:$0x1FEC0] =	vst v63  }
0x1f3: {  	_ =	swait.ge [sflag:s19], $0x1000  }
0x1f4: {  	[sflag:s19] =	ssyncset.done $0x0  }
0x1f5: {  	[sflag:s19] =	ssyncadd.s32 $0xFFFFF000  }
0x1f6: {  	[spmem:s3] =	stream.indirect.scatter.add.f32 [tilespmem:s16], [sflag:$0x3], $0x40, s23, s11, $0xb8;
	[tilespmem:$0x1FEC0] =	vst v63  }
0x1f7: {  	_ =	swait.ge [sflag:s20], $0x1000  }
0x1f8: {  	[sflag:s20] =	ssyncset.done $0x0  }
0x1f9: {  	[sflag:s20] =	ssyncadd.s32 $0xFFFFF000  }
0x1fa: {  	[spmem:s3] =	stream.indirect.scatter.add.f32 [tilespmem:s18], [sflag:$0x4], $0x40, s24, s11, $0xb8;
	[tilespmem:$0x1FEC0] =	vst v63  }
0x1fb: {  	_ =	swait.ge [sflag:s21], $0x1000  }
0x1fc: {  	[sflag:s21] =	ssyncset.done $0x0  }
0x1fd: {  	[sflag:s21] =	ssyncadd.s32 $0xFFFFF000  }
0x1fe: {  	_ =	swait.ge [sflag:s22], $0x1000  }
0x1ff: {  	[sflag:s22] =	ssyncset.done $0x0  }
0x200: {  	[sflag:s22] =	ssyncadd.s32 $0xFFFFF000  }
0x201: {  	[tilespmem:s16], [sflag:$0x1] =	stream.indirect.gather [hbm4b:s15+s11], $0x40, s25, s11, $0xb8;
	[tilespmem:$0x1FEC0] =	vst v63  }
0x202: {  	_ = 	snop  }
0x203: {  	[tilespmem:s18], [sflag:$0x2] =	stream.indirect.gather [hbm4b:s15+s11], $0x40, s26, s11, $0xb8;
	[tilespmem:$0x1FEC0] =	vst v63  }
0x204: {  	_ =	swait.ge [sflag:s19], $0x1000  }
0x205: {  	[sflag:s19] =	ssyncset.done $0x0  }
0x206: {  	[sflag:s19] =	ssyncadd.s32 $0xFFFFF000  }
0x207: {  	[spmem:s3] =	stream.indirect.scatter.add.f32 [tilespmem:s16], [sflag:$0x3], $0x40, s28, s11, $0xb8;
	[tilespmem:$0x1FEC0] =	vst v63  }
0x208: {  	_ =	swait.ge [sflag:s20], $0x1000  }
0x209: {  	[sflag:s20] =	ssyncset.done $0x0  }
0x20a: {  	[sflag:s20] =	ssyncadd.s32 $0xFFFFF000  }
0x20b: {  	[spmem:s3] =	stream.indirect.scatter.add.f32 [tilespmem:s18], [sflag:$0x4], $0x40, s29, s11, $0xb8;
	[tilespmem:$0x1FEC0] =	vst v63  }
0x20c: {  	_ =	swait.ge [sflag:s21], $0x1000  }
0x20d: {  	[sflag:s21] =	ssyncset.done $0x0  }
0x20e: {  	[sflag:s21] =	ssyncadd.s32 $0xFFFFF000  }
0x20f: {  	_ =	swait.ge [sflag:s22], $0x1000  }
0x210: {  	[sflag:s22] =	ssyncset.done $0x0  }
0x211: {  	[sflag:s22] =	ssyncadd.s32 $0xFFFFF000  }
0x212: {  	[tilespmem:s16], [sflag:$0x1] =	stream.indirect.gather [hbm4b:s15+s11], $0x40, s30, s11, $0xb8;
	[tilespmem:$0x1FEC0] =	vst v63  }
0x213: {  	_ = 	snop  }
0x214: {  	[tilespmem:s18], [sflag:$0x2] =	stream.indirect.gather [hbm4b:s15+s11], $0x40, s31, s11, $0xb8;
	[tilespmem:$0x1FEC0] =	vst v63  }
0x215: {  	_ =	swait.ge [sflag:s19], $0x1000  }
0x216: {  	[sflag:s19] =	ssyncset.done $0x0  }
0x217: {  	[sflag:s19] =	ssyncadd.s32 $0xFFFFF000  }
0x218: {  	[spmem:s3] =	stream.indirect.scatter.add.f32 [tilespmem:s16], [sflag:$0x3], $0x40, s0, s11, $0xb8;
	[tilespmem:$0x1FEC0] =	vst v63  }
0x219: {  	_ =	swait.ge [sflag:s20], $0x1000  }
0x21a: {  	[sflag:s20] =	ssyncset.done $0x0  }
0x21b: {  	[sflag:s20] =	ssyncadd.s32 $0xFFFFF000  }
0x21c: {  	[spmem:s3] =	stream.indirect.scatter.add.f32 [tilespmem:s18], [sflag:$0x4], $0x40, s2, s11, $0xb8;
	[tilespmem:$0x1FEC0] =	vst v63  }
0x21d: {  	_ =	swait.ge [sflag:s21], $0x1000  }
0x21e: {  	[sflag:s21] =	ssyncset.done $0x0  }
0x21f: {  	[sflag:s21] =	ssyncadd.s32 $0xFFFFF000  }
0x220: {  	_ =	swait.ge [sflag:s22], $0x1000  }
0x221: {  	[sflag:s22] =	ssyncset.done $0x0  }
0x222: {  	[sflag:s22] =	ssyncadd.s32 $0xFFFFF000  }
0x223: {  	[tilespmem:s16], [sflag:$0x1] =	stream.indirect.gather [hbm4b:s15+s11], $0x40, s5, s11, $0xb8;
	[tilespmem:$0x1FEC0] =	vst v63  }
0x224: {  	_ = 	snop  }
0x225: {  	[tilespmem:s18], [sflag:$0x2] =	stream.indirect.gather [hbm4b:s15+s11], $0x40, s6, s11, $0xb8;
	[tilespmem:$0x1FEC0] =	vst v63  }
0x226: {  	_ =	swait.ge [sflag:s19], $0x1000  }
0x227: {  	[sflag:s19] =	ssyncset.done $0x0  }
0x228: {  	[sflag:s19] =	ssyncadd.s32 $0xFFFFF000  }
0x229: {  	[spmem:s3] =	stream.indirect.scatter.add.f32 [tilespmem:s16], [sflag:$0x3], $0x40, s7, s11, $0xb8;
	[tilespmem:$0x1FEC0] =	vst v63  }
0x22a: {  	_ =	swait.ge [sflag:s20], $0x1000  }
0x22b: {  	[sflag:s20] =	ssyncset.done $0x0  }
0x22c: {  	[sflag:s20] =	ssyncadd.s32 $0xFFFFF000  }
0x22d: {  	[spmem:s3] =	stream.indirect.scatter.add.f32 [tilespmem:s18], [sflag:$0x4], $0x40, s8, s11, $0xb8;
	[tilespmem:$0x1FEC0] =	vst v63  }
0x22e: {  	_ =	swait.ge [sflag:s21], $0x1000  }
0x22f: {  	[sflag:s21] =	ssyncset.done $0x0  }
0x230: {  	[sflag:s21] =	ssyncadd.s32 $0xFFFFF000  }
0x231: {  	_ =	swait.ge [sflag:s22], $0x1000  }
0x232: {  	[sflag:s22] =	ssyncset.done $0x0  }
0x233: {  	[sflag:s22] =	ssyncadd.s32 $0xFFFFF000  }
0x234: {  	[bflag:$0x0] =	sbarrier.arrive $0xFFFF  }
0x235: {  	s17 =	sld [smem:$0x7FD]  }
0x236: {  	s9 =	sld [smem:$0x7F3];
	_ =	sdelay $0x1  }
0x237: {  	s4 =	rddreg [dreg:$0x17]  }
0x238: {  	[hbm:s4], [sflag:s17] =	dma.local [spmem:s9], $0x640  }
0x239: {  	_ =	swait.ge [sflag:s10], $0x640  }
0x23a: {  	s9 =	sld [smem:$0x7F4]  }
0x23b: {  	[sflag:s10] =	ssyncset.done $0x0  }
0x23c: {  	s4 =	rddreg [dreg:$0x18];
	[sflag:s10] =	ssyncadd.s32 $0xFFFFF9C0  }
0x23d: {  	[hbm:s4], [sflag:s17] =	dma.local [spmem:s9], $0x640  }
0x23e: {  	_ =	swait.ge [sflag:s10], $0x640  }
0x23f: {  	s9 =	sld [smem:$0x7F5]  }
0x240: {  	[sflag:s10] =	ssyncset.done $0x0  }
0x241: {  	s4 =	rddreg [dreg:$0x19];
	[sflag:s10] =	ssyncadd.s32 $0xFFFFF9C0  }
0x242: {  	[hbm:s4], [sflag:s17] =	dma.local [spmem:s9], $0x640  }
0x243: {  	_ =	swait.ge [sflag:s10], $0x640  }
0x244: {  	s9 =	sld [smem:$0x7F6]  }
0x245: {  	[sflag:s10] =	ssyncset.done $0x0  }
0x246: {  	s4 =	rddreg [dreg:$0x1a];
	[sflag:s10] =	ssyncadd.s32 $0xFFFFF9C0  }
0x247: {  	[hbm:s4], [sflag:s17] =	dma.local [spmem:s9], $0x640  }
0x248: {  	_ =	swait.ge [sflag:s10], $0x640  }
0x249: {  	s9 =	sld [smem:$0x7F7]  }
0x24a: {  	[sflag:s10] =	ssyncset.done $0x0  }
0x24b: {  	s4 =	rddreg [dreg:$0x1b];
	[sflag:s10] =	ssyncadd.s32 $0xFFFFF9C0  }
0x24c: {  	[hbm:s4], [sflag:s17] =	dma.local [spmem:s9], $0x640  }
0x24d: {  	_ =	swait.ge [sflag:s10], $0x640  }
0x24e: {  	s9 =	sld [smem:$0x7F8]  }
0x24f: {  	[sflag:s10] =	ssyncset.done $0x0  }
0x250: {  	s4 =	rddreg [dreg:$0x1c];
	[sflag:s10] =	ssyncadd.s32 $0xFFFFF9C0  }
0x251: {  	[hbm:s4], [sflag:s17] =	dma.local [spmem:s9], $0x640  }
0x252: {  	_ =	swait.ge [sflag:s10], $0x640  }
0x253: {  	s9 =	sld [smem:$0x7F9]  }
0x254: {  	[sflag:s10] =	ssyncset.done $0x0  }
0x255: {  	s4 =	rddreg [dreg:$0x1d];
	[sflag:s10] =	ssyncadd.s32 $0xFFFFF9C0  }
0x256: {  	[hbm:s4], [sflag:s17] =	dma.local [spmem:s9], $0x640  }
0x257: {  	_ =	swait.ge [sflag:s10], $0x640  }
0x258: {  	s9 =	sld [smem:$0x7FA]  }
0x259: {  	[sflag:s10] =	ssyncset.done $0x0  }
0x25a: {  	s4 =	rddreg [dreg:$0x1e];
	[sflag:s10] =	ssyncadd.s32 $0xFFFFF9C0  }
0x25b: {  	[hbm:s4], [sflag:s17] =	dma.local [spmem:s9], $0x640  }
0x25c: {  	_ =	swait.ge [sflag:s10], $0x640  }
0x25d: {  	s9 =	sld [smem:$0x7FB]  }
0x25e: {  	[sflag:s10] =	ssyncset.done $0x0  }
0x25f: {  	s4 =	rddreg [dreg:$0x1f];
	[sflag:s10] =	ssyncadd.s32 $0xFFFFF9C0  }
0x260: {  	[hbm:s4], [sflag:s17] =	dma.local [spmem:s9], $0x640  }
0x261: {  	_ =	swait.ge [sflag:s10], $0x640  }
0x262: {  	s1 =	sld [smem:$0x7E7]  }
0x263: {  	s4 =	sld [smem:$0x7FC]  }
0x264: {  	[sflag:s10] =	ssyncset.done $0x0  }
0x265: {  	[sflag:s10] =	ssyncadd.s32 $0xFFFFF9C0  }
0x266: {  	[hbm:s1], [sflag:s17] =	dma.local @!p0 [spmem:s4], $0x640  }
0x267: {  	s1 =	simm.s32 @!p0 $0x5  }
0x268: {  	_ =	swait.ge @!p0 [sflag:s1], $0x640  }
0x269: {  	s9 =	rddreg [dreg:$0x16]  }
0x26a: {  	s4 =	sadd.s32 $0x1, s9;
	s9 =	sld [smem:$0x7E8];
	_ =	sdelay $0x2  }
0x26b: {  	p1 =	sne.s32 s4, s9  }
.Ltmp1:
0x26c: {  	_ = 	snop;
	(pc) =	sbr.rel @p1 .LBB2_1-.Ltmp1, $3  }
0x26d: {  	_ =	sdelay $0x1  }
0x26e: {  	[sflag:s1] =	ssyncset.done @!p0 $0x0  }
0x26f: {  	[sflag:s1] =	ssyncadd.s32 @!p0 $0xFFFFF9C0;
	[dreg:$0x16] =	wrdreg s4  }
0x270: {  	_ =	sfence.sel $0x180000  }
0x271: {  	[bflag:$0x0] =	sbarrier.arrive $0xFFFF  }
0x272: {  	_ =	strace $0x9000004D  }
0x273: {  	s0 =	stileid.u32;
	[bflag:$0x2] =	sbarrier.arrive $0xFFFF  }
0x274: {  	p0 =	sne.s32 s0, $0x0;
	s0 =	rddreg [dreg:$0x3]  }
0x275: {  	s0 =	sadd.s32 @!p0 $0x100000, s0  }
0x276: {  	[sflag:s0] =	ssyncadd.tile.s32 @!p0 $0x1;
	_ =	shalt  }
.Lfunc_end2:
_tile_overlayer_lowered:
.L_overlay_start_2:
0x277: {  	(tag) =	ssettag $0x2  }
0x278: {  	s0 =	rddreg [dreg:$0x0];
	s2 =	stileid.u32  }
0x279: {  	s1 =	rddreg [dreg:$0x1];
	p0 =	sne.s32 s2, $0x0  }
0x27a: {  	s3 =	rddreg [dreg:$0x2];
	[bflag:$0x3] =	sbarrier.arrive $0xFFFF;
	s2 =	simm.s32 @!p0 $0x1C05  }
0x27b: {  	[timem:s3], [sflag:s2] =	dma.local @!p0 [hbm:s0], s1  }
0x27c: {  	s0 =	simm.s32 @!p0 $0x5  }
0x27d: {  	_ =	swait.ge @!p0 [sflag:s0], s1  }
0x27e: {  	s1 =	ssub.s32 @!p0 $0x0, s1;
	[sflag:s0] =	ssyncset.done @!p0 $0x0  }
0x27f: {  	[sflag:s0] =	ssyncadd.s32 @!p0 s1  }
0x280: {  	[bflag:$0x3] =	sbarrier.arrive $0xFFFF  }
0x281: {  	_ =	shalt  }

// kernel: kernel.9.cloned.1.call-start
scs
__scs_entry_jumppad:
0x0: {  	(pc) =	sbr.rel $0x88, $3  }
0x1: {  	(tag) =	ssettag $0x0;
	lr =	simm.s32 $0x1  }
0x2: {  	[smem:$0x3F96] =	sst lr;
	_ =	strace $0xD0000000  }
0x3: {  	_ = 	snop  }
0x4: {  	_ = 	snop  }
0x5: {  	_ = 	snop  }
0x6: {  	_ = 	snop  }
0x7: {  	_ = 	snop  }
__scs_overlays_trampoline_lowered:
0x8: {  	[smem:$0x3FA5] =	sst s0  }
0x9: {  	[smem:$0x3FA6] =	sst s1  }
0xa: {  	[smem:$0x3FA7] =	sst s2  }
0xb: {  	[smem:$0x3FA8] =	sst s3  }
0xc: {  	[smem:$0x3FA9] =	sst s4  }
0xd: {  	[smem:$0x3FAA] =	sst s5  }
0xe: {  	[smem:$0x3FAB] =	sst s6  }
0xf: {  	[smem:$0x3FAC] =	sst s7  }
0x10: {  	[smem:$0x3FAD] =	sst s8  }
0x11: {  	[smem:$0x3FAE] =	sst s9;
	s0 =	simm.s32 @!p0 $0x0  }
0x12: {  	s1 =	sld [smem:$0x3F94];
	s0 =	simm.s32 @p0 $0x1  }
0x13: {  	[smem:$0x3FAF] =	sst s0;
	s0 =	simm.s32 @!p1 $0x0  }
0x14: {  	s2 =	sld [smem:$0x3F93];
	s0 =	simm.s32 @p1 $0x1  }
0x15: {  	[smem:$0x3FB0] =	sst s0;
	s0 =	simm.s32 @!p2 $0x0  }
0x16: {  	s3 =	sld [smem:$0x3FDB];
	s0 =	simm.s32 @p2 $0x1  }
0x17: {  	s4 =	simm.s32 $0x1BF5;
	[smem:$0x3FB2] =	sst s0  }
0x18: {  	s0 =	sld [smem:$0x3F95];
	_ =	swait.ge [sflag:s4], $0x0  }
0x19: {  	s7 =	sld [smem:$0x3F96]  }
0x1a: {  	s8 =	sadd.s32 $0xFFFFE003, lr  }
0x1b: {  	s9 =	sadd.s32 $0xFFFFFEF7, lr;
	s5 =	simm.s32 $0xFFFFFFFF;
	p2 =	slt.u32 s8, $0xFFFFF086  }
0x1c: {  	p1 =	slt.u32 s9, $0xF7A;
	s5 =	simm.s32 @!p2 $0x0  }
0x1d: {  	s5 =	simm.s32 @p1 $0x1;
	p0 =	seq.s32 s7, s2  }
0x1e: {  	s7 =	smul.u32 @!p0 $0xF7A, s2;
	p2 =	seq.s32 @!p0 s5, $0x0  }
0x1f: {  	s9 =	smul.u32 $0xF7A, s1;
	s8 =	simm.s32 @!p0 $0x1BF5;
	p2 =	por !p2, p0  }
0x20: {  	[sflag:s8] =	ssyncset.s32 @!p0 $0xFFFFF086;
	s6 =	sadd.s32 @!p0 s3, s7;
	s7 =	simm.s32 @!p0 $0x108  }
0x21: {  	s3 =	sadd.s32 s3, s9;
	s6 =	sadd.s32 @!p0 $0x88, s6;
	s7 =	simm.s32 @p2 $0x1082  }
0x22: {  	[simem:s7], [sflag:s8] =	dma.local @!p0 [hbm:s6], $0xF7A  }
0x23: {  	s9 =	sor.u32 $0xD0000000, s2;
	s6 =	simm.s32 $0x108;
	_ =	swait.ge @!p0 [sflag:s8], $0x0  }
0x24: {  	s3 =	sadd.s32 $0x88, s3;
	s6 =	simm.s32 @!p1 $0x1082;
	[sflag:s4] =	ssyncset.s32 $0xFFFFF086  }
0x25: {  	[simem:s6], [sflag:s4] =	dma.local [hbm:s3], $0xF7A  }
0x26: {  	[smem:$0x3F96] =	sst s1;
	(tag) =	ssettag s2;
	_ =	strace s9  }
0x27: {  	s1 =	sld [smem:$0x3FA6]  }
0x28: {  	s2 =	sld [smem:$0x3FA7]  }
0x29: {  	s4 =	sld [smem:$0x3FA9]  }
0x2a: {  	p0 =	seq.s32 s5, $0x0;
	s5 =	sld [smem:$0x3FAA]  }
0x2b: {  	s6 =	sld [smem:$0x3FAB]  }
0x2c: {  	s7 =	sld [smem:$0x3FAC]  }
0x2d: {  	s3 =	simm.s32 $0x108;
	s8 =	sld [smem:$0x3FAD]  }
0x2e: {  	s3 =	simm.s32 @!p0 $0x1082;
	s9 =	sld [smem:$0x3FAE]  }
0x2f: {  	lr =	sadd.s32 s0, s3;
	s0 =	sld [smem:$0x3FA5]  }
0x30: {  	s3 =	sld [smem:$0x3FA8]  }
0x31: {  	[smem:$0x3FB1] =	sst s10  }
0x32: {  	s10 =	sld [smem:$0x3FAF];
	_ =	sdelay $0x3  }
0x33: {  	p0 =	seq.s32 s10, $0x1;
	s10 =	sld [smem:$0x3FB1];
	_ =	sdelay $0x3  }
0x34: {  	[smem:$0x3FB1] =	sst s10  }
0x35: {  	s10 =	sld [smem:$0x3FB0];
	_ =	sdelay $0x3  }
0x36: {  	p1 =	seq.s32 s10, $0x1;
	s10 =	sld [smem:$0x3FB1];
	_ =	sdelay $0x3  }
0x37: {  	[smem:$0x3FB1] =	sst s10  }
0x38: {  	s10 =	sld [smem:$0x3FB2]  }
0x39: {  	_ = 	snop;
	(pc) =	sbr.ind lr, $3  }
0x3a: {  	_ = 	snop  }
0x3b: {  	_ = 	snop  }
0x3c: {  	p2 =	seq.s32 s10, $0x1;
	s10 =	sld [smem:$0x3FB1]  }
0x3d: {  	_ =	shalt  }
0x3e: {  	_ =	shalt  }
0x3f: {  	_ =	shalt  }
0x40: {  	_ =	shalt  }
0x41: {  	_ =	shalt  }
0x42: {  	_ =	shalt  }
0x43: {  	_ =	shalt  }
0x44: {  	_ =	shalt  }
0x45: {  	_ =	shalt  }
0x46: {  	_ =	shalt  }
0x47: {  	_ =	shalt  }
0x48: {  	_ =	shalt  }
0x49: {  	_ =	shalt  }
0x4a: {  	_ =	shalt  }
0x4b: {  	_ =	shalt  }
0x4c: {  	_ =	shalt  }
0x4d: {  	_ =	shalt  }
0x4e: {  	_ =	shalt  }
0x4f: {  	_ =	shalt  }
0x50: {  	_ =	shalt  }
0x51: {  	_ =	shalt  }
0x52: {  	_ =	shalt  }
0x53: {  	_ =	shalt  }
0x54: {  	_ =	shalt  }
0x55: {  	_ =	shalt  }
0x56: {  	_ =	shalt  }
0x57: {  	_ =	shalt  }
0x58: {  	_ =	shalt  }
0x59: {  	_ =	shalt  }
0x5a: {  	_ =	shalt  }
0x5b: {  	_ =	shalt  }
0x5c: {  	_ =	shalt  }
0x5d: {  	_ =	shalt  }
0x5e: {  	_ =	shalt  }
0x5f: {  	_ =	shalt  }
0x60: {  	_ =	shalt  }
0x61: {  	_ =	shalt  }
0x62: {  	_ =	shalt  }
0x63: {  	_ =	shalt  }
0x64: {  	_ =	shalt  }
0x65: {  	_ =	shalt  }
0x66: {  	_ =	shalt  }
0x67: {  	_ =	shalt  }
0x68: {  	_ =	shalt  }
0x69: {  	_ =	shalt  }
0x6a: {  	_ =	shalt  }
0x6b: {  	_ =	shalt  }
0x6c: {  	_ =	shalt  }
0x6d: {  	_ =	shalt  }
0x6e: {  	_ =	shalt  }
0x6f: {  	_ =	shalt  }
0x70: {  	_ =	shalt  }
0x71: {  	_ =	shalt  }
0x72: {  	_ =	shalt  }
0x73: {  	_ =	shalt  }
0x74: {  	_ =	shalt  }
0x75: {  	_ =	shalt  }
0x76: {  	_ =	shalt  }
0x77: {  	_ =	shalt  }
0x78: {  	_ =	shalt  }
0x79: {  	_ =	shalt  }
0x7a: {  	_ =	shalt  }
0x7b: {  	_ =	shalt  }
0x7c: {  	_ =	shalt  }
0x7d: {  	_ =	shalt  }
0x7e: {  	_ =	shalt  }
0x7f: {  	_ =	shalt  }
0x80: {  	_ =	shalt  }
0x81: {  	_ =	shalt  }
0x82: {  	_ =	shalt  }
0x83: {  	_ =	shalt  }
0x84: {  	_ =	shalt  }
0x85: {  	_ =	shalt  }
0x86: {  	_ =	shalt  }
0x87: {  	_ =	shalt  }
.Lfunc_end0:
.L_simem_size_0:
called_computation_lowered:
.L_overlay_start_0:
0x88: {  	s2 =	sld [smem:$0x3FD9]  }
0x89: {  	s3 =	sld [smem:$0x3FFE];
	_ =	sdelay $0x1  }
0x8a: {  	s1 =	srdreg.scid  }
0x8b: {  	s0 =	sand.u32 $0x1, s1  }
0x8c: {  	s17 =	sshll.u32 s0, $0xA;
	s2 =	sadd.s32 s3, s2  }
0x8d: {  	s2 =	sadd.s32 s2, s17  }
0x8e: {  	[smem:$0x3FBD] =	sst s2  }
0x8f: {  	_ = 	snop  }
0x90: {  	(tm) =	ssettm $0x1  }
0x91: {  	s18 =	sld [smem:$0x3FFB];
	_ =	sdelay $0x3  }
0x92: {  	_ =	strace s18  }
0x93: {  	s2 =	sld [smem:$0x3FFC];
	_ =	sdelay $0x3  }
0x94: {  	_ =	strace s2  }
0x95: {  	s2 =	sld [smem:$0x3FFD];
	_ =	sdelay $0x3  }
0x96: {  	_ =	strace s2  }
0x97: {  	_ =	strace $0x8FFFFFFF  }
0x98: {  	s19 =	sld [smem:$0x3FDB];
	_ =	sdelay $0x1  }
0x99: {  	s20 =	simm.s32 $_scs_section_size  }
0x9a: {  	s4 =	simm.s32 $_size__tile_overlayer_lowered;
	s5 =	simm.s32 $_tile_overlayer_lowered  }
0x9b: {  	s6 =	simm.s32 $0x1BFF;
	s21 =	sshll.u32 s5, $0x1;
	s3 =	sadd.s32 s20, s19  }
0x9c: {  	s22 =	simm.s32 $0x0;
	s4 =	sshll.u32 s4, $0x1;
	s5 =	sadd.s32 s21, s3  }
0x9d: {  	[timem:s22], [sflag:s6] =	dma.local [hbm:s5], s4  }
0x9e: {  	_ =	swait.ge [sflag:s6], s4  }
0x9f: {  	s4 =	ssub.s32 $0x0, s4;
	[sflag:s6] =	ssyncset.done $0x0  }
0xa0: {  	[sflag:s6] =	ssyncadd.s32 s4;
	_ =	sdelay $0x1  }
0xa1: {  	s23 =	simm.s32 $0x1B8B  }
0xa2: {  	_ =	swait.ge [sflag:s23], $0x1  }
0xa3: {  	[sflag:s23] =	ssyncset.done $0x0  }
0xa4: {  	[sflag:s23] =	ssyncadd.s32 $0xFFFFFFFF  }
0xa5: {  	s4 =	sld [smem:$0x0]  }
0xa6: {  	s5 =	sand.u32 $0xFFFFFFFE, s1  }
0xa7: {  	p0 =	sne.s32 s1, s5  }
0xa8: {  	s5 =	sshll.u32 @p0 s5, $0xE  }
0xa9: {  	s5 =	sadd.s32 @p0 $0x11B8D, s5;
	s6 =	sshll.u32 @p0 s4, $0x11  }
0xaa: {  	s5 =	sor.u32 @p0 s6, s5  }
0xab: {  	[sflag:s5] =	ssyncadd.remote.s32 @p0 $0x1;
	_ =	sdelay $0x1  }
0xac: {  	s5 =	simm.s32 @p0 $0x1B8D  }
0xad: {  	_ =	swait.eq @p0 [sflag:s5], $0x1  }
0xae: {  	[sflag:s5] =	ssyncadd.s32 @p0 $0xFFFFFFFF  }
0xaf: {  	s6 =	sshll.u32 @!p0 s1, $0xE  }
0xb0: {  	s6 =	sor.u32 @!p0 $0x4000, s6;
	s5 =	simm.s32 @!p0 $0x1B8D  }
0xb1: {  	s4 =	sshll.u32 @!p0 s4, $0x11;
	s6 =	sadd.s32 @!p0 $0x11B8D, s6;
	_ =	swait.eq @!p0 [sflag:s5], $0x1  }
0xb2: {  	s4 =	sor.u32 @!p0 s4, s6;
	[sflag:s5] =	ssyncadd.s32 @!p0 $0xFFFFFFFF  }
0xb3: {  	s25 =	simm.s32 $0x1B8E;
	s24 =	sld [smem:$0x3FFE];
	[sflag:s4] =	ssyncadd.remote.s32 @!p0 $0x1  }
0xb4: {  	s26 =	simm.s32 $execute0_lowered;
	[smem:$0x3FD2] =	sst s25  }
0xb5: {  	s5 =	sshll.u32 s26, $0x1;
	_ =	strace $0x80000049;
	[dreg:$0x1] =	wrdreg $0xFFFFFFFF  }
0xb6: {  	s28 =	simm.s32 $_size_execute0_lowered;
	s3 =	sadd.s32 s3, s5;
	[dreg:$0x0] =	wrdreg $0x0  }
0xb7: {  	s5 =	sshll.u32 s28, $0x1;
	[dreg:$0x2] =	wrdreg s3  }
0xb8: {  	[dreg:$0x3] =	wrdreg s5  }
0xb9: {  	[dreg:$0x4] =	wrdreg $0xC0  }
0xba: {  	_ =	task [dreg:s22], $0x5FFFF  }
0xbb: {  	[dreg:$0x1] =	wrdreg $0xFFFFFFFF  }
0xbc: {  	[dreg:$0x0] =	wrdreg $0x60  }
0xbd: {  	[dreg:$0x2] =	wrdreg s24  }
0xbe: {  	[dreg:$0x3] =	wrdreg $0x0  }
0xbf: {  	[dreg:$0x4] =	wrdreg $0x9  }
0xc0: {  	_ =	task.clear_ibuf [dreg:s22], $0x5FFFF;
	_ =	strace $0x90000049  }
0xc1: {  	s29 =	simm.s32 $0x9;
	_ =	strace $0x8000004B  }
0xc2: {  	_ =	swait.ge [sflag:s29], $0x1  }
0xc3: {  	[sflag:s29] =	ssyncadd.s32 $0xFFFFFFFF  }
0xc4: {  	_ =	strace $0x9000004B  }
0xc5: {  	_ =	sfence  }
0xc6: {  	s30 =	sld [smem:$0x0];
	_ =	sdelay $0x2  }
0xc7: {  	s31 =	sshll.u32 s1, $0xD;
	s1 =	sshrl.u32 s1, $0x2  }
0xc8: {  	s4 =	sand.u32 $0x4000, s31;
	s1 =	sadd.s32 s1, s30  }
0xc9: {  	s0 =	sor.u32 s4, s0;
	s1 =	sshll.u32 s1, $0x11  }
0xca: {  	s0 =	sor.u32 s1, s0  }
0xcb: {  	s0 =	sadd.s32 $0x8F2B, s0  }
0xcc: {  	[sflag:s0] =	ssyncadd.remote.s32 $0x1  }
0xcd: {  	_ =	sfence.sel $0xFFFF  }
0xce: {  	[dreg:$0x0] =	wrdreg $0xFFFFFFFF;
	(pc) =	sbr.abs _section_cstart, $3  }
0xcf: {  	[dreg:$0x1] =	wrdreg $0xFFFFFFFF  }
0xd0: {  	_ =	task.clear_ibuf [dreg:s22], $0x2FFFF;
	_ =	strace $0x9FFFFFFF  }
0xd1: {  	(tm) =	ssettm $0x7FFFFFFF  }
tec
execute0_lowered:
.L_overlay_start_1:
0x0: {  	(tag) =	ssettag $0x1  }
0x1: {  	s0 =	srdreg.scid  }
0x2: {  	s7 =	rddreg [dreg:$0x0];
	s1 =	simm.s32 $0x0;
	s28 =	stileid.u32  }
0x3: {  	s29 =	simm.s32 $0x78B0;
	s30 =	simm.s32 $0x78F0;
	s14 =	sand.u32 $0x1, s0  }
0x4: {  	s31 =	simm.s32 $0x7930;
	[smem:$0x7FF] =	sst s1;
	s0 =	ssub.s32 $0x2, s14  }
0x5: {  	s13 =	sadd.s32 $0xC6600, s7;
	s16 =	smul.u32 $0x75300, s14;
	s2 =	sshrl.u32 s0, $0x1  }
0x6: {  	s18 =	sor.u32 $0x10, s28;
	s15 =	ssub.s32 s0, s2;
	s0 =	smul.u32 $0xC80, s28  }
0x7: {  	s19 =	sor.u32 $0x20, s28;
	s20 =	sor.u32 $0x30, s28;
	s2 =	smul.u32 $0xC80, s18  }
0x8: {  	s21 =	sor.u32 $0x40, s28;
	s12 =	sor.u32 $0x50, s28;
	s3 =	sadd.s32 s16, s0  }
0x9: {  	s10 =	sor.u32 $0x60, s28;
	s5 =	sadd.s32 s16, s2;
	s4 =	sshrl.u32 s3, $0x3  }
0xa: {  	s3 =	smul.u32 $0xC80, s19;
	s5 =	sshrl.u32 s5, $0x3;
	s4 =	sadd.s32 s13, s4  }
0xb: {  	s5 =	sadd.s32 s13, s5;
	[dreg:$0x3] =	wrdreg s4;
	s4 =	smul.u32 $0xC80, s20  }
0xc: {  	[dreg:$0x4] =	wrdreg s5;
	s6 =	sadd.s32 s16, s3;
	s5 =	smul.u32 $0xC80, s21  }
0xd: {  	s8 =	sor.u32 $0x70, s28;
	s9 =	sshrl.u32 s6, $0x3;
	s6 =	smul.u32 $0xC80, s12  }
0xe: {  	s12 =	smul.u32 $0x3200, s12;
	s11 =	sadd.s32 s16, s4;
	s9 =	sadd.s32 s13, s9  }
0xf: {  	s22 =	sadd.s32 s16, s5;
	[dreg:$0x5] =	wrdreg s9;
	s17 =	sshrl.u32 s11, $0x3  }
0x10: {  	s23 =	sshrl.u32 s22, $0x3;
	s24 =	sadd.s32 s16, s6;
	s22 =	sor.u32 $0x80, s28  }
0x11: {  	s9 =	sadd.s32 s13, s17;
	s11 =	sshrl.u32 s24, $0x3;
	s17 =	smul.u32 $0xC80, s22  }
0x12: {  	s22 =	smul.u32 $0x3200, s22;
	[dreg:$0x6] =	wrdreg s9;
	s9 =	sadd.s32 s13, s23  }
0x13: {  	s11 =	sadd.s32 s13, s11;
	[dreg:$0x7] =	wrdreg s9;
	s9 =	smul.u32 $0xC80, s10  }
0x14: {  	s23 =	sor.u32 $0x90, s28;
	[dreg:$0x8] =	wrdreg s11;
	s11 =	smul.u32 $0xC80, s8  }
0x15: {  	s14 =	sshll.u32 s14, $0x3;
	s15 =	smax.u32 s15, $0x1;
	s26 =	smul.u32 $0xC80, s23  }
0x16: {  	s12 =	sshrl.u32 s12, $0x2;
	s10 =	smul.u32 $0x3200, s10;
	s24 =	sadd.s32 s16, s9  }
0x17: {  	s8 =	smul.u32 $0x3200, s8;
	p0 =	sgt.u32 s23, $0x95;
	s24 =	sshrl.u32 s24, $0x3  }
0x18: {  	s25 =	sadd.s32 s16, s11;
	s10 =	sshrl.u32 s10, $0x2;
	s24 =	sadd.s32 s13, s24  }
0x19: {  	[dreg:$0x9] =	wrdreg s24;
	s24 =	sshrl.u32 s25, $0x3;
	s25 =	sadd.s32 s16, s17  }
0x1a: {  	s16 =	sadd.s32 s16, s26;
	s24 =	sadd.s32 s13, s24;
	s25 =	sshrl.u32 s25, $0x3  }
0x1b: {  	s16 =	sshrl.u32 s16, $0x3;
	[dreg:$0xa] =	wrdreg s24;
	s24 =	sadd.s32 s13, s25  }
0x1c: {  	s8 =	sshrl.u32 s8, $0x2;
	s13 =	sadd.s32 s13, s16;
	[dreg:$0xb] =	wrdreg s24  }
0x1d: {  	s25 =	sshll.u32 s28, $0x4;
	s16 =	smul.u32 $0x3200, s18;
	[dreg:$0xc] =	wrdreg s13  }
0x1e: {  	s18 =	smul.u32 $0x3200, s19;
	s25 =	sadd.s32 s25, s7;
	s13 =	rddreg [dreg:$0x1]  }
0x1f: {  	s24 =	smul.u32 $0x3200, s28;
	s25 =	sadd.s32 s14, s25;
	_ =	strace $0x8000004A  }
0x20: {  	s14 =	sadd.s32 $0xC6400, s7;
	[dreg:$0xd] =	wrdreg s15;
	s15 =	smul.u32 $0x3200, s20  }
0x21: {  	s20 =	sshrl.u32 s16, $0x2;
	s18 =	sshrl.u32 s18, $0x2;
	s12 =	sadd.s32 s12, s13  }
0x22: {  	s10 =	sadd.s32 s10, s13;
	s8 =	sadd.s32 s8, s13;
	s0 =	sadd.s32 s0, s13  }
0x23: {  	s2 =	sadd.s32 s2, s13;
	s3 =	sadd.s32 s3, s13;
	s4 =	sadd.s32 s4, s13  }
0x24: {  	s5 =	sadd.s32 s5, s13;
	s6 =	sadd.s32 s6, s13;
	s9 =	sadd.s32 s9, s13  }
0x25: {  	s11 =	sadd.s32 s11, s13;
	s24 =	sshrl.u32 s24, $0x2;
	s19 =	sadd.s32 s20, s13  }
0x26: {  	s18 =	sadd.s32 s18, s13;
	s10 =	sshrl.u32 s10, $0x3;
	s0 =	sshrl.u32 s0, $0x3  }
0x27: {  	s7 =	sadd.s32 s24, s13;
	s24 =	smul.u32 $0x3200, s21;
	s21 =	sshll.u32 s28, $0x6  }
0x28: {  	s15 =	sshrl.u32 s15, $0x2;
	s18 =	sshrl.u32 s18, $0x3;
	[dreg:$0x14] =	wrdreg s10  }
0x29: {  	[dreg:$0x18] =	wrdreg s0;
	s10 =	simm.s32 $0x75B0;
	s28 =	simm.s32 $0x7870  }
0x2a: {  	s16 =	sor.u32 $0x1C01, s21;
	s15 =	sadd.s32 s15, s13;
	s21 =	sshrl.u32 s22, $0x2  }
0x2b: {  	s7 =	sshrl.u32 s7, $0x3;
	[dreg:$0x10] =	wrdreg s18;
	s18 =	sshrl.u32 s2, $0x3  }
0x2c: {  	s20 =	sshrl.u32 s24, $0x2;
	s24 =	smul.u32 $0x3200, s23;
	s21 =	sadd.s32 s21, s13  }
0x2d: {  	s23 =	sadd.s32 s17, s13;
	s17 =	sadd.s32 $0x2600, s25;
	[dreg:$0xe] =	wrdreg s7  }
0x2e: {  	[dreg:$0x19] =	wrdreg s18;
	s18 =	simm.s32 $0x7630;
	s20 =	sadd.s32 s20, s13  }
0x2f: {  	s22 =	sshrl.u32 s24, $0x2;
	s24 =	sadd.s32 s26, s13;
	s26 =	sshrl.u32 s19, $0x3  }
0x30: {  	s19 =	sshrl.u32 s15, $0x3;
	s25 =	sshrl.u32 s20, $0x3;
	[dreg:$0xf] =	wrdreg s26  }
0x31: {  	s15 =	sshrl.u32 s21, $0x3;
	s20 =	sshrl.u32 s4, $0x3;
	[dreg:$0x11] =	wrdreg s19  }
0x32: {  	s21 =	sshrl.u32 s5, $0x3;
	s5 =	sshrl.u32 s23, $0x3;
	[dreg:$0x12] =	wrdreg s25  }
0x33: {  	s23 =	simm.s32 $0x7770;
	s22 =	sadd.s32 s22, s13;
	[dreg:$0x16] =	wrdreg s15  }
0x34: {  	s26 =	sshrl.u32 s12, $0x3;
	s12 =	sshrl.u32 s8, $0x3;
	[dreg:$0x1b] =	wrdreg s20  }
0x35: {  	s19 =	sshrl.u32 s3, $0x3;
	[dreg:$0x1c] =	wrdreg s21;
	s25 =	sshrl.u32 s9, $0x3  }
0x36: {  	s8 =	simm.s32 $0x40;
	s9 =	simm.s32 $0x800;
	[dreg:$0x13] =	wrdreg s26  }
0x37: {  	s15 =	simm.s32 $0x75F0;
	s20 =	simm.s32 $0x76B0;
	[dreg:$0x15] =	wrdreg s12  }
0x38: {  	s21 =	simm.s32 $0x76F0;
	s7 =	sshrl.u32 @!p0 s22, $0x3;
	[dreg:$0x1a] =	wrdreg s19  }
0x39: {  	s22 =	sshrl.u32 s6, $0x3;
	[dreg:$0x1e] =	wrdreg s25;
	s26 =	sshrl.u32 s11, $0x3  }
0x3a: {  	s6 =	sshrl.u32 @!p0 s24, $0x3;
	s12 =	simm.s32 $0x79B0;
	[dreg:$0x17] =	wrdreg s7  }
0x3b: {  	s19 =	simm.s32 $0x7670;
	s24 =	simm.s32 $0x77B0;
	[dreg:$0x1d] =	wrdreg s22  }
0x3c: {  	v0 =	vimm.f32 $0.0e+00;
	vm0 =	vcmask $0x300;
	s25 =	simm.s32 $0x77F0;
	s11 =	simm.s32 $0x7970;
	[dreg:$0x1f] =	wrdreg s26  }
0x3d: {  	v0 =	vsel vm0, $0x3F800000, v0;
	s7 =	simm.s32 $0x1;
	s22 =	simm.s32 $0x7730;
	s26 =	simm.s32 $0x7830  }
.LBB2_1:
0x3e: {  	s0 =	simm.s32 $0x40;
	s2 =	simm.s32 $0x0  }
.LBB2_2:
0x3f: {  	p1 =	sne.s32 s0, $0xFC0;
	[tilespmem:s2+$0x79B0] =	vst v0;
	s2 =	smov.u32 s0;
	s0 =	sadd.s32 $0x40, s0  }
.Ltmp0:
0x40: {  	(pc) =	sbr.rel @p1 .LBB2_2-.Ltmp0, $2  }
0x41: {  	_ =	sdelay $0x2  }
0x42: {  	s2 =	sshra.s32 s2, $0x2  }
0x43: {  	[tilespmem:s2+$0x79B0] =	vst v0;
	s0 =	rddreg [dreg:$0xe]  }
0x44: {  	[spmem:s0], [sflag:s16] =	dma.local [hbm:s14], $0x190  }
0x45: {  	_ =	swait.ge [sflag:s7], $0x190  }
0x46: {  	[sflag:s7] =	ssyncset.done $0x0  }
0x47: {  	s2 =	rddreg [dreg:$0xf];
	[sflag:s7] =	ssyncadd.s32 $0xFFFFFE70  }
0x48: {  	[spmem:s2], [sflag:s16] =	dma.local [hbm:s14], $0x190  }
0x49: {  	_ =	swait.ge [sflag:s7], $0x190  }
0x4a: {  	[sflag:s7] =	ssyncset.done $0x0  }
0x4b: {  	s3 =	rddreg [dreg:$0x10];
	[sflag:s7] =	ssyncadd.s32 $0xFFFFFE70  }
0x4c: {  	[spmem:s3], [sflag:s16] =	dma.local [hbm:s14], $0x190  }
0x4d: {  	_ =	swait.ge [sflag:s7], $0x190  }
0x4e: {  	[sflag:s7] =	ssyncset.done $0x0  }
0x4f: {  	s4 =	rddreg [dreg:$0x11];
	[sflag:s7] =	ssyncadd.s32 $0xFFFFFE70  }
0x50: {  	[spmem:s4], [sflag:s16] =	dma.local [hbm:s14], $0x190  }
0x51: {  	_ =	swait.ge [sflag:s7], $0x190  }
0x52: {  	[sflag:s7] =	ssyncset.done $0x0  }
0x53: {  	s2 =	rddreg [dreg:$0x12];
	[sflag:s7] =	ssyncadd.s32 $0xFFFFFE70  }
0x54: {  	[spmem:s2], [sflag:s16] =	dma.local [hbm:s14], $0x190  }
0x55: {  	_ =	swait.ge [sflag:s7], $0x190  }
0x56: {  	[sflag:s7] =	ssyncset.done $0x0  }
0x57: {  	s3 =	rddreg [dreg:$0x13];
	[sflag:s7] =	ssyncadd.s32 $0xFFFFFE70  }
0x58: {  	[spmem:s3], [sflag:s16] =	dma.local [hbm:s14], $0x190  }
0x59: {  	_ =	swait.ge [sflag:s7], $0x190  }
0x5a: {  	[sflag:s7] =	ssyncset.done $0x0  }
0x5b: {  	s4 =	rddreg [dreg:$0x14];
	[sflag:s7] =	ssyncadd.s32 $0xFFFFFE70  }
0x5c: {  	[spmem:s4], [sflag:s16] =	dma.local [hbm:s14], $0x190  }
0x5d: {  	_ =	swait.ge [sflag:s7], $0x190  }
0x5e: {  	[sflag:s7] =	ssyncset.done $0x0  }
0x5f: {  	s2 =	rddreg [dreg:$0x15];
	[sflag:s7] =	ssyncadd.s32 $0xFFFFFE70  }
0x60: {  	[spmem:s2], [sflag:s16] =	dma.local [hbm:s14], $0x190  }
0x61: {  	_ =	swait.ge [sflag:s7], $0x190  }
0x62: {  	[sflag:s7] =	ssyncset.done $0x0  }
0x63: {  	s3 =	rddreg [dreg:$0x16];
	[sflag:s7] =	ssyncadd.s32 $0xFFFFFE70  }
0x64: {  	[spmem:s3], [sflag:s16] =	dma.local [hbm:s14], $0x190  }
0x65: {  	_ =	swait.ge [sflag:s7], $0x190  }
0x66: {  	[sflag:s7] =	ssyncset.done $0x0  }
0x67: {  	s0 =	rddreg [dreg:$0x17];
	[sflag:s7] =	ssyncadd.s32 $0xFFFFFE70  }
0x68: {  	[spmem:s0], [sflag:s16] =	dma.local @!p0 [hbm:s14], $0x190  }
0x69: {  	s0 =	simm.s32 @!p0 $0x1  }
0x6a: {  	_ =	swait.ge @!p0 [sflag:s0], $0x190  }
0x6b: {  	[sflag:s0] =	ssyncset.done @!p0 $0x0  }
0x6c: {  	[sflag:s0] =	ssyncadd.s32 @!p0 $0xFFFFFE70  }
0x6d: {  	s4 =	sadd.s32 $0x0, s17;
	[bflag:$0x0] =	sbarrier.arrive $0xFFFF  }
0x6e: {  	[tilespmem:s10], [sflag:$0x1] =	stream.strided.gather [hbm4b:s4+s8], $0x400, s9, s8, $0x38;
	[tilespmem:$0x7DB0] =	vst v63  }
0x6f: {  	_ =	swait.ge [sflag:s7], $0x400  }
0x70: {  	[sflag:s7] =	ssyncset.done $0x0  }
0x71: {  	[sflag:s7] =	ssyncadd.s32 $0xFFFFFC00  }
0x72: {  	[spmem:s13] =	stream.indirect.scatter.add.f32 [tilespmem:s12], [sflag:$0x1], $0x10, s10, s8, $0xb8;
	[tilespmem:$0x7DB0] =	vst v63  }
0x73: {  	_ =	swait.ge [sflag:s7], $0x400  }
0x74: {  	[sflag:s7] =	ssyncset.done $0x0  }
0x75: {  	[sflag:s7] =	ssyncadd.s32 $0xFFFFFC00  }
0x76: {  	[spmem:s13] =	stream.indirect.scatter.add.f32 [tilespmem:s12], [sflag:$0x1], $0x10, s15, s8, $0xb8;
	[tilespmem:$0x7DB0] =	vst v63  }
0x77: {  	_ =	swait.ge [sflag:s7], $0x400  }
0x78: {  	[sflag:s7] =	ssyncset.done $0x0  }
0x79: {  	[sflag:s7] =	ssyncadd.s32 $0xFFFFFC00  }
0x7a: {  	[spmem:s13] =	stream.indirect.scatter.add.f32 [tilespmem:s12], [sflag:$0x1], $0x10, s18, s8, $0xb8;
	[tilespmem:$0x7DB0] =	vst v63  }
0x7b: {  	_ =	swait.ge [sflag:s7], $0x400  }
0x7c: {  	[sflag:s7] =	ssyncset.done $0x0  }
0x7d: {  	[sflag:s7] =	ssyncadd.s32 $0xFFFFFC00  }
0x7e: {  	[spmem:s13] =	stream.indirect.scatter.add.f32 [tilespmem:s12], [sflag:$0x1], $0x10, s19, s8, $0xb8;
	[tilespmem:$0x7DB0] =	vst v63  }
0x7f: {  	_ =	swait.ge [sflag:s7], $0x400  }
0x80: {  	[sflag:s7] =	ssyncset.done $0x0  }
0x81: {  	[sflag:s7] =	ssyncadd.s32 $0xFFFFFC00  }
0x82: {  	[spmem:s13] =	stream.indirect.scatter.add.f32 [tilespmem:s12], [sflag:$0x1], $0x10, s20, s8, $0xb8;
	[tilespmem:$0x7DB0] =	vst v63  }
0x83: {  	_ =	swait.ge [sflag:s7], $0x400  }
0x84: {  	[sflag:s7] =	ssyncset.done $0x0  }
0x85: {  	[sflag:s7] =	ssyncadd.s32 $0xFFFFFC00  }
0x86: {  	[spmem:s13] =	stream.indirect.scatter.add.f32 [tilespmem:s12], [sflag:$0x1], $0x10, s21, s8, $0xb8;
	[tilespmem:$0x7DB0] =	vst v63  }
0x87: {  	_ =	swait.ge [sflag:s7], $0x400  }
0x88: {  	[sflag:s7] =	ssyncset.done $0x0  }
0x89: {  	[sflag:s7] =	ssyncadd.s32 $0xFFFFFC00  }
0x8a: {  	[spmem:s13] =	stream.indirect.scatter.add.f32 [tilespmem:s12], [sflag:$0x1], $0x10, s22, s8, $0xb8;
	[tilespmem:$0x7DB0] =	vst v63  }
0x8b: {  	_ =	swait.ge [sflag:s7], $0x400  }
0x8c: {  	[sflag:s7] =	ssyncset.done $0x0  }
0x8d: {  	[sflag:s7] =	ssyncadd.s32 $0xFFFFFC00  }
0x8e: {  	[spmem:s13] =	stream.indirect.scatter.add.f32 [tilespmem:s12], [sflag:$0x1], $0x10, s23, s8, $0xb8;
	[tilespmem:$0x7DB0] =	vst v63  }
0x8f: {  	_ =	swait.ge [sflag:s7], $0x400  }
0x90: {  	[sflag:s7] =	ssyncset.done $0x0  }
0x91: {  	[sflag:s7] =	ssyncadd.s32 $0xFFFFFC00  }
0x92: {  	[spmem:s13] =	stream.indirect.scatter.add.f32 [tilespmem:s12], [sflag:$0x1], $0x10, s24, s8, $0xb8;
	[tilespmem:$0x7DB0] =	vst v63  }
0x93: {  	_ =	swait.ge [sflag:s7], $0x400  }
0x94: {  	[sflag:s7] =	ssyncset.done $0x0  }
0x95: {  	[sflag:s7] =	ssyncadd.s32 $0xFFFFFC00  }
0x96: {  	[spmem:s13] =	stream.indirect.scatter.add.f32 [tilespmem:s12], [sflag:$0x1], $0x10, s25, s8, $0xb8;
	[tilespmem:$0x7DB0] =	vst v63  }
0x97: {  	_ =	swait.ge [sflag:s7], $0x400  }
0x98: {  	[sflag:s7] =	ssyncset.done $0x0  }
0x99: {  	[sflag:s7] =	ssyncadd.s32 $0xFFFFFC00  }
0x9a: {  	[spmem:s13] =	stream.indirect.scatter.add.f32 [tilespmem:s12], [sflag:$0x1], $0x10, s26, s8, $0xb8;
	[tilespmem:$0x7DB0] =	vst v63  }
0x9b: {  	_ =	swait.ge [sflag:s7], $0x400  }
0x9c: {  	[sflag:s7] =	ssyncset.done $0x0  }
0x9d: {  	[sflag:s7] =	ssyncadd.s32 $0xFFFFFC00  }
0x9e: {  	[spmem:s13] =	stream.indirect.scatter.add.f32 [tilespmem:s12], [sflag:$0x1], $0x10, s28, s8, $0xb8;
	[tilespmem:$0x7DB0] =	vst v63  }
0x9f: {  	_ =	swait.ge [sflag:s7], $0x400  }
0xa0: {  	[sflag:s7] =	ssyncset.done $0x0  }
0xa1: {  	[sflag:s7] =	ssyncadd.s32 $0xFFFFFC00  }
0xa2: {  	[spmem:s13] =	stream.indirect.scatter.add.f32 [tilespmem:s12], [sflag:$0x1], $0x10, s29, s8, $0xb8;
	[tilespmem:$0x7DB0] =	vst v63  }
0xa3: {  	_ =	swait.ge [sflag:s7], $0x400  }
0xa4: {  	[sflag:s7] =	ssyncset.done $0x0  }
0xa5: {  	[sflag:s7] =	ssyncadd.s32 $0xFFFFFC00  }
0xa6: {  	[spmem:s13] =	stream.indirect.scatter.add.f32 [tilespmem:s12], [sflag:$0x1], $0x10, s30, s8, $0xb8;
	[tilespmem:$0x7DB0] =	vst v63  }
0xa7: {  	_ =	swait.ge [sflag:s7], $0x400  }
0xa8: {  	[sflag:s7] =	ssyncset.done $0x0  }
0xa9: {  	[sflag:s7] =	ssyncadd.s32 $0xFFFFFC00  }
0xaa: {  	[spmem:s13] =	stream.indirect.scatter.add.f32 [tilespmem:s12], [sflag:$0x1], $0x10, s31, s8, $0xb8;
	[tilespmem:$0x7DB0] =	vst v63  }
0xab: {  	_ =	swait.ge [sflag:s7], $0x400  }
0xac: {  	[sflag:s7] =	ssyncset.done $0x0  }
0xad: {  	[sflag:s7] =	ssyncadd.s32 $0xFFFFFC00  }
0xae: {  	[spmem:s13] =	stream.indirect.scatter.add.f32 [tilespmem:s12], [sflag:$0x1], $0x10, s11, s8, $0xb8;
	[tilespmem:$0x7DB0] =	vst v63  }
0xaf: {  	_ =	swait.ge [sflag:s7], $0x400  }
0xb0: {  	s2 =	simm.s32 $0x2000;
	s0 =	simm.s32 $0x1000;
	[sflag:s7] =	ssyncset.done $0x0  }
.LBB2_4:
0xb1: {  	s4 =	sadd.s32 s0, s17  }
0xb2: {  	[sflag:s7] =	ssyncadd.s32 $0xFFFFFC00;
	s0 =	smov.u32 s2;
	s3 =	sadd.s32 $0x1000, s2  }
0xb3: {  	[tilespmem:s10], [sflag:$0x1] =	stream.strided.gather [hbm4b:s4+s8], $0x400, s9, s8, $0x38;
	[tilespmem:$0x7DB0] =	vst v63  }
0xb4: {  	p1 =	sne.s32 s2, $0x9000;
	_ =	swait.ge [sflag:s7], $0x400  }
0xb5: {  	[sflag:s7] =	ssyncset.done $0x0  }
0xb6: {  	[sflag:s7] =	ssyncadd.s32 $0xFFFFFC00  }
0xb7: {  	[spmem:s13] =	stream.indirect.scatter.add.f32 [tilespmem:s12], [sflag:$0x1], $0x10, s10, s8, $0xb8;
	[tilespmem:$0x7DB0] =	vst v63  }
0xb8: {  	_ =	swait.ge [sflag:s7], $0x400  }
0xb9: {  	[sflag:s7] =	ssyncset.done $0x0  }
0xba: {  	[sflag:s7] =	ssyncadd.s32 $0xFFFFFC00  }
0xbb: {  	[spmem:s13] =	stream.indirect.scatter.add.f32 [tilespmem:s12], [sflag:$0x1], $0x10, s15, s8, $0xb8;
	[tilespmem:$0x7DB0] =	vst v63  }
0xbc: {  	_ =	swait.ge [sflag:s7], $0x400  }
0xbd: {  	[sflag:s7] =	ssyncset.done $0x0  }
0xbe: {  	[sflag:s7] =	ssyncadd.s32 $0xFFFFFC00  }
0xbf: {  	[spmem:s13] =	stream.indirect.scatter.add.f32 [tilespmem:s12], [sflag:$0x1], $0x10, s18, s8, $0xb8;
	[tilespmem:$0x7DB0] =	vst v63  }
0xc0: {  	_ =	swait.ge [sflag:s7], $0x400  }
0xc1: {  	[sflag:s7] =	ssyncset.done $0x0  }
0xc2: {  	[sflag:s7] =	ssyncadd.s32 $0xFFFFFC00  }
0xc3: {  	[spmem:s13] =	stream.indirect.scatter.add.f32 [tilespmem:s12], [sflag:$0x1], $0x10, s19, s8, $0xb8;
	[tilespmem:$0x7DB0] =	vst v63  }
0xc4: {  	_ =	swait.ge [sflag:s7], $0x400  }
0xc5: {  	[sflag:s7] =	ssyncset.done $0x0  }
0xc6: {  	[sflag:s7] =	ssyncadd.s32 $0xFFFFFC00  }
0xc7: {  	[spmem:s13] =	stream.indirect.scatter.add.f32 [tilespmem:s12], [sflag:$0x1], $0x10, s20, s8, $0xb8;
	[tilespmem:$0x7DB0] =	vst v63  }
0xc8: {  	_ =	swait.ge [sflag:s7], $0x400  }
0xc9: {  	[sflag:s7] =	ssyncset.done $0x0  }
0xca: {  	[sflag:s7] =	ssyncadd.s32 $0xFFFFFC00  }
0xcb: {  	[spmem:s13] =	stream.indirect.scatter.add.f32 [tilespmem:s12], [sflag:$0x1], $0x10, s21, s8, $0xb8;
	[tilespmem:$0x7DB0] =	vst v63  }
0xcc: {  	_ =	swait.ge [sflag:s7], $0x400  }
0xcd: {  	[sflag:s7] =	ssyncset.done $0x0  }
0xce: {  	[sflag:s7] =	ssyncadd.s32 $0xFFFFFC00  }
0xcf: {  	[spmem:s13] =	stream.indirect.scatter.add.f32 [tilespmem:s12], [sflag:$0x1], $0x10, s22, s8, $0xb8;
	[tilespmem:$0x7DB0] =	vst v63  }
0xd0: {  	_ =	swait.ge [sflag:s7], $0x400  }
0xd1: {  	[sflag:s7] =	ssyncset.done $0x0  }
0xd2: {  	[sflag:s7] =	ssyncadd.s32 $0xFFFFFC00  }
0xd3: {  	[spmem:s13] =	stream.indirect.scatter.add.f32 [tilespmem:s12], [sflag:$0x1], $0x10, s23, s8, $0xb8;
	[tilespmem:$0x7DB0] =	vst v63  }
0xd4: {  	_ =	swait.ge [sflag:s7], $0x400  }
0xd5: {  	[sflag:s7] =	ssyncset.done $0x0  }
0xd6: {  	[sflag:s7] =	ssyncadd.s32 $0xFFFFFC00  }
0xd7: {  	[spmem:s13] =	stream.indirect.scatter.add.f32 [tilespmem:s12], [sflag:$0x1], $0x10, s24, s8, $0xb8;
	[tilespmem:$0x7DB0] =	vst v63  }
0xd8: {  	_ =	swait.ge [sflag:s7], $0x400  }
0xd9: {  	[sflag:s7] =	ssyncset.done $0x0  }
0xda: {  	[sflag:s7] =	ssyncadd.s32 $0xFFFFFC00  }
0xdb: {  	[spmem:s13] =	stream.indirect.scatter.add.f32 [tilespmem:s12], [sflag:$0x1], $0x10, s25, s8, $0xb8;
	[tilespmem:$0x7DB0] =	vst v63  }
0xdc: {  	_ =	swait.ge [sflag:s7], $0x400  }
0xdd: {  	[sflag:s7] =	ssyncset.done $0x0  }
0xde: {  	[sflag:s7] =	ssyncadd.s32 $0xFFFFFC00  }
0xdf: {  	[spmem:s13] =	stream.indirect.scatter.add.f32 [tilespmem:s12], [sflag:$0x1], $0x10, s26, s8, $0xb8;
	[tilespmem:$0x7DB0] =	vst v63  }
0xe0: {  	_ =	swait.ge [sflag:s7], $0x400  }
0xe1: {  	[sflag:s7] =	ssyncset.done $0x0  }
0xe2: {  	[sflag:s7] =	ssyncadd.s32 $0xFFFFFC00  }
0xe3: {  	[spmem:s13] =	stream.indirect.scatter.add.f32 [tilespmem:s12], [sflag:$0x1], $0x10, s28, s8, $0xb8;
	[tilespmem:$0x7DB0] =	vst v63  }
0xe4: {  	_ =	swait.ge [sflag:s7], $0x400  }
0xe5: {  	[sflag:s7] =	ssyncset.done $0x0  }
0xe6: {  	[sflag:s7] =	ssyncadd.s32 $0xFFFFFC00  }
0xe7: {  	[spmem:s13] =	stream.indirect.scatter.add.f32 [tilespmem:s12], [sflag:$0x1], $0x10, s29, s8, $0xb8;
	[tilespmem:$0x7DB0] =	vst v63  }
0xe8: {  	_ =	swait.ge [sflag:s7], $0x400  }
0xe9: {  	[sflag:s7] =	ssyncset.done $0x0  }
0xea: {  	[sflag:s7] =	ssyncadd.s32 $0xFFFFFC00  }
0xeb: {  	[spmem:s13] =	stream.indirect.scatter.add.f32 [tilespmem:s12], [sflag:$0x1], $0x10, s30, s8, $0xb8;
	[tilespmem:$0x7DB0] =	vst v63  }
0xec: {  	_ =	swait.ge [sflag:s7], $0x400  }
0xed: {  	[sflag:s7] =	ssyncset.done $0x0  }
0xee: {  	[sflag:s7] =	ssyncadd.s32 $0xFFFFFC00  }
0xef: {  	[spmem:s13] =	stream.indirect.scatter.add.f32 [tilespmem:s12], [sflag:$0x1], $0x10, s31, s8, $0xb8;
	[tilespmem:$0x7DB0] =	vst v63  }
0xf0: {  	_ =	swait.ge [sflag:s7], $0x400  }
.Ltmp1:
0xf1: {  	[sflag:s7] =	ssyncset.done $0x0;
	(pc) =	sbr.rel @p1 .LBB2_4-.Ltmp1, $4  }
0xf2: {  	[sflag:s7] =	ssyncadd.s32 $0xFFFFFC00  }
0xf3: {  	[spmem:s13] =	stream.indirect.scatter.add.f32 [tilespmem:s12], [sflag:$0x1], $0x10, s11, s8, $0xb8;
	[tilespmem:$0x7DB0] =	vst v63  }
0xf4: {  	_ =	swait.ge [sflag:s7], $0x400  }
0xf5: {  	s2 =	smov.u32 s3;
	[sflag:s7] =	ssyncset.done $0x0  }
0xf6: {  	s0 =	sadd.s32 s0, s17;
	[sflag:s7] =	ssyncadd.s32 $0xFFFFFC00  }
0xf7: {  	[tilespmem:s10], [sflag:$0x1] =	stream.strided.gather [hbm4b:s0+s8], $0x400, s9, s8, $0x38;
	[tilespmem:$0x7DB0] =	vst v63  }
0xf8: {  	_ =	swait.ge [sflag:s7], $0x400  }
0xf9: {  	[sflag:s7] =	ssyncset.done $0x0  }
0xfa: {  	[sflag:s7] =	ssyncadd.s32 $0xFFFFFC00  }
0xfb: {  	[spmem:s13] =	stream.indirect.scatter.add.f32 [tilespmem:s12], [sflag:$0x1], $0x10, s10, s8, $0xb8;
	[tilespmem:$0x7DB0] =	vst v63  }
0xfc: {  	_ =	swait.ge [sflag:s7], $0x400  }
0xfd: {  	[sflag:s7] =	ssyncset.done $0x0  }
0xfe: {  	[sflag:s7] =	ssyncadd.s32 $0xFFFFFC00  }
0xff: {  	[spmem:s13] =	stream.indirect.scatter.add.f32 [tilespmem:s12], [sflag:$0x1], $0x10, s15, s8, $0xb8;
	[tilespmem:$0x7DB0] =	vst v63  }
0x100: {  	_ =	swait.ge [sflag:s7], $0x400  }
0x101: {  	[sflag:s7] =	ssyncset.done $0x0  }
0x102: {  	[sflag:s7] =	ssyncadd.s32 $0xFFFFFC00  }
0x103: {  	[spmem:s13] =	stream.indirect.scatter.add.f32 [tilespmem:s12], [sflag:$0x1], $0x10, s18, s8, $0xb8;
	[tilespmem:$0x7DB0] =	vst v63  }
0x104: {  	_ =	swait.ge [sflag:s7], $0x400  }
0x105: {  	[sflag:s7] =	ssyncset.done $0x0  }
0x106: {  	[sflag:s7] =	ssyncadd.s32 $0xFFFFFC00  }
0x107: {  	[spmem:s13] =	stream.indirect.scatter.add.f32 [tilespmem:s12], [sflag:$0x1], $0x10, s19, s8, $0xb8;
	[tilespmem:$0x7DB0] =	vst v63  }
0x108: {  	_ =	swait.ge [sflag:s7], $0x400  }
0x109: {  	[sflag:s7] =	ssyncset.done $0x0  }
0x10a: {  	[sflag:s7] =	ssyncadd.s32 $0xFFFFFC00  }
0x10b: {  	[spmem:s13] =	stream.indirect.scatter.add.f32 [tilespmem:s12], [sflag:$0x1], $0x10, s20, s8, $0xb8;
	[tilespmem:$0x7DB0] =	vst v63  }
0x10c: {  	_ =	swait.ge [sflag:s7], $0x400  }
0x10d: {  	[sflag:s7] =	ssyncset.done $0x0  }
0x10e: {  	[sflag:s7] =	ssyncadd.s32 $0xFFFFFC00  }
0x10f: {  	[spmem:s13] =	stream.indirect.scatter.add.f32 [tilespmem:s12], [sflag:$0x1], $0x10, s21, s8, $0xb8;
	[tilespmem:$0x7DB0] =	vst v63  }
0x110: {  	_ =	swait.ge [sflag:s7], $0x400  }
0x111: {  	[sflag:s7] =	ssyncset.done $0x0  }
0x112: {  	[sflag:s7] =	ssyncadd.s32 $0xFFFFFC00  }
0x113: {  	[spmem:s13] =	stream.indirect.scatter.add.f32 [tilespmem:s12], [sflag:$0x1], $0x10, s22, s8, $0xb8;
	[tilespmem:$0x7DB0] =	vst v63  }
0x114: {  	_ =	swait.ge [sflag:s7], $0x400  }
0x115: {  	[sflag:s7] =	ssyncset.done $0x0  }
0x116: {  	[sflag:s7] =	ssyncadd.s32 $0xFFFFFC00  }
0x117: {  	[spmem:s13] =	stream.indirect.scatter.add.f32 [tilespmem:s12], [sflag:$0x1], $0x10, s23, s8, $0xb8;
	[tilespmem:$0x7DB0] =	vst v63  }
0x118: {  	_ =	swait.ge [sflag:s7], $0x400  }
0x119: {  	[sflag:s7] =	ssyncset.done $0x0  }
0x11a: {  	[sflag:s7] =	ssyncadd.s32 $0xFFFFFC00  }
0x11b: {  	[spmem:s13] =	stream.indirect.scatter.add.f32 [tilespmem:s12], [sflag:$0x1], $0x10, s24, s8, $0xb8;
	[tilespmem:$0x7DB0] =	vst v63  }
0x11c: {  	_ =	swait.ge [sflag:s7], $0x400  }
0x11d: {  	[sflag:s7] =	ssyncset.done $0x0  }
0x11e: {  	[sflag:s7] =	ssyncadd.s32 $0xFFFFFC00  }
0x11f: {  	[spmem:s13] =	stream.indirect.scatter.add.f32 [tilespmem:s12], [sflag:$0x1], $0x10, s25, s8, $0xb8;
	[tilespmem:$0x7DB0] =	vst v63  }
0x120: {  	_ =	swait.ge [sflag:s7], $0x400  }
0x121: {  	[sflag:s7] =	ssyncset.done $0x0  }
0x122: {  	[sflag:s7] =	ssyncadd.s32 $0xFFFFFC00  }
0x123: {  	[spmem:s13] =	stream.indirect.scatter.add.f32 [tilespmem:s12], [sflag:$0x1], $0x10, s26, s8, $0xb8;
	[tilespmem:$0x7DB0] =	vst v63  }
0x124: {  	_ =	swait.ge [sflag:s7], $0x400  }
0x125: {  	[sflag:s7] =	ssyncset.done $0x0  }
0x126: {  	[sflag:s7] =	ssyncadd.s32 $0xFFFFFC00  }
0x127: {  	[spmem:s13] =	stream.indirect.scatter.add.f32 [tilespmem:s12], [sflag:$0x1], $0x10, s28, s8, $0xb8;
	[tilespmem:$0x7DB0] =	vst v63  }
0x128: {  	_ =	swait.ge [sflag:s7], $0x400  }
0x129: {  	[sflag:s7] =	ssyncset.done $0x0  }
0x12a: {  	[sflag:s7] =	ssyncadd.s32 $0xFFFFFC00  }
0x12b: {  	[spmem:s13] =	stream.indirect.scatter.add.f32 [tilespmem:s12], [sflag:$0x1], $0x10, s29, s8, $0xb8;
	[tilespmem:$0x7DB0] =	vst v63  }
0x12c: {  	_ =	swait.ge [sflag:s7], $0x400  }
0x12d: {  	[sflag:s7] =	ssyncset.done $0x0  }
0x12e: {  	[sflag:s7] =	ssyncadd.s32 $0xFFFFFC00  }
0x12f: {  	[spmem:s13] =	stream.indirect.scatter.add.f32 [tilespmem:s12], [sflag:$0x1], $0x10, s30, s8, $0xb8;
	[tilespmem:$0x7DB0] =	vst v63  }
0x130: {  	_ =	swait.ge [sflag:s7], $0x400  }
0x131: {  	[sflag:s7] =	ssyncset.done $0x0  }
0x132: {  	[sflag:s7] =	ssyncadd.s32 $0xFFFFFC00  }
0x133: {  	[spmem:s13] =	stream.indirect.scatter.add.f32 [tilespmem:s12], [sflag:$0x1], $0x10, s31, s8, $0xb8;
	[tilespmem:$0x7DB0] =	vst v63  }
0x134: {  	_ =	swait.ge [sflag:s7], $0x400  }
0x135: {  	[sflag:s7] =	ssyncset.done $0x0  }
0x136: {  	[sflag:s7] =	ssyncadd.s32 $0xFFFFFC00  }
0x137: {  	[spmem:s13] =	stream.indirect.scatter.add.f32 [tilespmem:s12], [sflag:$0x1], $0x10, s11, s8, $0xb8;
	[tilespmem:$0x7DB0] =	vst v63  }
0x138: {  	_ =	swait.ge [sflag:s7], $0x400  }
0x139: {  	[sflag:s7] =	ssyncset.done $0x0  }
0x13a: {  	[sflag:s7] =	ssyncadd.s32 $0xFFFFFC00  }
0x13b: {  	[bflag:$0x0] =	sbarrier.arrive $0xFFFF  }
0x13c: {  	s4 =	rddreg [dreg:$0x3]  }
0x13d: {  	s2 =	rddreg [dreg:$0x18]  }
0x13e: {  	[hbm:s4], [sflag:s16] =	dma.local [spmem:s2], $0x190  }
0x13f: {  	_ =	swait.ge [sflag:s7], $0x190  }
0x140: {  	[sflag:s7] =	ssyncset.done $0x0;
	s3 =	rddreg [dreg:$0x4]  }
0x141: {  	s4 =	rddreg [dreg:$0x19];
	[sflag:s7] =	ssyncadd.s32 $0xFFFFFE70  }
0x142: {  	[hbm:s3], [sflag:s16] =	dma.local [spmem:s4], $0x190  }
0x143: {  	_ =	swait.ge [sflag:s7], $0x190  }
0x144: {  	[sflag:s7] =	ssyncset.done $0x0;
	s3 =	rddreg [dreg:$0x5]  }
0x145: {  	s4 =	rddreg [dreg:$0x1a];
	[sflag:s7] =	ssyncadd.s32 $0xFFFFFE70  }
0x146: {  	[hbm:s3], [sflag:s16] =	dma.local [spmem:s4], $0x190  }
0x147: {  	_ =	swait.ge [sflag:s7], $0x190  }
0x148: {  	[sflag:s7] =	ssyncset.done $0x0;
	s3 =	rddreg [dreg:$0x6]  }
0x149: {  	s4 =	rddreg [dreg:$0x1b];
	[sflag:s7] =	ssyncadd.s32 $0xFFFFFE70  }
0x14a: {  	[hbm:s3], [sflag:s16] =	dma.local [spmem:s4], $0x190  }
0x14b: {  	_ =	swait.ge [sflag:s7], $0x190  }
0x14c: {  	[sflag:s7] =	ssyncset.done $0x0;
	s3 =	rddreg [dreg:$0x7]  }
0x14d: {  	s4 =	rddreg [dreg:$0x1c];
	[sflag:s7] =	ssyncadd.s32 $0xFFFFFE70  }
0x14e: {  	[hbm:s3], [sflag:s16] =	dma.local [spmem:s4], $0x190  }
0x14f: {  	_ =	swait.ge [sflag:s7], $0x190  }
0x150: {  	[sflag:s7] =	ssyncset.done $0x0;
	s3 =	rddreg [dreg:$0x8]  }
0x151: {  	s4 =	rddreg [dreg:$0x1d];
	[sflag:s7] =	ssyncadd.s32 $0xFFFFFE70  }
0x152: {  	[hbm:s3], [sflag:s16] =	dma.local [spmem:s4], $0x190  }
0x153: {  	_ =	swait.ge [sflag:s7], $0x190  }
0x154: {  	[sflag:s7] =	ssyncset.done $0x0;
	s3 =	rddreg [dreg:$0x9]  }
0x155: {  	s4 =	rddreg [dreg:$0x1e];
	[sflag:s7] =	ssyncadd.s32 $0xFFFFFE70  }
0x156: {  	[hbm:s3], [sflag:s16] =	dma.local [spmem:s4], $0x190  }
0x157: {  	_ =	swait.ge [sflag:s7], $0x190  }
0x158: {  	[sflag:s7] =	ssyncset.done $0x0;
	s3 =	rddreg [dreg:$0xa]  }
0x159: {  	s4 =	rddreg [dreg:$0x1f];
	[sflag:s7] =	ssyncadd.s32 $0xFFFFFE70  }
0x15a: {  	[hbm:s3], [sflag:s16] =	dma.local [spmem:s4], $0x190  }
0x15b: {  	_ =	swait.ge [sflag:s7], $0x190  }
0x15c: {  	[sflag:s7] =	ssyncset.done $0x0  }
0x15d: {  	s3 =	rddreg [dreg:$0xb];
	[sflag:s7] =	ssyncadd.s32 $0xFFFFFE70  }
0x15e: {  	[hbm:s3], [sflag:s16] =	dma.local [spmem:s5], $0x190  }
0x15f: {  	_ =	swait.ge [sflag:s7], $0x190  }
0x160: {  	[sflag:s7] =	ssyncset.done $0x0  }
0x161: {  	s0 =	rddreg [dreg:$0xc];
	[sflag:s7] =	ssyncadd.s32 $0xFFFFFE70  }
0x162: {  	[hbm:s0], [sflag:s16] =	dma.local @!p0 [spmem:s6], $0x190  }
0x163: {  	s0 =	simm.s32 @!p0 $0x1  }
0x164: {  	_ =	swait.ge @!p0 [sflag:s0], $0x190  }
0x165: {  	s1 =	sadd.s32 $0x1, s1;
	s4 =	rddreg [dreg:$0xd]  }
0x166: {  	p1 =	sne.s32 s1, s4  }
.Ltmp2:
0x167: {  	_ = 	snop;
	(pc) =	sbr.rel @p1 .LBB2_1-.Ltmp2, $3  }
0x168: {  	_ =	sdelay $0x1  }
0x169: {  	[sflag:s0] =	ssyncset.done @!p0 $0x0  }
0x16a: {  	[sflag:s0] =	ssyncadd.s32 @!p0 $0xFFFFFE70  }
0x16b: {  	_ =	sfence.sel $0x180000  }
0x16c: {  	[bflag:$0x0] =	sbarrier.arrive $0xFFFF  }
0x16d: {  	_ =	strace $0x9000004A  }
0x16e: {  	s0 =	stileid.u32;
	[bflag:$0x2] =	sbarrier.arrive $0xFFFF  }
0x16f: {  	p0 =	sne.s32 s0, $0x0;
	s0 =	rddreg [dreg:$0x2]  }
0x170: {  	s0 =	sadd.s32 @!p0 $0x100000, s0  }
0x171: {  	[sflag:s0] =	ssyncadd.tile.s32 @!p0 $0x1;
	_ =	shalt  }
.Lfunc_end2:
_tile_overlayer_lowered:
.L_overlay_start_2:
0x172: {  	(tag) =	ssettag $0x2  }
0x173: {  	s0 =	rddreg [dreg:$0x0];
	s2 =	stileid.u32  }
0x174: {  	s1 =	rddreg [dreg:$0x1];
	p0 =	sne.s32 s2, $0x0  }
0x175: {  	s3 =	rddreg [dreg:$0x2];
	[bflag:$0x3] =	sbarrier.arrive $0xFFFF;
	s2 =	simm.s32 @!p0 $0x1C01  }
0x176: {  	[timem:s3], [sflag:s2] =	dma.local @!p0 [hbm:s0], s1  }
0x177: {  	s0 =	simm.s32 @!p0 $0x1  }
0x178: {  	_ =	swait.ge @!p0 [sflag:s0], s1  }
0x179: {  	s1 =	ssub.s32 @!p0 $0x0, s1;
	[sflag:s0] =	ssyncset.done @!p0 $0x0  }
0x17a: {  	[sflag:s0] =	ssyncadd.s32 @!p0 s1  }
0x17b: {  	[bflag:$0x3] =	sbarrier.arrive $0xFFFF  }
0x17c: {  	_ =	shalt  }

</sc_bundles>
